<compile_context>
chip_gen: v7x
topology: tpu7x:2x2x1
jax: 0.10.2.dev20260603
libtpu: 0.0.44.dev20260713+nightly
codegen_flags: <defaults>
</compile_context>

<pallas_src>
import jax
import jax.numpy as jnp
from jax import lax
from jax.experimental import pallas as pl
from jax.experimental.pallas import tpu as pltpu
from jax.experimental.pallas import tpu_sc as plsc

N = 10000
NPAD = 10240
E = 320000
D = 128
NC = 2
NS = 16
NW = NC * NS
EW = E // NW
K = 80
NCH = EW // K
SL = NPAD // NS
NBUF = 4
NIB = 2 * NBUF
NMAIN = (NCH // NIB) * NIB
AG = 5
RB = 10


def _mesh():
    return plsc.VectorSubcoreMesh(
        core_axis_name="c", subcore_axis_name="s", num_cores=NC, num_subcores=NS
    )


def _fill_ones(ones):
    for i in range(K // 16):
        ones[pl.ds(i * 16, 16)] = jnp.ones((16,), jnp.float32)


def _deg_body(src1, dst1, degp, sidx, didx, ones, zbuf, sh_out, sh_in, sem):
    c = lax.axis_index("c")
    s = lax.axis_index("s")
    wid = s * NC + c
    zv = jnp.zeros((16,), jnp.float32)

    def zstep(i, carry):
        zbuf[pl.ds(i * 16, 16)] = zv
        return carry

    lax.fori_loop(0, SL // 16, zstep, 0)
    pltpu.sync_copy(zbuf, sh_out.at[pl.ds(s * SL, SL)])
    pltpu.sync_copy(zbuf, sh_in.at[pl.ds(s * SL, SL)])
    _fill_ones(ones)
    pltpu.sync_copy(src1.at[pl.ds(wid * EW, EW)], sidx)
    pltpu.sync_copy(dst1.at[pl.ds(wid * EW, EW)], didx)
    plsc.subcore_barrier()

    def group(g, carry):
        for t in range(AG):
            j = g * AG + t
            pltpu.async_copy(ones, sh_out.at[sidx.at[pl.ds(j * K, K)]], sem,
                             add=True)
            pltpu.async_copy(ones, sh_in.at[didx.at[pl.ds(j * K, K)]], sem,
                             add=True)
        for t in range(AG):
            j = g * AG + t
            pltpu.make_async_copy(ones, sh_out.at[sidx.at[pl.ds(j * K, K)]],
                                  sem).wait()
            pltpu.make_async_copy(ones, sh_in.at[didx.at[pl.ds(j * K, K)]],
                                  sem).wait()
        return carry

    lax.fori_loop(0, NCH // AG, group, 0)
    plsc.subcore_barrier()
    pltpu.sync_copy(sh_out.at[pl.ds(s * SL, SL)], degp.at[0, c, pl.ds(s * SL, SL)])
    pltpu.sync_copy(sh_in.at[pl.ds(s * SL, SL)], degp.at[1, c, pl.ds(s * SL, SL)])


def _spmm_body(table, src1, dst1, aggp, sbuf, dbuf, rows, sh_acc,
               isem, gsem):
    c = lax.axis_index("c")
    s = lax.axis_index("s")
    wid = s * NC + c
    zv = jnp.zeros((16,), jnp.float32)

    def zrow(i, carry):
        for kk in range(D // 16):
            rows[0, i, pl.ds(kk * 16, 16)] = zv
        return carry

    lax.fori_loop(0, K, zrow, 0)
    for r in range(SL // K):
        pltpu.sync_copy(rows.at[0], sh_acc.at[pl.ds(s * SL + r * K, K)])
    plsc.subcore_barrier()

    def fire_idx(j, slot):
        pltpu.async_copy(src1.at[pl.ds(wid * EW + j * K, K)], sbuf.at[slot],
                         isem.at[slot])
        pltpu.async_copy(dst1.at[pl.ds(wid * EW + j * K, K)], dbuf.at[slot],
                         isem.at[slot])

    def wait_idx(slot):
        pltpu.make_async_copy(src1.at[pl.ds(0, K)], sbuf.at[slot],
                              isem.at[slot]).wait()
        pltpu.make_async_copy(src1.at[pl.ds(0, K)], dbuf.at[slot],
                              isem.at[slot]).wait()

    def fire_gather(slot, b):
        pltpu.async_copy(table.at[sbuf.at[slot]], rows.at[b], gsem.at[b])

    def wait_gather(b):
        pltpu.make_async_copy(table.at[pl.ds(0, K)], rows.at[b], gsem.at[b]).wait()


    for b in range(NBUF):
        fire_idx(b, b)
    for b in range(NBUF):
        wait_idx(b)
        fire_gather(b, b)
        fire_idx(b + NBUF, b + NBUF)

    def outer(g, carry):
        for ib in range(NIB):
            b = ib % NBUF
            j = g * NIB + ib
            wait_gather(b)
            pltpu.sync_copy(rows.at[b], sh_acc.at[dbuf.at[ib]], add=True)

            @pl.when(j + NIB < NCH)
            def _refill():
                fire_idx(j + NIB, ib)

            nslot = (ib + NBUF) % NIB
            wait_idx(nslot)
            fire_gather(nslot, b)
        return carry

    lax.fori_loop(0, NMAIN // NIB, outer, 0)

    for t in range(NCH - NMAIN):
        j = NMAIN + t
        ib = j % NIB
        b = ib % NBUF
        wait_gather(b)
        pltpu.sync_copy(rows.at[b], sh_acc.at[dbuf.at[ib]], add=True)
        nxt = j + NBUF
        if nxt < NCH:
            nslot = nxt % NIB
            wait_idx(nslot)
            fire_gather(nslot, b)

    plsc.subcore_barrier()
    pltpu.sync_copy(sh_acc.at[pl.ds(s * SL, SL)], aggp.at[c, pl.ds(s * SL, SL)])


NG = N // D
NREM = N - NG * D


def _norm_t(d_ref):
    deg = d_ref[0] + d_ref[1]
    norm = lax.rsqrt(jnp.maximum(deg, 1.0))
    return jnp.transpose(norm)


def _src_norm_body(f_ref, d_ref, o_ref):
    nt = _norm_t(d_ref)
    for g in range(NG):
        o_ref[pl.ds(g * D, D), :] = f_ref[pl.ds(g * D, D), :] * nt[:, g:g + 1]
    o_ref[pl.ds(NG * D, NREM), :] = (
        f_ref[pl.ds(NG * D, NREM), :] * nt[0:NREM, NG:NG + 1]
    )


def _out_body(a_ref, w_ref, d_ref, b_ref, o_ref):
    agg = a_ref[0, 0:N, :] + a_ref[1, 0:N, :]
    rst = jnp.dot(agg, w_ref[...], preferred_element_type=jnp.float32)
    nt = _norm_t(d_ref)
    for g in range(NG):
        o_ref[pl.ds(g * D, D), :] = (
            rst[g * D:(g + 1) * D, :] * nt[:, g:g + 1] + b_ref[...]
        )
    o_ref[pl.ds(NG * D, NREM), :] = (
        rst[NG * D:N, :] * nt[0:NREM, NG:NG + 1] + b_ref[...]
    )


@jax.jit
def kernel(feat, edge_index, weight, bias):
    src1 = edge_index[0].astype(jnp.int32)
    dst1 = edge_index[1].astype(jnp.int32)

    degp = pl.kernel(
        _deg_body,
        out_type=jax.ShapeDtypeStruct((2, NC, NPAD), jnp.float32),
        mesh=_mesh(),
        scratch_types=[
            pltpu.VMEM((EW,), jnp.int32),
            pltpu.VMEM((EW,), jnp.int32),
            pltpu.VMEM((K,), jnp.float32),
            pltpu.VMEM((SL,), jnp.float32),
            pltpu.VMEM_SHARED((NPAD,), jnp.float32),
            pltpu.VMEM_SHARED((NPAD,), jnp.float32),
            pltpu.SemaphoreType.DMA,
        ],
    )(src1, dst1)

    deg2 = degp.reshape(2, NC, NPAD // D, D)
    feat_src = pl.pallas_call(
        _src_norm_body,
        out_shape=jax.ShapeDtypeStruct((N, D), jnp.float32),
    )(feat, deg2[0])

    aggp = pl.kernel(
        _spmm_body,
        out_type=jax.ShapeDtypeStruct((NC, NPAD, D), jnp.float32),
        mesh=_mesh(),
        scratch_types=[
            pltpu.VMEM((NIB, K), jnp.int32),
            pltpu.VMEM((NIB, K), jnp.int32),
            pltpu.VMEM((NBUF, K, D), jnp.float32),
            pltpu.VMEM_SHARED((NPAD, D), jnp.float32),
            pltpu.SemaphoreType.DMA((NIB,)),
            pltpu.SemaphoreType.DMA((NBUF,)),
        ],
    )(feat_src, src1, dst1)

    out = pl.pallas_call(
        _out_body,
        out_shape=jax.ShapeDtypeStruct((N, D), jnp.float32),
    )(aggp, weight, deg2[1], bias.reshape(1, D))
    return out

# --- scband reference (transcript-rebuilt; emitter-appended) ---
"""Pipeline reference for scband-max-kgraph-conv-51161650430038 (READ-ONLY COPY).

The authoritative reference and input builder live on the scoring server;
editing this copy changes nothing except your own understanding.
"""

import jax, jax.numpy as jnp
import numpy as np

N_NODES = 10000
N_EDGES = 320000
D_IN = 128
D_OUT = 128


def setup_inputs(seed: int = 0) -> dict:
    key = jax.random.key(seed)
    k1, k2, k3, k4 = jax.random.split(key, 4)
    feat = jax.random.normal(k1, (N_NODES, D_IN), dtype=jnp.float32)
    edge_index = jax.random.randint(k2, (2, N_EDGES), 0, N_NODES, dtype=jnp.int64)
    # xavier_uniform init for weight [in_feats, out_feats]
    limit = float(np.sqrt(6.0 / (D_IN + D_OUT)))
    weight = jax.random.uniform(k3, (D_IN, D_OUT), dtype=jnp.float32, minval=-limit, maxval=limit)
    bias = jnp.zeros((D_OUT,), dtype=jnp.float32)
    return {"feat": feat, "edge_index": edge_index, "weight": weight, "bias": bias}


def reference(feat, edge_index, weight, bias):
    # DGL GraphConv with norm='both', homogeneous graph, no edge weights.
    # edge_index[0] = src, edge_index[1] = dst (message flows src -> dst).
    src = edge_index[0]
    dst = edge_index[1]
    n = feat.shape[0]
    # out-degree normalization on source features (norm in ['left','both'])
    out_deg = jnp.bincount(src, length=n).astype(feat.dtype)
    out_deg = jnp.clip(out_deg, 1.0, None)
    norm_src = jnp.power(out_deg, -0.5)
    feat_src = feat * norm_src[:, None]
    # lin_before_mp = (in_feats > out_feats) -> False for 128 == 128,
    # so aggregate first then matmul.
    msgs = jnp.take(feat_src, src, axis=0)          # gather (SparseCore)
    agg = jax.ops.segment_sum(msgs, dst, num_segments=n)  # scatter-add
    rst = jnp.matmul(agg, weight)
    # in-degree normalization on destination (norm in ['right','both'])
    in_deg = jnp.bincount(dst, length=n).astype(feat.dtype)
    in_deg = jnp.clip(in_deg, 1.0, None)
    norm_dst = jnp.power(in_deg, -0.5)
    rst = rst * norm_dst[:, None]
    rst = rst + bias
    return rst

if __name__ == "__main__":
    import jax
    _d = setup_inputs()
    print(jax.jit(kernel)(*tuple(_d.values())))

</pallas_src>

<mosaic_0001>
#map = affine_map<(d0, d1) -> (0)>
#map1 = affine_map<(d0, d1) -> (0, 0, 0)>
module attributes {stable_mosaic.version = 14 : i64} {
  func.func @_deg_body(%arg0: i32, %arg1: i32, %arg2: memref<320000xi32, #tpu.memory_space<hbm>>, %arg3: memref<320000xi32, #tpu.memory_space<hbm>>, %arg4: memref<2x2x10240xf32, #tpu.memory_space<hbm>>, %arg5: memref<10000xi32, #tpu.memory_space<vmem>>, %arg6: memref<10000xi32, #tpu.memory_space<vmem>>, %arg7: memref<80xf32, #tpu.memory_space<vmem>>, %arg8: memref<640xf32, #tpu.memory_space<vmem>>, %arg9: memref<10240xf32, #tpu.memory_space<vmem_shared>>, %arg10: memref<10240xf32, #tpu.memory_space<vmem_shared>>, %arg11: memref<!tpu.dma_semaphore, #tpu.memory_space<semaphore_mem>>) attributes {dimension_semantics = [#tpu.dimension_semantics<core_parallel>, #tpu.dimension_semantics<subcore_parallel>], iteration_bounds = array<i64: 2, 16>, scalar_prefetch = 0 : i64, scratch_operands = 7 : i64, tpu.core_type = #tpu.core_type<sc_vector_subcore>, window_params = [{transform_indices = #map}, {transform_indices = #map}, {transform_indices = #map1}]} {
    %mul3A = arith.constant 2 : i32
    %mul3A_0 = arith.muli %arg1, %mul3A : i32
    %add3A = arith.addi %mul3A_0, %arg0 : i32
    %broadcast_in_dim3A = arith.constant 0.000000e+00 : f32
    %broadcast_in_dim3A_1 = vector.broadcast %broadcast_in_dim3A : f32 to vector<16xf32>
    %scan3A = arith.constant 0 : i32
    %scan3A_2 = arith.constant 0 : i32
    %scan3A_3 = arith.constant 40 : i32
    %scan3A_4 = arith.addi %scan3A_2, %scan3A_3 : i32
    %scan3A_5 = arith.constant 1 : i32
    scf.for %scan3A_60 = %scan3A_2 to %scan3A_4 step %scan3A_5  : i32 {
      %mul3A_61 = arith.constant 16 : i32
      %mul3A_62 = arith.muli %scan3A_60, %mul3A_61 : i32
      %swap3A_63 = arith.index_cast %mul3A_62 : i32 to index
      %swap3A_64 = tpu.vector_load %arg8[%swap3A_63] {strides = array<i32>} : memref<640xf32, #tpu.memory_space<vmem>>, vector<16xf32>,
      %swap3A_65 = vector.shape_cast %swap3A_64 : vector<16xf32> to vector<16xf32>
      %swap3A_66 = vector.shape_cast %broadcast_in_dim3A_1 : vector<16xf32> to vector<16xf32>
      tpu.vector_store %arg8[%swap3A_63], %swap3A_66 {strides = array<i32>} : memref<640xf32, #tpu.memory_space<vmem>>, vector<16xf32>,
    }
    %scan3A_6 = arith.constant 40 : i32
    %mul3A_7 = arith.constant 640 : i32
    %mul3A_8 = arith.muli %arg1, %mul3A_7 : i32
    "tpu.region"() ({
      %run_scoped3A_60 = tpu.sem_alloc : memref<!tpu.dma_semaphore, #tpu.memory_space<semaphore_mem>>
      %dma_start3A = tpu.memref_slice %arg9[%mul3A_8] : memref<10240xf32, #tpu.memory_space<vmem_shared>> -> memref<640xf32, #tpu.memory_space<vmem_shared>>
      %dma_start3A_61 = tpu.memref_slice %arg9[%mul3A_8] : memref<10240xf32, #tpu.memory_space<vmem_shared>> -> memref<640xf32, #tpu.memory_space<vmem_shared>>
      tpu.enqueue_dma source(%arg8 : memref<640xf32, #tpu.memory_space<vmem>>) target(%dma_start3A_61 : memref<640xf32, #tpu.memory_space<vmem_shared>>) target_semaphore(%run_scoped3A_60 : memref<!tpu.dma_semaphore, #tpu.memory_space<semaphore_mem>>)
      %dma_wait3A = tpu.memref_slice %arg9[%mul3A_8] : memref<10240xf32, #tpu.memory_space<vmem_shared>> -> memref<640xf32, #tpu.memory_space<vmem_shared>>
      %dma_wait3A_62 = tpu.memref_slice %arg9[%mul3A_8] : memref<10240xf32, #tpu.memory_space<vmem_shared>> -> memref<640xf32, #tpu.memory_space<vmem_shared>>
      tpu.wait_dma2 semaphore(%run_scoped3A_60 : memref<!tpu.dma_semaphore, #tpu.memory_space<semaphore_mem>>) src(%arg8 : memref<640xf32, #tpu.memory_space<vmem>>) dst(%dma_wait3A_62 : memref<640xf32, #tpu.memory_space<vmem_shared>>)
      tpu.yield
    }) : () -> ()
    %mul3A_9 = arith.constant 640 : i32
    %mul3A_10 = arith.muli %arg1, %mul3A_9 : i32
    "tpu.region"() ({
      %run_scoped3A_60 = tpu.sem_alloc : memref<!tpu.dma_semaphore, #tpu.memory_space<semaphore_mem>>
      %dma_start3A = tpu.memref_slice %arg10[%mul3A_10] : memref<10240xf32, #tpu.memory_space<vmem_shared>> -> memref<640xf32, #tpu.memory_space<vmem_shared>>
      %dma_start3A_61 = tpu.memref_slice %arg10[%mul3A_10] : memref<10240xf32, #tpu.memory_space<vmem_shared>> -> memref<640xf32, #tpu.memory_space<vmem_shared>>
      tpu.enqueue_dma source(%arg8 : memref<640xf32, #tpu.memory_space<vmem>>) target(%dma_start3A_61 : memref<640xf32, #tpu.memory_space<vmem_shared>>) target_semaphore(%run_scoped3A_60 : memref<!tpu.dma_semaphore, #tpu.memory_space<semaphore_mem>>)
      %dma_wait3A = tpu.memref_slice %arg10[%mul3A_10] : memref<10240xf32, #tpu.memory_space<vmem_shared>> -> memref<640xf32, #tpu.memory_space<vmem_shared>>
      %dma_wait3A_62 = tpu.memref_slice %arg10[%mul3A_10] : memref<10240xf32, #tpu.memory_space<vmem_shared>> -> memref<640xf32, #tpu.memory_space<vmem_shared>>
      tpu.wait_dma2 semaphore(%run_scoped3A_60 : memref<!tpu.dma_semaphore, #tpu.memory_space<semaphore_mem>>) src(%arg8 : memref<640xf32, #tpu.memory_space<vmem>>) dst(%dma_wait3A_62 : memref<640xf32, #tpu.memory_space<vmem_shared>>)
      tpu.yield
    }) : () -> ()
    %broadcast_in_dim3A_11 = arith.constant 1.000000e+00 : f32
    %broadcast_in_dim3A_12 = vector.broadcast %broadcast_in_dim3A_11 : f32 to vector<16xf32>
    %swap3A = arith.constant 0 : index
    %swap3A_13 = tpu.vector_load %arg7[%swap3A] {strides = array<i32>} : memref<80xf32, #tpu.memory_space<vmem>>, vector<16xf32>,
    %swap3A_14 = vector.shape_cast %swap3A_13 : vector<16xf32> to vector<16xf32>
    %swap3A_15 = vector.shape_cast %broadcast_in_dim3A_12 : vector<16xf32> to vector<16xf32>
    tpu.vector_store %arg7[%swap3A], %swap3A_15 {strides = array<i32>} : memref<80xf32, #tpu.memory_space<vmem>>, vector<16xf32>,
    %broadcast_in_dim3A_16 = arith.constant 1.000000e+00 : f32
    %broadcast_in_dim3A_17 = vector.broadcast %broadcast_in_dim3A_16 : f32 to vector<16xf32>
    %swap3A_18 = arith.constant 16 : index
    %swap3A_19 = tpu.vector_load %arg7[%swap3A_18] {strides = array<i32>} : memref<80xf32, #tpu.memory_space<vmem>>, vector<16xf32>,
    %swap3A_20 = vector.shape_cast %swap3A_19 : vector<16xf32> to vector<16xf32>
    %swap3A_21 = vector.shape_cast %broadcast_in_dim3A_17 : vector<16xf32> to vector<16xf32>
    tpu.vector_store %arg7[%swap3A_18], %swap3A_21 {strides = array<i32>} : memref<80xf32, #tpu.memory_space<vmem>>, vector<16xf32>,
    %broadcast_in_dim3A_22 = arith.constant 1.000000e+00 : f32
    %broadcast_in_dim3A_23 = vector.broadcast %broadcast_in_dim3A_22 : f32 to vector<16xf32>
    %swap3A_24 = arith.constant 32 : index
    %swap3A_25 = tpu.vector_load %arg7[%swap3A_24] {strides = array<i32>} : memref<80xf32, #tpu.memory_space<vmem>>, vector<16xf32>,
    %swap3A_26 = vector.shape_cast %swap3A_25 : vector<16xf32> to vector<16xf32>
    %swap3A_27 = vector.shape_cast %broadcast_in_dim3A_23 : vector<16xf32> to vector<16xf32>
    tpu.vector_store %arg7[%swap3A_24], %swap3A_27 {strides = array<i32>} : memref<80xf32, #tpu.memory_space<vmem>>, vector<16xf32>,
    %broadcast_in_dim3A_28 = arith.constant 1.000000e+00 : f32
    %broadcast_in_dim3A_29 = vector.broadcast %broadcast_in_dim3A_28 : f32 to vector<16xf32>
    %swap3A_30 = arith.constant 48 : index
    %swap3A_31 = tpu.vector_load %arg7[%swap3A_30] {strides = array<i32>} : memref<80xf32, #tpu.memory_space<vmem>>, vector<16xf32>,
    %swap3A_32 = vector.shape_cast %swap3A_31 : vector<16xf32> to vector<16xf32>
    %swap3A_33 = vector.shape_cast %broadcast_in_dim3A_29 : vector<16xf32> to vector<16xf32>
    tpu.vector_store %arg7[%swap3A_30], %swap3A_33 {strides = array<i32>} : memref<80xf32, #tpu.memory_space<vmem>>, vector<16xf32>,
    %broadcast_in_dim3A_34 = arith.constant 1.000000e+00 : f32
    %broadcast_in_dim3A_35 = vector.broadcast %broadcast_in_dim3A_34 : f32 to vector<16xf32>
    %swap3A_36 = arith.constant 64 : index
    %swap3A_37 = tpu.vector_load %arg7[%swap3A_36] {strides = array<i32>} : memref<80xf32, #tpu.memory_space<vmem>>, vector<16xf32>,
    %swap3A_38 = vector.shape_cast %swap3A_37 : vector<16xf32> to vector<16xf32>
    %swap3A_39 = vector.shape_cast %broadcast_in_dim3A_35 : vector<16xf32> to vector<16xf32>
    tpu.vector_store %arg7[%swap3A_36], %swap3A_39 {strides = array<i32>} : memref<80xf32, #tpu.memory_space<vmem>>, vector<16xf32>,
    %mul3A_40 = arith.constant 10000 : i32
    %mul3A_41 = arith.muli %add3A, %mul3A_40 : i32
    "tpu.region"() ({
      %run_scoped3A_60 = tpu.sem_alloc : memref<!tpu.dma_semaphore, #tpu.memory_space<semaphore_mem>>
      %dma_start3A = tpu.memref_slice %arg2[%mul3A_41] : memref<320000xi32, #tpu.memory_space<hbm>> -> memref<10000xi32, #tpu.memory_space<hbm>>
      %dma_start3A_61 = tpu.memref_slice %arg2[%mul3A_41] : memref<320000xi32, #tpu.memory_space<hbm>> -> memref<10000xi32, #tpu.memory_space<hbm>>
      tpu.enqueue_dma source(%dma_start3A_61 : memref<10000xi32, #tpu.memory_space<hbm>>) target(%arg5 : memref<10000xi32, #tpu.memory_space<vmem>>) target_semaphore(%run_scoped3A_60 : memref<!tpu.dma_semaphore, #tpu.memory_space<semaphore_mem>>)
      %dma_wait3A = tpu.memref_slice %arg2[%mul3A_41] : memref<320000xi32, #tpu.memory_space<hbm>> -> memref<10000xi32, #tpu.memory_space<hbm>>
      %dma_wait3A_62 = tpu.memref_slice %arg2[%mul3A_41] : memref<320000xi32, #tpu.memory_space<hbm>> -> memref<10000xi32, #tpu.memory_space<hbm>>
      tpu.wait_dma2 semaphore(%run_scoped3A_60 : memref<!tpu.dma_semaphore, #tpu.memory_space<semaphore_mem>>) src(%dma_wait3A_62 : memref<10000xi32, #tpu.memory_space<hbm>>) dst(%arg5 : memref<10000xi32, #tpu.memory_space<vmem>>)
      tpu.yield
    }) : () -> ()
    %mul3A_42 = arith.constant 10000 : i32
    %mul3A_43 = arith.muli %add3A, %mul3A_42 : i32
    "tpu.region"() ({
      %run_scoped3A_60 = tpu.sem_alloc : memref<!tpu.dma_semaphore, #tpu.memory_space<semaphore_mem>>
      %dma_start3A = tpu.memref_slice %arg3[%mul3A_43] : memref<320000xi32, #tpu.memory_space<hbm>> -> memref<10000xi32, #tpu.memory_space<hbm>>
      %dma_start3A_61 = tpu.memref_slice %arg3[%mul3A_43] : memref<320000xi32, #tpu.memory_space<hbm>> -> memref<10000xi32, #tpu.memory_space<hbm>>
      tpu.enqueue_dma source(%dma_start3A_61 : memref<10000xi32, #tpu.memory_space<hbm>>) target(%arg6 : memref<10000xi32, #tpu.memory_space<vmem>>) target_semaphore(%run_scoped3A_60 : memref<!tpu.dma_semaphore, #tpu.memory_space<semaphore_mem>>)
      %dma_wait3A = tpu.memref_slice %arg3[%mul3A_43] : memref<320000xi32, #tpu.memory_space<hbm>> -> memref<10000xi32, #tpu.memory_space<hbm>>
      %dma_wait3A_62 = tpu.memref_slice %arg3[%mul3A_43] : memref<320000xi32, #tpu.memory_space<hbm>> -> memref<10000xi32, #tpu.memory_space<hbm>>
      tpu.wait_dma2 semaphore(%run_scoped3A_60 : memref<!tpu.dma_semaphore, #tpu.memory_space<semaphore_mem>>) src(%dma_wait3A_62 : memref<10000xi32, #tpu.memory_space<hbm>>) dst(%arg6 : memref<10000xi32, #tpu.memory_space<vmem>>)
      tpu.yield
    }) : () -> ()
    %barrier3A = arith.constant 0 : index
    tpu.barrier barrier_id(%barrier3A)
    %scan3A_44 = arith.constant 0 : i32
    %scan3A_45 = arith.constant 0 : i32
    %scan3A_46 = arith.constant 25 : i32
    %scan3A_47 = arith.addi %scan3A_45, %scan3A_46 : i32
    %scan3A_48 = arith.constant 1 : i32
    scf.for %scan3A_60 = %scan3A_45 to %scan3A_47 step %scan3A_48  : i32 {
      %mul3A_61 = arith.constant 5 : i32
      %mul3A_62 = arith.muli %scan3A_60, %mul3A_61 : i32
      %add3A_63 = arith.constant 0 : i32
      %add3A_64 = arith.addi %mul3A_62, %add3A_63 : i32
      %mul3A_65 = arith.constant 80 : i32
      %mul3A_66 = arith.muli %add3A_64, %mul3A_65 : i32
      %dma_start3A = tpu.memref_slice %arg5[%mul3A_66] : memref<10000xi32, #tpu.memory_space<vmem>> -> memref<80xi32, #tpu.memory_space<vmem>>
      %dma_start3A_67 = arith.constant 0 : i32
      %dma_start3A_68 = tpu.memref_slice %arg9[%dma_start3A_67] : memref<10240xf32, #tpu.memory_space<vmem_shared>> -> memref<10240xf32, #tpu.memory_space<vmem_shared>>
      tpu.enqueue_indirect_dma source(%arg7 : memref<80xf32, #tpu.memory_space<vmem>>) target(%dma_start3A_68 : memref<10240xf32, #tpu.memory_space<vmem_shared>>) offsets(%dma_start3A : memref<80xi32, #tpu.memory_space<vmem>>) semaphore(%arg11 : memref<!tpu.dma_semaphore, #tpu.memory_space<semaphore_mem>>) {add = true}
      %mul3A_69 = arith.constant 80 : i32
      %mul3A_70 = arith.muli %add3A_64, %mul3A_69 : i32
      %dma_start3A_71 = tpu.memref_slice %arg6[%mul3A_70] : memref<10000xi32, #tpu.memory_space<vmem>> -> memref<80xi32, #tpu.memory_space<vmem>>
      %dma_start3A_72 = arith.constant 0 : i32
      %dma_start3A_73 = tpu.memref_slice %arg10[%dma_start3A_72] : memref<10240xf32, #tpu.memory_space<vmem_shared>> -> memref<10240xf32, #tpu.memory_space<vmem_shared>>
      tpu.enqueue_indirect_dma source(%arg7 : memref<80xf32, #tpu.memory_space<vmem>>) target(%dma_start3A_73 : memref<10240xf32, #tpu.memory_space<vmem_shared>>) offsets(%dma_start3A_71 : memref<80xi32, #tpu.memory_space<vmem>>) semaphore(%arg11 : memref<!tpu.dma_semaphore, #tpu.memory_space<semaphore_mem>>) {add = true}
      %mul3A_74 = arith.constant 5 : i32
      %mul3A_75 = arith.muli %scan3A_60, %mul3A_74 : i32
      %add3A_76 = arith.constant 1 : i32
      %add3A_77 = arith.addi %mul3A_75, %add3A_76 : i32
      %mul3A_78 = arith.constant 80 : i32
      %mul3A_79 = arith.muli %add3A_77, %mul3A_78 : i32
      %dma_start3A_80 = tpu.memref_slice %arg5[%mul3A_79] : memref<10000xi32, #tpu.memory_space<vmem>> -> memref<80xi32, #tpu.memory_space<vmem>>
      %dma_start3A_81 = arith.constant 0 : i32
      %dma_start3A_82 = tpu.memref_slice %arg9[%dma_start3A_81] : memref<10240xf32, #tpu.memory_space<vmem_shared>> -> memref<10240xf32, #tpu.memory_space<vmem_shared>>
      tpu.enqueue_indirect_dma source(%arg7 : memref<80xf32, #tpu.memory_space<vmem>>) target(%dma_start3A_82 : memref<10240xf32, #tpu.memory_space<vmem_shared>>) offsets(%dma_start3A_80 : memref<80xi32, #tpu.memory_space<vmem>>) semaphore(%arg11 : memref<!tpu.dma_semaphore, #tpu.memory_space<semaphore_mem>>) {add = true}
      %mul3A_83 = arith.constant 80 : i32
      %mul3A_84 = arith.muli %add3A_77, %mul3A_83 : i32
      %dma_start3A_85 = tpu.memref_slice %arg6[%mul3A_84] : memref<10000xi32, #tpu.memory_space<vmem>> -> memref<80xi32, #tpu.memory_space<vmem>>
      %dma_start3A_86 = arith.constant 0 : i32
      %dma_start3A_87 = tpu.memref_slice %arg10[%dma_start3A_86] : memref<10240xf32, #tpu.memory_space<vmem_shared>> -> memref<10240xf32, #tpu.memory_space<vmem_shared>>
      tpu.enqueue_indirect_dma source(%arg7 : memref<80xf32, #tpu.memory_space<vmem>>) target(%dma_start3A_87 : memref<10240xf32, #tpu.memory_space<vmem_shared>>) offsets(%dma_start3A_85 : memref<80xi32, #tpu.memory_space<vmem>>) semaphore(%arg11 : memref<!tpu.dma_semaphore, #tpu.memory_space<semaphore_mem>>) {add = true}
      %mul3A_88 = arith.constant 5 : i32
      %mul3A_89 = arith.muli %scan3A_60, %mul3A_88 : i32
      %add3A_90 = arith.constant 2 : i32
      %add3A_91 = arith.addi %mul3A_89, %add3A_90 : i32
      %mul3A_92 = arith.constant 80 : i32
      %mul3A_93 = arith.muli %add3A_91, %mul3A_92 : i32
      %dma_start3A_94 = tpu.memref_slice %arg5[%mul3A_93] : memref<10000xi32, #tpu.memory_space<vmem>> -> memref<80xi32, #tpu.memory_space<vmem>>
      %dma_start3A_95 = arith.constant 0 : i32
      %dma_start3A_96 = tpu.memref_slice %arg9[%dma_start3A_95] : memref<10240xf32, #tpu.memory_space<vmem_shared>> -> memref<10240xf32, #tpu.memory_space<vmem_shared>>
      tpu.enqueue_indirect_dma source(%arg7 : memref<80xf32, #tpu.memory_space<vmem>>) target(%dma_start3A_96 : memref<10240xf32, #tpu.memory_space<vmem_shared>>) offsets(%dma_start3A_94 : memref<80xi32, #tpu.memory_space<vmem>>) semaphore(%arg11 : memref<!tpu.dma_semaphore, #tpu.memory_space<semaphore_mem>>) {add = true}
      %mul3A_97 = arith.constant 80 : i32
      %mul3A_98 = arith.muli %add3A_91, %mul3A_97 : i32
      %dma_start3A_99 = tpu.memref_slice %arg6[%mul3A_98] : memref<10000xi32, #tpu.memory_space<vmem>> -> memref<80xi32, #tpu.memory_space<vmem>>
      %dma_start3A_100 = arith.constant 0 : i32
      %dma_start3A_101 = tpu.memref_slice %arg10[%dma_start3A_100] : memref<10240xf32, #tpu.memory_space<vmem_shared>> -> memref<10240xf32, #tpu.memory_space<vmem_shared>>
      tpu.enqueue_indirect_dma source(%arg7 : memref<80xf32, #tpu.memory_space<vmem>>) target(%dma_start3A_101 : memref<10240xf32, #tpu.memory_space<vmem_shared>>) offsets(%dma_start3A_99 : memref<80xi32, #tpu.memory_space<vmem>>) semaphore(%arg11 : memref<!tpu.dma_semaphore, #tpu.memory_space<semaphore_mem>>) {add = true}
      %mul3A_102 = arith.constant 5 : i32
      %mul3A_103 = arith.muli %scan3A_60, %mul3A_102 : i32
      %add3A_104 = arith.constant 3 : i32
      %add3A_105 = arith.addi %mul3A_103, %add3A_104 : i32
      %mul3A_106 = arith.constant 80 : i32
      %mul3A_107 = arith.muli %add3A_105, %mul3A_106 : i32
      %dma_start3A_108 = tpu.memref_slice %arg5[%mul3A_107] : memref<10000xi32, #tpu.memory_space<vmem>> -> memref<80xi32, #tpu.memory_space<vmem>>
      %dma_start3A_109 = arith.constant 0 : i32
      %dma_start3A_110 = tpu.memref_slice %arg9[%dma_start3A_109] : memref<10240xf32, #tpu.memory_space<vmem_shared>> -> memref<10240xf32, #tpu.memory_space<vmem_shared>>
      tpu.enqueue_indirect_dma source(%arg7 : memref<80xf32, #tpu.memory_space<vmem>>) target(%dma_start3A_110 : memref<10240xf32, #tpu.memory_space<vmem_shared>>) offsets(%dma_start3A_108 : memref<80xi32, #tpu.memory_space<vmem>>) semaphore(%arg11 : memref<!tpu.dma_semaphore, #tpu.memory_space<semaphore_mem>>) {add = true}
      %mul3A_111 = arith.constant 80 : i32
      %mul3A_112 = arith.muli %add3A_105, %mul3A_111 : i32
      %dma_start3A_113 = tpu.memref_slice %arg6[%mul3A_112] : memref<10000xi32, #tpu.memory_space<vmem>> -> memref<80xi32, #tpu.memory_space<vmem>>
      %dma_start3A_114 = arith.constant 0 : i32
      %dma_start3A_115 = tpu.memref_slice %arg10[%dma_start3A_114] : memref<10240xf32, #tpu.memory_space<vmem_shared>> -> memref<10240xf32, #tpu.memory_space<vmem_shared>>
      tpu.enqueue_indirect_dma source(%arg7 : memref<80xf32, #tpu.memory_space<vmem>>) target(%dma_start3A_115 : memref<10240xf32, #tpu.memory_space<vmem_shared>>) offsets(%dma_start3A_113 : memref<80xi32, #tpu.memory_space<vmem>>) semaphore(%arg11 : memref<!tpu.dma_semaphore, #tpu.memory_space<semaphore_mem>>) {add = true}
      %mul3A_116 = arith.constant 5 : i32
      %mul3A_117 = arith.muli %scan3A_60, %mul3A_116 : i32
      %add3A_118 = arith.constant 4 : i32
      %add3A_119 = arith.addi %mul3A_117, %add3A_118 : i32
      %mul3A_120 = arith.constant 80 : i32
      %mul3A_121 = arith.muli %add3A_119, %mul3A_120 : i32
      %dma_start3A_122 = tpu.memref_slice %arg5[%mul3A_121] : memref<10000xi32, #tpu.memory_space<vmem>> -> memref<80xi32, #tpu.memory_space<vmem>>
      %dma_start3A_123 = arith.constant 0 : i32
      %dma_start3A_124 = tpu.memref_slice %arg9[%dma_start3A_123] : memref<10240xf32, #tpu.memory_space<vmem_shared>> -> memref<10240xf32, #tpu.memory_space<vmem_shared>>
      tpu.enqueue_indirect_dma source(%arg7 : memref<80xf32, #tpu.memory_space<vmem>>) target(%dma_start3A_124 : memref<10240xf32, #tpu.memory_space<vmem_shared>>) offsets(%dma_start3A_122 : memref<80xi32, #tpu.memory_space<vmem>>) semaphore(%arg11 : memref<!tpu.dma_semaphore, #tpu.memory_space<semaphore_mem>>) {add = true}
      %mul3A_125 = arith.constant 80 : i32
      %mul3A_126 = arith.muli %add3A_119, %mul3A_125 : i32
      %dma_start3A_127 = tpu.memref_slice %arg6[%mul3A_126] : memref<10000xi32, #tpu.memory_space<vmem>> -> memref<80xi32, #tpu.memory_space<vmem>>
      %dma_start3A_128 = arith.constant 0 : i32
      %dma_start3A_129 = tpu.memref_slice %arg10[%dma_start3A_128] : memref<10240xf32, #tpu.memory_space<vmem_shared>> -> memref<10240xf32, #tpu.memory_space<vmem_shared>>
      tpu.enqueue_indirect_dma source(%arg7 : memref<80xf32, #tpu.memory_space<vmem>>) target(%dma_start3A_129 : memref<10240xf32, #tpu.memory_space<vmem_shared>>) offsets(%dma_start3A_127 : memref<80xi32, #tpu.memory_space<vmem>>) semaphore(%arg11 : memref<!tpu.dma_semaphore, #tpu.memory_space<semaphore_mem>>) {add = true}
      %mul3A_130 = arith.constant 5 : i32
      %mul3A_131 = arith.muli %scan3A_60, %mul3A_130 : i32
      %add3A_132 = arith.constant 0 : i32
      %add3A_133 = arith.addi %mul3A_131, %add3A_132 : i32
      %mul3A_134 = arith.constant 80 : i32
      %mul3A_135 = arith.muli %add3A_133, %mul3A_134 : i32
      %dma_wait3A = tpu.memref_slice %arg5[%mul3A_135] : memref<10000xi32, #tpu.memory_space<vmem>> -> memref<80xi32, #tpu.memory_space<vmem>>
      %dma_wait3A_136 = arith.constant 0 : i32
      %dma_wait3A_137 = tpu.memref_slice %arg9[%dma_wait3A_136] : memref<10240xf32, #tpu.memory_space<vmem_shared>> -> memref<10240xf32, #tpu.memory_space<vmem_shared>>
      tpu.wait_indirect_dma semaphore(%arg11 : memref<!tpu.dma_semaphore, #tpu.memory_space<semaphore_mem>>) src(%arg7 : memref<80xf32, #tpu.memory_space<vmem>>) dst(%dma_wait3A_137 : memref<10240xf32, #tpu.memory_space<vmem_shared>>)
      %mul3A_138 = arith.constant 80 : i32
      %mul3A_139 = arith.muli %add3A_133, %mul3A_138 : i32
      %dma_wait3A_140 = tpu.memref_slice %arg6[%mul3A_139] : memref<10000xi32, #tpu.memory_space<vmem>> -> memref<80xi32, #tpu.memory_space<vmem>>
      %dma_wait3A_141 = arith.constant 0 : i32
      %dma_wait3A_142 = tpu.memref_slice %arg10[%dma_wait3A_141] : memref<10240xf32, #tpu.memory_space<vmem_shared>> -> memref<10240xf32, #tpu.memory_space<vmem_shared>>
      tpu.wait_indirect_dma semaphore(%arg11 : memref<!tpu.dma_semaphore, #tpu.memory_space<semaphore_mem>>) src(%arg7 : memref<80xf32, #tpu.memory_space<vmem>>) dst(%dma_wait3A_142 : memref<10240xf32, #tpu.memory_space<vmem_shared>>)
      %mul3A_143 = arith.constant 5 : i32
      %mul3A_144 = arith.muli %scan3A_60, %mul3A_143 : i32
      %add3A_145 = arith.constant 1 : i32
      %add3A_146 = arith.addi %mul3A_144, %add3A_145 : i32
      %mul3A_147 = arith.constant 80 : i32
      %mul3A_148 = arith.muli %add3A_146, %mul3A_147 : i32
      %dma_wait3A_149 = tpu.memref_slice %arg5[%mul3A_148] : memref<10000xi32, #tpu.memory_space<vmem>> -> memref<80xi32, #tpu.memory_space<vmem>>
      %dma_wait3A_150 = arith.constant 0 : i32
      %dma_wait3A_151 = tpu.memref_slice %arg9[%dma_wait3A_150] : memref<10240xf32, #tpu.memory_space<vmem_shared>> -> memref<10240xf32, #tpu.memory_space<vmem_shared>>
      tpu.wait_indirect_dma semaphore(%arg11 : memref<!tpu.dma_semaphore, #tpu.memory_space<semaphore_mem>>) src(%arg7 : memref<80xf32, #tpu.memory_space<vmem>>) dst(%dma_wait3A_151 : memref<10240xf32, #tpu.memory_space<vmem_shared>>)
      %mul3A_152 = arith.constant 80 : i32
      %mul3A_153 = arith.muli %add3A_146, %mul3A_152 : i32
      %dma_wait3A_154 = tpu.memref_slice %arg6[%mul3A_153] : memref<10000xi32, #tpu.memory_space<vmem>> -> memref<80xi32, #tpu.memory_space<vmem>>
      %dma_wait3A_155 = arith.constant 0 : i32
      %dma_wait3A_156 = tpu.memref_slice %arg10[%dma_wait3A_155] : memref<10240xf32, #tpu.memory_space<vmem_shared>> -> memref<10240xf32, #tpu.memory_space<vmem_shared>>
      tpu.wait_indirect_dma semaphore(%arg11 : memref<!tpu.dma_semaphore, #tpu.memory_space<semaphore_mem>>) src(%arg7 : memref<80xf32, #tpu.memory_space<vmem>>) dst(%dma_wait3A_156 : memref<10240xf32, #tpu.memory_space<vmem_shared>>)
      %mul3A_157 = arith.constant 5 : i32
      %mul3A_158 = arith.muli %scan3A_60, %mul3A_157 : i32
      %add3A_159 = arith.constant 2 : i32
      %add3A_160 = arith.addi %mul3A_158, %add3A_159 : i32
      %mul3A_161 = arith.constant 80 : i32
      %mul3A_162 = arith.muli %add3A_160, %mul3A_161 : i32
      %dma_wait3A_163 = tpu.memref_slice %arg5[%mul3A_162] : memref<10000xi32, #tpu.memory_space<vmem>> -> memref<80xi32, #tpu.memory_space<vmem>>
      %dma_wait3A_164 = arith.constant 0 : i32
      %dma_wait3A_165 = tpu.memref_slice %arg9[%dma_wait3A_164] : memref<10240xf32, #tpu.memory_space<vmem_shared>> -> memref<10240xf32, #tpu.memory_space<vmem_shared>>
      tpu.wait_indirect_dma semaphore(%arg11 : memref<!tpu.dma_semaphore, #tpu.memory_space<semaphore_mem>>) src(%arg7 : memref<80xf32, #tpu.memory_space<vmem>>) dst(%dma_wait3A_165 : memref<10240xf32, #tpu.memory_space<vmem_shared>>)
      %mul3A_166 = arith.constant 80 : i32
      %mul3A_167 = arith.muli %add3A_160, %mul3A_166 : i32
      %dma_wait3A_168 = tpu.memref_slice %arg6[%mul3A_167] : memref<10000xi32, #tpu.memory_space<vmem>> -> memref<80xi32, #tpu.memory_space<vmem>>
      %dma_wait3A_169 = arith.constant 0 : i32
      %dma_wait3A_170 = tpu.memref_slice %arg10[%dma_wait3A_169] : memref<10240xf32, #tpu.memory_space<vmem_shared>> -> memref<10240xf32, #tpu.memory_space<vmem_shared>>
      tpu.wait_indirect_dma semaphore(%arg11 : memref<!tpu.dma_semaphore, #tpu.memory_space<semaphore_mem>>) src(%arg7 : memref<80xf32, #tpu.memory_space<vmem>>) dst(%dma_wait3A_170 : memref<10240xf32, #tpu.memory_space<vmem_shared>>)
      %mul3A_171 = arith.constant 5 : i32
      %mul3A_172 = arith.muli %scan3A_60, %mul3A_171 : i32
      %add3A_173 = arith.constant 3 : i32
      %add3A_174 = arith.addi %mul3A_172, %add3A_173 : i32
      %mul3A_175 = arith.constant 80 : i32
      %mul3A_176 = arith.muli %add3A_174, %mul3A_175 : i32
      %dma_wait3A_177 = tpu.memref_slice %arg5[%mul3A_176] : memref<10000xi32, #tpu.memory_space<vmem>> -> memref<80xi32, #tpu.memory_space<vmem>>
      %dma_wait3A_178 = arith.constant 0 : i32
      %dma_wait3A_179 = tpu.memref_slice %arg9[%dma_wait3A_178] : memref<10240xf32, #tpu.memory_space<vmem_shared>> -> memref<10240xf32, #tpu.memory_space<vmem_shared>>
      tpu.wait_indirect_dma semaphore(%arg11 : memref<!tpu.dma_semaphore, #tpu.memory_space<semaphore_mem>>) src(%arg7 : memref<80xf32, #tpu.memory_space<vmem>>) dst(%dma_wait3A_179 : memref<10240xf32, #tpu.memory_space<vmem_shared>>)
      %mul3A_180 = arith.constant 80 : i32
      %mul3A_181 = arith.muli %add3A_174, %mul3A_180 : i32
      %dma_wait3A_182 = tpu.memref_slice %arg6[%mul3A_181] : memref<10000xi32, #tpu.memory_space<vmem>> -> memref<80xi32, #tpu.memory_space<vmem>>
      %dma_wait3A_183 = arith.constant 0 : i32
      %dma_wait3A_184 = tpu.memref_slice %arg10[%dma_wait3A_183] : memref<10240xf32, #tpu.memory_space<vmem_shared>> -> memref<10240xf32, #tpu.memory_space<vmem_shared>>
      tpu.wait_indirect_dma semaphore(%arg11 : memref<!tpu.dma_semaphore, #tpu.memory_space<semaphore_mem>>) src(%arg7 : memref<80xf32, #tpu.memory_space<vmem>>) dst(%dma_wait3A_184 : memref<10240xf32, #tpu.memory_space<vmem_shared>>)
      %mul3A_185 = arith.constant 5 : i32
      %mul3A_186 = arith.muli %scan3A_60, %mul3A_185 : i32
      %add3A_187 = arith.constant 4 : i32
      %add3A_188 = arith.addi %mul3A_186, %add3A_187 : i32
      %mul3A_189 = arith.constant 80 : i32
      %mul3A_190 = arith.muli %add3A_188, %mul3A_189 : i32
      %dma_wait3A_191 = tpu.memref_slice %arg5[%mul3A_190] : memref<10000xi32, #tpu.memory_space<vmem>> -> memref<80xi32, #tpu.memory_space<vmem>>
      %dma_wait3A_192 = arith.constant 0 : i32
      %dma_wait3A_193 = tpu.memref_slice %arg9[%dma_wait3A_192] : memref<10240xf32, #tpu.memory_space<vmem_shared>> -> memref<10240xf32, #tpu.memory_space<vmem_shared>>
      tpu.wait_indirect_dma semaphore(%arg11 : memref<!tpu.dma_semaphore, #tpu.memory_space<semaphore_mem>>) src(%arg7 : memref<80xf32, #tpu.memory_space<vmem>>) dst(%dma_wait3A_193 : memref<10240xf32, #tpu.memory_space<vmem_shared>>)
      %mul3A_194 = arith.constant 80 : i32
      %mul3A_195 = arith.muli %add3A_188, %mul3A_194 : i32
      %dma_wait3A_196 = tpu.memref_slice %arg6[%mul3A_195] : memref<10000xi32, #tpu.memory_space<vmem>> -> memref<80xi32, #tpu.memory_space<vmem>>
      %dma_wait3A_197 = arith.constant 0 : i32
      %dma_wait3A_198 = tpu.memref_slice %arg10[%dma_wait3A_197] : memref<10240xf32, #tpu.memory_space<vmem_shared>> -> memref<10240xf32, #tpu.memory_space<vmem_shared>>
      tpu.wait_indirect_dma semaphore(%arg11 : memref<!tpu.dma_semaphore, #tpu.memory_space<semaphore_mem>>) src(%arg7 : memref<80xf32, #tpu.memory_space<vmem>>) dst(%dma_wait3A_198 : memref<10240xf32, #tpu.memory_space<vmem_shared>>)
    }
    %scan3A_49 = arith.constant 25 : i32
    %barrier3A_50 = arith.constant 0 : index
    tpu.barrier barrier_id(%barrier3A_50)
    %mul3A_51 = arith.constant 640 : i32
    %mul3A_52 = arith.muli %arg1, %mul3A_51 : i32
    %mul3A_53 = arith.constant 640 : i32
    %mul3A_54 = arith.muli %arg1, %mul3A_53 : i32
    %run_scoped3A = arith.constant 0 : i32
    "tpu.region"() ({
      %run_scoped3A_60 = tpu.sem_alloc : memref<!tpu.dma_semaphore, #tpu.memory_space<semaphore_mem>>
      %dma_start3A = tpu.memref_slice %arg4[%run_scoped3A, %arg0, %mul3A_54] : memref<2x2x10240xf32, #tpu.memory_space<hbm>> -> memref<1x1x640xf32, #tpu.memory_space<hbm>>
      %dma_start3A_61 = tpu.memref_squeeze %dma_start3A : memref<1x1x640xf32, #tpu.memory_space<hbm>> -> memref<640xf32, #tpu.memory_space<hbm>>
      %dma_start3A_62 = tpu.memref_slice %arg9[%mul3A_52] : memref<10240xf32, #tpu.memory_space<vmem_shared>> -> memref<640xf32, #tpu.memory_space<vmem_shared>>
      tpu.enqueue_dma source(%dma_start3A_62 : memref<640xf32, #tpu.memory_space<vmem_shared>>) target(%dma_start3A_61 : memref<640xf32, #tpu.memory_space<hbm>>) target_semaphore(%run_scoped3A_60 : memref<!tpu.dma_semaphore, #tpu.memory_space<semaphore_mem>>)
      %dma_wait3A = tpu.memref_slice %arg4[%run_scoped3A, %arg0, %mul3A_54] : memref<2x2x10240xf32, #tpu.memory_space<hbm>> -> memref<1x1x640xf32, #tpu.memory_space<hbm>>
      %dma_wait3A_63 = tpu.memref_squeeze %dma_wait3A : memref<1x1x640xf32, #tpu.memory_space<hbm>> -> memref<640xf32, #tpu.memory_space<hbm>>
      %dma_wait3A_64 = tpu.memref_slice %arg9[%mul3A_52] : memref<10240xf32, #tpu.memory_space<vmem_shared>> -> memref<640xf32, #tpu.memory_space<vmem_shared>>
      tpu.wait_dma2 semaphore(%run_scoped3A_60 : memref<!tpu.dma_semaphore, #tpu.memory_space<semaphore_mem>>) src(%dma_wait3A_64 : memref<640xf32, #tpu.memory_space<vmem_shared>>) dst(%dma_wait3A_63 : memref<640xf32, #tpu.memory_space<hbm>>)
      tpu.yield
    }) : () -> ()
    %mul3A_55 = arith.constant 640 : i32
    %mul3A_56 = arith.muli %arg1, %mul3A_55 : i32
    %mul3A_57 = arith.constant 640 : i32
    %mul3A_58 = arith.muli %arg1, %mul3A_57 : i32
    %run_scoped3A_59 = arith.constant 1 : i32
    "tpu.region"() ({
      %run_scoped3A_60 = tpu.sem_alloc : memref<!tpu.dma_semaphore, #tpu.memory_space<semaphore_mem>>
      %dma_start3A = tpu.memref_slice %arg4[%run_scoped3A_59, %arg0, %mul3A_58] : memref<2x2x10240xf32, #tpu.memory_space<hbm>> -> memref<1x1x640xf32, #tpu.memory_space<hbm>>
      %dma_start3A_61 = tpu.memref_squeeze %dma_start3A : memref<1x1x640xf32, #tpu.memory_space<hbm>> -> memref<640xf32, #tpu.memory_space<hbm>>
      %dma_start3A_62 = tpu.memref_slice %arg10[%mul3A_56] : memref<10240xf32, #tpu.memory_space<vmem_shared>> -> memref<640xf32, #tpu.memory_space<vmem_shared>>
      tpu.enqueue_dma source(%dma_start3A_62 : memref<640xf32, #tpu.memory_space<vmem_shared>>) target(%dma_start3A_61 : memref<640xf32, #tpu.memory_space<hbm>>) target_semaphore(%run_scoped3A_60 : memref<!tpu.dma_semaphore, #tpu.memory_space<semaphore_mem>>)
      %dma_wait3A = tpu.memref_slice %arg4[%run_scoped3A_59, %arg0, %mul3A_58] : memref<2x2x10240xf32, #tpu.memory_space<hbm>> -> memref<1x1x640xf32, #tpu.memory_space<hbm>>
      %dma_wait3A_63 = tpu.memref_squeeze %dma_wait3A : memref<1x1x640xf32, #tpu.memory_space<hbm>> -> memref<640xf32, #tpu.memory_space<hbm>>
      %dma_wait3A_64 = tpu.memref_slice %arg10[%mul3A_56] : memref<10240xf32, #tpu.memory_space<vmem_shared>> -> memref<640xf32, #tpu.memory_space<vmem_shared>>
      tpu.wait_dma2 semaphore(%run_scoped3A_60 : memref<!tpu.dma_semaphore, #tpu.memory_space<semaphore_mem>>) src(%dma_wait3A_64 : memref<640xf32, #tpu.memory_space<vmem_shared>>) dst(%dma_wait3A_63 : memref<640xf32, #tpu.memory_space<hbm>>)
      tpu.yield
    }) : () -> ()
    return
  }
}

#map = affine_map<(d0, d1) -> (0, 0)>
#map1 = affine_map<(d0, d1) -> (0)>
#map2 = affine_map<(d0, d1) -> (0, 0, 0)>
module attributes {stable_mosaic.version = 14 : i64} {
  func.func @_spmm_body(%arg0: i32, %arg1: i32, %arg2: memref<10000x128xf32, #tpu.memory_space<hbm>>, %arg3: memref<320000xi32, #tpu.memory_space<hbm>>, %arg4: memref<320000xi32, #tpu.memory_space<hbm>>, %arg5: memref<2x10240x128xf32, #tpu.memory_space<hbm>>, %arg6: memref<8x80xi32, #tpu.memory_space<vmem>>, %arg7: memref<8x80xi32, #tpu.memory_space<vmem>>, %arg8: memref<4x80x128xf32, #tpu.memory_space<vmem>>, %arg9: memref<10240x128xf32, #tpu.memory_space<vmem_shared>>, %arg10: memref<8x!tpu.dma_semaphore, #tpu.memory_space<semaphore_mem>>, %arg11: memref<4x!tpu.dma_semaphore, #tpu.memory_space<semaphore_mem>>) attributes {dimension_semantics = [#tpu.dimension_semantics<core_parallel>, #tpu.dimension_semantics<subcore_parallel>], iteration_bounds = array<i64: 2, 16>, scalar_prefetch = 0 : i64, scratch_operands = 6 : i64, tpu.core_type = #tpu.core_type<sc_vector_subcore>, window_params = [{transform_indices = #map}, {transform_indices = #map1}, {transform_indices = #map1}, {transform_indices = #map2}]} {
    %mul3A = arith.constant 2 : i32
    %mul3A_0 = arith.muli %arg1, %mul3A : i32
    %add3A = arith.addi %mul3A_0, %arg0 : i32
    %broadcast_in_dim3A = arith.constant 0.000000e+00 : f32
    %broadcast_in_dim3A_1 = vector.broadcast %broadcast_in_dim3A : f32 to vector<16xf32>
    %scan3A = arith.constant 0 : i32
    %scan3A_2 = arith.constant 0 : i32
    %scan3A_3 = arith.constant 80 : i32
    %scan3A_4 = arith.addi %scan3A_2, %scan3A_3 : i32
    %scan3A_5 = arith.constant 1 : i32
    scf.for %scan3A_626 = %scan3A_2 to %scan3A_4 step %scan3A_5  : i32 {
      %swap3A = arith.constant 0 : i32
      %swap3A_627 = arith.index_cast %swap3A : i32 to index
      %swap3A_628 = arith.index_cast %scan3A_626 : i32 to index
      %swap3A_629 = arith.constant 0 : index
      %swap3A_630 = tpu.vector_load %arg8[%swap3A_627, %swap3A_628, %swap3A_629] {strides = array<i32>} : memref<4x80x128xf32, #tpu.memory_space<vmem>>, vector<1x1x16xf32>,
      %swap3A_631 = vector.shape_cast %swap3A_630 : vector<1x1x16xf32> to vector<16xf32>
      %swap3A_632 = vector.shape_cast %broadcast_in_dim3A_1 : vector<16xf32> to vector<1x1x16xf32>
      tpu.vector_store %arg8[%swap3A_627, %swap3A_628, %swap3A_629], %swap3A_632 {strides = array<i32>} : memref<4x80x128xf32, #tpu.memory_space<vmem>>, vector<1x1x16xf32>,
      %swap3A_633 = arith.constant 0 : i32
      %swap3A_634 = arith.index_cast %swap3A_633 : i32 to index
      %swap3A_635 = arith.index_cast %scan3A_626 : i32 to index
      %swap3A_636 = arith.constant 16 : index
      %swap3A_637 = tpu.vector_load %arg8[%swap3A_634, %swap3A_635, %swap3A_636] {strides = array<i32>} : memref<4x80x128xf32, #tpu.memory_space<vmem>>, vector<1x1x16xf32>,
      %swap3A_638 = vector.shape_cast %swap3A_637 : vector<1x1x16xf32> to vector<16xf32>
      %swap3A_639 = vector.shape_cast %broadcast_in_dim3A_1 : vector<16xf32> to vector<1x1x16xf32>
      tpu.vector_store %arg8[%swap3A_634, %swap3A_635, %swap3A_636], %swap3A_639 {strides = array<i32>} : memref<4x80x128xf32, #tpu.memory_space<vmem>>, vector<1x1x16xf32>,
      %swap3A_640 = arith.constant 0 : i32
      %swap3A_641 = arith.index_cast %swap3A_640 : i32 to index
      %swap3A_642 = arith.index_cast %scan3A_626 : i32 to index
      %swap3A_643 = arith.constant 32 : index
      %swap3A_644 = tpu.vector_load %arg8[%swap3A_641, %swap3A_642, %swap3A_643] {strides = array<i32>} : memref<4x80x128xf32, #tpu.memory_space<vmem>>, vector<1x1x16xf32>,
      %swap3A_645 = vector.shape_cast %swap3A_644 : vector<1x1x16xf32> to vector<16xf32>
      %swap3A_646 = vector.shape_cast %broadcast_in_dim3A_1 : vector<16xf32> to vector<1x1x16xf32>
      tpu.vector_store %arg8[%swap3A_641, %swap3A_642, %swap3A_643], %swap3A_646 {strides = array<i32>} : memref<4x80x128xf32, #tpu.memory_space<vmem>>, vector<1x1x16xf32>,
      %swap3A_647 = arith.constant 0 : i32
      %swap3A_648 = arith.index_cast %swap3A_647 : i32 to index
      %swap3A_649 = arith.index_cast %scan3A_626 : i32 to index
      %swap3A_650 = arith.constant 48 : index
      %swap3A_651 = tpu.vector_load %arg8[%swap3A_648, %swap3A_649, %swap3A_650] {strides = array<i32>} : memref<4x80x128xf32, #tpu.memory_space<vmem>>, vector<1x1x16xf32>,
      %swap3A_652 = vector.shape_cast %swap3A_651 : vector<1x1x16xf32> to vector<16xf32>
      %swap3A_653 = vector.shape_cast %broadcast_in_dim3A_1 : vector<16xf32> to vector<1x1x16xf32>
      tpu.vector_store %arg8[%swap3A_648, %swap3A_649, %swap3A_650], %swap3A_653 {strides = array<i32>} : memref<4x80x128xf32, #tpu.memory_space<vmem>>, vector<1x1x16xf32>,
      %swap3A_654 = arith.constant 0 : i32
      %swap3A_655 = arith.index_cast %swap3A_654 : i32 to index
      %swap3A_656 = arith.index_cast %scan3A_626 : i32 to index
      %swap3A_657 = arith.constant 64 : index
      %swap3A_658 = tpu.vector_load %arg8[%swap3A_655, %swap3A_656, %swap3A_657] {strides = array<i32>} : memref<4x80x128xf32, #tpu.memory_space<vmem>>, vector<1x1x16xf32>,
      %swap3A_659 = vector.shape_cast %swap3A_658 : vector<1x1x16xf32> to vector<16xf32>
      %swap3A_660 = vector.shape_cast %broadcast_in_dim3A_1 : vector<16xf32> to vector<1x1x16xf32>
      tpu.vector_store %arg8[%swap3A_655, %swap3A_656, %swap3A_657], %swap3A_660 {strides = array<i32>} : memref<4x80x128xf32, #tpu.memory_space<vmem>>, vector<1x1x16xf32>,
      %swap3A_661 = arith.constant 0 : i32
      %swap3A_662 = arith.index_cast %swap3A_661 : i32 to index
      %swap3A_663 = arith.index_cast %scan3A_626 : i32 to index
      %swap3A_664 = arith.constant 80 : index
      %swap3A_665 = tpu.vector_load %arg8[%swap3A_662, %swap3A_663, %swap3A_664] {strides = array<i32>} : memref<4x80x128xf32, #tpu.memory_space<vmem>>, vector<1x1x16xf32>,
      %swap3A_666 = vector.shape_cast %swap3A_665 : vector<1x1x16xf32> to vector<16xf32>
      %swap3A_667 = vector.shape_cast %broadcast_in_dim3A_1 : vector<16xf32> to vector<1x1x16xf32>
      tpu.vector_store %arg8[%swap3A_662, %swap3A_663, %swap3A_664], %swap3A_667 {strides = array<i32>} : memref<4x80x128xf32, #tpu.memory_space<vmem>>, vector<1x1x16xf32>,
      %swap3A_668 = arith.constant 0 : i32
      %swap3A_669 = arith.index_cast %swap3A_668 : i32 to index
      %swap3A_670 = arith.index_cast %scan3A_626 : i32 to index
      %swap3A_671 = arith.constant 96 : index
      %swap3A_672 = tpu.vector_load %arg8[%swap3A_669, %swap3A_670, %swap3A_671] {strides = array<i32>} : memref<4x80x128xf32, #tpu.memory_space<vmem>>, vector<1x1x16xf32>,
      %swap3A_673 = vector.shape_cast %swap3A_672 : vector<1x1x16xf32> to vector<16xf32>
      %swap3A_674 = vector.shape_cast %broadcast_in_dim3A_1 : vector<16xf32> to vector<1x1x16xf32>
      tpu.vector_store %arg8[%swap3A_669, %swap3A_670, %swap3A_671], %swap3A_674 {strides = array<i32>} : memref<4x80x128xf32, #tpu.memory_space<vmem>>, vector<1x1x16xf32>,
      %swap3A_675 = arith.constant 0 : i32
      %swap3A_676 = arith.index_cast %swap3A_675 : i32 to index
      %swap3A_677 = arith.index_cast %scan3A_626 : i32 to index
      %swap3A_678 = arith.constant 112 : index
      %swap3A_679 = tpu.vector_load %arg8[%swap3A_676, %swap3A_677, %swap3A_678] {strides = array<i32>} : memref<4x80x128xf32, #tpu.memory_space<vmem>>, vector<1x1x16xf32>,
      %swap3A_680 = vector.shape_cast %swap3A_679 : vector<1x1x16xf32> to vector<16xf32>
      %swap3A_681 = vector.shape_cast %broadcast_in_dim3A_1 : vector<16xf32> to vector<1x1x16xf32>
      tpu.vector_store %arg8[%swap3A_676, %swap3A_677, %swap3A_678], %swap3A_681 {strides = array<i32>} : memref<4x80x128xf32, #tpu.memory_space<vmem>>, vector<1x1x16xf32>,
    }
    %scan3A_6 = arith.constant 80 : i32
    %mul3A_7 = arith.constant 640 : i32
    %mul3A_8 = arith.muli %arg1, %mul3A_7 : i32
    %add3A_9 = arith.constant 0 : i32
    %add3A_10 = arith.addi %mul3A_8, %add3A_9 : i32
    %run_scoped3A = arith.constant 0 : i32
    "tpu.region"() ({
      %run_scoped3A_626 = tpu.sem_alloc : memref<!tpu.dma_semaphore, #tpu.memory_space<semaphore_mem>>
      %dma_start3A_627 = arith.constant 0 : i32
      %dma_start3A_628 = arith.constant 0 : i32
      %dma_start3A_629 = tpu.memref_slice %arg8[%run_scoped3A, %dma_start3A_627, %dma_start3A_628] : memref<4x80x128xf32, #tpu.memory_space<vmem>> -> memref<1x80x128xf32, #tpu.memory_space<vmem>>
      %dma_start3A_630 = tpu.memref_squeeze %dma_start3A_629 : memref<1x80x128xf32, #tpu.memory_space<vmem>> -> memref<80x128xf32, #tpu.memory_space<vmem>>
      %dma_start3A_631 = arith.constant 0 : i32
      %dma_start3A_632 = tpu.memref_slice %arg9[%add3A_10, %dma_start3A_631] : memref<10240x128xf32, #tpu.memory_space<vmem_shared>> -> memref<80x128xf32, #tpu.memory_space<vmem_shared>>
      %dma_start3A_633 = arith.constant 0 : i32
      %dma_start3A_634 = tpu.memref_slice %arg9[%add3A_10, %dma_start3A_633] : memref<10240x128xf32, #tpu.memory_space<vmem_shared>> -> memref<80x128xf32, #tpu.memory_space<vmem_shared>>
      %dma_start3A_635 = arith.constant 0 : i32
      %dma_start3A_636 = arith.constant 0 : i32
      %dma_start3A_637 = tpu.memref_slice %arg8[%run_scoped3A, %dma_start3A_635, %dma_start3A_636] : memref<4x80x128xf32, #tpu.memory_space<vmem>> -> memref<1x80x128xf32, #tpu.memory_space<vmem>>
      %dma_start3A_638 = tpu.memref_squeeze %dma_start3A_637 : memref<1x80x128xf32, #tpu.memory_space<vmem>> -> memref<80x128xf32, #tpu.memory_space<vmem>>
      tpu.enqueue_dma source(%dma_start3A_638 : memref<80x128xf32, #tpu.memory_space<vmem>>) target(%dma_start3A_634 : memref<80x128xf32, #tpu.memory_space<vmem_shared>>) target_semaphore(%run_scoped3A_626 : memref<!tpu.dma_semaphore, #tpu.memory_space<semaphore_mem>>)
      %dma_wait3A_639 = arith.constant 0 : i32
      %dma_wait3A_640 = arith.constant 0 : i32
      %dma_wait3A_641 = tpu.memref_slice %arg8[%run_scoped3A, %dma_wait3A_639, %dma_wait3A_640] : memref<4x80x128xf32, #tpu.memory_space<vmem>> -> memref<1x80x128xf32, #tpu.memory_space<vmem>>
      %dma_wait3A_642 = tpu.memref_squeeze %dma_wait3A_641 : memref<1x80x128xf32, #tpu.memory_space<vmem>> -> memref<80x128xf32, #tpu.memory_space<vmem>>
      %dma_wait3A_643 = arith.constant 0 : i32
      %dma_wait3A_644 = tpu.memref_slice %arg9[%add3A_10, %dma_wait3A_643] : memref<10240x128xf32, #tpu.memory_space<vmem_shared>> -> memref<80x128xf32, #tpu.memory_space<vmem_shared>>
      %dma_wait3A_645 = arith.constant 0 : i32
      %dma_wait3A_646 = tpu.memref_slice %arg9[%add3A_10, %dma_wait3A_645] : memref<10240x128xf32, #tpu.memory_space<vmem_shared>> -> memref<80x128xf32, #tpu.memory_space<vmem_shared>>
      %dma_wait3A_647 = arith.constant 0 : i32
      %dma_wait3A_648 = arith.constant 0 : i32
      %dma_wait3A_649 = tpu.memref_slice %arg8[%run_scoped3A, %dma_wait3A_647, %dma_wait3A_648] : memref<4x80x128xf32, #tpu.memory_space<vmem>> -> memref<1x80x128xf32, #tpu.memory_space<vmem>>
      %dma_wait3A_650 = tpu.memref_squeeze %dma_wait3A_649 : memref<1x80x128xf32, #tpu.memory_space<vmem>> -> memref<80x128xf32, #tpu.memory_space<vmem>>
      tpu.wait_dma2 semaphore(%run_scoped3A_626 : memref<!tpu.dma_semaphore, #tpu.memory_space<semaphore_mem>>) src(%dma_wait3A_650 : memref<80x128xf32, #tpu.memory_space<vmem>>) dst(%dma_wait3A_646 : memref<80x128xf32, #tpu.memory_space<vmem_shared>>)
      tpu.yield
    }) : () -> ()
    %mul3A_11 = arith.constant 640 : i32
    %mul3A_12 = arith.muli %arg1, %mul3A_11 : i32
    %add3A_13 = arith.constant 80 : i32
    %add3A_14 = arith.addi %mul3A_12, %add3A_13 : i32
    %run_scoped3A_15 = arith.constant 0 : i32
    "tpu.region"() ({
      %run_scoped3A_626 = tpu.sem_alloc : memref<!tpu.dma_semaphore, #tpu.memory_space<semaphore_mem>>
      %dma_start3A_627 = arith.constant 0 : i32
      %dma_start3A_628 = arith.constant 0 : i32
      %dma_start3A_629 = tpu.memref_slice %arg8[%run_scoped3A_15, %dma_start3A_627, %dma_start3A_628] : memref<4x80x128xf32, #tpu.memory_space<vmem>> -> memref<1x80x128xf32, #tpu.memory_space<vmem>>
      %dma_start3A_630 = tpu.memref_squeeze %dma_start3A_629 : memref<1x80x128xf32, #tpu.memory_space<vmem>> -> memref<80x128xf32, #tpu.memory_space<vmem>>
      %dma_start3A_631 = arith.constant 0 : i32
      %dma_start3A_632 = tpu.memref_slice %arg9[%add3A_14, %dma_start3A_631] : memref<10240x128xf32, #tpu.memory_space<vmem_shared>> -> memref<80x128xf32, #tpu.memory_space<vmem_shared>>
      %dma_start3A_633 = arith.constant 0 : i32
      %dma_start3A_634 = tpu.memref_slice %arg9[%add3A_14, %dma_start3A_633] : memref<10240x128xf32, #tpu.memory_space<vmem_shared>> -> memref<80x128xf32, #tpu.memory_space<vmem_shared>>
      %dma_start3A_635 = arith.constant 0 : i32
      %dma_start3A_636 = arith.constant 0 : i32
      %dma_start3A_637 = tpu.memref_slice %arg8[%run_scoped3A_15, %dma_start3A_635, %dma_start3A_636] : memref<4x80x128xf32, #tpu.memory_space<vmem>> -> memref<1x80x128xf32, #tpu.memory_space<vmem>>
      %dma_start3A_638 = tpu.memref_squeeze %dma_start3A_637 : memref<1x80x128xf32, #tpu.memory_space<vmem>> -> memref<80x128xf32, #tpu.memory_space<vmem>>
      tpu.enqueue_dma source(%dma_start3A_638 : memref<80x128xf32, #tpu.memory_space<vmem>>) target(%dma_start3A_634 : memref<80x128xf32, #tpu.memory_space<vmem_shared>>) target_semaphore(%run_scoped3A_626 : memref<!tpu.dma_semaphore, #tpu.memory_space<semaphore_mem>>)
      %dma_wait3A_639 = arith.constant 0 : i32
      %dma_wait3A_640 = arith.constant 0 : i32
      %dma_wait3A_641 = tpu.memref_slice %arg8[%run_scoped3A_15, %dma_wait3A_639, %dma_wait3A_640] : memref<4x80x128xf32, #tpu.memory_space<vmem>> -> memref<1x80x128xf32, #tpu.memory_space<vmem>>
      %dma_wait3A_642 = tpu.memref_squeeze %dma_wait3A_641 : memref<1x80x128xf32, #tpu.memory_space<vmem>> -> memref<80x128xf32, #tpu.memory_space<vmem>>
      %dma_wait3A_643 = arith.constant 0 : i32
      %dma_wait3A_644 = tpu.memref_slice %arg9[%add3A_14, %dma_wait3A_643] : memref<10240x128xf32, #tpu.memory_space<vmem_shared>> -> memref<80x128xf32, #tpu.memory_space<vmem_shared>>
      %dma_wait3A_645 = arith.constant 0 : i32
      %dma_wait3A_646 = tpu.memref_slice %arg9[%add3A_14, %dma_wait3A_645] : memref<10240x128xf32, #tpu.memory_space<vmem_shared>> -> memref<80x128xf32, #tpu.memory_space<vmem_shared>>
      %dma_wait3A_647 = arith.constant 0 : i32
      %dma_wait3A_648 = arith.constant 0 : i32
      %dma_wait3A_649 = tpu.memref_slice %arg8[%run_scoped3A_15, %dma_wait3A_647, %dma_wait3A_648] : memref<4x80x128xf32, #tpu.memory_space<vmem>> -> memref<1x80x128xf32, #tpu.memory_space<vmem>>
      %dma_wait3A_650 = tpu.memref_squeeze %dma_wait3A_649 : memref<1x80x128xf32, #tpu.memory_space<vmem>> -> memref<80x128xf32, #tpu.memory_space<vmem>>
      tpu.wait_dma2 semaphore(%run_scoped3A_626 : memref<!tpu.dma_semaphore, #tpu.memory_space<semaphore_mem>>) src(%dma_wait3A_650 : memref<80x128xf32, #tpu.memory_space<vmem>>) dst(%dma_wait3A_646 : memref<80x128xf32, #tpu.memory_space<vmem_shared>>)
      tpu.yield
    }) : () -> ()
    %mul3A_16 = arith.constant 640 : i32
    %mul3A_17 = arith.muli %arg1, %mul3A_16 : i32
    %add3A_18 = arith.constant 160 : i32
    %add3A_19 = arith.addi %mul3A_17, %add3A_18 : i32
    %run_scoped3A_20 = arith.constant 0 : i32
    "tpu.region"() ({
      %run_scoped3A_626 = tpu.sem_alloc : memref<!tpu.dma_semaphore, #tpu.memory_space<semaphore_mem>>
      %dma_start3A_627 = arith.constant 0 : i32
      %dma_start3A_628 = arith.constant 0 : i32
      %dma_start3A_629 = tpu.memref_slice %arg8[%run_scoped3A_20, %dma_start3A_627, %dma_start3A_628] : memref<4x80x128xf32, #tpu.memory_space<vmem>> -> memref<1x80x128xf32, #tpu.memory_space<vmem>>
      %dma_start3A_630 = tpu.memref_squeeze %dma_start3A_629 : memref<1x80x128xf32, #tpu.memory_space<vmem>> -> memref<80x128xf32, #tpu.memory_space<vmem>>
      %dma_start3A_631 = arith.constant 0 : i32
      %dma_start3A_632 = tpu.memref_slice %arg9[%add3A_19, %dma_start3A_631] : memref<10240x128xf32, #tpu.memory_space<vmem_shared>> -> memref<80x128xf32, #tpu.memory_space<vmem_shared>>
      %dma_start3A_633 = arith.constant 0 : i32
      %dma_start3A_634 = tpu.memref_slice %arg9[%add3A_19, %dma_start3A_633] : memref<10240x128xf32, #tpu.memory_space<vmem_shared>> -> memref<80x128xf32, #tpu.memory_space<vmem_shared>>
      %dma_start3A_635 = arith.constant 0 : i32
      %dma_start3A_636 = arith.constant 0 : i32
      %dma_start3A_637 = tpu.memref_slice %arg8[%run_scoped3A_20, %dma_start3A_635, %dma_start3A_636] : memref<4x80x128xf32, #tpu.memory_space<vmem>> -> memref<1x80x128xf32, #tpu.memory_space<vmem>>
      %dma_start3A_638 = tpu.memref_squeeze %dma_start3A_637 : memref<1x80x128xf32, #tpu.memory_space<vmem>> -> memref<80x128xf32, #tpu.memory_space<vmem>>
      tpu.enqueue_dma source(%dma_start3A_638 : memref<80x128xf32, #tpu.memory_space<vmem>>) target(%dma_start3A_634 : memref<80x128xf32, #tpu.memory_space<vmem_shared>>) target_semaphore(%run_scoped3A_626 : memref<!tpu.dma_semaphore, #tpu.memory_space<semaphore_mem>>)
      %dma_wait3A_639 = arith.constant 0 : i32
      %dma_wait3A_640 = arith.constant 0 : i32
      %dma_wait3A_641 = tpu.memref_slice %arg8[%run_scoped3A_20, %dma_wait3A_639, %dma_wait3A_640] : memref<4x80x128xf32, #tpu.memory_space<vmem>> -> memref<1x80x128xf32, #tpu.memory_space<vmem>>
      %dma_wait3A_642 = tpu.memref_squeeze %dma_wait3A_641 : memref<1x80x128xf32, #tpu.memory_space<vmem>> -> memref<80x128xf32, #tpu.memory_space<vmem>>
      %dma_wait3A_643 = arith.constant 0 : i32
      %dma_wait3A_644 = tpu.memref_slice %arg9[%add3A_19, %dma_wait3A_643] : memref<10240x128xf32, #tpu.memory_space<vmem_shared>> -> memref<80x128xf32, #tpu.memory_space<vmem_shared>>
      %dma_wait3A_645 = arith.constant 0 : i32
      %dma_wait3A_646 = tpu.memref_slice %arg9[%add3A_19, %dma_wait3A_645] : memref<10240x128xf32, #tpu.memory_space<vmem_shared>> -> memref<80x128xf32, #tpu.memory_space<vmem_shared>>
      %dma_wait3A_647 = arith.constant 0 : i32
      %dma_wait3A_648 = arith.constant 0 : i32
      %dma_wait3A_649 = tpu.memref_slice %arg8[%run_scoped3A_20, %dma_wait3A_647, %dma_wait3A_648] : memref<4x80x128xf32, #tpu.memory_space<vmem>> -> memref<1x80x128xf32, #tpu.memory_space<vmem>>
      %dma_wait3A_650 = tpu.memref_squeeze %dma_wait3A_649 : memref<1x80x128xf32, #tpu.memory_space<vmem>> -> memref<80x128xf32, #tpu.memory_space<vmem>>
      tpu.wait_dma2 semaphore(%run_scoped3A_626 : memref<!tpu.dma_semaphore, #tpu.memory_space<semaphore_mem>>) src(%dma_wait3A_650 : memref<80x128xf32, #tpu.memory_space<vmem>>) dst(%dma_wait3A_646 : memref<80x128xf32, #tpu.memory_space<vmem_shared>>)
      tpu.yield
    }) : () -> ()
    %mul3A_21 = arith.constant 640 : i32
    %mul3A_22 = arith.muli %arg1, %mul3A_21 : i32
    %add3A_23 = arith.constant 240 : i32
    %add3A_24 = arith.addi %mul3A_22, %add3A_23 : i32
    %run_scoped3A_25 = arith.constant 0 : i32
    "tpu.region"() ({
      %run_scoped3A_626 = tpu.sem_alloc : memref<!tpu.dma_semaphore, #tpu.memory_space<semaphore_mem>>
      %dma_start3A_627 = arith.constant 0 : i32
      %dma_start3A_628 = arith.constant 0 : i32
      %dma_start3A_629 = tpu.memref_slice %arg8[%run_scoped3A_25, %dma_start3A_627, %dma_start3A_628] : memref<4x80x128xf32, #tpu.memory_space<vmem>> -> memref<1x80x128xf32, #tpu.memory_space<vmem>>
      %dma_start3A_630 = tpu.memref_squeeze %dma_start3A_629 : memref<1x80x128xf32, #tpu.memory_space<vmem>> -> memref<80x128xf32, #tpu.memory_space<vmem>>
      %dma_start3A_631 = arith.constant 0 : i32
      %dma_start3A_632 = tpu.memref_slice %arg9[%add3A_24, %dma_start3A_631] : memref<10240x128xf32, #tpu.memory_space<vmem_shared>> -> memref<80x128xf32, #tpu.memory_space<vmem_shared>>
      %dma_start3A_633 = arith.constant 0 : i32
      %dma_start3A_634 = tpu.memref_slice %arg9[%add3A_24, %dma_start3A_633] : memref<10240x128xf32, #tpu.memory_space<vmem_shared>> -> memref<80x128xf32, #tpu.memory_space<vmem_shared>>
      %dma_start3A_635 = arith.constant 0 : i32
      %dma_start3A_636 = arith.constant 0 : i32
      %dma_start3A_637 = tpu.memref_slice %arg8[%run_scoped3A_25, %dma_start3A_635, %dma_start3A_636] : memref<4x80x128xf32, #tpu.memory_space<vmem>> -> memref<1x80x128xf32, #tpu.memory_space<vmem>>
      %dma_start3A_638 = tpu.memref_squeeze %dma_start3A_637 : memref<1x80x128xf32, #tpu.memory_space<vmem>> -> memref<80x128xf32, #tpu.memory_space<vmem>>
      tpu.enqueue_dma source(%dma_start3A_638 : memref<80x128xf32, #tpu.memory_space<vmem>>) target(%dma_start3A_634 : memref<80x128xf32, #tpu.memory_space<vmem_shared>>) target_semaphore(%run_scoped3A_626 : memref<!tpu.dma_semaphore, #tpu.memory_space<semaphore_mem>>)
      %dma_wait3A_639 = arith.constant 0 : i32
      %dma_wait3A_640 = arith.constant 0 : i32
      %dma_wait3A_641 = tpu.memref_slice %arg8[%run_scoped3A_25, %dma_wait3A_639, %dma_wait3A_640] : memref<4x80x128xf32, #tpu.memory_space<vmem>> -> memref<1x80x128xf32, #tpu.memory_space<vmem>>
      %dma_wait3A_642 = tpu.memref_squeeze %dma_wait3A_641 : memref<1x80x128xf32, #tpu.memory_space<vmem>> -> memref<80x128xf32, #tpu.memory_space<vmem>>
      %dma_wait3A_643 = arith.constant 0 : i32
      %dma_wait3A_644 = tpu.memref_slice %arg9[%add3A_24, %dma_wait3A_643] : memref<10240x128xf32, #tpu.memory_space<vmem_shared>> -> memref<80x128xf32, #tpu.memory_space<vmem_shared>>
      %dma_wait3A_645 = arith.constant 0 : i32
      %dma_wait3A_646 = tpu.memref_slice %arg9[%add3A_24, %dma_wait3A_645] : memref<10240x128xf32, #tpu.memory_space<vmem_shared>> -> memref<80x128xf32, #tpu.memory_space<vmem_shared>>
      %dma_wait3A_647 = arith.constant 0 : i32
      %dma_wait3A_648 = arith.constant 0 : i32
      %dma_wait3A_649 = tpu.memref_slice %arg8[%run_scoped3A_25, %dma_wait3A_647, %dma_wait3A_648] : memref<4x80x128xf32, #tpu.memory_space<vmem>> -> memref<1x80x128xf32, #tpu.memory_space<vmem>>
      %dma_wait3A_650 = tpu.memref_squeeze %dma_wait3A_649 : memref<1x80x128xf32, #tpu.memory_space<vmem>> -> memref<80x128xf32, #tpu.memory_space<vmem>>
      tpu.wait_dma2 semaphore(%run_scoped3A_626 : memref<!tpu.dma_semaphore, #tpu.memory_space<semaphore_mem>>) src(%dma_wait3A_650 : memref<80x128xf32, #tpu.memory_space<vmem>>) dst(%dma_wait3A_646 : memref<80x128xf32, #tpu.memory_space<vmem_shared>>)
      tpu.yield
    }) : () -> ()
    %mul3A_26 = arith.constant 640 : i32
    %mul3A_27 = arith.muli %arg1, %mul3A_26 : i32
    %add3A_28 = arith.constant 320 : i32
    %add3A_29 = arith.addi %mul3A_27, %add3A_28 : i32
    %run_scoped3A_30 = arith.constant 0 : i32
    "tpu.region"() ({
      %run_scoped3A_626 = tpu.sem_alloc : memref<!tpu.dma_semaphore, #tpu.memory_space<semaphore_mem>>
      %dma_start3A_627 = arith.constant 0 : i32
      %dma_start3A_628 = arith.constant 0 : i32
      %dma_start3A_629 = tpu.memref_slice %arg8[%run_scoped3A_30, %dma_start3A_627, %dma_start3A_628] : memref<4x80x128xf32, #tpu.memory_space<vmem>> -> memref<1x80x128xf32, #tpu.memory_space<vmem>>
      %dma_start3A_630 = tpu.memref_squeeze %dma_start3A_629 : memref<1x80x128xf32, #tpu.memory_space<vmem>> -> memref<80x128xf32, #tpu.memory_space<vmem>>
      %dma_start3A_631 = arith.constant 0 : i32
      %dma_start3A_632 = tpu.memref_slice %arg9[%add3A_29, %dma_start3A_631] : memref<10240x128xf32, #tpu.memory_space<vmem_shared>> -> memref<80x128xf32, #tpu.memory_space<vmem_shared>>
      %dma_start3A_633 = arith.constant 0 : i32
      %dma_start3A_634 = tpu.memref_slice %arg9[%add3A_29, %dma_start3A_633] : memref<10240x128xf32, #tpu.memory_space<vmem_shared>> -> memref<80x128xf32, #tpu.memory_space<vmem_shared>>
      %dma_start3A_635 = arith.constant 0 : i32
      %dma_start3A_636 = arith.constant 0 : i32
      %dma_start3A_637 = tpu.memref_slice %arg8[%run_scoped3A_30, %dma_start3A_635, %dma_start3A_636] : memref<4x80x128xf32, #tpu.memory_space<vmem>> -> memref<1x80x128xf32, #tpu.memory_space<vmem>>
      %dma_start3A_638 = tpu.memref_squeeze %dma_start3A_637 : memref<1x80x128xf32, #tpu.memory_space<vmem>> -> memref<80x128xf32, #tpu.memory_space<vmem>>
      tpu.enqueue_dma source(%dma_start3A_638 : memref<80x128xf32, #tpu.memory_space<vmem>>) target(%dma_start3A_634 : memref<80x128xf32, #tpu.memory_space<vmem_shared>>) target_semaphore(%run_scoped3A_626 : memref<!tpu.dma_semaphore, #tpu.memory_space<semaphore_mem>>)
      %dma_wait3A_639 = arith.constant 0 : i32
      %dma_wait3A_640 = arith.constant 0 : i32
      %dma_wait3A_641 = tpu.memref_slice %arg8[%run_scoped3A_30, %dma_wait3A_639, %dma_wait3A_640] : memref<4x80x128xf32, #tpu.memory_space<vmem>> -> memref<1x80x128xf32, #tpu.memory_space<vmem>>
      %dma_wait3A_642 = tpu.memref_squeeze %dma_wait3A_641 : memref<1x80x128xf32, #tpu.memory_space<vmem>> -> memref<80x128xf32, #tpu.memory_space<vmem>>
      %dma_wait3A_643 = arith.constant 0 : i32
      %dma_wait3A_644 = tpu.memref_slice %arg9[%add3A_29, %dma_wait3A_643] : memref<10240x128xf32, #tpu.memory_space<vmem_shared>> -> memref<80x128xf32, #tpu.memory_space<vmem_shared>>
      %dma_wait3A_645 = arith.constant 0 : i32
      %dma_wait3A_646 = tpu.memref_slice %arg9[%add3A_29, %dma_wait3A_645] : memref<10240x128xf32, #tpu.memory_space<vmem_shared>> -> memref<80x128xf32, #tpu.memory_space<vmem_shared>>
      %dma_wait3A_647 = arith.constant 0 : i32
      %dma_wait3A_648 = arith.constant 0 : i32
      %dma_wait3A_649 = tpu.memref_slice %arg8[%run_scoped3A_30, %dma_wait3A_647, %dma_wait3A_648] : memref<4x80x128xf32, #tpu.memory_space<vmem>> -> memref<1x80x128xf32, #tpu.memory_space<vmem>>
      %dma_wait3A_650 = tpu.memref_squeeze %dma_wait3A_649 : memref<1x80x128xf32, #tpu.memory_space<vmem>> -> memref<80x128xf32, #tpu.memory_space<vmem>>
      tpu.wait_dma2 semaphore(%run_scoped3A_626 : memref<!tpu.dma_semaphore, #tpu.memory_space<semaphore_mem>>) src(%dma_wait3A_650 : memref<80x128xf32, #tpu.memory_space<vmem>>) dst(%dma_wait3A_646 : memref<80x128xf32, #tpu.memory_space<vmem_shared>>)
      tpu.yield
    }) : () -> ()
    %mul3A_31 = arith.constant 640 : i32
    %mul3A_32 = arith.muli %arg1, %mul3A_31 : i32
    %add3A_33 = arith.constant 400 : i32
    %add3A_34 = arith.addi %mul3A_32, %add3A_33 : i32
    %run_scoped3A_35 = arith.constant 0 : i32
    "tpu.region"() ({
      %run_scoped3A_626 = tpu.sem_alloc : memref<!tpu.dma_semaphore, #tpu.memory_space<semaphore_mem>>
      %dma_start3A_627 = arith.constant 0 : i32
      %dma_start3A_628 = arith.constant 0 : i32
      %dma_start3A_629 = tpu.memref_slice %arg8[%run_scoped3A_35, %dma_start3A_627, %dma_start3A_628] : memref<4x80x128xf32, #tpu.memory_space<vmem>> -> memref<1x80x128xf32, #tpu.memory_space<vmem>>
      %dma_start3A_630 = tpu.memref_squeeze %dma_start3A_629 : memref<1x80x128xf32, #tpu.memory_space<vmem>> -> memref<80x128xf32, #tpu.memory_space<vmem>>
      %dma_start3A_631 = arith.constant 0 : i32
      %dma_start3A_632 = tpu.memref_slice %arg9[%add3A_34, %dma_start3A_631] : memref<10240x128xf32, #tpu.memory_space<vmem_shared>> -> memref<80x128xf32, #tpu.memory_space<vmem_shared>>
      %dma_start3A_633 = arith.constant 0 : i32
      %dma_start3A_634 = tpu.memref_slice %arg9[%add3A_34, %dma_start3A_633] : memref<10240x128xf32, #tpu.memory_space<vmem_shared>> -> memref<80x128xf32, #tpu.memory_space<vmem_shared>>
      %dma_start3A_635 = arith.constant 0 : i32
      %dma_start3A_636 = arith.constant 0 : i32
      %dma_start3A_637 = tpu.memref_slice %arg8[%run_scoped3A_35, %dma_start3A_635, %dma_start3A_636] : memref<4x80x128xf32, #tpu.memory_space<vmem>> -> memref<1x80x128xf32, #tpu.memory_space<vmem>>
      %dma_start3A_638 = tpu.memref_squeeze %dma_start3A_637 : memref<1x80x128xf32, #tpu.memory_space<vmem>> -> memref<80x128xf32, #tpu.memory_space<vmem>>
      tpu.enqueue_dma source(%dma_start3A_638 : memref<80x128xf32, #tpu.memory_space<vmem>>) target(%dma_start3A_634 : memref<80x128xf32, #tpu.memory_space<vmem_shared>>) target_semaphore(%run_scoped3A_626 : memref<!tpu.dma_semaphore, #tpu.memory_space<semaphore_mem>>)
      %dma_wait3A_639 = arith.constant 0 : i32
      %dma_wait3A_640 = arith.constant 0 : i32
      %dma_wait3A_641 = tpu.memref_slice %arg8[%run_scoped3A_35, %dma_wait3A_639, %dma_wait3A_640] : memref<4x80x128xf32, #tpu.memory_space<vmem>> -> memref<1x80x128xf32, #tpu.memory_space<vmem>>
      %dma_wait3A_642 = tpu.memref_squeeze %dma_wait3A_641 : memref<1x80x128xf32, #tpu.memory_space<vmem>> -> memref<80x128xf32, #tpu.memory_space<vmem>>
      %dma_wait3A_643 = arith.constant 0 : i32
      %dma_wait3A_644 = tpu.memref_slice %arg9[%add3A_34, %dma_wait3A_643] : memref<10240x128xf32, #tpu.memory_space<vmem_shared>> -> memref<80x128xf32, #tpu.memory_space<vmem_shared>>
      %dma_wait3A_645 = arith.constant 0 : i32
      %dma_wait3A_646 = tpu.memref_slice %arg9[%add3A_34, %dma_wait3A_645] : memref<10240x128xf32, #tpu.memory_space<vmem_shared>> -> memref<80x128xf32, #tpu.memory_space<vmem_shared>>
      %dma_wait3A_647 = arith.constant 0 : i32
      %dma_wait3A_648 = arith.constant 0 : i32
      %dma_wait3A_649 = tpu.memref_slice %arg8[%run_scoped3A_35, %dma_wait3A_647, %dma_wait3A_648] : memref<4x80x128xf32, #tpu.memory_space<vmem>> -> memref<1x80x128xf32, #tpu.memory_space<vmem>>
      %dma_wait3A_650 = tpu.memref_squeeze %dma_wait3A_649 : memref<1x80x128xf32, #tpu.memory_space<vmem>> -> memref<80x128xf32, #tpu.memory_space<vmem>>
      tpu.wait_dma2 semaphore(%run_scoped3A_626 : memref<!tpu.dma_semaphore, #tpu.memory_space<semaphore_mem>>) src(%dma_wait3A_650 : memref<80x128xf32, #tpu.memory_space<vmem>>) dst(%dma_wait3A_646 : memref<80x128xf32, #tpu.memory_space<vmem_shared>>)
      tpu.yield
    }) : () -> ()
    %mul3A_36 = arith.constant 640 : i32
    %mul3A_37 = arith.muli %arg1, %mul3A_36 : i32
    %add3A_38 = arith.constant 480 : i32
    %add3A_39 = arith.addi %mul3A_37, %add3A_38 : i32
    %run_scoped3A_40 = arith.constant 0 : i32
    "tpu.region"() ({
      %run_scoped3A_626 = tpu.sem_alloc : memref<!tpu.dma_semaphore, #tpu.memory_space<semaphore_mem>>
      %dma_start3A_627 = arith.constant 0 : i32
      %dma_start3A_628 = arith.constant 0 : i32
      %dma_start3A_629 = tpu.memref_slice %arg8[%run_scoped3A_40, %dma_start3A_627, %dma_start3A_628] : memref<4x80x128xf32, #tpu.memory_space<vmem>> -> memref<1x80x128xf32, #tpu.memory_space<vmem>>
      %dma_start3A_630 = tpu.memref_squeeze %dma_start3A_629 : memref<1x80x128xf32, #tpu.memory_space<vmem>> -> memref<80x128xf32, #tpu.memory_space<vmem>>
      %dma_start3A_631 = arith.constant 0 : i32
      %dma_start3A_632 = tpu.memref_slice %arg9[%add3A_39, %dma_start3A_631] : memref<10240x128xf32, #tpu.memory_space<vmem_shared>> -> memref<80x128xf32, #tpu.memory_space<vmem_shared>>
      %dma_start3A_633 = arith.constant 0 : i32
      %dma_start3A_634 = tpu.memref_slice %arg9[%add3A_39, %dma_start3A_633] : memref<10240x128xf32, #tpu.memory_space<vmem_shared>> -> memref<80x128xf32, #tpu.memory_space<vmem_shared>>
      %dma_start3A_635 = arith.constant 0 : i32
      %dma_start3A_636 = arith.constant 0 : i32
      %dma_start3A_637 = tpu.memref_slice %arg8[%run_scoped3A_40, %dma_start3A_635, %dma_start3A_636] : memref<4x80x128xf32, #tpu.memory_space<vmem>> -> memref<1x80x128xf32, #tpu.memory_space<vmem>>
      %dma_start3A_638 = tpu.memref_squeeze %dma_start3A_637 : memref<1x80x128xf32, #tpu.memory_space<vmem>> -> memref<80x128xf32, #tpu.memory_space<vmem>>
      tpu.enqueue_dma source(%dma_start3A_638 : memref<80x128xf32, #tpu.memory_space<vmem>>) target(%dma_start3A_634 : memref<80x128xf32, #tpu.memory_space<vmem_shared>>) target_semaphore(%run_scoped3A_626 : memref<!tpu.dma_semaphore, #tpu.memory_space<semaphore_mem>>)
      %dma_wait3A_639 = arith.constant 0 : i32
      %dma_wait3A_640 = arith.constant 0 : i32
      %dma_wait3A_641 = tpu.memref_slice %arg8[%run_scoped3A_40, %dma_wait3A_639, %dma_wait3A_640] : memref<4x80x128xf32, #tpu.memory_space<vmem>> -> memref<1x80x128xf32, #tpu.memory_space<vmem>>
      %dma_wait3A_642 = tpu.memref_squeeze %dma_wait3A_641 : memref<1x80x128xf32, #tpu.memory_space<vmem>> -> memref<80x128xf32, #tpu.memory_space<vmem>>
      %dma_wait3A_643 = arith.constant 0 : i32
      %dma_wait3A_644 = tpu.memref_slice %arg9[%add3A_39, %dma_wait3A_643] : memref<10240x128xf32, #tpu.memory_space<vmem_shared>> -> memref<80x128xf32, #tpu.memory_space<vmem_shared>>
      %dma_wait3A_645 = arith.constant 0 : i32
      %dma_wait3A_646 = tpu.memref_slice %arg9[%add3A_39, %dma_wait3A_645] : memref<10240x128xf32, #tpu.memory_space<vmem_shared>> -> memref<80x128xf32, #tpu.memory_space<vmem_shared>>
      %dma_wait3A_647 = arith.constant 0 : i32
      %dma_wait3A_648 = arith.constant 0 : i32
      %dma_wait3A_649 = tpu.memref_slice %arg8[%run_scoped3A_40, %dma_wait3A_647, %dma_wait3A_648] : memref<4x80x128xf32, #tpu.memory_space<vmem>> -> memref<1x80x128xf32, #tpu.memory_space<vmem>>
      %dma_wait3A_650 = tpu.memref_squeeze %dma_wait3A_649 : memref<1x80x128xf32, #tpu.memory_space<vmem>> -> memref<80x128xf32, #tpu.memory_space<vmem>>
      tpu.wait_dma2 semaphore(%run_scoped3A_626 : memref<!tpu.dma_semaphore, #tpu.memory_space<semaphore_mem>>) src(%dma_wait3A_650 : memref<80x128xf32, #tpu.memory_space<vmem>>) dst(%dma_wait3A_646 : memref<80x128xf32, #tpu.memory_space<vmem_shared>>)
      tpu.yield
    }) : () -> ()
    %mul3A_41 = arith.constant 640 : i32
    %mul3A_42 = arith.muli %arg1, %mul3A_41 : i32
    %add3A_43 = arith.constant 560 : i32
    %add3A_44 = arith.addi %mul3A_42, %add3A_43 : i32
    %run_scoped3A_45 = arith.constant 0 : i32
    "tpu.region"() ({
      %run_scoped3A_626 = tpu.sem_alloc : memref<!tpu.dma_semaphore, #tpu.memory_space<semaphore_mem>>
      %dma_start3A_627 = arith.constant 0 : i32
      %dma_start3A_628 = arith.constant 0 : i32
      %dma_start3A_629 = tpu.memref_slice %arg8[%run_scoped3A_45, %dma_start3A_627, %dma_start3A_628] : memref<4x80x128xf32, #tpu.memory_space<vmem>> -> memref<1x80x128xf32, #tpu.memory_space<vmem>>
      %dma_start3A_630 = tpu.memref_squeeze %dma_start3A_629 : memref<1x80x128xf32, #tpu.memory_space<vmem>> -> memref<80x128xf32, #tpu.memory_space<vmem>>
      %dma_start3A_631 = arith.constant 0 : i32
      %dma_start3A_632 = tpu.memref_slice %arg9[%add3A_44, %dma_start3A_631] : memref<10240x128xf32, #tpu.memory_space<vmem_shared>> -> memref<80x128xf32, #tpu.memory_space<vmem_shared>>
      %dma_start3A_633 = arith.constant 0 : i32
      %dma_start3A_634 = tpu.memref_slice %arg9[%add3A_44, %dma_start3A_633] : memref<10240x128xf32, #tpu.memory_space<vmem_shared>> -> memref<80x128xf32, #tpu.memory_space<vmem_shared>>
      %dma_start3A_635 = arith.constant 0 : i32
      %dma_start3A_636 = arith.constant 0 : i32
      %dma_start3A_637 = tpu.memref_slice %arg8[%run_scoped3A_45, %dma_start3A_635, %dma_start3A_636] : memref<4x80x128xf32, #tpu.memory_space<vmem>> -> memref<1x80x128xf32, #tpu.memory_space<vmem>>
      %dma_start3A_638 = tpu.memref_squeeze %dma_start3A_637 : memref<1x80x128xf32, #tpu.memory_space<vmem>> -> memref<80x128xf32, #tpu.memory_space<vmem>>
      tpu.enqueue_dma source(%dma_start3A_638 : memref<80x128xf32, #tpu.memory_space<vmem>>) target(%dma_start3A_634 : memref<80x128xf32, #tpu.memory_space<vmem_shared>>) target_semaphore(%run_scoped3A_626 : memref<!tpu.dma_semaphore, #tpu.memory_space<semaphore_mem>>)
      %dma_wait3A_639 = arith.constant 0 : i32
      %dma_wait3A_640 = arith.constant 0 : i32
      %dma_wait3A_641 = tpu.memref_slice %arg8[%run_scoped3A_45, %dma_wait3A_639, %dma_wait3A_640] : memref<4x80x128xf32, #tpu.memory_space<vmem>> -> memref<1x80x128xf32, #tpu.memory_space<vmem>>
      %dma_wait3A_642 = tpu.memref_squeeze %dma_wait3A_641 : memref<1x80x128xf32, #tpu.memory_space<vmem>> -> memref<80x128xf32, #tpu.memory_space<vmem>>
      %dma_wait3A_643 = arith.constant 0 : i32
      %dma_wait3A_644 = tpu.memref_slice %arg9[%add3A_44, %dma_wait3A_643] : memref<10240x128xf32, #tpu.memory_space<vmem_shared>> -> memref<80x128xf32, #tpu.memory_space<vmem_shared>>
      %dma_wait3A_645 = arith.constant 0 : i32
      %dma_wait3A_646 = tpu.memref_slice %arg9[%add3A_44, %dma_wait3A_645] : memref<10240x128xf32, #tpu.memory_space<vmem_shared>> -> memref<80x128xf32, #tpu.memory_space<vmem_shared>>
      %dma_wait3A_647 = arith.constant 0 : i32
      %dma_wait3A_648 = arith.constant 0 : i32
      %dma_wait3A_649 = tpu.memref_slice %arg8[%run_scoped3A_45, %dma_wait3A_647, %dma_wait3A_648] : memref<4x80x128xf32, #tpu.memory_space<vmem>> -> memref<1x80x128xf32, #tpu.memory_space<vmem>>
      %dma_wait3A_650 = tpu.memref_squeeze %dma_wait3A_649 : memref<1x80x128xf32, #tpu.memory_space<vmem>> -> memref<80x128xf32, #tpu.memory_space<vmem>>
      tpu.wait_dma2 semaphore(%run_scoped3A_626 : memref<!tpu.dma_semaphore, #tpu.memory_space<semaphore_mem>>) src(%dma_wait3A_650 : memref<80x128xf32, #tpu.memory_space<vmem>>) dst(%dma_wait3A_646 : memref<80x128xf32, #tpu.memory_space<vmem_shared>>)
      tpu.yield
    }) : () -> ()
    %barrier3A = arith.constant 0 : index
    tpu.barrier barrier_id(%barrier3A)
    %mul3A_46 = arith.constant 10000 : i32
    %mul3A_47 = arith.muli %add3A, %mul3A_46 : i32
    %add3A_48 = arith.constant 0 : i32
    %add3A_49 = arith.addi %mul3A_47, %add3A_48 : i32
    %dma_start3A = arith.constant 0 : i32
    %dma_start3A_50 = arith.constant 0 : i32
    %dma_start3A_51 = arith.constant 0 : i32
    %dma_start3A_52 = tpu.memref_slice %arg6[%dma_start3A, %dma_start3A_51] : memref<8x80xi32, #tpu.memory_space<vmem>> -> memref<1x80xi32, #tpu.memory_space<vmem>>
    %dma_start3A_53 = tpu.memref_squeeze %dma_start3A_52 : memref<1x80xi32, #tpu.memory_space<vmem>> -> memref<80xi32, #tpu.memory_space<vmem>>
    %dma_start3A_54 = tpu.memref_slice %arg3[%add3A_49] : memref<320000xi32, #tpu.memory_space<hbm>> -> memref<80xi32, #tpu.memory_space<hbm>>
    %dma_start3A_55 = tpu.memref_slice %arg10[%dma_start3A_50] : memref<8x!tpu.dma_semaphore, #tpu.memory_space<semaphore_mem>> -> memref<1x!tpu.dma_semaphore, #tpu.memory_space<semaphore_mem>>
    %dma_start3A_56 = tpu.memref_squeeze %dma_start3A_55 : memref<1x!tpu.dma_semaphore, #tpu.memory_space<semaphore_mem>> -> memref<!tpu.dma_semaphore, #tpu.memory_space<semaphore_mem>>
    %dma_start3A_57 = arith.constant 0 : i32
    %dma_start3A_58 = tpu.memref_slice %arg6[%dma_start3A, %dma_start3A_57] : memref<8x80xi32, #tpu.memory_space<vmem>> -> memref<1x80xi32, #tpu.memory_space<vmem>>
    %dma_start3A_59 = tpu.memref_squeeze %dma_start3A_58 : memref<1x80xi32, #tpu.memory_space<vmem>> -> memref<80xi32, #tpu.memory_space<vmem>>
    %dma_start3A_60 = tpu.memref_slice %arg3[%add3A_49] : memref<320000xi32, #tpu.memory_space<hbm>> -> memref<80xi32, #tpu.memory_space<hbm>>
    tpu.enqueue_dma source(%dma_start3A_60 : memref<80xi32, #tpu.memory_space<hbm>>) target(%dma_start3A_59 : memref<80xi32, #tpu.memory_space<vmem>>) target_semaphore(%dma_start3A_56 : memref<!tpu.dma_semaphore, #tpu.memory_space<semaphore_mem>>)
    %mul3A_61 = arith.constant 10000 : i32
    %mul3A_62 = arith.muli %add3A, %mul3A_61 : i32
    %add3A_63 = arith.constant 0 : i32
    %add3A_64 = arith.addi %mul3A_62, %add3A_63 : i32
    %dma_start3A_65 = arith.constant 0 : i32
    %dma_start3A_66 = arith.constant 0 : i32
    %dma_start3A_67 = arith.constant 0 : i32
    %dma_start3A_68 = tpu.memref_slice %arg7[%dma_start3A_65, %dma_start3A_67] : memref<8x80xi32, #tpu.memory_space<vmem>> -> memref<1x80xi32, #tpu.memory_space<vmem>>
    %dma_start3A_69 = tpu.memref_squeeze %dma_start3A_68 : memref<1x80xi32, #tpu.memory_space<vmem>> -> memref<80xi32, #tpu.memory_space<vmem>>
    %dma_start3A_70 = tpu.memref_slice %arg4[%add3A_64] : memref<320000xi32, #tpu.memory_space<hbm>> -> memref<80xi32, #tpu.memory_space<hbm>>
    %dma_start3A_71 = tpu.memref_slice %arg10[%dma_start3A_66] : memref<8x!tpu.dma_semaphore, #tpu.memory_space<semaphore_mem>> -> memref<1x!tpu.dma_semaphore, #tpu.memory_space<semaphore_mem>>
    %dma_start3A_72 = tpu.memref_squeeze %dma_start3A_71 : memref<1x!tpu.dma_semaphore, #tpu.memory_space<semaphore_mem>> -> memref<!tpu.dma_semaphore, #tpu.memory_space<semaphore_mem>>
    %dma_start3A_73 = arith.constant 0 : i32
    %dma_start3A_74 = tpu.memref_slice %arg7[%dma_start3A_65, %dma_start3A_73] : memref<8x80xi32, #tpu.memory_space<vmem>> -> memref<1x80xi32, #tpu.memory_space<vmem>>
    %dma_start3A_75 = tpu.memref_squeeze %dma_start3A_74 : memref<1x80xi32, #tpu.memory_space<vmem>> -> memref<80xi32, #tpu.memory_space<vmem>>
    %dma_start3A_76 = tpu.memref_slice %arg4[%add3A_64] : memref<320000xi32, #tpu.memory_space<hbm>> -> memref<80xi32, #tpu.memory_space<hbm>>
    tpu.enqueue_dma source(%dma_start3A_76 : memref<80xi32, #tpu.memory_space<hbm>>) target(%dma_start3A_75 : memref<80xi32, #tpu.memory_space<vmem>>) target_semaphore(%dma_start3A_72 : memref<!tpu.dma_semaphore, #tpu.memory_space<semaphore_mem>>)
    %mul3A_77 = arith.constant 10000 : i32
    %mul3A_78 = arith.muli %add3A, %mul3A_77 : i32
    %add3A_79 = arith.constant 80 : i32
    %add3A_80 = arith.addi %mul3A_78, %add3A_79 : i32
    %dma_start3A_81 = arith.constant 1 : i32
    %dma_start3A_82 = arith.constant 1 : i32
    %dma_start3A_83 = arith.constant 0 : i32
    %dma_start3A_84 = tpu.memref_slice %arg6[%dma_start3A_81, %dma_start3A_83] : memref<8x80xi32, #tpu.memory_space<vmem>> -> memref<1x80xi32, #tpu.memory_space<vmem>>
    %dma_start3A_85 = tpu.memref_squeeze %dma_start3A_84 : memref<1x80xi32, #tpu.memory_space<vmem>> -> memref<80xi32, #tpu.memory_space<vmem>>
    %dma_start3A_86 = tpu.memref_slice %arg3[%add3A_80] : memref<320000xi32, #tpu.memory_space<hbm>> -> memref<80xi32, #tpu.memory_space<hbm>>
    %dma_start3A_87 = tpu.memref_slice %arg10[%dma_start3A_82] : memref<8x!tpu.dma_semaphore, #tpu.memory_space<semaphore_mem>> -> memref<1x!tpu.dma_semaphore, #tpu.memory_space<semaphore_mem>>
    %dma_start3A_88 = tpu.memref_squeeze %dma_start3A_87 : memref<1x!tpu.dma_semaphore, #tpu.memory_space<semaphore_mem>> -> memref<!tpu.dma_semaphore, #tpu.memory_space<semaphore_mem>>
    %dma_start3A_89 = arith.constant 0 : i32
    %dma_start3A_90 = tpu.memref_slice %arg6[%dma_start3A_81, %dma_start3A_89] : memref<8x80xi32, #tpu.memory_space<vmem>> -> memref<1x80xi32, #tpu.memory_space<vmem>>
    %dma_start3A_91 = tpu.memref_squeeze %dma_start3A_90 : memref<1x80xi32, #tpu.memory_space<vmem>> -> memref<80xi32, #tpu.memory_space<vmem>>
    %dma_start3A_92 = tpu.memref_slice %arg3[%add3A_80] : memref<320000xi32, #tpu.memory_space<hbm>> -> memref<80xi32, #tpu.memory_space<hbm>>
    tpu.enqueue_dma source(%dma_start3A_92 : memref<80xi32, #tpu.memory_space<hbm>>) target(%dma_start3A_91 : memref<80xi32, #tpu.memory_space<vmem>>) target_semaphore(%dma_start3A_88 : memref<!tpu.dma_semaphore, #tpu.memory_space<semaphore_mem>>)
    %mul3A_93 = arith.constant 10000 : i32
    %mul3A_94 = arith.muli %add3A, %mul3A_93 : i32
    %add3A_95 = arith.constant 80 : i32
    %add3A_96 = arith.addi %mul3A_94, %add3A_95 : i32
    %dma_start3A_97 = arith.constant 1 : i32
    %dma_start3A_98 = arith.constant 1 : i32
    %dma_start3A_99 = arith.constant 0 : i32
    %dma_start3A_100 = tpu.memref_slice %arg7[%dma_start3A_97, %dma_start3A_99] : memref<8x80xi32, #tpu.memory_space<vmem>> -> memref<1x80xi32, #tpu.memory_space<vmem>>
    %dma_start3A_101 = tpu.memref_squeeze %dma_start3A_100 : memref<1x80xi32, #tpu.memory_space<vmem>> -> memref<80xi32, #tpu.memory_space<vmem>>
    %dma_start3A_102 = tpu.memref_slice %arg4[%add3A_96] : memref<320000xi32, #tpu.memory_space<hbm>> -> memref<80xi32, #tpu.memory_space<hbm>>
    %dma_start3A_103 = tpu.memref_slice %arg10[%dma_start3A_98] : memref<8x!tpu.dma_semaphore, #tpu.memory_space<semaphore_mem>> -> memref<1x!tpu.dma_semaphore, #tpu.memory_space<semaphore_mem>>
    %dma_start3A_104 = tpu.memref_squeeze %dma_start3A_103 : memref<1x!tpu.dma_semaphore, #tpu.memory_space<semaphore_mem>> -> memref<!tpu.dma_semaphore, #tpu.memory_space<semaphore_mem>>
    %dma_start3A_105 = arith.constant 0 : i32
    %dma_start3A_106 = tpu.memref_slice %arg7[%dma_start3A_97, %dma_start3A_105] : memref<8x80xi32, #tpu.memory_space<vmem>> -> memref<1x80xi32, #tpu.memory_space<vmem>>
    %dma_start3A_107 = tpu.memref_squeeze %dma_start3A_106 : memref<1x80xi32, #tpu.memory_space<vmem>> -> memref<80xi32, #tpu.memory_space<vmem>>
    %dma_start3A_108 = tpu.memref_slice %arg4[%add3A_96] : memref<320000xi32, #tpu.memory_space<hbm>> -> memref<80xi32, #tpu.memory_space<hbm>>
    tpu.enqueue_dma source(%dma_start3A_108 : memref<80xi32, #tpu.memory_space<hbm>>) target(%dma_start3A_107 : memref<80xi32, #tpu.memory_space<vmem>>) target_semaphore(%dma_start3A_104 : memref<!tpu.dma_semaphore, #tpu.memory_space<semaphore_mem>>)
    %mul3A_109 = arith.constant 10000 : i32
    %mul3A_110 = arith.muli %add3A, %mul3A_109 : i32
    %add3A_111 = arith.constant 160 : i32
    %add3A_112 = arith.addi %mul3A_110, %add3A_111 : i32
    %dma_start3A_113 = arith.constant 2 : i32
    %dma_start3A_114 = arith.constant 2 : i32
    %dma_start3A_115 = arith.constant 0 : i32
    %dma_start3A_116 = tpu.memref_slice %arg6[%dma_start3A_113, %dma_start3A_115] : memref<8x80xi32, #tpu.memory_space<vmem>> -> memref<1x80xi32, #tpu.memory_space<vmem>>
    %dma_start3A_117 = tpu.memref_squeeze %dma_start3A_116 : memref<1x80xi32, #tpu.memory_space<vmem>> -> memref<80xi32, #tpu.memory_space<vmem>>
    %dma_start3A_118 = tpu.memref_slice %arg3[%add3A_112] : memref<320000xi32, #tpu.memory_space<hbm>> -> memref<80xi32, #tpu.memory_space<hbm>>
    %dma_start3A_119 = tpu.memref_slice %arg10[%dma_start3A_114] : memref<8x!tpu.dma_semaphore, #tpu.memory_space<semaphore_mem>> -> memref<1x!tpu.dma_semaphore, #tpu.memory_space<semaphore_mem>>
    %dma_start3A_120 = tpu.memref_squeeze %dma_start3A_119 : memref<1x!tpu.dma_semaphore, #tpu.memory_space<semaphore_mem>> -> memref<!tpu.dma_semaphore, #tpu.memory_space<semaphore_mem>>
    %dma_start3A_121 = arith.constant 0 : i32
    %dma_start3A_122 = tpu.memref_slice %arg6[%dma_start3A_113, %dma_start3A_121] : memref<8x80xi32, #tpu.memory_space<vmem>> -> memref<1x80xi32, #tpu.memory_space<vmem>>
    %dma_start3A_123 = tpu.memref_squeeze %dma_start3A_122 : memref<1x80xi32, #tpu.memory_space<vmem>> -> memref<80xi32, #tpu.memory_space<vmem>>
    %dma_start3A_124 = tpu.memref_slice %arg3[%add3A_112] : memref<320000xi32, #tpu.memory_space<hbm>> -> memref<80xi32, #tpu.memory_space<hbm>>
    tpu.enqueue_dma source(%dma_start3A_124 : memref<80xi32, #tpu.memory_space<hbm>>) target(%dma_start3A_123 : memref<80xi32, #tpu.memory_space<vmem>>) target_semaphore(%dma_start3A_120 : memref<!tpu.dma_semaphore, #tpu.memory_space<semaphore_mem>>)
    %mul3A_125 = arith.constant 10000 : i32
    %mul3A_126 = arith.muli %add3A, %mul3A_125 : i32
    %add3A_127 = arith.constant 160 : i32
    %add3A_128 = arith.addi %mul3A_126, %add3A_127 : i32
    %dma_start3A_129 = arith.constant 2 : i32
    %dma_start3A_130 = arith.constant 2 : i32
    %dma_start3A_131 = arith.constant 0 : i32
    %dma_start3A_132 = tpu.memref_slice %arg7[%dma_start3A_129, %dma_start3A_131] : memref<8x80xi32, #tpu.memory_space<vmem>> -> memref<1x80xi32, #tpu.memory_space<vmem>>
    %dma_start3A_133 = tpu.memref_squeeze %dma_start3A_132 : memref<1x80xi32, #tpu.memory_space<vmem>> -> memref<80xi32, #tpu.memory_space<vmem>>
    %dma_start3A_134 = tpu.memref_slice %arg4[%add3A_128] : memref<320000xi32, #tpu.memory_space<hbm>> -> memref<80xi32, #tpu.memory_space<hbm>>
    %dma_start3A_135 = tpu.memref_slice %arg10[%dma_start3A_130] : memref<8x!tpu.dma_semaphore, #tpu.memory_space<semaphore_mem>> -> memref<1x!tpu.dma_semaphore, #tpu.memory_space<semaphore_mem>>
    %dma_start3A_136 = tpu.memref_squeeze %dma_start3A_135 : memref<1x!tpu.dma_semaphore, #tpu.memory_space<semaphore_mem>> -> memref<!tpu.dma_semaphore, #tpu.memory_space<semaphore_mem>>
    %dma_start3A_137 = arith.constant 0 : i32
    %dma_start3A_138 = tpu.memref_slice %arg7[%dma_start3A_129, %dma_start3A_137] : memref<8x80xi32, #tpu.memory_space<vmem>> -> memref<1x80xi32, #tpu.memory_space<vmem>>
    %dma_start3A_139 = tpu.memref_squeeze %dma_start3A_138 : memref<1x80xi32, #tpu.memory_space<vmem>> -> memref<80xi32, #tpu.memory_space<vmem>>
    %dma_start3A_140 = tpu.memref_slice %arg4[%add3A_128] : memref<320000xi32, #tpu.memory_space<hbm>> -> memref<80xi32, #tpu.memory_space<hbm>>
    tpu.enqueue_dma source(%dma_start3A_140 : memref<80xi32, #tpu.memory_space<hbm>>) target(%dma_start3A_139 : memref<80xi32, #tpu.memory_space<vmem>>) target_semaphore(%dma_start3A_136 : memref<!tpu.dma_semaphore, #tpu.memory_space<semaphore_mem>>)
    %mul3A_141 = arith.constant 10000 : i32
    %mul3A_142 = arith.muli %add3A, %mul3A_141 : i32
    %add3A_143 = arith.constant 240 : i32
    %add3A_144 = arith.addi %mul3A_142, %add3A_143 : i32
    %dma_start3A_145 = arith.constant 3 : i32
    %dma_start3A_146 = arith.constant 3 : i32
    %dma_start3A_147 = arith.constant 0 : i32
    %dma_start3A_148 = tpu.memref_slice %arg6[%dma_start3A_145, %dma_start3A_147] : memref<8x80xi32, #tpu.memory_space<vmem>> -> memref<1x80xi32, #tpu.memory_space<vmem>>
    %dma_start3A_149 = tpu.memref_squeeze %dma_start3A_148 : memref<1x80xi32, #tpu.memory_space<vmem>> -> memref<80xi32, #tpu.memory_space<vmem>>
    %dma_start3A_150 = tpu.memref_slice %arg3[%add3A_144] : memref<320000xi32, #tpu.memory_space<hbm>> -> memref<80xi32, #tpu.memory_space<hbm>>
    %dma_start3A_151 = tpu.memref_slice %arg10[%dma_start3A_146] : memref<8x!tpu.dma_semaphore, #tpu.memory_space<semaphore_mem>> -> memref<1x!tpu.dma_semaphore, #tpu.memory_space<semaphore_mem>>
    %dma_start3A_152 = tpu.memref_squeeze %dma_start3A_151 : memref<1x!tpu.dma_semaphore, #tpu.memory_space<semaphore_mem>> -> memref<!tpu.dma_semaphore, #tpu.memory_space<semaphore_mem>>
    %dma_start3A_153 = arith.constant 0 : i32
    %dma_start3A_154 = tpu.memref_slice %arg6[%dma_start3A_145, %dma_start3A_153] : memref<8x80xi32, #tpu.memory_space<vmem>> -> memref<1x80xi32, #tpu.memory_space<vmem>>
    %dma_start3A_155 = tpu.memref_squeeze %dma_start3A_154 : memref<1x80xi32, #tpu.memory_space<vmem>> -> memref<80xi32, #tpu.memory_space<vmem>>
    %dma_start3A_156 = tpu.memref_slice %arg3[%add3A_144] : memref<320000xi32, #tpu.memory_space<hbm>> -> memref<80xi32, #tpu.memory_space<hbm>>
    tpu.enqueue_dma source(%dma_start3A_156 : memref<80xi32, #tpu.memory_space<hbm>>) target(%dma_start3A_155 : memref<80xi32, #tpu.memory_space<vmem>>) target_semaphore(%dma_start3A_152 : memref<!tpu.dma_semaphore, #tpu.memory_space<semaphore_mem>>)
    %mul3A_157 = arith.constant 10000 : i32
    %mul3A_158 = arith.muli %add3A, %mul3A_157 : i32
    %add3A_159 = arith.constant 240 : i32
    %add3A_160 = arith.addi %mul3A_158, %add3A_159 : i32
    %dma_start3A_161 = arith.constant 3 : i32
    %dma_start3A_162 = arith.constant 3 : i32
    %dma_start3A_163 = arith.constant 0 : i32
    %dma_start3A_164 = tpu.memref_slice %arg7[%dma_start3A_161, %dma_start3A_163] : memref<8x80xi32, #tpu.memory_space<vmem>> -> memref<1x80xi32, #tpu.memory_space<vmem>>
    %dma_start3A_165 = tpu.memref_squeeze %dma_start3A_164 : memref<1x80xi32, #tpu.memory_space<vmem>> -> memref<80xi32, #tpu.memory_space<vmem>>
    %dma_start3A_166 = tpu.memref_slice %arg4[%add3A_160] : memref<320000xi32, #tpu.memory_space<hbm>> -> memref<80xi32, #tpu.memory_space<hbm>>
    %dma_start3A_167 = tpu.memref_slice %arg10[%dma_start3A_162] : memref<8x!tpu.dma_semaphore, #tpu.memory_space<semaphore_mem>> -> memref<1x!tpu.dma_semaphore, #tpu.memory_space<semaphore_mem>>
    %dma_start3A_168 = tpu.memref_squeeze %dma_start3A_167 : memref<1x!tpu.dma_semaphore, #tpu.memory_space<semaphore_mem>> -> memref<!tpu.dma_semaphore, #tpu.memory_space<semaphore_mem>>
    %dma_start3A_169 = arith.constant 0 : i32
    %dma_start3A_170 = tpu.memref_slice %arg7[%dma_start3A_161, %dma_start3A_169] : memref<8x80xi32, #tpu.memory_space<vmem>> -> memref<1x80xi32, #tpu.memory_space<vmem>>
    %dma_start3A_171 = tpu.memref_squeeze %dma_start3A_170 : memref<1x80xi32, #tpu.memory_space<vmem>> -> memref<80xi32, #tpu.memory_space<vmem>>
    %dma_start3A_172 = tpu.memref_slice %arg4[%add3A_160] : memref<320000xi32, #tpu.memory_space<hbm>> -> memref<80xi32, #tpu.memory_space<hbm>>
    tpu.enqueue_dma source(%dma_start3A_172 : memref<80xi32, #tpu.memory_space<hbm>>) target(%dma_start3A_171 : memref<80xi32, #tpu.memory_space<vmem>>) target_semaphore(%dma_start3A_168 : memref<!tpu.dma_semaphore, #tpu.memory_space<semaphore_mem>>)
    %dma_wait3A = arith.constant 0 : i32
    %dma_wait3A_173 = arith.constant 0 : i32
    %dma_wait3A_174 = arith.constant 0 : i32
    %dma_wait3A_175 = tpu.memref_slice %arg6[%dma_wait3A, %dma_wait3A_174] : memref<8x80xi32, #tpu.memory_space<vmem>> -> memref<1x80xi32, #tpu.memory_space<vmem>>
    %dma_wait3A_176 = tpu.memref_squeeze %dma_wait3A_175 : memref<1x80xi32, #tpu.memory_space<vmem>> -> memref<80xi32, #tpu.memory_space<vmem>>
    %dma_wait3A_177 = arith.constant 0 : i32
    %dma_wait3A_178 = tpu.memref_slice %arg3[%dma_wait3A_177] : memref<320000xi32, #tpu.memory_space<hbm>> -> memref<80xi32, #tpu.memory_space<hbm>>
    %dma_wait3A_179 = tpu.memref_slice %arg10[%dma_wait3A_173] : memref<8x!tpu.dma_semaphore, #tpu.memory_space<semaphore_mem>> -> memref<1x!tpu.dma_semaphore, #tpu.memory_space<semaphore_mem>>
    %dma_wait3A_180 = tpu.memref_squeeze %dma_wait3A_179 : memref<1x!tpu.dma_semaphore, #tpu.memory_space<semaphore_mem>> -> memref<!tpu.dma_semaphore, #tpu.memory_space<semaphore_mem>>
    %dma_wait3A_181 = arith.constant 0 : i32
    %dma_wait3A_182 = tpu.memref_slice %arg6[%dma_wait3A, %dma_wait3A_181] : memref<8x80xi32, #tpu.memory_space<vmem>> -> memref<1x80xi32, #tpu.memory_space<vmem>>
    %dma_wait3A_183 = tpu.memref_squeeze %dma_wait3A_182 : memref<1x80xi32, #tpu.memory_space<vmem>> -> memref<80xi32, #tpu.memory_space<vmem>>
    %dma_wait3A_184 = arith.constant 0 : i32
    %dma_wait3A_185 = tpu.memref_slice %arg3[%dma_wait3A_184] : memref<320000xi32, #tpu.memory_space<hbm>> -> memref<80xi32, #tpu.memory_space<hbm>>
    tpu.wait_dma2 semaphore(%dma_wait3A_180 : memref<!tpu.dma_semaphore, #tpu.memory_space<semaphore_mem>>) src(%dma_wait3A_185 : memref<80xi32, #tpu.memory_space<hbm>>) dst(%dma_wait3A_183 : memref<80xi32, #tpu.memory_space<vmem>>)
    %dma_wait3A_186 = arith.constant 0 : i32
    %dma_wait3A_187 = arith.constant 0 : i32
    %dma_wait3A_188 = arith.constant 0 : i32
    %dma_wait3A_189 = tpu.memref_slice %arg7[%dma_wait3A_186, %dma_wait3A_188] : memref<8x80xi32, #tpu.memory_space<vmem>> -> memref<1x80xi32, #tpu.memory_space<vmem>>
    %dma_wait3A_190 = tpu.memref_squeeze %dma_wait3A_189 : memref<1x80xi32, #tpu.memory_space<vmem>> -> memref<80xi32, #tpu.memory_space<vmem>>
    %dma_wait3A_191 = arith.constant 0 : i32
    %dma_wait3A_192 = tpu.memref_slice %arg3[%dma_wait3A_191] : memref<320000xi32, #tpu.memory_space<hbm>> -> memref<80xi32, #tpu.memory_space<hbm>>
    %dma_wait3A_193 = tpu.memref_slice %arg10[%dma_wait3A_187] : memref<8x!tpu.dma_semaphore, #tpu.memory_space<semaphore_mem>> -> memref<1x!tpu.dma_semaphore, #tpu.memory_space<semaphore_mem>>
    %dma_wait3A_194 = tpu.memref_squeeze %dma_wait3A_193 : memref<1x!tpu.dma_semaphore, #tpu.memory_space<semaphore_mem>> -> memref<!tpu.dma_semaphore, #tpu.memory_space<semaphore_mem>>
    %dma_wait3A_195 = arith.constant 0 : i32
    %dma_wait3A_196 = tpu.memref_slice %arg7[%dma_wait3A_186, %dma_wait3A_195] : memref<8x80xi32, #tpu.memory_space<vmem>> -> memref<1x80xi32, #tpu.memory_space<vmem>>
    %dma_wait3A_197 = tpu.memref_squeeze %dma_wait3A_196 : memref<1x80xi32, #tpu.memory_space<vmem>> -> memref<80xi32, #tpu.memory_space<vmem>>
    %dma_wait3A_198 = arith.constant 0 : i32
    %dma_wait3A_199 = tpu.memref_slice %arg3[%dma_wait3A_198] : memref<320000xi32, #tpu.memory_space<hbm>> -> memref<80xi32, #tpu.memory_space<hbm>>
    tpu.wait_dma2 semaphore(%dma_wait3A_194 : memref<!tpu.dma_semaphore, #tpu.memory_space<semaphore_mem>>) src(%dma_wait3A_199 : memref<80xi32, #tpu.memory_space<hbm>>) dst(%dma_wait3A_197 : memref<80xi32, #tpu.memory_space<vmem>>)
    %dma_start3A_200 = arith.constant 0 : i32
    %dma_start3A_201 = arith.constant 0 : i32
    %dma_start3A_202 = arith.constant 0 : i32
    %dma_start3A_203 = arith.constant 0 : i32
    %dma_start3A_204 = arith.constant 0 : i32
    %dma_start3A_205 = tpu.memref_slice %arg8[%dma_start3A_201, %dma_start3A_203, %dma_start3A_204] : memref<4x80x128xf32, #tpu.memory_space<vmem>> -> memref<1x80x128xf32, #tpu.memory_space<vmem>>
    %dma_start3A_206 = tpu.memref_squeeze %dma_start3A_205 : memref<1x80x128xf32, #tpu.memory_space<vmem>> -> memref<80x128xf32, #tpu.memory_space<vmem>>
    %dma_start3A_207 = arith.constant 0 : i32
    %dma_start3A_208 = tpu.memref_slice %arg6[%dma_start3A_200, %dma_start3A_207] : memref<8x80xi32, #tpu.memory_space<vmem>> -> memref<1x80xi32, #tpu.memory_space<vmem>>
    %dma_start3A_209 = tpu.memref_squeeze %dma_start3A_208 : memref<1x80xi32, #tpu.memory_space<vmem>> -> memref<80xi32, #tpu.memory_space<vmem>>
    %dma_start3A_210 = arith.constant 0 : i32
    %dma_start3A_211 = arith.constant 0 : i32
    %dma_start3A_212 = tpu.memref_slice %arg2[%dma_start3A_210, %dma_start3A_211] : memref<10000x128xf32, #tpu.memory_space<hbm>> -> memref<10000x128xf32, #tpu.memory_space<hbm>>
    %dma_start3A_213 = tpu.memref_slice %arg11[%dma_start3A_202] : memref<4x!tpu.dma_semaphore, #tpu.memory_space<semaphore_mem>> -> memref<1x!tpu.dma_semaphore, #tpu.memory_space<semaphore_mem>>
    %dma_start3A_214 = tpu.memref_squeeze %dma_start3A_213 : memref<1x!tpu.dma_semaphore, #tpu.memory_space<semaphore_mem>> -> memref<!tpu.dma_semaphore, #tpu.memory_space<semaphore_mem>>
    tpu.enqueue_indirect_dma source(%dma_start3A_212 : memref<10000x128xf32, #tpu.memory_space<hbm>>) target(%dma_start3A_206 : memref<80x128xf32, #tpu.memory_space<vmem>>) offsets(%dma_start3A_209 : memref<80xi32, #tpu.memory_space<vmem>>) semaphore(%dma_start3A_214 : memref<!tpu.dma_semaphore, #tpu.memory_space<semaphore_mem>>)
    %mul3A_215 = arith.constant 10000 : i32
    %mul3A_216 = arith.muli %add3A, %mul3A_215 : i32
    %add3A_217 = arith.constant 320 : i32
    %add3A_218 = arith.addi %mul3A_216, %add3A_217 : i32
    %dma_start3A_219 = arith.constant 4 : i32
    %dma_start3A_220 = arith.constant 4 : i32
    %dma_start3A_221 = arith.constant 0 : i32
    %dma_start3A_222 = tpu.memref_slice %arg6[%dma_start3A_219, %dma_start3A_221] : memref<8x80xi32, #tpu.memory_space<vmem>> -> memref<1x80xi32, #tpu.memory_space<vmem>>
    %dma_start3A_223 = tpu.memref_squeeze %dma_start3A_222 : memref<1x80xi32, #tpu.memory_space<vmem>> -> memref<80xi32, #tpu.memory_space<vmem>>
    %dma_start3A_224 = tpu.memref_slice %arg3[%add3A_218] : memref<320000xi32, #tpu.memory_space<hbm>> -> memref<80xi32, #tpu.memory_space<hbm>>
    %dma_start3A_225 = tpu.memref_slice %arg10[%dma_start3A_220] : memref<8x!tpu.dma_semaphore, #tpu.memory_space<semaphore_mem>> -> memref<1x!tpu.dma_semaphore, #tpu.memory_space<semaphore_mem>>
    %dma_start3A_226 = tpu.memref_squeeze %dma_start3A_225 : memref<1x!tpu.dma_semaphore, #tpu.memory_space<semaphore_mem>> -> memref<!tpu.dma_semaphore, #tpu.memory_space<semaphore_mem>>
    %dma_start3A_227 = arith.constant 0 : i32
    %dma_start3A_228 = tpu.memref_slice %arg6[%dma_start3A_219, %dma_start3A_227] : memref<8x80xi32, #tpu.memory_space<vmem>> -> memref<1x80xi32, #tpu.memory_space<vmem>>
    %dma_start3A_229 = tpu.memref_squeeze %dma_start3A_228 : memref<1x80xi32, #tpu.memory_space<vmem>> -> memref<80xi32, #tpu.memory_space<vmem>>
    %dma_start3A_230 = tpu.memref_slice %arg3[%add3A_218] : memref<320000xi32, #tpu.memory_space<hbm>> -> memref<80xi32, #tpu.memory_space<hbm>>
    tpu.enqueue_dma source(%dma_start3A_230 : memref<80xi32, #tpu.memory_space<hbm>>) target(%dma_start3A_229 : memref<80xi32, #tpu.memory_space<vmem>>) target_semaphore(%dma_start3A_226 : memref<!tpu.dma_semaphore, #tpu.memory_space<semaphore_mem>>)
    %mul3A_231 = arith.constant 10000 : i32
    %mul3A_232 = arith.muli %add3A, %mul3A_231 : i32
    %add3A_233 = arith.constant 320 : i32
    %add3A_234 = arith.addi %mul3A_232, %add3A_233 : i32
    %dma_start3A_235 = arith.constant 4 : i32
    %dma_start3A_236 = arith.constant 4 : i32
    %dma_start3A_237 = arith.constant 0 : i32
    %dma_start3A_238 = tpu.memref_slice %arg7[%dma_start3A_235, %dma_start3A_237] : memref<8x80xi32, #tpu.memory_space<vmem>> -> memref<1x80xi32, #tpu.memory_space<vmem>>
    %dma_start3A_239 = tpu.memref_squeeze %dma_start3A_238 : memref<1x80xi32, #tpu.memory_space<vmem>> -> memref<80xi32, #tpu.memory_space<vmem>>
    %dma_start3A_240 = tpu.memref_slice %arg4[%add3A_234] : memref<320000xi32, #tpu.memory_space<hbm>> -> memref<80xi32, #tpu.memory_space<hbm>>
    %dma_start3A_241 = tpu.memref_slice %arg10[%dma_start3A_236] : memref<8x!tpu.dma_semaphore, #tpu.memory_space<semaphore_mem>> -> memref<1x!tpu.dma_semaphore, #tpu.memory_space<semaphore_mem>>
    %dma_start3A_242 = tpu.memref_squeeze %dma_start3A_241 : memref<1x!tpu.dma_semaphore, #tpu.memory_space<semaphore_mem>> -> memref<!tpu.dma_semaphore, #tpu.memory_space<semaphore_mem>>
    %dma_start3A_243 = arith.constant 0 : i32
    %dma_start3A_244 = tpu.memref_slice %arg7[%dma_start3A_235, %dma_start3A_243] : memref<8x80xi32, #tpu.memory_space<vmem>> -> memref<1x80xi32, #tpu.memory_space<vmem>>
    %dma_start3A_245 = tpu.memref_squeeze %dma_start3A_244 : memref<1x80xi32, #tpu.memory_space<vmem>> -> memref<80xi32, #tpu.memory_space<vmem>>
    %dma_start3A_246 = tpu.memref_slice %arg4[%add3A_234] : memref<320000xi32, #tpu.memory_space<hbm>> -> memref<80xi32, #tpu.memory_space<hbm>>
    tpu.enqueue_dma source(%dma_start3A_246 : memref<80xi32, #tpu.memory_space<hbm>>) target(%dma_start3A_245 : memref<80xi32, #tpu.memory_space<vmem>>) target_semaphore(%dma_start3A_242 : memref<!tpu.dma_semaphore, #tpu.memory_space<semaphore_mem>>)
    %dma_wait3A_247 = arith.constant 1 : i32
    %dma_wait3A_248 = arith.constant 1 : i32
    %dma_wait3A_249 = arith.constant 0 : i32
    %dma_wait3A_250 = tpu.memref_slice %arg6[%dma_wait3A_247, %dma_wait3A_249] : memref<8x80xi32, #tpu.memory_space<vmem>> -> memref<1x80xi32, #tpu.memory_space<vmem>>
    %dma_wait3A_251 = tpu.memref_squeeze %dma_wait3A_250 : memref<1x80xi32, #tpu.memory_space<vmem>> -> memref<80xi32, #tpu.memory_space<vmem>>
    %dma_wait3A_252 = arith.constant 0 : i32
    %dma_wait3A_253 = tpu.memref_slice %arg3[%dma_wait3A_252] : memref<320000xi32, #tpu.memory_space<hbm>> -> memref<80xi32, #tpu.memory_space<hbm>>
    %dma_wait3A_254 = tpu.memref_slice %arg10[%dma_wait3A_248] : memref<8x!tpu.dma_semaphore, #tpu.memory_space<semaphore_mem>> -> memref<1x!tpu.dma_semaphore, #tpu.memory_space<semaphore_mem>>
    %dma_wait3A_255 = tpu.memref_squeeze %dma_wait3A_254 : memref<1x!tpu.dma_semaphore, #tpu.memory_space<semaphore_mem>> -> memref<!tpu.dma_semaphore, #tpu.memory_space<semaphore_mem>>
    %dma_wait3A_256 = arith.constant 0 : i32
    %dma_wait3A_257 = tpu.memref_slice %arg6[%dma_wait3A_247, %dma_wait3A_256] : memref<8x80xi32, #tpu.memory_space<vmem>> -> memref<1x80xi32, #tpu.memory_space<vmem>>
    %dma_wait3A_258 = tpu.memref_squeeze %dma_wait3A_257 : memref<1x80xi32, #tpu.memory_space<vmem>> -> memref<80xi32, #tpu.memory_space<vmem>>
    %dma_wait3A_259 = arith.constant 0 : i32
    %dma_wait3A_260 = tpu.memref_slice %arg3[%dma_wait3A_259] : memref<320000xi32, #tpu.memory_space<hbm>> -> memref<80xi32, #tpu.memory_space<hbm>>
    tpu.wait_dma2 semaphore(%dma_wait3A_255 : memref<!tpu.dma_semaphore, #tpu.memory_space<semaphore_mem>>) src(%dma_wait3A_260 : memref<80xi32, #tpu.memory_space<hbm>>) dst(%dma_wait3A_258 : memref<80xi32, #tpu.memory_space<vmem>>)
    %dma_wait3A_261 = arith.constant 1 : i32
    %dma_wait3A_262 = arith.constant 1 : i32
    %dma_wait3A_263 = arith.constant 0 : i32
    %dma_wait3A_264 = tpu.memref_slice %arg7[%dma_wait3A_261, %dma_wait3A_263] : memref<8x80xi32, #tpu.memory_space<vmem>> -> memref<1x80xi32, #tpu.memory_space<vmem>>
    %dma_wait3A_265 = tpu.memref_squeeze %dma_wait3A_264 : memref<1x80xi32, #tpu.memory_space<vmem>> -> memref<80xi32, #tpu.memory_space<vmem>>
    %dma_wait3A_266 = arith.constant 0 : i32
    %dma_wait3A_267 = tpu.memref_slice %arg3[%dma_wait3A_266] : memref<320000xi32, #tpu.memory_space<hbm>> -> memref<80xi32, #tpu.memory_space<hbm>>
    %dma_wait3A_268 = tpu.memref_slice %arg10[%dma_wait3A_262] : memref<8x!tpu.dma_semaphore, #tpu.memory_space<semaphore_mem>> -> memref<1x!tpu.dma_semaphore, #tpu.memory_space<semaphore_mem>>
    %dma_wait3A_269 = tpu.memref_squeeze %dma_wait3A_268 : memref<1x!tpu.dma_semaphore, #tpu.memory_space<semaphore_mem>> -> memref<!tpu.dma_semaphore, #tpu.memory_space<semaphore_mem>>
    %dma_wait3A_270 = arith.constant 0 : i32
    %dma_wait3A_271 = tpu.memref_slice %arg7[%dma_wait3A_261, %dma_wait3A_270] : memref<8x80xi32, #tpu.memory_space<vmem>> -> memref<1x80xi32, #tpu.memory_space<vmem>>
    %dma_wait3A_272 = tpu.memref_squeeze %dma_wait3A_271 : memref<1x80xi32, #tpu.memory_space<vmem>> -> memref<80xi32, #tpu.memory_space<vmem>>
    %dma_wait3A_273 = arith.constant 0 : i32
    %dma_wait3A_274 = tpu.memref_slice %arg3[%dma_wait3A_273] : memref<320000xi32, #tpu.memory_space<hbm>> -> memref<80xi32, #tpu.memory_space<hbm>>
    tpu.wait_dma2 semaphore(%dma_wait3A_269 : memref<!tpu.dma_semaphore, #tpu.memory_space<semaphore_mem>>) src(%dma_wait3A_274 : memref<80xi32, #tpu.memory_space<hbm>>) dst(%dma_wait3A_272 : memref<80xi32, #tpu.memory_space<vmem>>)
    %dma_start3A_275 = arith.constant 1 : i32
    %dma_start3A_276 = arith.constant 1 : i32
    %dma_start3A_277 = arith.constant 1 : i32
    %dma_start3A_278 = arith.constant 0 : i32
    %dma_start3A_279 = arith.constant 0 : i32
    %dma_start3A_280 = tpu.memref_slice %arg8[%dma_start3A_276, %dma_start3A_278, %dma_start3A_279] : memref<4x80x128xf32, #tpu.memory_space<vmem>> -> memref<1x80x128xf32, #tpu.memory_space<vmem>>
    %dma_start3A_281 = tpu.memref_squeeze %dma_start3A_280 : memref<1x80x128xf32, #tpu.memory_space<vmem>> -> memref<80x128xf32, #tpu.memory_space<vmem>>
    %dma_start3A_282 = arith.constant 0 : i32
    %dma_start3A_283 = tpu.memref_slice %arg6[%dma_start3A_275, %dma_start3A_282] : memref<8x80xi32, #tpu.memory_space<vmem>> -> memref<1x80xi32, #tpu.memory_space<vmem>>
    %dma_start3A_284 = tpu.memref_squeeze %dma_start3A_283 : memref<1x80xi32, #tpu.memory_space<vmem>> -> memref<80xi32, #tpu.memory_space<vmem>>
    %dma_start3A_285 = arith.constant 0 : i32
    %dma_start3A_286 = arith.constant 0 : i32
    %dma_start3A_287 = tpu.memref_slice %arg2[%dma_start3A_285, %dma_start3A_286] : memref<10000x128xf32, #tpu.memory_space<hbm>> -> memref<10000x128xf32, #tpu.memory_space<hbm>>
    %dma_start3A_288 = tpu.memref_slice %arg11[%dma_start3A_277] : memref<4x!tpu.dma_semaphore, #tpu.memory_space<semaphore_mem>> -> memref<1x!tpu.dma_semaphore, #tpu.memory_space<semaphore_mem>>
    %dma_start3A_289 = tpu.memref_squeeze %dma_start3A_288 : memref<1x!tpu.dma_semaphore, #tpu.memory_space<semaphore_mem>> -> memref<!tpu.dma_semaphore, #tpu.memory_space<semaphore_mem>>
    tpu.enqueue_indirect_dma source(%dma_start3A_287 : memref<10000x128xf32, #tpu.memory_space<hbm>>) target(%dma_start3A_281 : memref<80x128xf32, #tpu.memory_space<vmem>>) offsets(%dma_start3A_284 : memref<80xi32, #tpu.memory_space<vmem>>) semaphore(%dma_start3A_289 : memref<!tpu.dma_semaphore, #tpu.memory_space<semaphore_mem>>)
    %mul3A_290 = arith.constant 10000 : i32
    %mul3A_291 = arith.muli %add3A, %mul3A_290 : i32
    %add3A_292 = arith.constant 400 : i32
    %add3A_293 = arith.addi %mul3A_291, %add3A_292 : i32
    %dma_start3A_294 = arith.constant 5 : i32
    %dma_start3A_295 = arith.constant 5 : i32
    %dma_start3A_296 = arith.constant 0 : i32
    %dma_start3A_297 = tpu.memref_slice %arg6[%dma_start3A_294, %dma_start3A_296] : memref<8x80xi32, #tpu.memory_space<vmem>> -> memref<1x80xi32, #tpu.memory_space<vmem>>
    %dma_start3A_298 = tpu.memref_squeeze %dma_start3A_297 : memref<1x80xi32, #tpu.memory_space<vmem>> -> memref<80xi32, #tpu.memory_space<vmem>>
    %dma_start3A_299 = tpu.memref_slice %arg3[%add3A_293] : memref<320000xi32, #tpu.memory_space<hbm>> -> memref<80xi32, #tpu.memory_space<hbm>>
    %dma_start3A_300 = tpu.memref_slice %arg10[%dma_start3A_295] : memref<8x!tpu.dma_semaphore, #tpu.memory_space<semaphore_mem>> -> memref<1x!tpu.dma_semaphore, #tpu.memory_space<semaphore_mem>>
    %dma_start3A_301 = tpu.memref_squeeze %dma_start3A_300 : memref<1x!tpu.dma_semaphore, #tpu.memory_space<semaphore_mem>> -> memref<!tpu.dma_semaphore, #tpu.memory_space<semaphore_mem>>
    %dma_start3A_302 = arith.constant 0 : i32
    %dma_start3A_303 = tpu.memref_slice %arg6[%dma_start3A_294, %dma_start3A_302] : memref<8x80xi32, #tpu.memory_space<vmem>> -> memref<1x80xi32, #tpu.memory_space<vmem>>
    %dma_start3A_304 = tpu.memref_squeeze %dma_start3A_303 : memref<1x80xi32, #tpu.memory_space<vmem>> -> memref<80xi32, #tpu.memory_space<vmem>>
    %dma_start3A_305 = tpu.memref_slice %arg3[%add3A_293] : memref<320000xi32, #tpu.memory_space<hbm>> -> memref<80xi32, #tpu.memory_space<hbm>>
    tpu.enqueue_dma source(%dma_start3A_305 : memref<80xi32, #tpu.memory_space<hbm>>) target(%dma_start3A_304 : memref<80xi32, #tpu.memory_space<vmem>>) target_semaphore(%dma_start3A_301 : memref<!tpu.dma_semaphore, #tpu.memory_space<semaphore_mem>>)
    %mul3A_306 = arith.constant 10000 : i32
    %mul3A_307 = arith.muli %add3A, %mul3A_306 : i32
    %add3A_308 = arith.constant 400 : i32
    %add3A_309 = arith.addi %mul3A_307, %add3A_308 : i32
    %dma_start3A_310 = arith.constant 5 : i32
    %dma_start3A_311 = arith.constant 5 : i32
    %dma_start3A_312 = arith.constant 0 : i32
    %dma_start3A_313 = tpu.memref_slice %arg7[%dma_start3A_310, %dma_start3A_312] : memref<8x80xi32, #tpu.memory_space<vmem>> -> memref<1x80xi32, #tpu.memory_space<vmem>>
    %dma_start3A_314 = tpu.memref_squeeze %dma_start3A_313 : memref<1x80xi32, #tpu.memory_space<vmem>> -> memref<80xi32, #tpu.memory_space<vmem>>
    %dma_start3A_315 = tpu.memref_slice %arg4[%add3A_309] : memref<320000xi32, #tpu.memory_space<hbm>> -> memref<80xi32, #tpu.memory_space<hbm>>
    %dma_start3A_316 = tpu.memref_slice %arg10[%dma_start3A_311] : memref<8x!tpu.dma_semaphore, #tpu.memory_space<semaphore_mem>> -> memref<1x!tpu.dma_semaphore, #tpu.memory_space<semaphore_mem>>
    %dma_start3A_317 = tpu.memref_squeeze %dma_start3A_316 : memref<1x!tpu.dma_semaphore, #tpu.memory_space<semaphore_mem>> -> memref<!tpu.dma_semaphore, #tpu.memory_space<semaphore_mem>>
    %dma_start3A_318 = arith.constant 0 : i32
    %dma_start3A_319 = tpu.memref_slice %arg7[%dma_start3A_310, %dma_start3A_318] : memref<8x80xi32, #tpu.memory_space<vmem>> -> memref<1x80xi32, #tpu.memory_space<vmem>>
    %dma_start3A_320 = tpu.memref_squeeze %dma_start3A_319 : memref<1x80xi32, #tpu.memory_space<vmem>> -> memref<80xi32, #tpu.memory_space<vmem>>
    %dma_start3A_321 = tpu.memref_slice %arg4[%add3A_309] : memref<320000xi32, #tpu.memory_space<hbm>> -> memref<80xi32, #tpu.memory_space<hbm>>
    tpu.enqueue_dma source(%dma_start3A_321 : memref<80xi32, #tpu.memory_space<hbm>>) target(%dma_start3A_320 : memref<80xi32, #tpu.memory_space<vmem>>) target_semaphore(%dma_start3A_317 : memref<!tpu.dma_semaphore, #tpu.memory_space<semaphore_mem>>)
    %dma_wait3A_322 = arith.constant 2 : i32
    %dma_wait3A_323 = arith.constant 2 : i32
    %dma_wait3A_324 = arith.constant 0 : i32
    %dma_wait3A_325 = tpu.memref_slice %arg6[%dma_wait3A_322, %dma_wait3A_324] : memref<8x80xi32, #tpu.memory_space<vmem>> -> memref<1x80xi32, #tpu.memory_space<vmem>>
    %dma_wait3A_326 = tpu.memref_squeeze %dma_wait3A_325 : memref<1x80xi32, #tpu.memory_space<vmem>> -> memref<80xi32, #tpu.memory_space<vmem>>
    %dma_wait3A_327 = arith.constant 0 : i32
    %dma_wait3A_328 = tpu.memref_slice %arg3[%dma_wait3A_327] : memref<320000xi32, #tpu.memory_space<hbm>> -> memref<80xi32, #tpu.memory_space<hbm>>
    %dma_wait3A_329 = tpu.memref_slice %arg10[%dma_wait3A_323] : memref<8x!tpu.dma_semaphore, #tpu.memory_space<semaphore_mem>> -> memref<1x!tpu.dma_semaphore, #tpu.memory_space<semaphore_mem>>
    %dma_wait3A_330 = tpu.memref_squeeze %dma_wait3A_329 : memref<1x!tpu.dma_semaphore, #tpu.memory_space<semaphore_mem>> -> memref<!tpu.dma_semaphore, #tpu.memory_space<semaphore_mem>>
    %dma_wait3A_331 = arith.constant 0 : i32
    %dma_wait3A_332 = tpu.memref_slice %arg6[%dma_wait3A_322, %dma_wait3A_331] : memref<8x80xi32, #tpu.memory_space<vmem>> -> memref<1x80xi32, #tpu.memory_space<vmem>>
    %dma_wait3A_333 = tpu.memref_squeeze %dma_wait3A_332 : memref<1x80xi32, #tpu.memory_space<vmem>> -> memref<80xi32, #tpu.memory_space<vmem>>
    %dma_wait3A_334 = arith.constant 0 : i32
    %dma_wait3A_335 = tpu.memref_slice %arg3[%dma_wait3A_334] : memref<320000xi32, #tpu.memory_space<hbm>> -> memref<80xi32, #tpu.memory_space<hbm>>
    tpu.wait_dma2 semaphore(%dma_wait3A_330 : memref<!tpu.dma_semaphore, #tpu.memory_space<semaphore_mem>>) src(%dma_wait3A_335 : memref<80xi32, #tpu.memory_space<hbm>>) dst(%dma_wait3A_333 : memref<80xi32, #tpu.memory_space<vmem>>)
    %dma_wait3A_336 = arith.constant 2 : i32
    %dma_wait3A_337 = arith.constant 2 : i32
    %dma_wait3A_338 = arith.constant 0 : i32
    %dma_wait3A_339 = tpu.memref_slice %arg7[%dma_wait3A_336, %dma_wait3A_338] : memref<8x80xi32, #tpu.memory_space<vmem>> -> memref<1x80xi32, #tpu.memory_space<vmem>>
    %dma_wait3A_340 = tpu.memref_squeeze %dma_wait3A_339 : memref<1x80xi32, #tpu.memory_space<vmem>> -> memref<80xi32, #tpu.memory_space<vmem>>
    %dma_wait3A_341 = arith.constant 0 : i32
    %dma_wait3A_342 = tpu.memref_slice %arg3[%dma_wait3A_341] : memref<320000xi32, #tpu.memory_space<hbm>> -> memref<80xi32, #tpu.memory_space<hbm>>
    %dma_wait3A_343 = tpu.memref_slice %arg10[%dma_wait3A_337] : memref<8x!tpu.dma_semaphore, #tpu.memory_space<semaphore_mem>> -> memref<1x!tpu.dma_semaphore, #tpu.memory_space<semaphore_mem>>
    %dma_wait3A_344 = tpu.memref_squeeze %dma_wait3A_343 : memref<1x!tpu.dma_semaphore, #tpu.memory_space<semaphore_mem>> -> memref<!tpu.dma_semaphore, #tpu.memory_space<semaphore_mem>>
    %dma_wait3A_345 = arith.constant 0 : i32
    %dma_wait3A_346 = tpu.memref_slice %arg7[%dma_wait3A_336, %dma_wait3A_345] : memref<8x80xi32, #tpu.memory_space<vmem>> -> memref<1x80xi32, #tpu.memory_space<vmem>>
    %dma_wait3A_347 = tpu.memref_squeeze %dma_wait3A_346 : memref<1x80xi32, #tpu.memory_space<vmem>> -> memref<80xi32, #tpu.memory_space<vmem>>
    %dma_wait3A_348 = arith.constant 0 : i32
    %dma_wait3A_349 = tpu.memref_slice %arg3[%dma_wait3A_348] : memref<320000xi32, #tpu.memory_space<hbm>> -> memref<80xi32, #tpu.memory_space<hbm>>
    tpu.wait_dma2 semaphore(%dma_wait3A_344 : memref<!tpu.dma_semaphore, #tpu.memory_space<semaphore_mem>>) src(%dma_wait3A_349 : memref<80xi32, #tpu.memory_space<hbm>>) dst(%dma_wait3A_347 : memref<80xi32, #tpu.memory_space<vmem>>)
    %dma_start3A_350 = arith.constant 2 : i32
    %dma_start3A_351 = arith.constant 2 : i32
    %dma_start3A_352 = arith.constant 2 : i32
    %dma_start3A_353 = arith.constant 0 : i32
    %dma_start3A_354 = arith.constant 0 : i32
    %dma_start3A_355 = tpu.memref_slice %arg8[%dma_start3A_351, %dma_start3A_353, %dma_start3A_354] : memref<4x80x128xf32, #tpu.memory_space<vmem>> -> memref<1x80x128xf32, #tpu.memory_space<vmem>>
    %dma_start3A_356 = tpu.memref_squeeze %dma_start3A_355 : memref<1x80x128xf32, #tpu.memory_space<vmem>> -> memref<80x128xf32, #tpu.memory_space<vmem>>
    %dma_start3A_357 = arith.constant 0 : i32
    %dma_start3A_358 = tpu.memref_slice %arg6[%dma_start3A_350, %dma_start3A_357] : memref<8x80xi32, #tpu.memory_space<vmem>> -> memref<1x80xi32, #tpu.memory_space<vmem>>
    %dma_start3A_359 = tpu.memref_squeeze %dma_start3A_358 : memref<1x80xi32, #tpu.memory_space<vmem>> -> memref<80xi32, #tpu.memory_space<vmem>>
    %dma_start3A_360 = arith.constant 0 : i32
    %dma_start3A_361 = arith.constant 0 : i32
    %dma_start3A_362 = tpu.memref_slice %arg2[%dma_start3A_360, %dma_start3A_361] : memref<10000x128xf32, #tpu.memory_space<hbm>> -> memref<10000x128xf32, #tpu.memory_space<hbm>>
    %dma_start3A_363 = tpu.memref_slice %arg11[%dma_start3A_352] : memref<4x!tpu.dma_semaphore, #tpu.memory_space<semaphore_mem>> -> memref<1x!tpu.dma_semaphore, #tpu.memory_space<semaphore_mem>>
    %dma_start3A_364 = tpu.memref_squeeze %dma_start3A_363 : memref<1x!tpu.dma_semaphore, #tpu.memory_space<semaphore_mem>> -> memref<!tpu.dma_semaphore, #tpu.memory_space<semaphore_mem>>
    tpu.enqueue_indirect_dma source(%dma_start3A_362 : memref<10000x128xf32, #tpu.memory_space<hbm>>) target(%dma_start3A_356 : memref<80x128xf32, #tpu.memory_space<vmem>>) offsets(%dma_start3A_359 : memref<80xi32, #tpu.memory_space<vmem>>) semaphore(%dma_start3A_364 : memref<!tpu.dma_semaphore, #tpu.memory_space<semaphore_mem>>)
    %mul3A_365 = arith.constant 10000 : i32
    %mul3A_366 = arith.muli %add3A, %mul3A_365 : i32
    %add3A_367 = arith.constant 480 : i32
    %add3A_368 = arith.addi %mul3A_366, %add3A_367 : i32
    %dma_start3A_369 = arith.constant 6 : i32
    %dma_start3A_370 = arith.constant 6 : i32
    %dma_start3A_371 = arith.constant 0 : i32
    %dma_start3A_372 = tpu.memref_slice %arg6[%dma_start3A_369, %dma_start3A_371] : memref<8x80xi32, #tpu.memory_space<vmem>> -> memref<1x80xi32, #tpu.memory_space<vmem>>
    %dma_start3A_373 = tpu.memref_squeeze %dma_start3A_372 : memref<1x80xi32, #tpu.memory_space<vmem>> -> memref<80xi32, #tpu.memory_space<vmem>>
    %dma_start3A_374 = tpu.memref_slice %arg3[%add3A_368] : memref<320000xi32, #tpu.memory_space<hbm>> -> memref<80xi32, #tpu.memory_space<hbm>>
    %dma_start3A_375 = tpu.memref_slice %arg10[%dma_start3A_370] : memref<8x!tpu.dma_semaphore, #tpu.memory_space<semaphore_mem>> -> memref<1x!tpu.dma_semaphore, #tpu.memory_space<semaphore_mem>>
    %dma_start3A_376 = tpu.memref_squeeze %dma_start3A_375 : memref<1x!tpu.dma_semaphore, #tpu.memory_space<semaphore_mem>> -> memref<!tpu.dma_semaphore, #tpu.memory_space<semaphore_mem>>
    %dma_start3A_377 = arith.constant 0 : i32
    %dma_start3A_378 = tpu.memref_slice %arg6[%dma_start3A_369, %dma_start3A_377] : memref<8x80xi32, #tpu.memory_space<vmem>> -> memref<1x80xi32, #tpu.memory_space<vmem>>
    %dma_start3A_379 = tpu.memref_squeeze %dma_start3A_378 : memref<1x80xi32, #tpu.memory_space<vmem>> -> memref<80xi32, #tpu.memory_space<vmem>>
    %dma_start3A_380 = tpu.memref_slice %arg3[%add3A_368] : memref<320000xi32, #tpu.memory_space<hbm>> -> memref<80xi32, #tpu.memory_space<hbm>>
    tpu.enqueue_dma source(%dma_start3A_380 : memref<80xi32, #tpu.memory_space<hbm>>) target(%dma_start3A_379 : memref<80xi32, #tpu.memory_space<vmem>>) target_semaphore(%dma_start3A_376 : memref<!tpu.dma_semaphore, #tpu.memory_space<semaphore_mem>>)
    %mul3A_381 = arith.constant 10000 : i32
    %mul3A_382 = arith.muli %add3A, %mul3A_381 : i32
    %add3A_383 = arith.constant 480 : i32
    %add3A_384 = arith.addi %mul3A_382, %add3A_383 : i32
    %dma_start3A_385 = arith.constant 6 : i32
    %dma_start3A_386 = arith.constant 6 : i32
    %dma_start3A_387 = arith.constant 0 : i32
    %dma_start3A_388 = tpu.memref_slice %arg7[%dma_start3A_385, %dma_start3A_387] : memref<8x80xi32, #tpu.memory_space<vmem>> -> memref<1x80xi32, #tpu.memory_space<vmem>>
    %dma_start3A_389 = tpu.memref_squeeze %dma_start3A_388 : memref<1x80xi32, #tpu.memory_space<vmem>> -> memref<80xi32, #tpu.memory_space<vmem>>
    %dma_start3A_390 = tpu.memref_slice %arg4[%add3A_384] : memref<320000xi32, #tpu.memory_space<hbm>> -> memref<80xi32, #tpu.memory_space<hbm>>
    %dma_start3A_391 = tpu.memref_slice %arg10[%dma_start3A_386] : memref<8x!tpu.dma_semaphore, #tpu.memory_space<semaphore_mem>> -> memref<1x!tpu.dma_semaphore, #tpu.memory_space<semaphore_mem>>
    %dma_start3A_392 = tpu.memref_squeeze %dma_start3A_391 : memref<1x!tpu.dma_semaphore, #tpu.memory_space<semaphore_mem>> -> memref<!tpu.dma_semaphore, #tpu.memory_space<semaphore_mem>>
    %dma_start3A_393 = arith.constant 0 : i32
    %dma_start3A_394 = tpu.memref_slice %arg7[%dma_start3A_385, %dma_start3A_393] : memref<8x80xi32, #tpu.memory_space<vmem>> -> memref<1x80xi32, #tpu.memory_space<vmem>>
    %dma_start3A_395 = tpu.memref_squeeze %dma_start3A_394 : memref<1x80xi32, #tpu.memory_space<vmem>> -> memref<80xi32, #tpu.memory_space<vmem>>
    %dma_start3A_396 = tpu.memref_slice %arg4[%add3A_384] : memref<320000xi32, #tpu.memory_space<hbm>> -> memref<80xi32, #tpu.memory_space<hbm>>
    tpu.enqueue_dma source(%dma_start3A_396 : memref<80xi32, #tpu.memory_space<hbm>>) target(%dma_start3A_395 : memref<80xi32, #tpu.memory_space<vmem>>) target_semaphore(%dma_start3A_392 : memref<!tpu.dma_semaphore, #tpu.memory_space<semaphore_mem>>)
    %dma_wait3A_397 = arith.constant 3 : i32
    %dma_wait3A_398 = arith.constant 3 : i32
    %dma_wait3A_399 = arith.constant 0 : i32
    %dma_wait3A_400 = tpu.memref_slice %arg6[%dma_wait3A_397, %dma_wait3A_399] : memref<8x80xi32, #tpu.memory_space<vmem>> -> memref<1x80xi32, #tpu.memory_space<vmem>>
    %dma_wait3A_401 = tpu.memref_squeeze %dma_wait3A_400 : memref<1x80xi32, #tpu.memory_space<vmem>> -> memref<80xi32, #tpu.memory_space<vmem>>
    %dma_wait3A_402 = arith.constant 0 : i32
    %dma_wait3A_403 = tpu.memref_slice %arg3[%dma_wait3A_402] : memref<320000xi32, #tpu.memory_space<hbm>> -> memref<80xi32, #tpu.memory_space<hbm>>
    %dma_wait3A_404 = tpu.memref_slice %arg10[%dma_wait3A_398] : memref<8x!tpu.dma_semaphore, #tpu.memory_space<semaphore_mem>> -> memref<1x!tpu.dma_semaphore, #tpu.memory_space<semaphore_mem>>
    %dma_wait3A_405 = tpu.memref_squeeze %dma_wait3A_404 : memref<1x!tpu.dma_semaphore, #tpu.memory_space<semaphore_mem>> -> memref<!tpu.dma_semaphore, #tpu.memory_space<semaphore_mem>>
    %dma_wait3A_406 = arith.constant 0 : i32
    %dma_wait3A_407 = tpu.memref_slice %arg6[%dma_wait3A_397, %dma_wait3A_406] : memref<8x80xi32, #tpu.memory_space<vmem>> -> memref<1x80xi32, #tpu.memory_space<vmem>>
    %dma_wait3A_408 = tpu.memref_squeeze %dma_wait3A_407 : memref<1x80xi32, #tpu.memory_space<vmem>> -> memref<80xi32, #tpu.memory_space<vmem>>
    %dma_wait3A_409 = arith.constant 0 : i32
    %dma_wait3A_410 = tpu.memref_slice %arg3[%dma_wait3A_409] : memref<320000xi32, #tpu.memory_space<hbm>> -> memref<80xi32, #tpu.memory_space<hbm>>
    tpu.wait_dma2 semaphore(%dma_wait3A_405 : memref<!tpu.dma_semaphore, #tpu.memory_space<semaphore_mem>>) src(%dma_wait3A_410 : memref<80xi32, #tpu.memory_space<hbm>>) dst(%dma_wait3A_408 : memref<80xi32, #tpu.memory_space<vmem>>)
    %dma_wait3A_411 = arith.constant 3 : i32
    %dma_wait3A_412 = arith.constant 3 : i32
    %dma_wait3A_413 = arith.constant 0 : i32
    %dma_wait3A_414 = tpu.memref_slice %arg7[%dma_wait3A_411, %dma_wait3A_413] : memref<8x80xi32, #tpu.memory_space<vmem>> -> memref<1x80xi32, #tpu.memory_space<vmem>>
    %dma_wait3A_415 = tpu.memref_squeeze %dma_wait3A_414 : memref<1x80xi32, #tpu.memory_space<vmem>> -> memref<80xi32, #tpu.memory_space<vmem>>
    %dma_wait3A_416 = arith.constant 0 : i32
    %dma_wait3A_417 = tpu.memref_slice %arg3[%dma_wait3A_416] : memref<320000xi32, #tpu.memory_space<hbm>> -> memref<80xi32, #tpu.memory_space<hbm>>
    %dma_wait3A_418 = tpu.memref_slice %arg10[%dma_wait3A_412] : memref<8x!tpu.dma_semaphore, #tpu.memory_space<semaphore_mem>> -> memref<1x!tpu.dma_semaphore, #tpu.memory_space<semaphore_mem>>
    %dma_wait3A_419 = tpu.memref_squeeze %dma_wait3A_418 : memref<1x!tpu.dma_semaphore, #tpu.memory_space<semaphore_mem>> -> memref<!tpu.dma_semaphore, #tpu.memory_space<semaphore_mem>>
    %dma_wait3A_420 = arith.constant 0 : i32
    %dma_wait3A_421 = tpu.memref_slice %arg7[%dma_wait3A_411, %dma_wait3A_420] : memref<8x80xi32, #tpu.memory_space<vmem>> -> memref<1x80xi32, #tpu.memory_space<vmem>>
    %dma_wait3A_422 = tpu.memref_squeeze %dma_wait3A_421 : memref<1x80xi32, #tpu.memory_space<vmem>> -> memref<80xi32, #tpu.memory_space<vmem>>
    %dma_wait3A_423 = arith.constant 0 : i32
    %dma_wait3A_424 = tpu.memref_slice %arg3[%dma_wait3A_423] : memref<320000xi32, #tpu.memory_space<hbm>> -> memref<80xi32, #tpu.memory_space<hbm>>
    tpu.wait_dma2 semaphore(%dma_wait3A_419 : memref<!tpu.dma_semaphore, #tpu.memory_space<semaphore_mem>>) src(%dma_wait3A_424 : memref<80xi32, #tpu.memory_space<hbm>>) dst(%dma_wait3A_422 : memref<80xi32, #tpu.memory_space<vmem>>)
    %dma_start3A_425 = arith.constant 3 : i32
    %dma_start3A_426 = arith.constant 3 : i32
    %dma_start3A_427 = arith.constant 3 : i32
    %dma_start3A_428 = arith.constant 0 : i32
    %dma_start3A_429 = arith.constant 0 : i32
    %dma_start3A_430 = tpu.memref_slice %arg8[%dma_start3A_426, %dma_start3A_428, %dma_start3A_429] : memref<4x80x128xf32, #tpu.memory_space<vmem>> -> memref<1x80x128xf32, #tpu.memory_space<vmem>>
    %dma_start3A_431 = tpu.memref_squeeze %dma_start3A_430 : memref<1x80x128xf32, #tpu.memory_space<vmem>> -> memref<80x128xf32, #tpu.memory_space<vmem>>
    %dma_start3A_432 = arith.constant 0 : i32
    %dma_start3A_433 = tpu.memref_slice %arg6[%dma_start3A_425, %dma_start3A_432] : memref<8x80xi32, #tpu.memory_space<vmem>> -> memref<1x80xi32, #tpu.memory_space<vmem>>
    %dma_start3A_434 = tpu.memref_squeeze %dma_start3A_433 : memref<1x80xi32, #tpu.memory_space<vmem>> -> memref<80xi32, #tpu.memory_space<vmem>>
    %dma_start3A_435 = arith.constant 0 : i32
    %dma_start3A_436 = arith.constant 0 : i32
    %dma_start3A_437 = tpu.memref_slice %arg2[%dma_start3A_435, %dma_start3A_436] : memref<10000x128xf32, #tpu.memory_space<hbm>> -> memref<10000x128xf32, #tpu.memory_space<hbm>>
    %dma_start3A_438 = tpu.memref_slice %arg11[%dma_start3A_427] : memref<4x!tpu.dma_semaphore, #tpu.memory_space<semaphore_mem>> -> memref<1x!tpu.dma_semaphore, #tpu.memory_space<semaphore_mem>>
    %dma_start3A_439 = tpu.memref_squeeze %dma_start3A_438 : memref<1x!tpu.dma_semaphore, #tpu.memory_space<semaphore_mem>> -> memref<!tpu.dma_semaphore, #tpu.memory_space<semaphore_mem>>
    tpu.enqueue_indirect_dma source(%dma_start3A_437 : memref<10000x128xf32, #tpu.memory_space<hbm>>) target(%dma_start3A_431 : memref<80x128xf32, #tpu.memory_space<vmem>>) offsets(%dma_start3A_434 : memref<80xi32, #tpu.memory_space<vmem>>) semaphore(%dma_start3A_439 : memref<!tpu.dma_semaphore, #tpu.memory_space<semaphore_mem>>)
    %mul3A_440 = arith.constant 10000 : i32
    %mul3A_441 = arith.muli %add3A, %mul3A_440 : i32
    %add3A_442 = arith.constant 560 : i32
    %add3A_443 = arith.addi %mul3A_441, %add3A_442 : i32
    %dma_start3A_444 = arith.constant 7 : i32
    %dma_start3A_445 = arith.constant 7 : i32
    %dma_start3A_446 = arith.constant 0 : i32
    %dma_start3A_447 = tpu.memref_slice %arg6[%dma_start3A_444, %dma_start3A_446] : memref<8x80xi32, #tpu.memory_space<vmem>> -> memref<1x80xi32, #tpu.memory_space<vmem>>
    %dma_start3A_448 = tpu.memref_squeeze %dma_start3A_447 : memref<1x80xi32, #tpu.memory_space<vmem>> -> memref<80xi32, #tpu.memory_space<vmem>>
    %dma_start3A_449 = tpu.memref_slice %arg3[%add3A_443] : memref<320000xi32, #tpu.memory_space<hbm>> -> memref<80xi32, #tpu.memory_space<hbm>>
    %dma_start3A_450 = tpu.memref_slice %arg10[%dma_start3A_445] : memref<8x!tpu.dma_semaphore, #tpu.memory_space<semaphore_mem>> -> memref<1x!tpu.dma_semaphore, #tpu.memory_space<semaphore_mem>>
    %dma_start3A_451 = tpu.memref_squeeze %dma_start3A_450 : memref<1x!tpu.dma_semaphore, #tpu.memory_space<semaphore_mem>> -> memref<!tpu.dma_semaphore, #tpu.memory_space<semaphore_mem>>
    %dma_start3A_452 = arith.constant 0 : i32
    %dma_start3A_453 = tpu.memref_slice %arg6[%dma_start3A_444, %dma_start3A_452] : memref<8x80xi32, #tpu.memory_space<vmem>> -> memref<1x80xi32, #tpu.memory_space<vmem>>
    %dma_start3A_454 = tpu.memref_squeeze %dma_start3A_453 : memref<1x80xi32, #tpu.memory_space<vmem>> -> memref<80xi32, #tpu.memory_space<vmem>>
    %dma_start3A_455 = tpu.memref_slice %arg3[%add3A_443] : memref<320000xi32, #tpu.memory_space<hbm>> -> memref<80xi32, #tpu.memory_space<hbm>>
    tpu.enqueue_dma source(%dma_start3A_455 : memref<80xi32, #tpu.memory_space<hbm>>) target(%dma_start3A_454 : memref<80xi32, #tpu.memory_space<vmem>>) target_semaphore(%dma_start3A_451 : memref<!tpu.dma_semaphore, #tpu.memory_space<semaphore_mem>>)
    %mul3A_456 = arith.constant 10000 : i32
    %mul3A_457 = arith.muli %add3A, %mul3A_456 : i32
    %add3A_458 = arith.constant 560 : i32
    %add3A_459 = arith.addi %mul3A_457, %add3A_458 : i32
    %dma_start3A_460 = arith.constant 7 : i32
    %dma_start3A_461 = arith.constant 7 : i32
    %dma_start3A_462 = arith.constant 0 : i32
    %dma_start3A_463 = tpu.memref_slice %arg7[%dma_start3A_460, %dma_start3A_462] : memref<8x80xi32, #tpu.memory_space<vmem>> -> memref<1x80xi32, #tpu.memory_space<vmem>>
    %dma_start3A_464 = tpu.memref_squeeze %dma_start3A_463 : memref<1x80xi32, #tpu.memory_space<vmem>> -> memref<80xi32, #tpu.memory_space<vmem>>
    %dma_start3A_465 = tpu.memref_slice %arg4[%add3A_459] : memref<320000xi32, #tpu.memory_space<hbm>> -> memref<80xi32, #tpu.memory_space<hbm>>
    %dma_start3A_466 = tpu.memref_slice %arg10[%dma_start3A_461] : memref<8x!tpu.dma_semaphore, #tpu.memory_space<semaphore_mem>> -> memref<1x!tpu.dma_semaphore, #tpu.memory_space<semaphore_mem>>
    %dma_start3A_467 = tpu.memref_squeeze %dma_start3A_466 : memref<1x!tpu.dma_semaphore, #tpu.memory_space<semaphore_mem>> -> memref<!tpu.dma_semaphore, #tpu.memory_space<semaphore_mem>>
    %dma_start3A_468 = arith.constant 0 : i32
    %dma_start3A_469 = tpu.memref_slice %arg7[%dma_start3A_460, %dma_start3A_468] : memref<8x80xi32, #tpu.memory_space<vmem>> -> memref<1x80xi32, #tpu.memory_space<vmem>>
    %dma_start3A_470 = tpu.memref_squeeze %dma_start3A_469 : memref<1x80xi32, #tpu.memory_space<vmem>> -> memref<80xi32, #tpu.memory_space<vmem>>
    %dma_start3A_471 = tpu.memref_slice %arg4[%add3A_459] : memref<320000xi32, #tpu.memory_space<hbm>> -> memref<80xi32, #tpu.memory_space<hbm>>
    tpu.enqueue_dma source(%dma_start3A_471 : memref<80xi32, #tpu.memory_space<hbm>>) target(%dma_start3A_470 : memref<80xi32, #tpu.memory_space<vmem>>) target_semaphore(%dma_start3A_467 : memref<!tpu.dma_semaphore, #tpu.memory_space<semaphore_mem>>)
    %scan3A_472 = arith.constant 0 : i32
    %scan3A_473 = arith.constant 0 : i32
    %scan3A_474 = arith.constant 15 : i32
    %scan3A_475 = arith.addi %scan3A_473, %scan3A_474 : i32
    %scan3A_476 = arith.constant 1 : i32
    scf.for %scan3A_626 = %scan3A_473 to %scan3A_475 step %scan3A_476  : i32 {
      %mul3A_627 = arith.constant 8 : i32
      %mul3A_628 = arith.muli %scan3A_626, %mul3A_627 : i32
      %add3A_629 = arith.constant 0 : i32
      %add3A_630 = arith.addi %mul3A_628, %add3A_629 : i32
      %dma_wait3A_631 = arith.constant 0 : i32
      %dma_wait3A_632 = arith.constant 0 : i32
      %dma_wait3A_633 = arith.constant 0 : i32
      %dma_wait3A_634 = arith.constant 0 : i32
      %dma_wait3A_635 = tpu.memref_slice %arg8[%dma_wait3A_631, %dma_wait3A_633, %dma_wait3A_634] : memref<4x80x128xf32, #tpu.memory_space<vmem>> -> memref<1x80x128xf32, #tpu.memory_space<vmem>>
      %dma_wait3A_636 = tpu.memref_squeeze %dma_wait3A_635 : memref<1x80x128xf32, #tpu.memory_space<vmem>> -> memref<80x128xf32, #tpu.memory_space<vmem>>
      %dma_wait3A_637 = arith.constant 0 : i32
      %dma_wait3A_638 = arith.constant 0 : i32
      %dma_wait3A_639 = tpu.memref_slice %arg2[%dma_wait3A_637, %dma_wait3A_638] : memref<10000x128xf32, #tpu.memory_space<hbm>> -> memref<80x128xf32, #tpu.memory_space<hbm>>
      %dma_wait3A_640 = tpu.memref_slice %arg11[%dma_wait3A_632] : memref<4x!tpu.dma_semaphore, #tpu.memory_space<semaphore_mem>> -> memref<1x!tpu.dma_semaphore, #tpu.memory_space<semaphore_mem>>
      %dma_wait3A_641 = tpu.memref_squeeze %dma_wait3A_640 : memref<1x!tpu.dma_semaphore, #tpu.memory_space<semaphore_mem>> -> memref<!tpu.dma_semaphore, #tpu.memory_space<semaphore_mem>>
      %dma_wait3A_642 = arith.constant 0 : i32
      %dma_wait3A_643 = arith.constant 0 : i32
      %dma_wait3A_644 = tpu.memref_slice %arg8[%dma_wait3A_631, %dma_wait3A_642, %dma_wait3A_643] : memref<4x80x128xf32, #tpu.memory_space<vmem>> -> memref<1x80x128xf32, #tpu.memory_space<vmem>>
      %dma_wait3A_645 = tpu.memref_squeeze %dma_wait3A_644 : memref<1x80x128xf32, #tpu.memory_space<vmem>> -> memref<80x128xf32, #tpu.memory_space<vmem>>
      %dma_wait3A_646 = arith.constant 0 : i32
      %dma_wait3A_647 = arith.constant 0 : i32
      %dma_wait3A_648 = tpu.memref_slice %arg2[%dma_wait3A_646, %dma_wait3A_647] : memref<10000x128xf32, #tpu.memory_space<hbm>> -> memref<80x128xf32, #tpu.memory_space<hbm>>
      tpu.wait_dma2 semaphore(%dma_wait3A_641 : memref<!tpu.dma_semaphore, #tpu.memory_space<semaphore_mem>>) src(%dma_wait3A_648 : memref<80x128xf32, #tpu.memory_space<hbm>>) dst(%dma_wait3A_645 : memref<80x128xf32, #tpu.memory_space<vmem>>)
      %run_scoped3A_649 = arith.constant 0 : i32
      %run_scoped3A_650 = arith.constant 0 : i32
      "tpu.region"() ({
        %run_scoped3A_1216 = tpu.sem_alloc : memref<!tpu.dma_semaphore, #tpu.memory_space<semaphore_mem>>
        %dma_start3A_1217 = arith.constant 0 : i32
        %dma_start3A_1218 = arith.constant 0 : i32
        %dma_start3A_1219 = tpu.memref_slice %arg8[%run_scoped3A_649, %dma_start3A_1217, %dma_start3A_1218] : memref<4x80x128xf32, #tpu.memory_space<vmem>> -> memref<1x80x128xf32, #tpu.memory_space<vmem>>
        %dma_start3A_1220 = tpu.memref_squeeze %dma_start3A_1219 : memref<1x80x128xf32, #tpu.memory_space<vmem>> -> memref<80x128xf32, #tpu.memory_space<vmem>>
        %dma_start3A_1221 = arith.constant 0 : i32
        %dma_start3A_1222 = tpu.memref_slice %arg7[%run_scoped3A_650, %dma_start3A_1221] : memref<8x80xi32, #tpu.memory_space<vmem>> -> memref<1x80xi32, #tpu.memory_space<vmem>>
        %dma_start3A_1223 = tpu.memref_squeeze %dma_start3A_1222 : memref<1x80xi32, #tpu.memory_space<vmem>> -> memref<80xi32, #tpu.memory_space<vmem>>
        %dma_start3A_1224 = arith.constant 0 : i32
        %dma_start3A_1225 = arith.constant 0 : i32
        %dma_start3A_1226 = tpu.memref_slice %arg9[%dma_start3A_1224, %dma_start3A_1225] : memref<10240x128xf32, #tpu.memory_space<vmem_shared>> -> memref<10240x128xf32, #tpu.memory_space<vmem_shared>>
        tpu.enqueue_indirect_dma source(%dma_start3A_1220 : memref<80x128xf32, #tpu.memory_space<vmem>>) target(%dma_start3A_1226 : memref<10240x128xf32, #tpu.memory_space<vmem_shared>>) offsets(%dma_start3A_1223 : memref<80xi32, #tpu.memory_space<vmem>>) semaphore(%run_scoped3A_1216 : memref<!tpu.dma_semaphore, #tpu.memory_space<semaphore_mem>>) {add = true}
        %dma_wait3A_1227 = arith.constant 0 : i32
        %dma_wait3A_1228 = arith.constant 0 : i32
        %dma_wait3A_1229 = tpu.memref_slice %arg8[%run_scoped3A_649, %dma_wait3A_1227, %dma_wait3A_1228] : memref<4x80x128xf32, #tpu.memory_space<vmem>> -> memref<1x80x128xf32, #tpu.memory_space<vmem>>
        %dma_wait3A_1230 = tpu.memref_squeeze %dma_wait3A_1229 : memref<1x80x128xf32, #tpu.memory_space<vmem>> -> memref<80x128xf32, #tpu.memory_space<vmem>>
        %dma_wait3A_1231 = arith.constant 0 : i32
        %dma_wait3A_1232 = tpu.memref_slice %arg7[%run_scoped3A_650, %dma_wait3A_1231] : memref<8x80xi32, #tpu.memory_space<vmem>> -> memref<1x80xi32, #tpu.memory_space<vmem>>
        %dma_wait3A_1233 = tpu.memref_squeeze %dma_wait3A_1232 : memref<1x80xi32, #tpu.memory_space<vmem>> -> memref<80xi32, #tpu.memory_space<vmem>>
        %dma_wait3A_1234 = arith.constant 0 : i32
        %dma_wait3A_1235 = arith.constant 0 : i32
        %dma_wait3A_1236 = tpu.memref_slice %arg9[%dma_wait3A_1234, %dma_wait3A_1235] : memref<10240x128xf32, #tpu.memory_space<vmem_shared>> -> memref<10240x128xf32, #tpu.memory_space<vmem_shared>>
        tpu.wait_indirect_dma semaphore(%run_scoped3A_1216 : memref<!tpu.dma_semaphore, #tpu.memory_space<semaphore_mem>>) src(%dma_wait3A_1230 : memref<80x128xf32, #tpu.memory_space<vmem>>) dst(%dma_wait3A_1236 : memref<10240x128xf32, #tpu.memory_space<vmem_shared>>)
        tpu.yield
      }) : () -> ()
      %add3A_651 = arith.constant 8 : i32
      %add3A_652 = arith.addi %add3A_630, %add3A_651 : i32
      %lt3A = arith.constant 125 : i32
      %lt3A_653 = arith.cmpi slt, %add3A_652, %lt3A : i32
      %convert_element_type3A = arith.extui %lt3A_653 : i1 to i32
      %cond3A = arith.constant 0 : i32
      %cond3A_654 = arith.cmpi ne, %convert_element_type3A, %cond3A : i32
      scf.if %cond3A_654 {
        %add3A_1216 = arith.constant 8 : i32
        %add3A_1217 = arith.addi %add3A_630, %add3A_1216 : i32
        %mul3A_1218 = arith.constant 10000 : i32
        %mul3A_1219 = arith.muli %add3A, %mul3A_1218 : i32
        %mul3A_1220 = arith.constant 80 : i32
        %mul3A_1221 = arith.muli %add3A_1217, %mul3A_1220 : i32
        %add3A_1222 = arith.addi %mul3A_1219, %mul3A_1221 : i32
        %dma_start3A_1223 = arith.constant 0 : i32
        %dma_start3A_1224 = arith.constant 0 : i32
        %dma_start3A_1225 = arith.constant 0 : i32
        %dma_start3A_1226 = tpu.memref_slice %arg6[%dma_start3A_1223, %dma_start3A_1225] : memref<8x80xi32, #tpu.memory_space<vmem>> -> memref<1x80xi32, #tpu.memory_space<vmem>>
        %dma_start3A_1227 = tpu.memref_squeeze %dma_start3A_1226 : memref<1x80xi32, #tpu.memory_space<vmem>> -> memref<80xi32, #tpu.memory_space<vmem>>
        %dma_start3A_1228 = tpu.memref_slice %arg3[%add3A_1222] : memref<320000xi32, #tpu.memory_space<hbm>> -> memref<80xi32, #tpu.memory_space<hbm>>
        %dma_start3A_1229 = tpu.memref_slice %arg10[%dma_start3A_1224] : memref<8x!tpu.dma_semaphore, #tpu.memory_space<semaphore_mem>> -> memref<1x!tpu.dma_semaphore, #tpu.memory_space<semaphore_mem>>
        %dma_start3A_1230 = tpu.memref_squeeze %dma_start3A_1229 : memref<1x!tpu.dma_semaphore, #tpu.memory_space<semaphore_mem>> -> memref<!tpu.dma_semaphore, #tpu.memory_space<semaphore_mem>>
        %dma_start3A_1231 = arith.constant 0 : i32
        %dma_start3A_1232 = tpu.memref_slice %arg6[%dma_start3A_1223, %dma_start3A_1231] : memref<8x80xi32, #tpu.memory_space<vmem>> -> memref<1x80xi32, #tpu.memory_space<vmem>>
        %dma_start3A_1233 = tpu.memref_squeeze %dma_start3A_1232 : memref<1x80xi32, #tpu.memory_space<vmem>> -> memref<80xi32, #tpu.memory_space<vmem>>
        %dma_start3A_1234 = tpu.memref_slice %arg3[%add3A_1222] : memref<320000xi32, #tpu.memory_space<hbm>> -> memref<80xi32, #tpu.memory_space<hbm>>
        tpu.enqueue_dma source(%dma_start3A_1234 : memref<80xi32, #tpu.memory_space<hbm>>) target(%dma_start3A_1233 : memref<80xi32, #tpu.memory_space<vmem>>) target_semaphore(%dma_start3A_1230 : memref<!tpu.dma_semaphore, #tpu.memory_space<semaphore_mem>>)
        %mul3A_1235 = arith.constant 10000 : i32
        %mul3A_1236 = arith.muli %add3A, %mul3A_1235 : i32
        %mul3A_1237 = arith.constant 80 : i32
        %mul3A_1238 = arith.muli %add3A_1217, %mul3A_1237 : i32
        %add3A_1239 = arith.addi %mul3A_1236, %mul3A_1238 : i32
        %dma_start3A_1240 = arith.constant 0 : i32
        %dma_start3A_1241 = arith.constant 0 : i32
        %dma_start3A_1242 = arith.constant 0 : i32
        %dma_start3A_1243 = tpu.memref_slice %arg7[%dma_start3A_1240, %dma_start3A_1242] : memref<8x80xi32, #tpu.memory_space<vmem>> -> memref<1x80xi32, #tpu.memory_space<vmem>>
        %dma_start3A_1244 = tpu.memref_squeeze %dma_start3A_1243 : memref<1x80xi32, #tpu.memory_space<vmem>> -> memref<80xi32, #tpu.memory_space<vmem>>
        %dma_start3A_1245 = tpu.memref_slice %arg4[%add3A_1239] : memref<320000xi32, #tpu.memory_space<hbm>> -> memref<80xi32, #tpu.memory_space<hbm>>
        %dma_start3A_1246 = tpu.memref_slice %arg10[%dma_start3A_1241] : memref<8x!tpu.dma_semaphore, #tpu.memory_space<semaphore_mem>> -> memref<1x!tpu.dma_semaphore, #tpu.memory_space<semaphore_mem>>
        %dma_start3A_1247 = tpu.memref_squeeze %dma_start3A_1246 : memref<1x!tpu.dma_semaphore, #tpu.memory_space<semaphore_mem>> -> memref<!tpu.dma_semaphore, #tpu.memory_space<semaphore_mem>>
        %dma_start3A_1248 = arith.constant 0 : i32
        %dma_start3A_1249 = tpu.memref_slice %arg7[%dma_start3A_1240, %dma_start3A_1248] : memref<8x80xi32, #tpu.memory_space<vmem>> -> memref<1x80xi32, #tpu.memory_space<vmem>>
        %dma_start3A_1250 = tpu.memref_squeeze %dma_start3A_1249 : memref<1x80xi32, #tpu.memory_space<vmem>> -> memref<80xi32, #tpu.memory_space<vmem>>
        %dma_start3A_1251 = tpu.memref_slice %arg4[%add3A_1239] : memref<320000xi32, #tpu.memory_space<hbm>> -> memref<80xi32, #tpu.memory_space<hbm>>
        tpu.enqueue_dma source(%dma_start3A_1251 : memref<80xi32, #tpu.memory_space<hbm>>) target(%dma_start3A_1250 : memref<80xi32, #tpu.memory_space<vmem>>) target_semaphore(%dma_start3A_1247 : memref<!tpu.dma_semaphore, #tpu.memory_space<semaphore_mem>>)
      } else {
      }
      %dma_wait3A_655 = arith.constant 4 : i32
      %dma_wait3A_656 = arith.constant 4 : i32
      %dma_wait3A_657 = arith.constant 0 : i32
      %dma_wait3A_658 = tpu.memref_slice %arg6[%dma_wait3A_655, %dma_wait3A_657] : memref<8x80xi32, #tpu.memory_space<vmem>> -> memref<1x80xi32, #tpu.memory_space<vmem>>
      %dma_wait3A_659 = tpu.memref_squeeze %dma_wait3A_658 : memref<1x80xi32, #tpu.memory_space<vmem>> -> memref<80xi32, #tpu.memory_space<vmem>>
      %dma_wait3A_660 = arith.constant 0 : i32
      %dma_wait3A_661 = tpu.memref_slice %arg3[%dma_wait3A_660] : memref<320000xi32, #tpu.memory_space<hbm>> -> memref<80xi32, #tpu.memory_space<hbm>>
      %dma_wait3A_662 = tpu.memref_slice %arg10[%dma_wait3A_656] : memref<8x!tpu.dma_semaphore, #tpu.memory_space<semaphore_mem>> -> memref<1x!tpu.dma_semaphore, #tpu.memory_space<semaphore_mem>>
      %dma_wait3A_663 = tpu.memref_squeeze %dma_wait3A_662 : memref<1x!tpu.dma_semaphore, #tpu.memory_space<semaphore_mem>> -> memref<!tpu.dma_semaphore, #tpu.memory_space<semaphore_mem>>
      %dma_wait3A_664 = arith.constant 0 : i32
      %dma_wait3A_665 = tpu.memref_slice %arg6[%dma_wait3A_655, %dma_wait3A_664] : memref<8x80xi32, #tpu.memory_space<vmem>> -> memref<1x80xi32, #tpu.memory_space<vmem>>
      %dma_wait3A_666 = tpu.memref_squeeze %dma_wait3A_665 : memref<1x80xi32, #tpu.memory_space<vmem>> -> memref<80xi32, #tpu.memory_space<vmem>>
      %dma_wait3A_667 = arith.constant 0 : i32
      %dma_wait3A_668 = tpu.memref_slice %arg3[%dma_wait3A_667] : memref<320000xi32, #tpu.memory_space<hbm>> -> memref<80xi32, #tpu.memory_space<hbm>>
      tpu.wait_dma2 semaphore(%dma_wait3A_663 : memref<!tpu.dma_semaphore, #tpu.memory_space<semaphore_mem>>) src(%dma_wait3A_668 : memref<80xi32, #tpu.memory_space<hbm>>) dst(%dma_wait3A_666 : memref<80xi32, #tpu.memory_space<vmem>>)
      %dma_wait3A_669 = arith.constant 4 : i32
      %dma_wait3A_670 = arith.constant 4 : i32
      %dma_wait3A_671 = arith.constant 0 : i32
      %dma_wait3A_672 = tpu.memref_slice %arg7[%dma_wait3A_669, %dma_wait3A_671] : memref<8x80xi32, #tpu.memory_space<vmem>> -> memref<1x80xi32, #tpu.memory_space<vmem>>
      %dma_wait3A_673 = tpu.memref_squeeze %dma_wait3A_672 : memref<1x80xi32, #tpu.memory_space<vmem>> -> memref<80xi32, #tpu.memory_space<vmem>>
      %dma_wait3A_674 = arith.constant 0 : i32
      %dma_wait3A_675 = tpu.memref_slice %arg3[%dma_wait3A_674] : memref<320000xi32, #tpu.memory_space<hbm>> -> memref<80xi32, #tpu.memory_space<hbm>>
      %dma_wait3A_676 = tpu.memref_slice %arg10[%dma_wait3A_670] : memref<8x!tpu.dma_semaphore, #tpu.memory_space<semaphore_mem>> -> memref<1x!tpu.dma_semaphore, #tpu.memory_space<semaphore_mem>>
      %dma_wait3A_677 = tpu.memref_squeeze %dma_wait3A_676 : memref<1x!tpu.dma_semaphore, #tpu.memory_space<semaphore_mem>> -> memref<!tpu.dma_semaphore, #tpu.memory_space<semaphore_mem>>
      %dma_wait3A_678 = arith.constant 0 : i32
      %dma_wait3A_679 = tpu.memref_slice %arg7[%dma_wait3A_669, %dma_wait3A_678] : memref<8x80xi32, #tpu.memory_space<vmem>> -> memref<1x80xi32, #tpu.memory_space<vmem>>
      %dma_wait3A_680 = tpu.memref_squeeze %dma_wait3A_679 : memref<1x80xi32, #tpu.memory_space<vmem>> -> memref<80xi32, #tpu.memory_space<vmem>>
      %dma_wait3A_681 = arith.constant 0 : i32
      %dma_wait3A_682 = tpu.memref_slice %arg3[%dma_wait3A_681] : memref<320000xi32, #tpu.memory_space<hbm>> -> memref<80xi32, #tpu.memory_space<hbm>>
      tpu.wait_dma2 semaphore(%dma_wait3A_677 : memref<!tpu.dma_semaphore, #tpu.memory_space<semaphore_mem>>) src(%dma_wait3A_682 : memref<80xi32, #tpu.memory_space<hbm>>) dst(%dma_wait3A_680 : memref<80xi32, #tpu.memory_space<vmem>>)
      %dma_start3A_683 = arith.constant 4 : i32
      %dma_start3A_684 = arith.constant 0 : i32
      %dma_start3A_685 = arith.constant 0 : i32
      %dma_start3A_686 = arith.constant 0 : i32
      %dma_start3A_687 = arith.constant 0 : i32
      %dma_start3A_688 = tpu.memref_slice %arg8[%dma_start3A_684, %dma_start3A_686, %dma_start3A_687] : memref<4x80x128xf32, #tpu.memory_space<vmem>> -> memref<1x80x128xf32, #tpu.memory_space<vmem>>
      %dma_start3A_689 = tpu.memref_squeeze %dma_start3A_688 : memref<1x80x128xf32, #tpu.memory_space<vmem>> -> memref<80x128xf32, #tpu.memory_space<vmem>>
      %dma_start3A_690 = arith.constant 0 : i32
      %dma_start3A_691 = tpu.memref_slice %arg6[%dma_start3A_683, %dma_start3A_690] : memref<8x80xi32, #tpu.memory_space<vmem>> -> memref<1x80xi32, #tpu.memory_space<vmem>>
      %dma_start3A_692 = tpu.memref_squeeze %dma_start3A_691 : memref<1x80xi32, #tpu.memory_space<vmem>> -> memref<80xi32, #tpu.memory_space<vmem>>
      %dma_start3A_693 = arith.constant 0 : i32
      %dma_start3A_694 = arith.constant 0 : i32
      %dma_start3A_695 = tpu.memref_slice %arg2[%dma_start3A_693, %dma_start3A_694] : memref<10000x128xf32, #tpu.memory_space<hbm>> -> memref<10000x128xf32, #tpu.memory_space<hbm>>
      %dma_start3A_696 = tpu.memref_slice %arg11[%dma_start3A_685] : memref<4x!tpu.dma_semaphore, #tpu.memory_space<semaphore_mem>> -> memref<1x!tpu.dma_semaphore, #tpu.memory_space<semaphore_mem>>
      %dma_start3A_697 = tpu.memref_squeeze %dma_start3A_696 : memref<1x!tpu.dma_semaphore, #tpu.memory_space<semaphore_mem>> -> memref<!tpu.dma_semaphore, #tpu.memory_space<semaphore_mem>>
      tpu.enqueue_indirect_dma source(%dma_start3A_695 : memref<10000x128xf32, #tpu.memory_space<hbm>>) target(%dma_start3A_689 : memref<80x128xf32, #tpu.memory_space<vmem>>) offsets(%dma_start3A_692 : memref<80xi32, #tpu.memory_space<vmem>>) semaphore(%dma_start3A_697 : memref<!tpu.dma_semaphore, #tpu.memory_space<semaphore_mem>>)
      %mul3A_698 = arith.constant 8 : i32
      %mul3A_699 = arith.muli %scan3A_626, %mul3A_698 : i32
      %add3A_700 = arith.constant 1 : i32
      %add3A_701 = arith.addi %mul3A_699, %add3A_700 : i32
      %dma_wait3A_702 = arith.constant 1 : i32
      %dma_wait3A_703 = arith.constant 1 : i32
      %dma_wait3A_704 = arith.constant 0 : i32
      %dma_wait3A_705 = arith.constant 0 : i32
      %dma_wait3A_706 = tpu.memref_slice %arg8[%dma_wait3A_702, %dma_wait3A_704, %dma_wait3A_705] : memref<4x80x128xf32, #tpu.memory_space<vmem>> -> memref<1x80x128xf32, #tpu.memory_space<vmem>>
      %dma_wait3A_707 = tpu.memref_squeeze %dma_wait3A_706 : memref<1x80x128xf32, #tpu.memory_space<vmem>> -> memref<80x128xf32, #tpu.memory_space<vmem>>
      %dma_wait3A_708 = arith.constant 0 : i32
      %dma_wait3A_709 = arith.constant 0 : i32
      %dma_wait3A_710 = tpu.memref_slice %arg2[%dma_wait3A_708, %dma_wait3A_709] : memref<10000x128xf32, #tpu.memory_space<hbm>> -> memref<80x128xf32, #tpu.memory_space<hbm>>
      %dma_wait3A_711 = tpu.memref_slice %arg11[%dma_wait3A_703] : memref<4x!tpu.dma_semaphore, #tpu.memory_space<semaphore_mem>> -> memref<1x!tpu.dma_semaphore, #tpu.memory_space<semaphore_mem>>
      %dma_wait3A_712 = tpu.memref_squeeze %dma_wait3A_711 : memref<1x!tpu.dma_semaphore, #tpu.memory_space<semaphore_mem>> -> memref<!tpu.dma_semaphore, #tpu.memory_space<semaphore_mem>>
      %dma_wait3A_713 = arith.constant 0 : i32
      %dma_wait3A_714 = arith.constant 0 : i32
      %dma_wait3A_715 = tpu.memref_slice %arg8[%dma_wait3A_702, %dma_wait3A_713, %dma_wait3A_714] : memref<4x80x128xf32, #tpu.memory_space<vmem>> -> memref<1x80x128xf32, #tpu.memory_space<vmem>>
      %dma_wait3A_716 = tpu.memref_squeeze %dma_wait3A_715 : memref<1x80x128xf32, #tpu.memory_space<vmem>> -> memref<80x128xf32, #tpu.memory_space<vmem>>
      %dma_wait3A_717 = arith.constant 0 : i32
      %dma_wait3A_718 = arith.constant 0 : i32
      %dma_wait3A_719 = tpu.memref_slice %arg2[%dma_wait3A_717, %dma_wait3A_718] : memref<10000x128xf32, #tpu.memory_space<hbm>> -> memref<80x128xf32, #tpu.memory_space<hbm>>
      tpu.wait_dma2 semaphore(%dma_wait3A_712 : memref<!tpu.dma_semaphore, #tpu.memory_space<semaphore_mem>>) src(%dma_wait3A_719 : memref<80x128xf32, #tpu.memory_space<hbm>>) dst(%dma_wait3A_716 : memref<80x128xf32, #tpu.memory_space<vmem>>)
      %run_scoped3A_720 = arith.constant 1 : i32
      %run_scoped3A_721 = arith.constant 1 : i32
      "tpu.region"() ({
        %run_scoped3A_1216 = tpu.sem_alloc : memref<!tpu.dma_semaphore, #tpu.memory_space<semaphore_mem>>
        %dma_start3A_1217 = arith.constant 0 : i32
        %dma_start3A_1218 = arith.constant 0 : i32
        %dma_start3A_1219 = tpu.memref_slice %arg8[%run_scoped3A_720, %dma_start3A_1217, %dma_start3A_1218] : memref<4x80x128xf32, #tpu.memory_space<vmem>> -> memref<1x80x128xf32, #tpu.memory_space<vmem>>
        %dma_start3A_1220 = tpu.memref_squeeze %dma_start3A_1219 : memref<1x80x128xf32, #tpu.memory_space<vmem>> -> memref<80x128xf32, #tpu.memory_space<vmem>>
        %dma_start3A_1221 = arith.constant 0 : i32
        %dma_start3A_1222 = tpu.memref_slice %arg7[%run_scoped3A_721, %dma_start3A_1221] : memref<8x80xi32, #tpu.memory_space<vmem>> -> memref<1x80xi32, #tpu.memory_space<vmem>>
        %dma_start3A_1223 = tpu.memref_squeeze %dma_start3A_1222 : memref<1x80xi32, #tpu.memory_space<vmem>> -> memref<80xi32, #tpu.memory_space<vmem>>
        %dma_start3A_1224 = arith.constant 0 : i32
        %dma_start3A_1225 = arith.constant 0 : i32
        %dma_start3A_1226 = tpu.memref_slice %arg9[%dma_start3A_1224, %dma_start3A_1225] : memref<10240x128xf32, #tpu.memory_space<vmem_shared>> -> memref<10240x128xf32, #tpu.memory_space<vmem_shared>>
        tpu.enqueue_indirect_dma source(%dma_start3A_1220 : memref<80x128xf32, #tpu.memory_space<vmem>>) target(%dma_start3A_1226 : memref<10240x128xf32, #tpu.memory_space<vmem_shared>>) offsets(%dma_start3A_1223 : memref<80xi32, #tpu.memory_space<vmem>>) semaphore(%run_scoped3A_1216 : memref<!tpu.dma_semaphore, #tpu.memory_space<semaphore_mem>>) {add = true}
        %dma_wait3A_1227 = arith.constant 0 : i32
        %dma_wait3A_1228 = arith.constant 0 : i32
        %dma_wait3A_1229 = tpu.memref_slice %arg8[%run_scoped3A_720, %dma_wait3A_1227, %dma_wait3A_1228] : memref<4x80x128xf32, #tpu.memory_space<vmem>> -> memref<1x80x128xf32, #tpu.memory_space<vmem>>
        %dma_wait3A_1230 = tpu.memref_squeeze %dma_wait3A_1229 : memref<1x80x128xf32, #tpu.memory_space<vmem>> -> memref<80x128xf32, #tpu.memory_space<vmem>>
        %dma_wait3A_1231 = arith.constant 0 : i32
        %dma_wait3A_1232 = tpu.memref_slice %arg7[%run_scoped3A_721, %dma_wait3A_1231] : memref<8x80xi32, #tpu.memory_space<vmem>> -> memref<1x80xi32, #tpu.memory_space<vmem>>
        %dma_wait3A_1233 = tpu.memref_squeeze %dma_wait3A_1232 : memref<1x80xi32, #tpu.memory_space<vmem>> -> memref<80xi32, #tpu.memory_space<vmem>>
        %dma_wait3A_1234 = arith.constant 0 : i32
        %dma_wait3A_1235 = arith.constant 0 : i32
        %dma_wait3A_1236 = tpu.memref_slice %arg9[%dma_wait3A_1234, %dma_wait3A_1235] : memref<10240x128xf32, #tpu.memory_space<vmem_shared>> -> memref<10240x128xf32, #tpu.memory_space<vmem_shared>>
        tpu.wait_indirect_dma semaphore(%run_scoped3A_1216 : memref<!tpu.dma_semaphore, #tpu.memory_space<semaphore_mem>>) src(%dma_wait3A_1230 : memref<80x128xf32, #tpu.memory_space<vmem>>) dst(%dma_wait3A_1236 : memref<10240x128xf32, #tpu.memory_space<vmem_shared>>)
        tpu.yield
      }) : () -> ()
      %add3A_722 = arith.constant 8 : i32
      %add3A_723 = arith.addi %add3A_701, %add3A_722 : i32
      %lt3A_724 = arith.constant 125 : i32
      %lt3A_725 = arith.cmpi slt, %add3A_723, %lt3A_724 : i32
      %convert_element_type3A_726 = arith.extui %lt3A_725 : i1 to i32
      %cond3A_727 = arith.constant 0 : i32
      %cond3A_728 = arith.cmpi ne, %convert_element_type3A_726, %cond3A_727 : i32
      scf.if %cond3A_728 {
        %add3A_1216 = arith.constant 8 : i32
        %add3A_1217 = arith.addi %add3A_701, %add3A_1216 : i32
        %mul3A_1218 = arith.constant 10000 : i32
        %mul3A_1219 = arith.muli %add3A, %mul3A_1218 : i32
        %mul3A_1220 = arith.constant 80 : i32
        %mul3A_1221 = arith.muli %add3A_1217, %mul3A_1220 : i32
        %add3A_1222 = arith.addi %mul3A_1219, %mul3A_1221 : i32
        %dma_start3A_1223 = arith.constant 1 : i32
        %dma_start3A_1224 = arith.constant 1 : i32
        %dma_start3A_1225 = arith.constant 0 : i32
        %dma_start3A_1226 = tpu.memref_slice %arg6[%dma_start3A_1223, %dma_start3A_1225] : memref<8x80xi32, #tpu.memory_space<vmem>> -> memref<1x80xi32, #tpu.memory_space<vmem>>
        %dma_start3A_1227 = tpu.memref_squeeze %dma_start3A_1226 : memref<1x80xi32, #tpu.memory_space<vmem>> -> memref<80xi32, #tpu.memory_space<vmem>>
        %dma_start3A_1228 = tpu.memref_slice %arg3[%add3A_1222] : memref<320000xi32, #tpu.memory_space<hbm>> -> memref<80xi32, #tpu.memory_space<hbm>>
        %dma_start3A_1229 = tpu.memref_slice %arg10[%dma_start3A_1224] : memref<8x!tpu.dma_semaphore, #tpu.memory_space<semaphore_mem>> -> memref<1x!tpu.dma_semaphore, #tpu.memory_space<semaphore_mem>>
        %dma_start3A_1230 = tpu.memref_squeeze %dma_start3A_1229 : memref<1x!tpu.dma_semaphore, #tpu.memory_space<semaphore_mem>> -> memref<!tpu.dma_semaphore, #tpu.memory_space<semaphore_mem>>
        %dma_start3A_1231 = arith.constant 0 : i32
        %dma_start3A_1232 = tpu.memref_slice %arg6[%dma_start3A_1223, %dma_start3A_1231] : memref<8x80xi32, #tpu.memory_space<vmem>> -> memref<1x80xi32, #tpu.memory_space<vmem>>
        %dma_start3A_1233 = tpu.memref_squeeze %dma_start3A_1232 : memref<1x80xi32, #tpu.memory_space<vmem>> -> memref<80xi32, #tpu.memory_space<vmem>>
        %dma_start3A_1234 = tpu.memref_slice %arg3[%add3A_1222] : memref<320000xi32, #tpu.memory_space<hbm>> -> memref<80xi32, #tpu.memory_space<hbm>>
        tpu.enqueue_dma source(%dma_start3A_1234 : memref<80xi32, #tpu.memory_space<hbm>>) target(%dma_start3A_1233 : memref<80xi32, #tpu.memory_space<vmem>>) target_semaphore(%dma_start3A_1230 : memref<!tpu.dma_semaphore, #tpu.memory_space<semaphore_mem>>)
        %mul3A_1235 = arith.constant 10000 : i32
        %mul3A_1236 = arith.muli %add3A, %mul3A_1235 : i32
        %mul3A_1237 = arith.constant 80 : i32
        %mul3A_1238 = arith.muli %add3A_1217, %mul3A_1237 : i32
        %add3A_1239 = arith.addi %mul3A_1236, %mul3A_1238 : i32
        %dma_start3A_1240 = arith.constant 1 : i32
        %dma_start3A_1241 = arith.constant 1 : i32
        %dma_start3A_1242 = arith.constant 0 : i32
        %dma_start3A_1243 = tpu.memref_slice %arg7[%dma_start3A_1240, %dma_start3A_1242] : memref<8x80xi32, #tpu.memory_space<vmem>> -> memref<1x80xi32, #tpu.memory_space<vmem>>
        %dma_start3A_1244 = tpu.memref_squeeze %dma_start3A_1243 : memref<1x80xi32, #tpu.memory_space<vmem>> -> memref<80xi32, #tpu.memory_space<vmem>>
        %dma_start3A_1245 = tpu.memref_slice %arg4[%add3A_1239] : memref<320000xi32, #tpu.memory_space<hbm>> -> memref<80xi32, #tpu.memory_space<hbm>>
        %dma_start3A_1246 = tpu.memref_slice %arg10[%dma_start3A_1241] : memref<8x!tpu.dma_semaphore, #tpu.memory_space<semaphore_mem>> -> memref<1x!tpu.dma_semaphore, #tpu.memory_space<semaphore_mem>>
        %dma_start3A_1247 = tpu.memref_squeeze %dma_start3A_1246 : memref<1x!tpu.dma_semaphore, #tpu.memory_space<semaphore_mem>> -> memref<!tpu.dma_semaphore, #tpu.memory_space<semaphore_mem>>
        %dma_start3A_1248 = arith.constant 0 : i32
        %dma_start3A_1249 = tpu.memref_slice %arg7[%dma_start3A_1240, %dma_start3A_1248] : memref<8x80xi32, #tpu.memory_space<vmem>> -> memref<1x80xi32, #tpu.memory_space<vmem>>
        %dma_start3A_1250 = tpu.memref_squeeze %dma_start3A_1249 : memref<1x80xi32, #tpu.memory_space<vmem>> -> memref<80xi32, #tpu.memory_space<vmem>>
        %dma_start3A_1251 = tpu.memref_slice %arg4[%add3A_1239] : memref<320000xi32, #tpu.memory_space<hbm>> -> memref<80xi32, #tpu.memory_space<hbm>>
        tpu.enqueue_dma source(%dma_start3A_1251 : memref<80xi32, #tpu.memory_space<hbm>>) target(%dma_start3A_1250 : memref<80xi32, #tpu.memory_space<vmem>>) target_semaphore(%dma_start3A_1247 : memref<!tpu.dma_semaphore, #tpu.memory_space<semaphore_mem>>)
      } else {
      }
      %dma_wait3A_729 = arith.constant 5 : i32
      %dma_wait3A_730 = arith.constant 5 : i32
      %dma_wait3A_731 = arith.constant 0 : i32
      %dma_wait3A_732 = tpu.memref_slice %arg6[%dma_wait3A_729, %dma_wait3A_731] : memref<8x80xi32, #tpu.memory_space<vmem>> -> memref<1x80xi32, #tpu.memory_space<vmem>>
      %dma_wait3A_733 = tpu.memref_squeeze %dma_wait3A_732 : memref<1x80xi32, #tpu.memory_space<vmem>> -> memref<80xi32, #tpu.memory_space<vmem>>
      %dma_wait3A_734 = arith.constant 0 : i32
      %dma_wait3A_735 = tpu.memref_slice %arg3[%dma_wait3A_734] : memref<320000xi32, #tpu.memory_space<hbm>> -> memref<80xi32, #tpu.memory_space<hbm>>
      %dma_wait3A_736 = tpu.memref_slice %arg10[%dma_wait3A_730] : memref<8x!tpu.dma_semaphore, #tpu.memory_space<semaphore_mem>> -> memref<1x!tpu.dma_semaphore, #tpu.memory_space<semaphore_mem>>
      %dma_wait3A_737 = tpu.memref_squeeze %dma_wait3A_736 : memref<1x!tpu.dma_semaphore, #tpu.memory_space<semaphore_mem>> -> memref<!tpu.dma_semaphore, #tpu.memory_space<semaphore_mem>>
      %dma_wait3A_738 = arith.constant 0 : i32
      %dma_wait3A_739 = tpu.memref_slice %arg6[%dma_wait3A_729, %dma_wait3A_738] : memref<8x80xi32, #tpu.memory_space<vmem>> -> memref<1x80xi32, #tpu.memory_space<vmem>>
      %dma_wait3A_740 = tpu.memref_squeeze %dma_wait3A_739 : memref<1x80xi32, #tpu.memory_space<vmem>> -> memref<80xi32, #tpu.memory_space<vmem>>
      %dma_wait3A_741 = arith.constant 0 : i32
      %dma_wait3A_742 = tpu.memref_slice %arg3[%dma_wait3A_741] : memref<320000xi32, #tpu.memory_space<hbm>> -> memref<80xi32, #tpu.memory_space<hbm>>
      tpu.wait_dma2 semaphore(%dma_wait3A_737 : memref<!tpu.dma_semaphore, #tpu.memory_space<semaphore_mem>>) src(%dma_wait3A_742 : memref<80xi32, #tpu.memory_space<hbm>>) dst(%dma_wait3A_740 : memref<80xi32, #tpu.memory_space<vmem>>)
      %dma_wait3A_743 = arith.constant 5 : i32
      %dma_wait3A_744 = arith.constant 5 : i32
      %dma_wait3A_745 = arith.constant 0 : i32
      %dma_wait3A_746 = tpu.memref_slice %arg7[%dma_wait3A_743, %dma_wait3A_745] : memref<8x80xi32, #tpu.memory_space<vmem>> -> memref<1x80xi32, #tpu.memory_space<vmem>>
      %dma_wait3A_747 = tpu.memref_squeeze %dma_wait3A_746 : memref<1x80xi32, #tpu.memory_space<vmem>> -> memref<80xi32, #tpu.memory_space<vmem>>
      %dma_wait3A_748 = arith.constant 0 : i32
      %dma_wait3A_749 = tpu.memref_slice %arg3[%dma_wait3A_748] : memref<320000xi32, #tpu.memory_space<hbm>> -> memref<80xi32, #tpu.memory_space<hbm>>
      %dma_wait3A_750 = tpu.memref_slice %arg10[%dma_wait3A_744] : memref<8x!tpu.dma_semaphore, #tpu.memory_space<semaphore_mem>> -> memref<1x!tpu.dma_semaphore, #tpu.memory_space<semaphore_mem>>
      %dma_wait3A_751 = tpu.memref_squeeze %dma_wait3A_750 : memref<1x!tpu.dma_semaphore, #tpu.memory_space<semaphore_mem>> -> memref<!tpu.dma_semaphore, #tpu.memory_space<semaphore_mem>>
      %dma_wait3A_752 = arith.constant 0 : i32
      %dma_wait3A_753 = tpu.memref_slice %arg7[%dma_wait3A_743, %dma_wait3A_752] : memref<8x80xi32, #tpu.memory_space<vmem>> -> memref<1x80xi32, #tpu.memory_space<vmem>>
      %dma_wait3A_754 = tpu.memref_squeeze %dma_wait3A_753 : memref<1x80xi32, #tpu.memory_space<vmem>> -> memref<80xi32, #tpu.memory_space<vmem>>
      %dma_wait3A_755 = arith.constant 0 : i32
      %dma_wait3A_756 = tpu.memref_slice %arg3[%dma_wait3A_755] : memref<320000xi32, #tpu.memory_space<hbm>> -> memref<80xi32, #tpu.memory_space<hbm>>
      tpu.wait_dma2 semaphore(%dma_wait3A_751 : memref<!tpu.dma_semaphore, #tpu.memory_space<semaphore_mem>>) src(%dma_wait3A_756 : memref<80xi32, #tpu.memory_space<hbm>>) dst(%dma_wait3A_754 : memref<80xi32, #tpu.memory_space<vmem>>)
      %dma_start3A_757 = arith.constant 5 : i32
      %dma_start3A_758 = arith.constant 1 : i32
      %dma_start3A_759 = arith.constant 1 : i32
      %dma_start3A_760 = arith.constant 0 : i32
      %dma_start3A_761 = arith.constant 0 : i32
      %dma_start3A_762 = tpu.memref_slice %arg8[%dma_start3A_758, %dma_start3A_760, %dma_start3A_761] : memref<4x80x128xf32, #tpu.memory_space<vmem>> -> memref<1x80x128xf32, #tpu.memory_space<vmem>>
      %dma_start3A_763 = tpu.memref_squeeze %dma_start3A_762 : memref<1x80x128xf32, #tpu.memory_space<vmem>> -> memref<80x128xf32, #tpu.memory_space<vmem>>
      %dma_start3A_764 = arith.constant 0 : i32
      %dma_start3A_765 = tpu.memref_slice %arg6[%dma_start3A_757, %dma_start3A_764] : memref<8x80xi32, #tpu.memory_space<vmem>> -> memref<1x80xi32, #tpu.memory_space<vmem>>
      %dma_start3A_766 = tpu.memref_squeeze %dma_start3A_765 : memref<1x80xi32, #tpu.memory_space<vmem>> -> memref<80xi32, #tpu.memory_space<vmem>>
      %dma_start3A_767 = arith.constant 0 : i32
      %dma_start3A_768 = arith.constant 0 : i32
      %dma_start3A_769 = tpu.memref_slice %arg2[%dma_start3A_767, %dma_start3A_768] : memref<10000x128xf32, #tpu.memory_space<hbm>> -> memref<10000x128xf32, #tpu.memory_space<hbm>>
      %dma_start3A_770 = tpu.memref_slice %arg11[%dma_start3A_759] : memref<4x!tpu.dma_semaphore, #tpu.memory_space<semaphore_mem>> -> memref<1x!tpu.dma_semaphore, #tpu.memory_space<semaphore_mem>>
      %dma_start3A_771 = tpu.memref_squeeze %dma_start3A_770 : memref<1x!tpu.dma_semaphore, #tpu.memory_space<semaphore_mem>> -> memref<!tpu.dma_semaphore, #tpu.memory_space<semaphore_mem>>
      tpu.enqueue_indirect_dma source(%dma_start3A_769 : memref<10000x128xf32, #tpu.memory_space<hbm>>) target(%dma_start3A_763 : memref<80x128xf32, #tpu.memory_space<vmem>>) offsets(%dma_start3A_766 : memref<80xi32, #tpu.memory_space<vmem>>) semaphore(%dma_start3A_771 : memref<!tpu.dma_semaphore, #tpu.memory_space<semaphore_mem>>)
      %mul3A_772 = arith.constant 8 : i32
      %mul3A_773 = arith.muli %scan3A_626, %mul3A_772 : i32
      %add3A_774 = arith.constant 2 : i32
      %add3A_775 = arith.addi %mul3A_773, %add3A_774 : i32
      %dma_wait3A_776 = arith.constant 2 : i32
      %dma_wait3A_777 = arith.constant 2 : i32
      %dma_wait3A_778 = arith.constant 0 : i32
      %dma_wait3A_779 = arith.constant 0 : i32
      %dma_wait3A_780 = tpu.memref_slice %arg8[%dma_wait3A_776, %dma_wait3A_778, %dma_wait3A_779] : memref<4x80x128xf32, #tpu.memory_space<vmem>> -> memref<1x80x128xf32, #tpu.memory_space<vmem>>
      %dma_wait3A_781 = tpu.memref_squeeze %dma_wait3A_780 : memref<1x80x128xf32, #tpu.memory_space<vmem>> -> memref<80x128xf32, #tpu.memory_space<vmem>>
      %dma_wait3A_782 = arith.constant 0 : i32
      %dma_wait3A_783 = arith.constant 0 : i32
      %dma_wait3A_784 = tpu.memref_slice %arg2[%dma_wait3A_782, %dma_wait3A_783] : memref<10000x128xf32, #tpu.memory_space<hbm>> -> memref<80x128xf32, #tpu.memory_space<hbm>>
      %dma_wait3A_785 = tpu.memref_slice %arg11[%dma_wait3A_777] : memref<4x!tpu.dma_semaphore, #tpu.memory_space<semaphore_mem>> -> memref<1x!tpu.dma_semaphore, #tpu.memory_space<semaphore_mem>>
      %dma_wait3A_786 = tpu.memref_squeeze %dma_wait3A_785 : memref<1x!tpu.dma_semaphore, #tpu.memory_space<semaphore_mem>> -> memref<!tpu.dma_semaphore, #tpu.memory_space<semaphore_mem>>
      %dma_wait3A_787 = arith.constant 0 : i32
      %dma_wait3A_788 = arith.constant 0 : i32
      %dma_wait3A_789 = tpu.memref_slice %arg8[%dma_wait3A_776, %dma_wait3A_787, %dma_wait3A_788] : memref<4x80x128xf32, #tpu.memory_space<vmem>> -> memref<1x80x128xf32, #tpu.memory_space<vmem>>
      %dma_wait3A_790 = tpu.memref_squeeze %dma_wait3A_789 : memref<1x80x128xf32, #tpu.memory_space<vmem>> -> memref<80x128xf32, #tpu.memory_space<vmem>>
      %dma_wait3A_791 = arith.constant 0 : i32
      %dma_wait3A_792 = arith.constant 0 : i32
      %dma_wait3A_793 = tpu.memref_slice %arg2[%dma_wait3A_791, %dma_wait3A_792] : memref<10000x128xf32, #tpu.memory_space<hbm>> -> memref<80x128xf32, #tpu.memory_space<hbm>>
      tpu.wait_dma2 semaphore(%dma_wait3A_786 : memref<!tpu.dma_semaphore, #tpu.memory_space<semaphore_mem>>) src(%dma_wait3A_793 : memref<80x128xf32, #tpu.memory_space<hbm>>) dst(%dma_wait3A_790 : memref<80x128xf32, #tpu.memory_space<vmem>>)
      %run_scoped3A_794 = arith.constant 2 : i32
      %run_scoped3A_795 = arith.constant 2 : i32
      "tpu.region"() ({
        %run_scoped3A_1216 = tpu.sem_alloc : memref<!tpu.dma_semaphore, #tpu.memory_space<semaphore_mem>>
        %dma_start3A_1217 = arith.constant 0 : i32
        %dma_start3A_1218 = arith.constant 0 : i32
        %dma_start3A_1219 = tpu.memref_slice %arg8[%run_scoped3A_794, %dma_start3A_1217, %dma_start3A_1218] : memref<4x80x128xf32, #tpu.memory_space<vmem>> -> memref<1x80x128xf32, #tpu.memory_space<vmem>>
        %dma_start3A_1220 = tpu.memref_squeeze %dma_start3A_1219 : memref<1x80x128xf32, #tpu.memory_space<vmem>> -> memref<80x128xf32, #tpu.memory_space<vmem>>
        %dma_start3A_1221 = arith.constant 0 : i32
        %dma_start3A_1222 = tpu.memref_slice %arg7[%run_scoped3A_795, %dma_start3A_1221] : memref<8x80xi32, #tpu.memory_space<vmem>> -> memref<1x80xi32, #tpu.memory_space<vmem>>
        %dma_start3A_1223 = tpu.memref_squeeze %dma_start3A_1222 : memref<1x80xi32, #tpu.memory_space<vmem>> -> memref<80xi32, #tpu.memory_space<vmem>>
        %dma_start3A_1224 = arith.constant 0 : i32
        %dma_start3A_1225 = arith.constant 0 : i32
        %dma_start3A_1226 = tpu.memref_slice %arg9[%dma_start3A_1224, %dma_start3A_1225] : memref<10240x128xf32, #tpu.memory_space<vmem_shared>> -> memref<10240x128xf32, #tpu.memory_space<vmem_shared>>
        tpu.enqueue_indirect_dma source(%dma_start3A_1220 : memref<80x128xf32, #tpu.memory_space<vmem>>) target(%dma_start3A_1226 : memref<10240x128xf32, #tpu.memory_space<vmem_shared>>) offsets(%dma_start3A_1223 : memref<80xi32, #tpu.memory_space<vmem>>) semaphore(%run_scoped3A_1216 : memref<!tpu.dma_semaphore, #tpu.memory_space<semaphore_mem>>) {add = true}
        %dma_wait3A_1227 = arith.constant 0 : i32
        %dma_wait3A_1228 = arith.constant 0 : i32
        %dma_wait3A_1229 = tpu.memref_slice %arg8[%run_scoped3A_794, %dma_wait3A_1227, %dma_wait3A_1228] : memref<4x80x128xf32, #tpu.memory_space<vmem>> -> memref<1x80x128xf32, #tpu.memory_space<vmem>>
        %dma_wait3A_1230 = tpu.memref_squeeze %dma_wait3A_1229 : memref<1x80x128xf32, #tpu.memory_space<vmem>> -> memref<80x128xf32, #tpu.memory_space<vmem>>
        %dma_wait3A_1231 = arith.constant 0 : i32
        %dma_wait3A_1232 = tpu.memref_slice %arg7[%run_scoped3A_795, %dma_wait3A_1231] : memref<8x80xi32, #tpu.memory_space<vmem>> -> memref<1x80xi32, #tpu.memory_space<vmem>>
        %dma_wait3A_1233 = tpu.memref_squeeze %dma_wait3A_1232 : memref<1x80xi32, #tpu.memory_space<vmem>> -> memref<80xi32, #tpu.memory_space<vmem>>
        %dma_wait3A_1234 = arith.constant 0 : i32
        %dma_wait3A_1235 = arith.constant 0 : i32
        %dma_wait3A_1236 = tpu.memref_slice %arg9[%dma_wait3A_1234, %dma_wait3A_1235] : memref<10240x128xf32, #tpu.memory_space<vmem_shared>> -> memref<10240x128xf32, #tpu.memory_space<vmem_shared>>
        tpu.wait_indirect_dma semaphore(%run_scoped3A_1216 : memref<!tpu.dma_semaphore, #tpu.memory_space<semaphore_mem>>) src(%dma_wait3A_1230 : memref<80x128xf32, #tpu.memory_space<vmem>>) dst(%dma_wait3A_1236 : memref<10240x128xf32, #tpu.memory_space<vmem_shared>>)
        tpu.yield
      }) : () -> ()
      %add3A_796 = arith.constant 8 : i32
      %add3A_797 = arith.addi %add3A_775, %add3A_796 : i32
      %lt3A_798 = arith.constant 125 : i32
      %lt3A_799 = arith.cmpi slt, %add3A_797, %lt3A_798 : i32
      %convert_element_type3A_800 = arith.extui %lt3A_799 : i1 to i32
      %cond3A_801 = arith.constant 0 : i32
      %cond3A_802 = arith.cmpi ne, %convert_element_type3A_800, %cond3A_801 : i32
      scf.if %cond3A_802 {
        %add3A_1216 = arith.constant 8 : i32
        %add3A_1217 = arith.addi %add3A_775, %add3A_1216 : i32
        %mul3A_1218 = arith.constant 10000 : i32
        %mul3A_1219 = arith.muli %add3A, %mul3A_1218 : i32
        %mul3A_1220 = arith.constant 80 : i32
        %mul3A_1221 = arith.muli %add3A_1217, %mul3A_1220 : i32
        %add3A_1222 = arith.addi %mul3A_1219, %mul3A_1221 : i32
        %dma_start3A_1223 = arith.constant 2 : i32
        %dma_start3A_1224 = arith.constant 2 : i32
        %dma_start3A_1225 = arith.constant 0 : i32
        %dma_start3A_1226 = tpu.memref_slice %arg6[%dma_start3A_1223, %dma_start3A_1225] : memref<8x80xi32, #tpu.memory_space<vmem>> -> memref<1x80xi32, #tpu.memory_space<vmem>>
        %dma_start3A_1227 = tpu.memref_squeeze %dma_start3A_1226 : memref<1x80xi32, #tpu.memory_space<vmem>> -> memref<80xi32, #tpu.memory_space<vmem>>
        %dma_start3A_1228 = tpu.memref_slice %arg3[%add3A_1222] : memref<320000xi32, #tpu.memory_space<hbm>> -> memref<80xi32, #tpu.memory_space<hbm>>
        %dma_start3A_1229 = tpu.memref_slice %arg10[%dma_start3A_1224] : memref<8x!tpu.dma_semaphore, #tpu.memory_space<semaphore_mem>> -> memref<1x!tpu.dma_semaphore, #tpu.memory_space<semaphore_mem>>
        %dma_start3A_1230 = tpu.memref_squeeze %dma_start3A_1229 : memref<1x!tpu.dma_semaphore, #tpu.memory_space<semaphore_mem>> -> memref<!tpu.dma_semaphore, #tpu.memory_space<semaphore_mem>>
        %dma_start3A_1231 = arith.constant 0 : i32
        %dma_start3A_1232 = tpu.memref_slice %arg6[%dma_start3A_1223, %dma_start3A_1231] : memref<8x80xi32, #tpu.memory_space<vmem>> -> memref<1x80xi32, #tpu.memory_space<vmem>>
        %dma_start3A_1233 = tpu.memref_squeeze %dma_start3A_1232 : memref<1x80xi32, #tpu.memory_space<vmem>> -> memref<80xi32, #tpu.memory_space<vmem>>
        %dma_start3A_1234 = tpu.memref_slice %arg3[%add3A_1222] : memref<320000xi32, #tpu.memory_space<hbm>> -> memref<80xi32, #tpu.memory_space<hbm>>
        tpu.enqueue_dma source(%dma_start3A_1234 : memref<80xi32, #tpu.memory_space<hbm>>) target(%dma_start3A_1233 : memref<80xi32, #tpu.memory_space<vmem>>) target_semaphore(%dma_start3A_1230 : memref<!tpu.dma_semaphore, #tpu.memory_space<semaphore_mem>>)
        %mul3A_1235 = arith.constant 10000 : i32
        %mul3A_1236 = arith.muli %add3A, %mul3A_1235 : i32
        %mul3A_1237 = arith.constant 80 : i32
        %mul3A_1238 = arith.muli %add3A_1217, %mul3A_1237 : i32
        %add3A_1239 = arith.addi %mul3A_1236, %mul3A_1238 : i32
        %dma_start3A_1240 = arith.constant 2 : i32
        %dma_start3A_1241 = arith.constant 2 : i32
        %dma_start3A_1242 = arith.constant 0 : i32
        %dma_start3A_1243 = tpu.memref_slice %arg7[%dma_start3A_1240, %dma_start3A_1242] : memref<8x80xi32, #tpu.memory_space<vmem>> -> memref<1x80xi32, #tpu.memory_space<vmem>>
        %dma_start3A_1244 = tpu.memref_squeeze %dma_start3A_1243 : memref<1x80xi32, #tpu.memory_space<vmem>> -> memref<80xi32, #tpu.memory_space<vmem>>
        %dma_start3A_1245 = tpu.memref_slice %arg4[%add3A_1239] : memref<320000xi32, #tpu.memory_space<hbm>> -> memref<80xi32, #tpu.memory_space<hbm>>
        %dma_start3A_1246 = tpu.memref_slice %arg10[%dma_start3A_1241] : memref<8x!tpu.dma_semaphore, #tpu.memory_space<semaphore_mem>> -> memref<1x!tpu.dma_semaphore, #tpu.memory_space<semaphore_mem>>
        %dma_start3A_1247 = tpu.memref_squeeze %dma_start3A_1246 : memref<1x!tpu.dma_semaphore, #tpu.memory_space<semaphore_mem>> -> memref<!tpu.dma_semaphore, #tpu.memory_space<semaphore_mem>>
        %dma_start3A_1248 = arith.constant 0 : i32
        %dma_start3A_1249 = tpu.memref_slice %arg7[%dma_start3A_1240, %dma_start3A_1248] : memref<8x80xi32, #tpu.memory_space<vmem>> -> memref<1x80xi32, #tpu.memory_space<vmem>>
        %dma_start3A_1250 = tpu.memref_squeeze %dma_start3A_1249 : memref<1x80xi32, #tpu.memory_space<vmem>> -> memref<80xi32, #tpu.memory_space<vmem>>
        %dma_start3A_1251 = tpu.memref_slice %arg4[%add3A_1239] : memref<320000xi32, #tpu.memory_space<hbm>> -> memref<80xi32, #tpu.memory_space<hbm>>
        tpu.enqueue_dma source(%dma_start3A_1251 : memref<80xi32, #tpu.memory_space<hbm>>) target(%dma_start3A_1250 : memref<80xi32, #tpu.memory_space<vmem>>) target_semaphore(%dma_start3A_1247 : memref<!tpu.dma_semaphore, #tpu.memory_space<semaphore_mem>>)
      } else {
      }
      %dma_wait3A_803 = arith.constant 6 : i32
      %dma_wait3A_804 = arith.constant 6 : i32
      %dma_wait3A_805 = arith.constant 0 : i32
      %dma_wait3A_806 = tpu.memref_slice %arg6[%dma_wait3A_803, %dma_wait3A_805] : memref<8x80xi32, #tpu.memory_space<vmem>> -> memref<1x80xi32, #tpu.memory_space<vmem>>
      %dma_wait3A_807 = tpu.memref_squeeze %dma_wait3A_806 : memref<1x80xi32, #tpu.memory_space<vmem>> -> memref<80xi32, #tpu.memory_space<vmem>>
      %dma_wait3A_808 = arith.constant 0 : i32
      %dma_wait3A_809 = tpu.memref_slice %arg3[%dma_wait3A_808] : memref<320000xi32, #tpu.memory_space<hbm>> -> memref<80xi32, #tpu.memory_space<hbm>>
      %dma_wait3A_810 = tpu.memref_slice %arg10[%dma_wait3A_804] : memref<8x!tpu.dma_semaphore, #tpu.memory_space<semaphore_mem>> -> memref<1x!tpu.dma_semaphore, #tpu.memory_space<semaphore_mem>>
      %dma_wait3A_811 = tpu.memref_squeeze %dma_wait3A_810 : memref<1x!tpu.dma_semaphore, #tpu.memory_space<semaphore_mem>> -> memref<!tpu.dma_semaphore, #tpu.memory_space<semaphore_mem>>
      %dma_wait3A_812 = arith.constant 0 : i32
      %dma_wait3A_813 = tpu.memref_slice %arg6[%dma_wait3A_803, %dma_wait3A_812] : memref<8x80xi32, #tpu.memory_space<vmem>> -> memref<1x80xi32, #tpu.memory_space<vmem>>
      %dma_wait3A_814 = tpu.memref_squeeze %dma_wait3A_813 : memref<1x80xi32, #tpu.memory_space<vmem>> -> memref<80xi32, #tpu.memory_space<vmem>>
      %dma_wait3A_815 = arith.constant 0 : i32
      %dma_wait3A_816 = tpu.memref_slice %arg3[%dma_wait3A_815] : memref<320000xi32, #tpu.memory_space<hbm>> -> memref<80xi32, #tpu.memory_space<hbm>>
      tpu.wait_dma2 semaphore(%dma_wait3A_811 : memref<!tpu.dma_semaphore, #tpu.memory_space<semaphore_mem>>) src(%dma_wait3A_816 : memref<80xi32, #tpu.memory_space<hbm>>) dst(%dma_wait3A_814 : memref<80xi32, #tpu.memory_space<vmem>>)
      %dma_wait3A_817 = arith.constant 6 : i32
      %dma_wait3A_818 = arith.constant 6 : i32
      %dma_wait3A_819 = arith.constant 0 : i32
      %dma_wait3A_820 = tpu.memref_slice %arg7[%dma_wait3A_817, %dma_wait3A_819] : memref<8x80xi32, #tpu.memory_space<vmem>> -> memref<1x80xi32, #tpu.memory_space<vmem>>
      %dma_wait3A_821 = tpu.memref_squeeze %dma_wait3A_820 : memref<1x80xi32, #tpu.memory_space<vmem>> -> memref<80xi32, #tpu.memory_space<vmem>>
      %dma_wait3A_822 = arith.constant 0 : i32
      %dma_wait3A_823 = tpu.memref_slice %arg3[%dma_wait3A_822] : memref<320000xi32, #tpu.memory_space<hbm>> -> memref<80xi32, #tpu.memory_space<hbm>>
      %dma_wait3A_824 = tpu.memref_slice %arg10[%dma_wait3A_818] : memref<8x!tpu.dma_semaphore, #tpu.memory_space<semaphore_mem>> -> memref<1x!tpu.dma_semaphore, #tpu.memory_space<semaphore_mem>>
      %dma_wait3A_825 = tpu.memref_squeeze %dma_wait3A_824 : memref<1x!tpu.dma_semaphore, #tpu.memory_space<semaphore_mem>> -> memref<!tpu.dma_semaphore, #tpu.memory_space<semaphore_mem>>
      %dma_wait3A_826 = arith.constant 0 : i32
      %dma_wait3A_827 = tpu.memref_slice %arg7[%dma_wait3A_817, %dma_wait3A_826] : memref<8x80xi32, #tpu.memory_space<vmem>> -> memref<1x80xi32, #tpu.memory_space<vmem>>
      %dma_wait3A_828 = tpu.memref_squeeze %dma_wait3A_827 : memref<1x80xi32, #tpu.memory_space<vmem>> -> memref<80xi32, #tpu.memory_space<vmem>>
      %dma_wait3A_829 = arith.constant 0 : i32
      %dma_wait3A_830 = tpu.memref_slice %arg3[%dma_wait3A_829] : memref<320000xi32, #tpu.memory_space<hbm>> -> memref<80xi32, #tpu.memory_space<hbm>>
      tpu.wait_dma2 semaphore(%dma_wait3A_825 : memref<!tpu.dma_semaphore, #tpu.memory_space<semaphore_mem>>) src(%dma_wait3A_830 : memref<80xi32, #tpu.memory_space<hbm>>) dst(%dma_wait3A_828 : memref<80xi32, #tpu.memory_space<vmem>>)
      %dma_start3A_831 = arith.constant 6 : i32
      %dma_start3A_832 = arith.constant 2 : i32
      %dma_start3A_833 = arith.constant 2 : i32
      %dma_start3A_834 = arith.constant 0 : i32
      %dma_start3A_835 = arith.constant 0 : i32
      %dma_start3A_836 = tpu.memref_slice %arg8[%dma_start3A_832, %dma_start3A_834, %dma_start3A_835] : memref<4x80x128xf32, #tpu.memory_space<vmem>> -> memref<1x80x128xf32, #tpu.memory_space<vmem>>
      %dma_start3A_837 = tpu.memref_squeeze %dma_start3A_836 : memref<1x80x128xf32, #tpu.memory_space<vmem>> -> memref<80x128xf32, #tpu.memory_space<vmem>>
      %dma_start3A_838 = arith.constant 0 : i32
      %dma_start3A_839 = tpu.memref_slice %arg6[%dma_start3A_831, %dma_start3A_838] : memref<8x80xi32, #tpu.memory_space<vmem>> -> memref<1x80xi32, #tpu.memory_space<vmem>>
      %dma_start3A_840 = tpu.memref_squeeze %dma_start3A_839 : memref<1x80xi32, #tpu.memory_space<vmem>> -> memref<80xi32, #tpu.memory_space<vmem>>
      %dma_start3A_841 = arith.constant 0 : i32
      %dma_start3A_842 = arith.constant 0 : i32
      %dma_start3A_843 = tpu.memref_slice %arg2[%dma_start3A_841, %dma_start3A_842] : memref<10000x128xf32, #tpu.memory_space<hbm>> -> memref<10000x128xf32, #tpu.memory_space<hbm>>
      %dma_start3A_844 = tpu.memref_slice %arg11[%dma_start3A_833] : memref<4x!tpu.dma_semaphore, #tpu.memory_space<semaphore_mem>> -> memref<1x!tpu.dma_semaphore, #tpu.memory_space<semaphore_mem>>
      %dma_start3A_845 = tpu.memref_squeeze %dma_start3A_844 : memref<1x!tpu.dma_semaphore, #tpu.memory_space<semaphore_mem>> -> memref<!tpu.dma_semaphore, #tpu.memory_space<semaphore_mem>>
      tpu.enqueue_indirect_dma source(%dma_start3A_843 : memref<10000x128xf32, #tpu.memory_space<hbm>>) target(%dma_start3A_837 : memref<80x128xf32, #tpu.memory_space<vmem>>) offsets(%dma_start3A_840 : memref<80xi32, #tpu.memory_space<vmem>>) semaphore(%dma_start3A_845 : memref<!tpu.dma_semaphore, #tpu.memory_space<semaphore_mem>>)
      %mul3A_846 = arith.constant 8 : i32
      %mul3A_847 = arith.muli %scan3A_626, %mul3A_846 : i32
      %add3A_848 = arith.constant 3 : i32
      %add3A_849 = arith.addi %mul3A_847, %add3A_848 : i32
      %dma_wait3A_850 = arith.constant 3 : i32
      %dma_wait3A_851 = arith.constant 3 : i32
      %dma_wait3A_852 = arith.constant 0 : i32
      %dma_wait3A_853 = arith.constant 0 : i32
      %dma_wait3A_854 = tpu.memref_slice %arg8[%dma_wait3A_850, %dma_wait3A_852, %dma_wait3A_853] : memref<4x80x128xf32, #tpu.memory_space<vmem>> -> memref<1x80x128xf32, #tpu.memory_space<vmem>>
      %dma_wait3A_855 = tpu.memref_squeeze %dma_wait3A_854 : memref<1x80x128xf32, #tpu.memory_space<vmem>> -> memref<80x128xf32, #tpu.memory_space<vmem>>
      %dma_wait3A_856 = arith.constant 0 : i32
      %dma_wait3A_857 = arith.constant 0 : i32
      %dma_wait3A_858 = tpu.memref_slice %arg2[%dma_wait3A_856, %dma_wait3A_857] : memref<10000x128xf32, #tpu.memory_space<hbm>> -> memref<80x128xf32, #tpu.memory_space<hbm>>
      %dma_wait3A_859 = tpu.memref_slice %arg11[%dma_wait3A_851] : memref<4x!tpu.dma_semaphore, #tpu.memory_space<semaphore_mem>> -> memref<1x!tpu.dma_semaphore, #tpu.memory_space<semaphore_mem>>
      %dma_wait3A_860 = tpu.memref_squeeze %dma_wait3A_859 : memref<1x!tpu.dma_semaphore, #tpu.memory_space<semaphore_mem>> -> memref<!tpu.dma_semaphore, #tpu.memory_space<semaphore_mem>>
      %dma_wait3A_861 = arith.constant 0 : i32
      %dma_wait3A_862 = arith.constant 0 : i32
      %dma_wait3A_863 = tpu.memref_slice %arg8[%dma_wait3A_850, %dma_wait3A_861, %dma_wait3A_862] : memref<4x80x128xf32, #tpu.memory_space<vmem>> -> memref<1x80x128xf32, #tpu.memory_space<vmem>>
      %dma_wait3A_864 = tpu.memref_squeeze %dma_wait3A_863 : memref<1x80x128xf32, #tpu.memory_space<vmem>> -> memref<80x128xf32, #tpu.memory_space<vmem>>
      %dma_wait3A_865 = arith.constant 0 : i32
      %dma_wait3A_866 = arith.constant 0 : i32
      %dma_wait3A_867 = tpu.memref_slice %arg2[%dma_wait3A_865, %dma_wait3A_866] : memref<10000x128xf32, #tpu.memory_space<hbm>> -> memref<80x128xf32, #tpu.memory_space<hbm>>
      tpu.wait_dma2 semaphore(%dma_wait3A_860 : memref<!tpu.dma_semaphore, #tpu.memory_space<semaphore_mem>>) src(%dma_wait3A_867 : memref<80x128xf32, #tpu.memory_space<hbm>>) dst(%dma_wait3A_864 : memref<80x128xf32, #tpu.memory_space<vmem>>)
      %run_scoped3A_868 = arith.constant 3 : i32
      %run_scoped3A_869 = arith.constant 3 : i32
      "tpu.region"() ({
        %run_scoped3A_1216 = tpu.sem_alloc : memref<!tpu.dma_semaphore, #tpu.memory_space<semaphore_mem>>
        %dma_start3A_1217 = arith.constant 0 : i32
        %dma_start3A_1218 = arith.constant 0 : i32
        %dma_start3A_1219 = tpu.memref_slice %arg8[%run_scoped3A_868, %dma_start3A_1217, %dma_start3A_1218] : memref<4x80x128xf32, #tpu.memory_space<vmem>> -> memref<1x80x128xf32, #tpu.memory_space<vmem>>
        %dma_start3A_1220 = tpu.memref_squeeze %dma_start3A_1219 : memref<1x80x128xf32, #tpu.memory_space<vmem>> -> memref<80x128xf32, #tpu.memory_space<vmem>>
        %dma_start3A_1221 = arith.constant 0 : i32
        %dma_start3A_1222 = tpu.memref_slice %arg7[%run_scoped3A_869, %dma_start3A_1221] : memref<8x80xi32, #tpu.memory_space<vmem>> -> memref<1x80xi32, #tpu.memory_space<vmem>>
        %dma_start3A_1223 = tpu.memref_squeeze %dma_start3A_1222 : memref<1x80xi32, #tpu.memory_space<vmem>> -> memref<80xi32, #tpu.memory_space<vmem>>
        %dma_start3A_1224 = arith.constant 0 : i32
        %dma_start3A_1225 = arith.constant 0 : i32
        %dma_start3A_1226 = tpu.memref_slice %arg9[%dma_start3A_1224, %dma_start3A_1225] : memref<10240x128xf32, #tpu.memory_space<vmem_shared>> -> memref<10240x128xf32, #tpu.memory_space<vmem_shared>>
        tpu.enqueue_indirect_dma source(%dma_start3A_1220 : memref<80x128xf32, #tpu.memory_space<vmem>>) target(%dma_start3A_1226 : memref<10240x128xf32, #tpu.memory_space<vmem_shared>>) offsets(%dma_start3A_1223 : memref<80xi32, #tpu.memory_space<vmem>>) semaphore(%run_scoped3A_1216 : memref<!tpu.dma_semaphore, #tpu.memory_space<semaphore_mem>>) {add = true}
        %dma_wait3A_1227 = arith.constant 0 : i32
        %dma_wait3A_1228 = arith.constant 0 : i32
        %dma_wait3A_1229 = tpu.memref_slice %arg8[%run_scoped3A_868, %dma_wait3A_1227, %dma_wait3A_1228] : memref<4x80x128xf32, #tpu.memory_space<vmem>> -> memref<1x80x128xf32, #tpu.memory_space<vmem>>
        %dma_wait3A_1230 = tpu.memref_squeeze %dma_wait3A_1229 : memref<1x80x128xf32, #tpu.memory_space<vmem>> -> memref<80x128xf32, #tpu.memory_space<vmem>>
        %dma_wait3A_1231 = arith.constant 0 : i32
        %dma_wait3A_1232 = tpu.memref_slice %arg7[%run_scoped3A_869, %dma_wait3A_1231] : memref<8x80xi32, #tpu.memory_space<vmem>> -> memref<1x80xi32, #tpu.memory_space<vmem>>
        %dma_wait3A_1233 = tpu.memref_squeeze %dma_wait3A_1232 : memref<1x80xi32, #tpu.memory_space<vmem>> -> memref<80xi32, #tpu.memory_space<vmem>>
        %dma_wait3A_1234 = arith.constant 0 : i32
        %dma_wait3A_1235 = arith.constant 0 : i32
        %dma_wait3A_1236 = tpu.memref_slice %arg9[%dma_wait3A_1234, %dma_wait3A_1235] : memref<10240x128xf32, #tpu.memory_space<vmem_shared>> -> memref<10240x128xf32, #tpu.memory_space<vmem_shared>>
        tpu.wait_indirect_dma semaphore(%run_scoped3A_1216 : memref<!tpu.dma_semaphore, #tpu.memory_space<semaphore_mem>>) src(%dma_wait3A_1230 : memref<80x128xf32, #tpu.memory_space<vmem>>) dst(%dma_wait3A_1236 : memref<10240x128xf32, #tpu.memory_space<vmem_shared>>)
        tpu.yield
      }) : () -> ()
      %add3A_870 = arith.constant 8 : i32
      %add3A_871 = arith.addi %add3A_849, %add3A_870 : i32
      %lt3A_872 = arith.constant 125 : i32
      %lt3A_873 = arith.cmpi slt, %add3A_871, %lt3A_872 : i32
      %convert_element_type3A_874 = arith.extui %lt3A_873 : i1 to i32
      %cond3A_875 = arith.constant 0 : i32
      %cond3A_876 = arith.cmpi ne, %convert_element_type3A_874, %cond3A_875 : i32
      scf.if %cond3A_876 {
        %add3A_1216 = arith.constant 8 : i32
        %add3A_1217 = arith.addi %add3A_849, %add3A_1216 : i32
        %mul3A_1218 = arith.constant 10000 : i32
        %mul3A_1219 = arith.muli %add3A, %mul3A_1218 : i32
        %mul3A_1220 = arith.constant 80 : i32
        %mul3A_1221 = arith.muli %add3A_1217, %mul3A_1220 : i32
        %add3A_1222 = arith.addi %mul3A_1219, %mul3A_1221 : i32
        %dma_start3A_1223 = arith.constant 3 : i32
        %dma_start3A_1224 = arith.constant 3 : i32
        %dma_start3A_1225 = arith.constant 0 : i32
        %dma_start3A_1226 = tpu.memref_slice %arg6[%dma_start3A_1223, %dma_start3A_1225] : memref<8x80xi32, #tpu.memory_space<vmem>> -> memref<1x80xi32, #tpu.memory_space<vmem>>
        %dma_start3A_1227 = tpu.memref_squeeze %dma_start3A_1226 : memref<1x80xi32, #tpu.memory_space<vmem>> -> memref<80xi32, #tpu.memory_space<vmem>>
        %dma_start3A_1228 = tpu.memref_slice %arg3[%add3A_1222] : memref<320000xi32, #tpu.memory_space<hbm>> -> memref<80xi32, #tpu.memory_space<hbm>>
        %dma_start3A_1229 = tpu.memref_slice %arg10[%dma_start3A_1224] : memref<8x!tpu.dma_semaphore, #tpu.memory_space<semaphore_mem>> -> memref<1x!tpu.dma_semaphore, #tpu.memory_space<semaphore_mem>>
        %dma_start3A_1230 = tpu.memref_squeeze %dma_start3A_1229 : memref<1x!tpu.dma_semaphore, #tpu.memory_space<semaphore_mem>> -> memref<!tpu.dma_semaphore, #tpu.memory_space<semaphore_mem>>
        %dma_start3A_1231 = arith.constant 0 : i32
        %dma_start3A_1232 = tpu.memref_slice %arg6[%dma_start3A_1223, %dma_start3A_1231] : memref<8x80xi32, #tpu.memory_space<vmem>> -> memref<1x80xi32, #tpu.memory_space<vmem>>
        %dma_start3A_1233 = tpu.memref_squeeze %dma_start3A_1232 : memref<1x80xi32, #tpu.memory_space<vmem>> -> memref<80xi32, #tpu.memory_space<vmem>>
        %dma_start3A_1234 = tpu.memref_slice %arg3[%add3A_1222] : memref<320000xi32, #tpu.memory_space<hbm>> -> memref<80xi32, #tpu.memory_space<hbm>>
        tpu.enqueue_dma source(%dma_start3A_1234 : memref<80xi32, #tpu.memory_space<hbm>>) target(%dma_start3A_1233 : memref<80xi32, #tpu.memory_space<vmem>>) target_semaphore(%dma_start3A_1230 : memref<!tpu.dma_semaphore, #tpu.memory_space<semaphore_mem>>)
        %mul3A_1235 = arith.constant 10000 : i32
        %mul3A_1236 = arith.muli %add3A, %mul3A_1235 : i32
        %mul3A_1237 = arith.constant 80 : i32
        %mul3A_1238 = arith.muli %add3A_1217, %mul3A_1237 : i32
        %add3A_1239 = arith.addi %mul3A_1236, %mul3A_1238 : i32
        %dma_start3A_1240 = arith.constant 3 : i32
        %dma_start3A_1241 = arith.constant 3 : i32
        %dma_start3A_1242 = arith.constant 0 : i32
        %dma_start3A_1243 = tpu.memref_slice %arg7[%dma_start3A_1240, %dma_start3A_1242] : memref<8x80xi32, #tpu.memory_space<vmem>> -> memref<1x80xi32, #tpu.memory_space<vmem>>
        %dma_start3A_1244 = tpu.memref_squeeze %dma_start3A_1243 : memref<1x80xi32, #tpu.memory_space<vmem>> -> memref<80xi32, #tpu.memory_space<vmem>>
        %dma_start3A_1245 = tpu.memref_slice %arg4[%add3A_1239] : memref<320000xi32, #tpu.memory_space<hbm>> -> memref<80xi32, #tpu.memory_space<hbm>>
        %dma_start3A_1246 = tpu.memref_slice %arg10[%dma_start3A_1241] : memref<8x!tpu.dma_semaphore, #tpu.memory_space<semaphore_mem>> -> memref<1x!tpu.dma_semaphore, #tpu.memory_space<semaphore_mem>>
        %dma_start3A_1247 = tpu.memref_squeeze %dma_start3A_1246 : memref<1x!tpu.dma_semaphore, #tpu.memory_space<semaphore_mem>> -> memref<!tpu.dma_semaphore, #tpu.memory_space<semaphore_mem>>
        %dma_start3A_1248 = arith.constant 0 : i32
        %dma_start3A_1249 = tpu.memref_slice %arg7[%dma_start3A_1240, %dma_start3A_1248] : memref<8x80xi32, #tpu.memory_space<vmem>> -> memref<1x80xi32, #tpu.memory_space<vmem>>
        %dma_start3A_1250 = tpu.memref_squeeze %dma_start3A_1249 : memref<1x80xi32, #tpu.memory_space<vmem>> -> memref<80xi32, #tpu.memory_space<vmem>>
        %dma_start3A_1251 = tpu.memref_slice %arg4[%add3A_1239] : memref<320000xi32, #tpu.memory_space<hbm>> -> memref<80xi32, #tpu.memory_space<hbm>>
        tpu.enqueue_dma source(%dma_start3A_1251 : memref<80xi32, #tpu.memory_space<hbm>>) target(%dma_start3A_1250 : memref<80xi32, #tpu.memory_space<vmem>>) target_semaphore(%dma_start3A_1247 : memref<!tpu.dma_semaphore, #tpu.memory_space<semaphore_mem>>)
      } else {
      }
      %dma_wait3A_877 = arith.constant 7 : i32
      %dma_wait3A_878 = arith.constant 7 : i32
      %dma_wait3A_879 = arith.constant 0 : i32
      %dma_wait3A_880 = tpu.memref_slice %arg6[%dma_wait3A_877, %dma_wait3A_879] : memref<8x80xi32, #tpu.memory_space<vmem>> -> memref<1x80xi32, #tpu.memory_space<vmem>>
      %dma_wait3A_881 = tpu.memref_squeeze %dma_wait3A_880 : memref<1x80xi32, #tpu.memory_space<vmem>> -> memref<80xi32, #tpu.memory_space<vmem>>
      %dma_wait3A_882 = arith.constant 0 : i32
      %dma_wait3A_883 = tpu.memref_slice %arg3[%dma_wait3A_882] : memref<320000xi32, #tpu.memory_space<hbm>> -> memref<80xi32, #tpu.memory_space<hbm>>
      %dma_wait3A_884 = tpu.memref_slice %arg10[%dma_wait3A_878] : memref<8x!tpu.dma_semaphore, #tpu.memory_space<semaphore_mem>> -> memref<1x!tpu.dma_semaphore, #tpu.memory_space<semaphore_mem>>
      %dma_wait3A_885 = tpu.memref_squeeze %dma_wait3A_884 : memref<1x!tpu.dma_semaphore, #tpu.memory_space<semaphore_mem>> -> memref<!tpu.dma_semaphore, #tpu.memory_space<semaphore_mem>>
      %dma_wait3A_886 = arith.constant 0 : i32
      %dma_wait3A_887 = tpu.memref_slice %arg6[%dma_wait3A_877, %dma_wait3A_886] : memref<8x80xi32, #tpu.memory_space<vmem>> -> memref<1x80xi32, #tpu.memory_space<vmem>>
      %dma_wait3A_888 = tpu.memref_squeeze %dma_wait3A_887 : memref<1x80xi32, #tpu.memory_space<vmem>> -> memref<80xi32, #tpu.memory_space<vmem>>
      %dma_wait3A_889 = arith.constant 0 : i32
      %dma_wait3A_890 = tpu.memref_slice %arg3[%dma_wait3A_889] : memref<320000xi32, #tpu.memory_space<hbm>> -> memref<80xi32, #tpu.memory_space<hbm>>
      tpu.wait_dma2 semaphore(%dma_wait3A_885 : memref<!tpu.dma_semaphore, #tpu.memory_space<semaphore_mem>>) src(%dma_wait3A_890 : memref<80xi32, #tpu.memory_space<hbm>>) dst(%dma_wait3A_888 : memref<80xi32, #tpu.memory_space<vmem>>)
      %dma_wait3A_891 = arith.constant 7 : i32
      %dma_wait3A_892 = arith.constant 7 : i32
      %dma_wait3A_893 = arith.constant 0 : i32
      %dma_wait3A_894 = tpu.memref_slice %arg7[%dma_wait3A_891, %dma_wait3A_893] : memref<8x80xi32, #tpu.memory_space<vmem>> -> memref<1x80xi32, #tpu.memory_space<vmem>>
      %dma_wait3A_895 = tpu.memref_squeeze %dma_wait3A_894 : memref<1x80xi32, #tpu.memory_space<vmem>> -> memref<80xi32, #tpu.memory_space<vmem>>
      %dma_wait3A_896 = arith.constant 0 : i32
      %dma_wait3A_897 = tpu.memref_slice %arg3[%dma_wait3A_896] : memref<320000xi32, #tpu.memory_space<hbm>> -> memref<80xi32, #tpu.memory_space<hbm>>
      %dma_wait3A_898 = tpu.memref_slice %arg10[%dma_wait3A_892] : memref<8x!tpu.dma_semaphore, #tpu.memory_space<semaphore_mem>> -> memref<1x!tpu.dma_semaphore, #tpu.memory_space<semaphore_mem>>
      %dma_wait3A_899 = tpu.memref_squeeze %dma_wait3A_898 : memref<1x!tpu.dma_semaphore, #tpu.memory_space<semaphore_mem>> -> memref<!tpu.dma_semaphore, #tpu.memory_space<semaphore_mem>>
      %dma_wait3A_900 = arith.constant 0 : i32
      %dma_wait3A_901 = tpu.memref_slice %arg7[%dma_wait3A_891, %dma_wait3A_900] : memref<8x80xi32, #tpu.memory_space<vmem>> -> memref<1x80xi32, #tpu.memory_space<vmem>>
      %dma_wait3A_902 = tpu.memref_squeeze %dma_wait3A_901 : memref<1x80xi32, #tpu.memory_space<vmem>> -> memref<80xi32, #tpu.memory_space<vmem>>
      %dma_wait3A_903 = arith.constant 0 : i32
      %dma_wait3A_904 = tpu.memref_slice %arg3[%dma_wait3A_903] : memref<320000xi32, #tpu.memory_space<hbm>> -> memref<80xi32, #tpu.memory_space<hbm>>
      tpu.wait_dma2 semaphore(%dma_wait3A_899 : memref<!tpu.dma_semaphore, #tpu.memory_space<semaphore_mem>>) src(%dma_wait3A_904 : memref<80xi32, #tpu.memory_space<hbm>>) dst(%dma_wait3A_902 : memref<80xi32, #tpu.memory_space<vmem>>)
      %dma_start3A_905 = arith.constant 7 : i32
      %dma_start3A_906 = arith.constant 3 : i32
      %dma_start3A_907 = arith.constant 3 : i32
      %dma_start3A_908 = arith.constant 0 : i32
      %dma_start3A_909 = arith.constant 0 : i32
      %dma_start3A_910 = tpu.memref_slice %arg8[%dma_start3A_906, %dma_start3A_908, %dma_start3A_909] : memref<4x80x128xf32, #tpu.memory_space<vmem>> -> memref<1x80x128xf32, #tpu.memory_space<vmem>>
      %dma_start3A_911 = tpu.memref_squeeze %dma_start3A_910 : memref<1x80x128xf32, #tpu.memory_space<vmem>> -> memref<80x128xf32, #tpu.memory_space<vmem>>
      %dma_start3A_912 = arith.constant 0 : i32
      %dma_start3A_913 = tpu.memref_slice %arg6[%dma_start3A_905, %dma_start3A_912] : memref<8x80xi32, #tpu.memory_space<vmem>> -> memref<1x80xi32, #tpu.memory_space<vmem>>
      %dma_start3A_914 = tpu.memref_squeeze %dma_start3A_913 : memref<1x80xi32, #tpu.memory_space<vmem>> -> memref<80xi32, #tpu.memory_space<vmem>>
      %dma_start3A_915 = arith.constant 0 : i32
      %dma_start3A_916 = arith.constant 0 : i32
      %dma_start3A_917 = tpu.memref_slice %arg2[%dma_start3A_915, %dma_start3A_916] : memref<10000x128xf32, #tpu.memory_space<hbm>> -> memref<10000x128xf32, #tpu.memory_space<hbm>>
      %dma_start3A_918 = tpu.memref_slice %arg11[%dma_start3A_907] : memref<4x!tpu.dma_semaphore, #tpu.memory_space<semaphore_mem>> -> memref<1x!tpu.dma_semaphore, #tpu.memory_space<semaphore_mem>>
      %dma_start3A_919 = tpu.memref_squeeze %dma_start3A_918 : memref<1x!tpu.dma_semaphore, #tpu.memory_space<semaphore_mem>> -> memref<!tpu.dma_semaphore, #tpu.memory_space<semaphore_mem>>
      tpu.enqueue_indirect_dma source(%dma_start3A_917 : memref<10000x128xf32, #tpu.memory_space<hbm>>) target(%dma_start3A_911 : memref<80x128xf32, #tpu.memory_space<vmem>>) offsets(%dma_start3A_914 : memref<80xi32, #tpu.memory_space<vmem>>) semaphore(%dma_start3A_919 : memref<!tpu.dma_semaphore, #tpu.memory_space<semaphore_mem>>)
      %mul3A_920 = arith.constant 8 : i32
      %mul3A_921 = arith.muli %scan3A_626, %mul3A_920 : i32
      %add3A_922 = arith.constant 4 : i32
      %add3A_923 = arith.addi %mul3A_921, %add3A_922 : i32
      %dma_wait3A_924 = arith.constant 0 : i32
      %dma_wait3A_925 = arith.constant 0 : i32
      %dma_wait3A_926 = arith.constant 0 : i32
      %dma_wait3A_927 = arith.constant 0 : i32
      %dma_wait3A_928 = tpu.memref_slice %arg8[%dma_wait3A_924, %dma_wait3A_926, %dma_wait3A_927] : memref<4x80x128xf32, #tpu.memory_space<vmem>> -> memref<1x80x128xf32, #tpu.memory_space<vmem>>
      %dma_wait3A_929 = tpu.memref_squeeze %dma_wait3A_928 : memref<1x80x128xf32, #tpu.memory_space<vmem>> -> memref<80x128xf32, #tpu.memory_space<vmem>>
      %dma_wait3A_930 = arith.constant 0 : i32
      %dma_wait3A_931 = arith.constant 0 : i32
      %dma_wait3A_932 = tpu.memref_slice %arg2[%dma_wait3A_930, %dma_wait3A_931] : memref<10000x128xf32, #tpu.memory_space<hbm>> -> memref<80x128xf32, #tpu.memory_space<hbm>>
      %dma_wait3A_933 = tpu.memref_slice %arg11[%dma_wait3A_925] : memref<4x!tpu.dma_semaphore, #tpu.memory_space<semaphore_mem>> -> memref<1x!tpu.dma_semaphore, #tpu.memory_space<semaphore_mem>>
      %dma_wait3A_934 = tpu.memref_squeeze %dma_wait3A_933 : memref<1x!tpu.dma_semaphore, #tpu.memory_space<semaphore_mem>> -> memref<!tpu.dma_semaphore, #tpu.memory_space<semaphore_mem>>
      %dma_wait3A_935 = arith.constant 0 : i32
      %dma_wait3A_936 = arith.constant 0 : i32
      %dma_wait3A_937 = tpu.memref_slice %arg8[%dma_wait3A_924, %dma_wait3A_935, %dma_wait3A_936] : memref<4x80x128xf32, #tpu.memory_space<vmem>> -> memref<1x80x128xf32, #tpu.memory_space<vmem>>
      %dma_wait3A_938 = tpu.memref_squeeze %dma_wait3A_937 : memref<1x80x128xf32, #tpu.memory_space<vmem>> -> memref<80x128xf32, #tpu.memory_space<vmem>>
      %dma_wait3A_939 = arith.constant 0 : i32
      %dma_wait3A_940 = arith.constant 0 : i32
      %dma_wait3A_941 = tpu.memref_slice %arg2[%dma_wait3A_939, %dma_wait3A_940] : memref<10000x128xf32, #tpu.memory_space<hbm>> -> memref<80x128xf32, #tpu.memory_space<hbm>>
      tpu.wait_dma2 semaphore(%dma_wait3A_934 : memref<!tpu.dma_semaphore, #tpu.memory_space<semaphore_mem>>) src(%dma_wait3A_941 : memref<80x128xf32, #tpu.memory_space<hbm>>) dst(%dma_wait3A_938 : memref<80x128xf32, #tpu.memory_space<vmem>>)
      %run_scoped3A_942 = arith.constant 0 : i32
      %run_scoped3A_943 = arith.constant 4 : i32
      "tpu.region"() ({
        %run_scoped3A_1216 = tpu.sem_alloc : memref<!tpu.dma_semaphore, #tpu.memory_space<semaphore_mem>>
        %dma_start3A_1217 = arith.constant 0 : i32
        %dma_start3A_1218 = arith.constant 0 : i32
        %dma_start3A_1219 = tpu.memref_slice %arg8[%run_scoped3A_942, %dma_start3A_1217, %dma_start3A_1218] : memref<4x80x128xf32, #tpu.memory_space<vmem>> -> memref<1x80x128xf32, #tpu.memory_space<vmem>>
        %dma_start3A_1220 = tpu.memref_squeeze %dma_start3A_1219 : memref<1x80x128xf32, #tpu.memory_space<vmem>> -> memref<80x128xf32, #tpu.memory_space<vmem>>
        %dma_start3A_1221 = arith.constant 0 : i32
        %dma_start3A_1222 = tpu.memref_slice %arg7[%run_scoped3A_943, %dma_start3A_1221] : memref<8x80xi32, #tpu.memory_space<vmem>> -> memref<1x80xi32, #tpu.memory_space<vmem>>
        %dma_start3A_1223 = tpu.memref_squeeze %dma_start3A_1222 : memref<1x80xi32, #tpu.memory_space<vmem>> -> memref<80xi32, #tpu.memory_space<vmem>>
        %dma_start3A_1224 = arith.constant 0 : i32
        %dma_start3A_1225 = arith.constant 0 : i32
        %dma_start3A_1226 = tpu.memref_slice %arg9[%dma_start3A_1224, %dma_start3A_1225] : memref<10240x128xf32, #tpu.memory_space<vmem_shared>> -> memref<10240x128xf32, #tpu.memory_space<vmem_shared>>
        tpu.enqueue_indirect_dma source(%dma_start3A_1220 : memref<80x128xf32, #tpu.memory_space<vmem>>) target(%dma_start3A_1226 : memref<10240x128xf32, #tpu.memory_space<vmem_shared>>) offsets(%dma_start3A_1223 : memref<80xi32, #tpu.memory_space<vmem>>) semaphore(%run_scoped3A_1216 : memref<!tpu.dma_semaphore, #tpu.memory_space<semaphore_mem>>) {add = true}
        %dma_wait3A_1227 = arith.constant 0 : i32
        %dma_wait3A_1228 = arith.constant 0 : i32
        %dma_wait3A_1229 = tpu.memref_slice %arg8[%run_scoped3A_942, %dma_wait3A_1227, %dma_wait3A_1228] : memref<4x80x128xf32, #tpu.memory_space<vmem>> -> memref<1x80x128xf32, #tpu.memory_space<vmem>>
        %dma_wait3A_1230 = tpu.memref_squeeze %dma_wait3A_1229 : memref<1x80x128xf32, #tpu.memory_space<vmem>> -> memref<80x128xf32, #tpu.memory_space<vmem>>
        %dma_wait3A_1231 = arith.constant 0 : i32
        %dma_wait3A_1232 = tpu.memref_slice %arg7[%run_scoped3A_943, %dma_wait3A_1231] : memref<8x80xi32, #tpu.memory_space<vmem>> -> memref<1x80xi32, #tpu.memory_space<vmem>>
        %dma_wait3A_1233 = tpu.memref_squeeze %dma_wait3A_1232 : memref<1x80xi32, #tpu.memory_space<vmem>> -> memref<80xi32, #tpu.memory_space<vmem>>
        %dma_wait3A_1234 = arith.constant 0 : i32
        %dma_wait3A_1235 = arith.constant 0 : i32
        %dma_wait3A_1236 = tpu.memref_slice %arg9[%dma_wait3A_1234, %dma_wait3A_1235] : memref<10240x128xf32, #tpu.memory_space<vmem_shared>> -> memref<10240x128xf32, #tpu.memory_space<vmem_shared>>
        tpu.wait_indirect_dma semaphore(%run_scoped3A_1216 : memref<!tpu.dma_semaphore, #tpu.memory_space<semaphore_mem>>) src(%dma_wait3A_1230 : memref<80x128xf32, #tpu.memory_space<vmem>>) dst(%dma_wait3A_1236 : memref<10240x128xf32, #tpu.memory_space<vmem_shared>>)
        tpu.yield
      }) : () -> ()
      %add3A_944 = arith.constant 8 : i32
      %add3A_945 = arith.addi %add3A_923, %add3A_944 : i32
      %lt3A_946 = arith.constant 125 : i32
      %lt3A_947 = arith.cmpi slt, %add3A_945, %lt3A_946 : i32
      %convert_element_type3A_948 = arith.extui %lt3A_947 : i1 to i32
      %cond3A_949 = arith.constant 0 : i32
      %cond3A_950 = arith.cmpi ne, %convert_element_type3A_948, %cond3A_949 : i32
      scf.if %cond3A_950 {
        %add3A_1216 = arith.constant 8 : i32
        %add3A_1217 = arith.addi %add3A_923, %add3A_1216 : i32
        %mul3A_1218 = arith.constant 10000 : i32
        %mul3A_1219 = arith.muli %add3A, %mul3A_1218 : i32
        %mul3A_1220 = arith.constant 80 : i32
        %mul3A_1221 = arith.muli %add3A_1217, %mul3A_1220 : i32
        %add3A_1222 = arith.addi %mul3A_1219, %mul3A_1221 : i32
        %dma_start3A_1223 = arith.constant 4 : i32
        %dma_start3A_1224 = arith.constant 4 : i32
        %dma_start3A_1225 = arith.constant 0 : i32
        %dma_start3A_1226 = tpu.memref_slice %arg6[%dma_start3A_1223, %dma_start3A_1225] : memref<8x80xi32, #tpu.memory_space<vmem>> -> memref<1x80xi32, #tpu.memory_space<vmem>>
        %dma_start3A_1227 = tpu.memref_squeeze %dma_start3A_1226 : memref<1x80xi32, #tpu.memory_space<vmem>> -> memref<80xi32, #tpu.memory_space<vmem>>
        %dma_start3A_1228 = tpu.memref_slice %arg3[%add3A_1222] : memref<320000xi32, #tpu.memory_space<hbm>> -> memref<80xi32, #tpu.memory_space<hbm>>
        %dma_start3A_1229 = tpu.memref_slice %arg10[%dma_start3A_1224] : memref<8x!tpu.dma_semaphore, #tpu.memory_space<semaphore_mem>> -> memref<1x!tpu.dma_semaphore, #tpu.memory_space<semaphore_mem>>
        %dma_start3A_1230 = tpu.memref_squeeze %dma_start3A_1229 : memref<1x!tpu.dma_semaphore, #tpu.memory_space<semaphore_mem>> -> memref<!tpu.dma_semaphore, #tpu.memory_space<semaphore_mem>>
        %dma_start3A_1231 = arith.constant 0 : i32
        %dma_start3A_1232 = tpu.memref_slice %arg6[%dma_start3A_1223, %dma_start3A_1231] : memref<8x80xi32, #tpu.memory_space<vmem>> -> memref<1x80xi32, #tpu.memory_space<vmem>>
        %dma_start3A_1233 = tpu.memref_squeeze %dma_start3A_1232 : memref<1x80xi32, #tpu.memory_space<vmem>> -> memref<80xi32, #tpu.memory_space<vmem>>
        %dma_start3A_1234 = tpu.memref_slice %arg3[%add3A_1222] : memref<320000xi32, #tpu.memory_space<hbm>> -> memref<80xi32, #tpu.memory_space<hbm>>
        tpu.enqueue_dma source(%dma_start3A_1234 : memref<80xi32, #tpu.memory_space<hbm>>) target(%dma_start3A_1233 : memref<80xi32, #tpu.memory_space<vmem>>) target_semaphore(%dma_start3A_1230 : memref<!tpu.dma_semaphore, #tpu.memory_space<semaphore_mem>>)
        %mul3A_1235 = arith.constant 10000 : i32
        %mul3A_1236 = arith.muli %add3A, %mul3A_1235 : i32
        %mul3A_1237 = arith.constant 80 : i32
        %mul3A_1238 = arith.muli %add3A_1217, %mul3A_1237 : i32
        %add3A_1239 = arith.addi %mul3A_1236, %mul3A_1238 : i32
        %dma_start3A_1240 = arith.constant 4 : i32
        %dma_start3A_1241 = arith.constant 4 : i32
        %dma_start3A_1242 = arith.constant 0 : i32
        %dma_start3A_1243 = tpu.memref_slice %arg7[%dma_start3A_1240, %dma_start3A_1242] : memref<8x80xi32, #tpu.memory_space<vmem>> -> memref<1x80xi32, #tpu.memory_space<vmem>>
        %dma_start3A_1244 = tpu.memref_squeeze %dma_start3A_1243 : memref<1x80xi32, #tpu.memory_space<vmem>> -> memref<80xi32, #tpu.memory_space<vmem>>
        %dma_start3A_1245 = tpu.memref_slice %arg4[%add3A_1239] : memref<320000xi32, #tpu.memory_space<hbm>> -> memref<80xi32, #tpu.memory_space<hbm>>
        %dma_start3A_1246 = tpu.memref_slice %arg10[%dma_start3A_1241] : memref<8x!tpu.dma_semaphore, #tpu.memory_space<semaphore_mem>> -> memref<1x!tpu.dma_semaphore, #tpu.memory_space<semaphore_mem>>
        %dma_start3A_1247 = tpu.memref_squeeze %dma_start3A_1246 : memref<1x!tpu.dma_semaphore, #tpu.memory_space<semaphore_mem>> -> memref<!tpu.dma_semaphore, #tpu.memory_space<semaphore_mem>>
        %dma_start3A_1248 = arith.constant 0 : i32
        %dma_start3A_1249 = tpu.memref_slice %arg7[%dma_start3A_1240, %dma_start3A_1248] : memref<8x80xi32, #tpu.memory_space<vmem>> -> memref<1x80xi32, #tpu.memory_space<vmem>>
        %dma_start3A_1250 = tpu.memref_squeeze %dma_start3A_1249 : memref<1x80xi32, #tpu.memory_space<vmem>> -> memref<80xi32, #tpu.memory_space<vmem>>
        %dma_start3A_1251 = tpu.memref_slice %arg4[%add3A_1239] : memref<320000xi32, #tpu.memory_space<hbm>> -> memref<80xi32, #tpu.memory_space<hbm>>
        tpu.enqueue_dma source(%dma_start3A_1251 : memref<80xi32, #tpu.memory_space<hbm>>) target(%dma_start3A_1250 : memref<80xi32, #tpu.memory_space<vmem>>) target_semaphore(%dma_start3A_1247 : memref<!tpu.dma_semaphore, #tpu.memory_space<semaphore_mem>>)
      } else {
      }
      %dma_wait3A_951 = arith.constant 0 : i32
      %dma_wait3A_952 = arith.constant 0 : i32
      %dma_wait3A_953 = arith.constant 0 : i32
      %dma_wait3A_954 = tpu.memref_slice %arg6[%dma_wait3A_951, %dma_wait3A_953] : memref<8x80xi32, #tpu.memory_space<vmem>> -> memref<1x80xi32, #tpu.memory_space<vmem>>
      %dma_wait3A_955 = tpu.memref_squeeze %dma_wait3A_954 : memref<1x80xi32, #tpu.memory_space<vmem>> -> memref<80xi32, #tpu.memory_space<vmem>>
      %dma_wait3A_956 = arith.constant 0 : i32
      %dma_wait3A_957 = tpu.memref_slice %arg3[%dma_wait3A_956] : memref<320000xi32, #tpu.memory_space<hbm>> -> memref<80xi32, #tpu.memory_space<hbm>>
      %dma_wait3A_958 = tpu.memref_slice %arg10[%dma_wait3A_952] : memref<8x!tpu.dma_semaphore, #tpu.memory_space<semaphore_mem>> -> memref<1x!tpu.dma_semaphore, #tpu.memory_space<semaphore_mem>>
      %dma_wait3A_959 = tpu.memref_squeeze %dma_wait3A_958 : memref<1x!tpu.dma_semaphore, #tpu.memory_space<semaphore_mem>> -> memref<!tpu.dma_semaphore, #tpu.memory_space<semaphore_mem>>
      %dma_wait3A_960 = arith.constant 0 : i32
      %dma_wait3A_961 = tpu.memref_slice %arg6[%dma_wait3A_951, %dma_wait3A_960] : memref<8x80xi32, #tpu.memory_space<vmem>> -> memref<1x80xi32, #tpu.memory_space<vmem>>
      %dma_wait3A_962 = tpu.memref_squeeze %dma_wait3A_961 : memref<1x80xi32, #tpu.memory_space<vmem>> -> memref<80xi32, #tpu.memory_space<vmem>>
      %dma_wait3A_963 = arith.constant 0 : i32
      %dma_wait3A_964 = tpu.memref_slice %arg3[%dma_wait3A_963] : memref<320000xi32, #tpu.memory_space<hbm>> -> memref<80xi32, #tpu.memory_space<hbm>>
      tpu.wait_dma2 semaphore(%dma_wait3A_959 : memref<!tpu.dma_semaphore, #tpu.memory_space<semaphore_mem>>) src(%dma_wait3A_964 : memref<80xi32, #tpu.memory_space<hbm>>) dst(%dma_wait3A_962 : memref<80xi32, #tpu.memory_space<vmem>>)
      %dma_wait3A_965 = arith.constant 0 : i32
      %dma_wait3A_966 = arith.constant 0 : i32
      %dma_wait3A_967 = arith.constant 0 : i32
      %dma_wait3A_968 = tpu.memref_slice %arg7[%dma_wait3A_965, %dma_wait3A_967] : memref<8x80xi32, #tpu.memory_space<vmem>> -> memref<1x80xi32, #tpu.memory_space<vmem>>
      %dma_wait3A_969 = tpu.memref_squeeze %dma_wait3A_968 : memref<1x80xi32, #tpu.memory_space<vmem>> -> memref<80xi32, #tpu.memory_space<vmem>>
      %dma_wait3A_970 = arith.constant 0 : i32
      %dma_wait3A_971 = tpu.memref_slice %arg3[%dma_wait3A_970] : memref<320000xi32, #tpu.memory_space<hbm>> -> memref<80xi32, #tpu.memory_space<hbm>>
      %dma_wait3A_972 = tpu.memref_slice %arg10[%dma_wait3A_966] : memref<8x!tpu.dma_semaphore, #tpu.memory_space<semaphore_mem>> -> memref<1x!tpu.dma_semaphore, #tpu.memory_space<semaphore_mem>>
      %dma_wait3A_973 = tpu.memref_squeeze %dma_wait3A_972 : memref<1x!tpu.dma_semaphore, #tpu.memory_space<semaphore_mem>> -> memref<!tpu.dma_semaphore, #tpu.memory_space<semaphore_mem>>
      %dma_wait3A_974 = arith.constant 0 : i32
      %dma_wait3A_975 = tpu.memref_slice %arg7[%dma_wait3A_965, %dma_wait3A_974] : memref<8x80xi32, #tpu.memory_space<vmem>> -> memref<1x80xi32, #tpu.memory_space<vmem>>
      %dma_wait3A_976 = tpu.memref_squeeze %dma_wait3A_975 : memref<1x80xi32, #tpu.memory_space<vmem>> -> memref<80xi32, #tpu.memory_space<vmem>>
      %dma_wait3A_977 = arith.constant 0 : i32
      %dma_wait3A_978 = tpu.memref_slice %arg3[%dma_wait3A_977] : memref<320000xi32, #tpu.memory_space<hbm>> -> memref<80xi32, #tpu.memory_space<hbm>>
      tpu.wait_dma2 semaphore(%dma_wait3A_973 : memref<!tpu.dma_semaphore, #tpu.memory_space<semaphore_mem>>) src(%dma_wait3A_978 : memref<80xi32, #tpu.memory_space<hbm>>) dst(%dma_wait3A_976 : memref<80xi32, #tpu.memory_space<vmem>>)
      %dma_start3A_979 = arith.constant 0 : i32
      %dma_start3A_980 = arith.constant 0 : i32
      %dma_start3A_981 = arith.constant 0 : i32
      %dma_start3A_982 = arith.constant 0 : i32
      %dma_start3A_983 = arith.constant 0 : i32
      %dma_start3A_984 = tpu.memref_slice %arg8[%dma_start3A_980, %dma_start3A_982, %dma_start3A_983] : memref<4x80x128xf32, #tpu.memory_space<vmem>> -> memref<1x80x128xf32, #tpu.memory_space<vmem>>
      %dma_start3A_985 = tpu.memref_squeeze %dma_start3A_984 : memref<1x80x128xf32, #tpu.memory_space<vmem>> -> memref<80x128xf32, #tpu.memory_space<vmem>>
      %dma_start3A_986 = arith.constant 0 : i32
      %dma_start3A_987 = tpu.memref_slice %arg6[%dma_start3A_979, %dma_start3A_986] : memref<8x80xi32, #tpu.memory_space<vmem>> -> memref<1x80xi32, #tpu.memory_space<vmem>>
      %dma_start3A_988 = tpu.memref_squeeze %dma_start3A_987 : memref<1x80xi32, #tpu.memory_space<vmem>> -> memref<80xi32, #tpu.memory_space<vmem>>
      %dma_start3A_989 = arith.constant 0 : i32
      %dma_start3A_990 = arith.constant 0 : i32
      %dma_start3A_991 = tpu.memref_slice %arg2[%dma_start3A_989, %dma_start3A_990] : memref<10000x128xf32, #tpu.memory_space<hbm>> -> memref<10000x128xf32, #tpu.memory_space<hbm>>
      %dma_start3A_992 = tpu.memref_slice %arg11[%dma_start3A_981] : memref<4x!tpu.dma_semaphore, #tpu.memory_space<semaphore_mem>> -> memref<1x!tpu.dma_semaphore, #tpu.memory_space<semaphore_mem>>
      %dma_start3A_993 = tpu.memref_squeeze %dma_start3A_992 : memref<1x!tpu.dma_semaphore, #tpu.memory_space<semaphore_mem>> -> memref<!tpu.dma_semaphore, #tpu.memory_space<semaphore_mem>>
      tpu.enqueue_indirect_dma source(%dma_start3A_991 : memref<10000x128xf32, #tpu.memory_space<hbm>>) target(%dma_start3A_985 : memref<80x128xf32, #tpu.memory_space<vmem>>) offsets(%dma_start3A_988 : memref<80xi32, #tpu.memory_space<vmem>>) semaphore(%dma_start3A_993 : memref<!tpu.dma_semaphore, #tpu.memory_space<semaphore_mem>>)
      %mul3A_994 = arith.constant 8 : i32
      %mul3A_995 = arith.muli %scan3A_626, %mul3A_994 : i32
      %add3A_996 = arith.constant 5 : i32
      %add3A_997 = arith.addi %mul3A_995, %add3A_996 : i32
      %dma_wait3A_998 = arith.constant 1 : i32
      %dma_wait3A_999 = arith.constant 1 : i32
      %dma_wait3A_1000 = arith.constant 0 : i32
      %dma_wait3A_1001 = arith.constant 0 : i32
      %dma_wait3A_1002 = tpu.memref_slice %arg8[%dma_wait3A_998, %dma_wait3A_1000, %dma_wait3A_1001] : memref<4x80x128xf32, #tpu.memory_space<vmem>> -> memref<1x80x128xf32, #tpu.memory_space<vmem>>
      %dma_wait3A_1003 = tpu.memref_squeeze %dma_wait3A_1002 : memref<1x80x128xf32, #tpu.memory_space<vmem>> -> memref<80x128xf32, #tpu.memory_space<vmem>>
      %dma_wait3A_1004 = arith.constant 0 : i32
      %dma_wait3A_1005 = arith.constant 0 : i32
      %dma_wait3A_1006 = tpu.memref_slice %arg2[%dma_wait3A_1004, %dma_wait3A_1005] : memref<10000x128xf32, #tpu.memory_space<hbm>> -> memref<80x128xf32, #tpu.memory_space<hbm>>
      %dma_wait3A_1007 = tpu.memref_slice %arg11[%dma_wait3A_999] : memref<4x!tpu.dma_semaphore, #tpu.memory_space<semaphore_mem>> -> memref<1x!tpu.dma_semaphore, #tpu.memory_space<semaphore_mem>>
      %dma_wait3A_1008 = tpu.memref_squeeze %dma_wait3A_1007 : memref<1x!tpu.dma_semaphore, #tpu.memory_space<semaphore_mem>> -> memref<!tpu.dma_semaphore, #tpu.memory_space<semaphore_mem>>
      %dma_wait3A_1009 = arith.constant 0 : i32
      %dma_wait3A_1010 = arith.constant 0 : i32
      %dma_wait3A_1011 = tpu.memref_slice %arg8[%dma_wait3A_998, %dma_wait3A_1009, %dma_wait3A_1010] : memref<4x80x128xf32, #tpu.memory_space<vmem>> -> memref<1x80x128xf32, #tpu.memory_space<vmem>>
      %dma_wait3A_1012 = tpu.memref_squeeze %dma_wait3A_1011 : memref<1x80x128xf32, #tpu.memory_space<vmem>> -> memref<80x128xf32, #tpu.memory_space<vmem>>
      %dma_wait3A_1013 = arith.constant 0 : i32
      %dma_wait3A_1014 = arith.constant 0 : i32
      %dma_wait3A_1015 = tpu.memref_slice %arg2[%dma_wait3A_1013, %dma_wait3A_1014] : memref<10000x128xf32, #tpu.memory_space<hbm>> -> memref<80x128xf32, #tpu.memory_space<hbm>>
      tpu.wait_dma2 semaphore(%dma_wait3A_1008 : memref<!tpu.dma_semaphore, #tpu.memory_space<semaphore_mem>>) src(%dma_wait3A_1015 : memref<80x128xf32, #tpu.memory_space<hbm>>) dst(%dma_wait3A_1012 : memref<80x128xf32, #tpu.memory_space<vmem>>)
      %run_scoped3A_1016 = arith.constant 1 : i32
      %run_scoped3A_1017 = arith.constant 5 : i32
      "tpu.region"() ({
        %run_scoped3A_1216 = tpu.sem_alloc : memref<!tpu.dma_semaphore, #tpu.memory_space<semaphore_mem>>
        %dma_start3A_1217 = arith.constant 0 : i32
        %dma_start3A_1218 = arith.constant 0 : i32
        %dma_start3A_1219 = tpu.memref_slice %arg8[%run_scoped3A_1016, %dma_start3A_1217, %dma_start3A_1218] : memref<4x80x128xf32, #tpu.memory_space<vmem>> -> memref<1x80x128xf32, #tpu.memory_space<vmem>>
        %dma_start3A_1220 = tpu.memref_squeeze %dma_start3A_1219 : memref<1x80x128xf32, #tpu.memory_space<vmem>> -> memref<80x128xf32, #tpu.memory_space<vmem>>
        %dma_start3A_1221 = arith.constant 0 : i32
        %dma_start3A_1222 = tpu.memref_slice %arg7[%run_scoped3A_1017, %dma_start3A_1221] : memref<8x80xi32, #tpu.memory_space<vmem>> -> memref<1x80xi32, #tpu.memory_space<vmem>>
        %dma_start3A_1223 = tpu.memref_squeeze %dma_start3A_1222 : memref<1x80xi32, #tpu.memory_space<vmem>> -> memref<80xi32, #tpu.memory_space<vmem>>
        %dma_start3A_1224 = arith.constant 0 : i32
        %dma_start3A_1225 = arith.constant 0 : i32
        %dma_start3A_1226 = tpu.memref_slice %arg9[%dma_start3A_1224, %dma_start3A_1225] : memref<10240x128xf32, #tpu.memory_space<vmem_shared>> -> memref<10240x128xf32, #tpu.memory_space<vmem_shared>>
        tpu.enqueue_indirect_dma source(%dma_start3A_1220 : memref<80x128xf32, #tpu.memory_space<vmem>>) target(%dma_start3A_1226 : memref<10240x128xf32, #tpu.memory_space<vmem_shared>>) offsets(%dma_start3A_1223 : memref<80xi32, #tpu.memory_space<vmem>>) semaphore(%run_scoped3A_1216 : memref<!tpu.dma_semaphore, #tpu.memory_space<semaphore_mem>>) {add = true}
        %dma_wait3A_1227 = arith.constant 0 : i32
        %dma_wait3A_1228 = arith.constant 0 : i32
        %dma_wait3A_1229 = tpu.memref_slice %arg8[%run_scoped3A_1016, %dma_wait3A_1227, %dma_wait3A_1228] : memref<4x80x128xf32, #tpu.memory_space<vmem>> -> memref<1x80x128xf32, #tpu.memory_space<vmem>>
        %dma_wait3A_1230 = tpu.memref_squeeze %dma_wait3A_1229 : memref<1x80x128xf32, #tpu.memory_space<vmem>> -> memref<80x128xf32, #tpu.memory_space<vmem>>
        %dma_wait3A_1231 = arith.constant 0 : i32
        %dma_wait3A_1232 = tpu.memref_slice %arg7[%run_scoped3A_1017, %dma_wait3A_1231] : memref<8x80xi32, #tpu.memory_space<vmem>> -> memref<1x80xi32, #tpu.memory_space<vmem>>
        %dma_wait3A_1233 = tpu.memref_squeeze %dma_wait3A_1232 : memref<1x80xi32, #tpu.memory_space<vmem>> -> memref<80xi32, #tpu.memory_space<vmem>>
        %dma_wait3A_1234 = arith.constant 0 : i32
        %dma_wait3A_1235 = arith.constant 0 : i32
        %dma_wait3A_1236 = tpu.memref_slice %arg9[%dma_wait3A_1234, %dma_wait3A_1235] : memref<10240x128xf32, #tpu.memory_space<vmem_shared>> -> memref<10240x128xf32, #tpu.memory_space<vmem_shared>>
        tpu.wait_indirect_dma semaphore(%run_scoped3A_1216 : memref<!tpu.dma_semaphore, #tpu.memory_space<semaphore_mem>>) src(%dma_wait3A_1230 : memref<80x128xf32, #tpu.memory_space<vmem>>) dst(%dma_wait3A_1236 : memref<10240x128xf32, #tpu.memory_space<vmem_shared>>)
        tpu.yield
      }) : () -> ()
      %add3A_1018 = arith.constant 8 : i32
      %add3A_1019 = arith.addi %add3A_997, %add3A_1018 : i32
      %lt3A_1020 = arith.constant 125 : i32
      %lt3A_1021 = arith.cmpi slt, %add3A_1019, %lt3A_1020 : i32
      %convert_element_type3A_1022 = arith.extui %lt3A_1021 : i1 to i32
      %cond3A_1023 = arith.constant 0 : i32
      %cond3A_1024 = arith.cmpi ne, %convert_element_type3A_1022, %cond3A_1023 : i32
      scf.if %cond3A_1024 {
        %add3A_1216 = arith.constant 8 : i32
        %add3A_1217 = arith.addi %add3A_997, %add3A_1216 : i32
        %mul3A_1218 = arith.constant 10000 : i32
        %mul3A_1219 = arith.muli %add3A, %mul3A_1218 : i32
        %mul3A_1220 = arith.constant 80 : i32
        %mul3A_1221 = arith.muli %add3A_1217, %mul3A_1220 : i32
        %add3A_1222 = arith.addi %mul3A_1219, %mul3A_1221 : i32
        %dma_start3A_1223 = arith.constant 5 : i32
        %dma_start3A_1224 = arith.constant 5 : i32
        %dma_start3A_1225 = arith.constant 0 : i32
        %dma_start3A_1226 = tpu.memref_slice %arg6[%dma_start3A_1223, %dma_start3A_1225] : memref<8x80xi32, #tpu.memory_space<vmem>> -> memref<1x80xi32, #tpu.memory_space<vmem>>
        %dma_start3A_1227 = tpu.memref_squeeze %dma_start3A_1226 : memref<1x80xi32, #tpu.memory_space<vmem>> -> memref<80xi32, #tpu.memory_space<vmem>>
        %dma_start3A_1228 = tpu.memref_slice %arg3[%add3A_1222] : memref<320000xi32, #tpu.memory_space<hbm>> -> memref<80xi32, #tpu.memory_space<hbm>>
        %dma_start3A_1229 = tpu.memref_slice %arg10[%dma_start3A_1224] : memref<8x!tpu.dma_semaphore, #tpu.memory_space<semaphore_mem>> -> memref<1x!tpu.dma_semaphore, #tpu.memory_space<semaphore_mem>>
        %dma_start3A_1230 = tpu.memref_squeeze %dma_start3A_1229 : memref<1x!tpu.dma_semaphore, #tpu.memory_space<semaphore_mem>> -> memref<!tpu.dma_semaphore, #tpu.memory_space<semaphore_mem>>
        %dma_start3A_1231 = arith.constant 0 : i32
        %dma_start3A_1232 = tpu.memref_slice %arg6[%dma_start3A_1223, %dma_start3A_1231] : memref<8x80xi32, #tpu.memory_space<vmem>> -> memref<1x80xi32, #tpu.memory_space<vmem>>
        %dma_start3A_1233 = tpu.memref_squeeze %dma_start3A_1232 : memref<1x80xi32, #tpu.memory_space<vmem>> -> memref<80xi32, #tpu.memory_space<vmem>>
        %dma_start3A_1234 = tpu.memref_slice %arg3[%add3A_1222] : memref<320000xi32, #tpu.memory_space<hbm>> -> memref<80xi32, #tpu.memory_space<hbm>>
        tpu.enqueue_dma source(%dma_start3A_1234 : memref<80xi32, #tpu.memory_space<hbm>>) target(%dma_start3A_1233 : memref<80xi32, #tpu.memory_space<vmem>>) target_semaphore(%dma_start3A_1230 : memref<!tpu.dma_semaphore, #tpu.memory_space<semaphore_mem>>)
        %mul3A_1235 = arith.constant 10000 : i32
        %mul3A_1236 = arith.muli %add3A, %mul3A_1235 : i32
        %mul3A_1237 = arith.constant 80 : i32
        %mul3A_1238 = arith.muli %add3A_1217, %mul3A_1237 : i32
        %add3A_1239 = arith.addi %mul3A_1236, %mul3A_1238 : i32
        %dma_start3A_1240 = arith.constant 5 : i32
        %dma_start3A_1241 = arith.constant 5 : i32
        %dma_start3A_1242 = arith.constant 0 : i32
        %dma_start3A_1243 = tpu.memref_slice %arg7[%dma_start3A_1240, %dma_start3A_1242] : memref<8x80xi32, #tpu.memory_space<vmem>> -> memref<1x80xi32, #tpu.memory_space<vmem>>
        %dma_start3A_1244 = tpu.memref_squeeze %dma_start3A_1243 : memref<1x80xi32, #tpu.memory_space<vmem>> -> memref<80xi32, #tpu.memory_space<vmem>>
        %dma_start3A_1245 = tpu.memref_slice %arg4[%add3A_1239] : memref<320000xi32, #tpu.memory_space<hbm>> -> memref<80xi32, #tpu.memory_space<hbm>>
        %dma_start3A_1246 = tpu.memref_slice %arg10[%dma_start3A_1241] : memref<8x!tpu.dma_semaphore, #tpu.memory_space<semaphore_mem>> -> memref<1x!tpu.dma_semaphore, #tpu.memory_space<semaphore_mem>>
        %dma_start3A_1247 = tpu.memref_squeeze %dma_start3A_1246 : memref<1x!tpu.dma_semaphore, #tpu.memory_space<semaphore_mem>> -> memref<!tpu.dma_semaphore, #tpu.memory_space<semaphore_mem>>
        %dma_start3A_1248 = arith.constant 0 : i32
        %dma_start3A_1249 = tpu.memref_slice %arg7[%dma_start3A_1240, %dma_start3A_1248] : memref<8x80xi32, #tpu.memory_space<vmem>> -> memref<1x80xi32, #tpu.memory_space<vmem>>
        %dma_start3A_1250 = tpu.memref_squeeze %dma_start3A_1249 : memref<1x80xi32, #tpu.memory_space<vmem>> -> memref<80xi32, #tpu.memory_space<vmem>>
        %dma_start3A_1251 = tpu.memref_slice %arg4[%add3A_1239] : memref<320000xi32, #tpu.memory_space<hbm>> -> memref<80xi32, #tpu.memory_space<hbm>>
        tpu.enqueue_dma source(%dma_start3A_1251 : memref<80xi32, #tpu.memory_space<hbm>>) target(%dma_start3A_1250 : memref<80xi32, #tpu.memory_space<vmem>>) target_semaphore(%dma_start3A_1247 : memref<!tpu.dma_semaphore, #tpu.memory_space<semaphore_mem>>)
      } else {
      }
      %dma_wait3A_1025 = arith.constant 1 : i32
      %dma_wait3A_1026 = arith.constant 1 : i32
      %dma_wait3A_1027 = arith.constant 0 : i32
      %dma_wait3A_1028 = tpu.memref_slice %arg6[%dma_wait3A_1025, %dma_wait3A_1027] : memref<8x80xi32, #tpu.memory_space<vmem>> -> memref<1x80xi32, #tpu.memory_space<vmem>>
      %dma_wait3A_1029 = tpu.memref_squeeze %dma_wait3A_1028 : memref<1x80xi32, #tpu.memory_space<vmem>> -> memref<80xi32, #tpu.memory_space<vmem>>
      %dma_wait3A_1030 = arith.constant 0 : i32
      %dma_wait3A_1031 = tpu.memref_slice %arg3[%dma_wait3A_1030] : memref<320000xi32, #tpu.memory_space<hbm>> -> memref<80xi32, #tpu.memory_space<hbm>>
      %dma_wait3A_1032 = tpu.memref_slice %arg10[%dma_wait3A_1026] : memref<8x!tpu.dma_semaphore, #tpu.memory_space<semaphore_mem>> -> memref<1x!tpu.dma_semaphore, #tpu.memory_space<semaphore_mem>>
      %dma_wait3A_1033 = tpu.memref_squeeze %dma_wait3A_1032 : memref<1x!tpu.dma_semaphore, #tpu.memory_space<semaphore_mem>> -> memref<!tpu.dma_semaphore, #tpu.memory_space<semaphore_mem>>
      %dma_wait3A_1034 = arith.constant 0 : i32
      %dma_wait3A_1035 = tpu.memref_slice %arg6[%dma_wait3A_1025, %dma_wait3A_1034] : memref<8x80xi32, #tpu.memory_space<vmem>> -> memref<1x80xi32, #tpu.memory_space<vmem>>
      %dma_wait3A_1036 = tpu.memref_squeeze %dma_wait3A_1035 : memref<1x80xi32, #tpu.memory_space<vmem>> -> memref<80xi32, #tpu.memory_space<vmem>>
      %dma_wait3A_1037 = arith.constant 0 : i32
      %dma_wait3A_1038 = tpu.memref_slice %arg3[%dma_wait3A_1037] : memref<320000xi32, #tpu.memory_space<hbm>> -> memref<80xi32, #tpu.memory_space<hbm>>
      tpu.wait_dma2 semaphore(%dma_wait3A_1033 : memref<!tpu.dma_semaphore, #tpu.memory_space<semaphore_mem>>) src(%dma_wait3A_1038 : memref<80xi32, #tpu.memory_space<hbm>>) dst(%dma_wait3A_1036 : memref<80xi32, #tpu.memory_space<vmem>>)
      %dma_wait3A_1039 = arith.constant 1 : i32
      %dma_wait3A_1040 = arith.constant 1 : i32
      %dma_wait3A_1041 = arith.constant 0 : i32
      %dma_wait3A_1042 = tpu.memref_slice %arg7[%dma_wait3A_1039, %dma_wait3A_1041] : memref<8x80xi32, #tpu.memory_space<vmem>> -> memref<1x80xi32, #tpu.memory_space<vmem>>
      %dma_wait3A_1043 = tpu.memref_squeeze %dma_wait3A_1042 : memref<1x80xi32, #tpu.memory_space<vmem>> -> memref<80xi32, #tpu.memory_space<vmem>>
      %dma_wait3A_1044 = arith.constant 0 : i32
      %dma_wait3A_1045 = tpu.memref_slice %arg3[%dma_wait3A_1044] : memref<320000xi32, #tpu.memory_space<hbm>> -> memref<80xi32, #tpu.memory_space<hbm>>
      %dma_wait3A_1046 = tpu.memref_slice %arg10[%dma_wait3A_1040] : memref<8x!tpu.dma_semaphore, #tpu.memory_space<semaphore_mem>> -> memref<1x!tpu.dma_semaphore, #tpu.memory_space<semaphore_mem>>
      %dma_wait3A_1047 = tpu.memref_squeeze %dma_wait3A_1046 : memref<1x!tpu.dma_semaphore, #tpu.memory_space<semaphore_mem>> -> memref<!tpu.dma_semaphore, #tpu.memory_space<semaphore_mem>>
      %dma_wait3A_1048 = arith.constant 0 : i32
      %dma_wait3A_1049 = tpu.memref_slice %arg7[%dma_wait3A_1039, %dma_wait3A_1048] : memref<8x80xi32, #tpu.memory_space<vmem>> -> memref<1x80xi32, #tpu.memory_space<vmem>>
      %dma_wait3A_1050 = tpu.memref_squeeze %dma_wait3A_1049 : memref<1x80xi32, #tpu.memory_space<vmem>> -> memref<80xi32, #tpu.memory_space<vmem>>
      %dma_wait3A_1051 = arith.constant 0 : i32
      %dma_wait3A_1052 = tpu.memref_slice %arg3[%dma_wait3A_1051] : memref<320000xi32, #tpu.memory_space<hbm>> -> memref<80xi32, #tpu.memory_space<hbm>>
      tpu.wait_dma2 semaphore(%dma_wait3A_1047 : memref<!tpu.dma_semaphore, #tpu.memory_space<semaphore_mem>>) src(%dma_wait3A_1052 : memref<80xi32, #tpu.memory_space<hbm>>) dst(%dma_wait3A_1050 : memref<80xi32, #tpu.memory_space<vmem>>)
      %dma_start3A_1053 = arith.constant 1 : i32
      %dma_start3A_1054 = arith.constant 1 : i32
      %dma_start3A_1055 = arith.constant 1 : i32
      %dma_start3A_1056 = arith.constant 0 : i32
      %dma_start3A_1057 = arith.constant 0 : i32
      %dma_start3A_1058 = tpu.memref_slice %arg8[%dma_start3A_1054, %dma_start3A_1056, %dma_start3A_1057] : memref<4x80x128xf32, #tpu.memory_space<vmem>> -> memref<1x80x128xf32, #tpu.memory_space<vmem>>
      %dma_start3A_1059 = tpu.memref_squeeze %dma_start3A_1058 : memref<1x80x128xf32, #tpu.memory_space<vmem>> -> memref<80x128xf32, #tpu.memory_space<vmem>>
      %dma_start3A_1060 = arith.constant 0 : i32
      %dma_start3A_1061 = tpu.memref_slice %arg6[%dma_start3A_1053, %dma_start3A_1060] : memref<8x80xi32, #tpu.memory_space<vmem>> -> memref<1x80xi32, #tpu.memory_space<vmem>>
      %dma_start3A_1062 = tpu.memref_squeeze %dma_start3A_1061 : memref<1x80xi32, #tpu.memory_space<vmem>> -> memref<80xi32, #tpu.memory_space<vmem>>
      %dma_start3A_1063 = arith.constant 0 : i32
      %dma_start3A_1064 = arith.constant 0 : i32
      %dma_start3A_1065 = tpu.memref_slice %arg2[%dma_start3A_1063, %dma_start3A_1064] : memref<10000x128xf32, #tpu.memory_space<hbm>> -> memref<10000x128xf32, #tpu.memory_space<hbm>>
      %dma_start3A_1066 = tpu.memref_slice %arg11[%dma_start3A_1055] : memref<4x!tpu.dma_semaphore, #tpu.memory_space<semaphore_mem>> -> memref<1x!tpu.dma_semaphore, #tpu.memory_space<semaphore_mem>>
      %dma_start3A_1067 = tpu.memref_squeeze %dma_start3A_1066 : memref<1x!tpu.dma_semaphore, #tpu.memory_space<semaphore_mem>> -> memref<!tpu.dma_semaphore, #tpu.memory_space<semaphore_mem>>
      tpu.enqueue_indirect_dma source(%dma_start3A_1065 : memref<10000x128xf32, #tpu.memory_space<hbm>>) target(%dma_start3A_1059 : memref<80x128xf32, #tpu.memory_space<vmem>>) offsets(%dma_start3A_1062 : memref<80xi32, #tpu.memory_space<vmem>>) semaphore(%dma_start3A_1067 : memref<!tpu.dma_semaphore, #tpu.memory_space<semaphore_mem>>)
      %mul3A_1068 = arith.constant 8 : i32
      %mul3A_1069 = arith.muli %scan3A_626, %mul3A_1068 : i32
      %add3A_1070 = arith.constant 6 : i32
      %add3A_1071 = arith.addi %mul3A_1069, %add3A_1070 : i32
      %dma_wait3A_1072 = arith.constant 2 : i32
      %dma_wait3A_1073 = arith.constant 2 : i32
      %dma_wait3A_1074 = arith.constant 0 : i32
      %dma_wait3A_1075 = arith.constant 0 : i32
      %dma_wait3A_1076 = tpu.memref_slice %arg8[%dma_wait3A_1072, %dma_wait3A_1074, %dma_wait3A_1075] : memref<4x80x128xf32, #tpu.memory_space<vmem>> -> memref<1x80x128xf32, #tpu.memory_space<vmem>>
      %dma_wait3A_1077 = tpu.memref_squeeze %dma_wait3A_1076 : memref<1x80x128xf32, #tpu.memory_space<vmem>> -> memref<80x128xf32, #tpu.memory_space<vmem>>
      %dma_wait3A_1078 = arith.constant 0 : i32
      %dma_wait3A_1079 = arith.constant 0 : i32
      %dma_wait3A_1080 = tpu.memref_slice %arg2[%dma_wait3A_1078, %dma_wait3A_1079] : memref<10000x128xf32, #tpu.memory_space<hbm>> -> memref<80x128xf32, #tpu.memory_space<hbm>>
      %dma_wait3A_1081 = tpu.memref_slice %arg11[%dma_wait3A_1073] : memref<4x!tpu.dma_semaphore, #tpu.memory_space<semaphore_mem>> -> memref<1x!tpu.dma_semaphore, #tpu.memory_space<semaphore_mem>>
      %dma_wait3A_1082 = tpu.memref_squeeze %dma_wait3A_1081 : memref<1x!tpu.dma_semaphore, #tpu.memory_space<semaphore_mem>> -> memref<!tpu.dma_semaphore, #tpu.memory_space<semaphore_mem>>
      %dma_wait3A_1083 = arith.constant 0 : i32
      %dma_wait3A_1084 = arith.constant 0 : i32
      %dma_wait3A_1085 = tpu.memref_slice %arg8[%dma_wait3A_1072, %dma_wait3A_1083, %dma_wait3A_1084] : memref<4x80x128xf32, #tpu.memory_space<vmem>> -> memref<1x80x128xf32, #tpu.memory_space<vmem>>
      %dma_wait3A_1086 = tpu.memref_squeeze %dma_wait3A_1085 : memref<1x80x128xf32, #tpu.memory_space<vmem>> -> memref<80x128xf32, #tpu.memory_space<vmem>>
      %dma_wait3A_1087 = arith.constant 0 : i32
      %dma_wait3A_1088 = arith.constant 0 : i32
      %dma_wait3A_1089 = tpu.memref_slice %arg2[%dma_wait3A_1087, %dma_wait3A_1088] : memref<10000x128xf32, #tpu.memory_space<hbm>> -> memref<80x128xf32, #tpu.memory_space<hbm>>
      tpu.wait_dma2 semaphore(%dma_wait3A_1082 : memref<!tpu.dma_semaphore, #tpu.memory_space<semaphore_mem>>) src(%dma_wait3A_1089 : memref<80x128xf32, #tpu.memory_space<hbm>>) dst(%dma_wait3A_1086 : memref<80x128xf32, #tpu.memory_space<vmem>>)
      %run_scoped3A_1090 = arith.constant 2 : i32
      %run_scoped3A_1091 = arith.constant 6 : i32
      "tpu.region"() ({
        %run_scoped3A_1216 = tpu.sem_alloc : memref<!tpu.dma_semaphore, #tpu.memory_space<semaphore_mem>>
        %dma_start3A_1217 = arith.constant 0 : i32
        %dma_start3A_1218 = arith.constant 0 : i32
        %dma_start3A_1219 = tpu.memref_slice %arg8[%run_scoped3A_1090, %dma_start3A_1217, %dma_start3A_1218] : memref<4x80x128xf32, #tpu.memory_space<vmem>> -> memref<1x80x128xf32, #tpu.memory_space<vmem>>
        %dma_start3A_1220 = tpu.memref_squeeze %dma_start3A_1219 : memref<1x80x128xf32, #tpu.memory_space<vmem>> -> memref<80x128xf32, #tpu.memory_space<vmem>>
        %dma_start3A_1221 = arith.constant 0 : i32
        %dma_start3A_1222 = tpu.memref_slice %arg7[%run_scoped3A_1091, %dma_start3A_1221] : memref<8x80xi32, #tpu.memory_space<vmem>> -> memref<1x80xi32, #tpu.memory_space<vmem>>
        %dma_start3A_1223 = tpu.memref_squeeze %dma_start3A_1222 : memref<1x80xi32, #tpu.memory_space<vmem>> -> memref<80xi32, #tpu.memory_space<vmem>>
        %dma_start3A_1224 = arith.constant 0 : i32
        %dma_start3A_1225 = arith.constant 0 : i32
        %dma_start3A_1226 = tpu.memref_slice %arg9[%dma_start3A_1224, %dma_start3A_1225] : memref<10240x128xf32, #tpu.memory_space<vmem_shared>> -> memref<10240x128xf32, #tpu.memory_space<vmem_shared>>
        tpu.enqueue_indirect_dma source(%dma_start3A_1220 : memref<80x128xf32, #tpu.memory_space<vmem>>) target(%dma_start3A_1226 : memref<10240x128xf32, #tpu.memory_space<vmem_shared>>) offsets(%dma_start3A_1223 : memref<80xi32, #tpu.memory_space<vmem>>) semaphore(%run_scoped3A_1216 : memref<!tpu.dma_semaphore, #tpu.memory_space<semaphore_mem>>) {add = true}
        %dma_wait3A_1227 = arith.constant 0 : i32
        %dma_wait3A_1228 = arith.constant 0 : i32
        %dma_wait3A_1229 = tpu.memref_slice %arg8[%run_scoped3A_1090, %dma_wait3A_1227, %dma_wait3A_1228] : memref<4x80x128xf32, #tpu.memory_space<vmem>> -> memref<1x80x128xf32, #tpu.memory_space<vmem>>
        %dma_wait3A_1230 = tpu.memref_squeeze %dma_wait3A_1229 : memref<1x80x128xf32, #tpu.memory_space<vmem>> -> memref<80x128xf32, #tpu.memory_space<vmem>>
        %dma_wait3A_1231 = arith.constant 0 : i32
        %dma_wait3A_1232 = tpu.memref_slice %arg7[%run_scoped3A_1091, %dma_wait3A_1231] : memref<8x80xi32, #tpu.memory_space<vmem>> -> memref<1x80xi32, #tpu.memory_space<vmem>>
        %dma_wait3A_1233 = tpu.memref_squeeze %dma_wait3A_1232 : memref<1x80xi32, #tpu.memory_space<vmem>> -> memref<80xi32, #tpu.memory_space<vmem>>
        %dma_wait3A_1234 = arith.constant 0 : i32
        %dma_wait3A_1235 = arith.constant 0 : i32
        %dma_wait3A_1236 = tpu.memref_slice %arg9[%dma_wait3A_1234, %dma_wait3A_1235] : memref<10240x128xf32, #tpu.memory_space<vmem_shared>> -> memref<10240x128xf32, #tpu.memory_space<vmem_shared>>
        tpu.wait_indirect_dma semaphore(%run_scoped3A_1216 : memref<!tpu.dma_semaphore, #tpu.memory_space<semaphore_mem>>) src(%dma_wait3A_1230 : memref<80x128xf32, #tpu.memory_space<vmem>>) dst(%dma_wait3A_1236 : memref<10240x128xf32, #tpu.memory_space<vmem_shared>>)
        tpu.yield
      }) : () -> ()
      %add3A_1092 = arith.constant 8 : i32
      %add3A_1093 = arith.addi %add3A_1071, %add3A_1092 : i32
      %lt3A_1094 = arith.constant 125 : i32
      %lt3A_1095 = arith.cmpi slt, %add3A_1093, %lt3A_1094 : i32
      %convert_element_type3A_1096 = arith.extui %lt3A_1095 : i1 to i32
      %cond3A_1097 = arith.constant 0 : i32
      %cond3A_1098 = arith.cmpi ne, %convert_element_type3A_1096, %cond3A_1097 : i32
      scf.if %cond3A_1098 {
        %add3A_1216 = arith.constant 8 : i32
        %add3A_1217 = arith.addi %add3A_1071, %add3A_1216 : i32
        %mul3A_1218 = arith.constant 10000 : i32
        %mul3A_1219 = arith.muli %add3A, %mul3A_1218 : i32
        %mul3A_1220 = arith.constant 80 : i32
        %mul3A_1221 = arith.muli %add3A_1217, %mul3A_1220 : i32
        %add3A_1222 = arith.addi %mul3A_1219, %mul3A_1221 : i32
        %dma_start3A_1223 = arith.constant 6 : i32
        %dma_start3A_1224 = arith.constant 6 : i32
        %dma_start3A_1225 = arith.constant 0 : i32
        %dma_start3A_1226 = tpu.memref_slice %arg6[%dma_start3A_1223, %dma_start3A_1225] : memref<8x80xi32, #tpu.memory_space<vmem>> -> memref<1x80xi32, #tpu.memory_space<vmem>>
        %dma_start3A_1227 = tpu.memref_squeeze %dma_start3A_1226 : memref<1x80xi32, #tpu.memory_space<vmem>> -> memref<80xi32, #tpu.memory_space<vmem>>
        %dma_start3A_1228 = tpu.memref_slice %arg3[%add3A_1222] : memref<320000xi32, #tpu.memory_space<hbm>> -> memref<80xi32, #tpu.memory_space<hbm>>
        %dma_start3A_1229 = tpu.memref_slice %arg10[%dma_start3A_1224] : memref<8x!tpu.dma_semaphore, #tpu.memory_space<semaphore_mem>> -> memref<1x!tpu.dma_semaphore, #tpu.memory_space<semaphore_mem>>
        %dma_start3A_1230 = tpu.memref_squeeze %dma_start3A_1229 : memref<1x!tpu.dma_semaphore, #tpu.memory_space<semaphore_mem>> -> memref<!tpu.dma_semaphore, #tpu.memory_space<semaphore_mem>>
        %dma_start3A_1231 = arith.constant 0 : i32
        %dma_start3A_1232 = tpu.memref_slice %arg6[%dma_start3A_1223, %dma_start3A_1231] : memref<8x80xi32, #tpu.memory_space<vmem>> -> memref<1x80xi32, #tpu.memory_space<vmem>>
        %dma_start3A_1233 = tpu.memref_squeeze %dma_start3A_1232 : memref<1x80xi32, #tpu.memory_space<vmem>> -> memref<80xi32, #tpu.memory_space<vmem>>
        %dma_start3A_1234 = tpu.memref_slice %arg3[%add3A_1222] : memref<320000xi32, #tpu.memory_space<hbm>> -> memref<80xi32, #tpu.memory_space<hbm>>
        tpu.enqueue_dma source(%dma_start3A_1234 : memref<80xi32, #tpu.memory_space<hbm>>) target(%dma_start3A_1233 : memref<80xi32, #tpu.memory_space<vmem>>) target_semaphore(%dma_start3A_1230 : memref<!tpu.dma_semaphore, #tpu.memory_space<semaphore_mem>>)
        %mul3A_1235 = arith.constant 10000 : i32
        %mul3A_1236 = arith.muli %add3A, %mul3A_1235 : i32
        %mul3A_1237 = arith.constant 80 : i32
        %mul3A_1238 = arith.muli %add3A_1217, %mul3A_1237 : i32
        %add3A_1239 = arith.addi %mul3A_1236, %mul3A_1238 : i32
        %dma_start3A_1240 = arith.constant 6 : i32
        %dma_start3A_1241 = arith.constant 6 : i32
        %dma_start3A_1242 = arith.constant 0 : i32
        %dma_start3A_1243 = tpu.memref_slice %arg7[%dma_start3A_1240, %dma_start3A_1242] : memref<8x80xi32, #tpu.memory_space<vmem>> -> memref<1x80xi32, #tpu.memory_space<vmem>>
        %dma_start3A_1244 = tpu.memref_squeeze %dma_start3A_1243 : memref<1x80xi32, #tpu.memory_space<vmem>> -> memref<80xi32, #tpu.memory_space<vmem>>
        %dma_start3A_1245 = tpu.memref_slice %arg4[%add3A_1239] : memref<320000xi32, #tpu.memory_space<hbm>> -> memref<80xi32, #tpu.memory_space<hbm>>
        %dma_start3A_1246 = tpu.memref_slice %arg10[%dma_start3A_1241] : memref<8x!tpu.dma_semaphore, #tpu.memory_space<semaphore_mem>> -> memref<1x!tpu.dma_semaphore, #tpu.memory_space<semaphore_mem>>
        %dma_start3A_1247 = tpu.memref_squeeze %dma_start3A_1246 : memref<1x!tpu.dma_semaphore, #tpu.memory_space<semaphore_mem>> -> memref<!tpu.dma_semaphore, #tpu.memory_space<semaphore_mem>>
        %dma_start3A_1248 = arith.constant 0 : i32
        %dma_start3A_1249 = tpu.memref_slice %arg7[%dma_start3A_1240, %dma_start3A_1248] : memref<8x80xi32, #tpu.memory_space<vmem>> -> memref<1x80xi32, #tpu.memory_space<vmem>>
        %dma_start3A_1250 = tpu.memref_squeeze %dma_start3A_1249 : memref<1x80xi32, #tpu.memory_space<vmem>> -> memref<80xi32, #tpu.memory_space<vmem>>
        %dma_start3A_1251 = tpu.memref_slice %arg4[%add3A_1239] : memref<320000xi32, #tpu.memory_space<hbm>> -> memref<80xi32, #tpu.memory_space<hbm>>
        tpu.enqueue_dma source(%dma_start3A_1251 : memref<80xi32, #tpu.memory_space<hbm>>) target(%dma_start3A_1250 : memref<80xi32, #tpu.memory_space<vmem>>) target_semaphore(%dma_start3A_1247 : memref<!tpu.dma_semaphore, #tpu.memory_space<semaphore_mem>>)
      } else {
      }
      %dma_wait3A_1099 = arith.constant 2 : i32
      %dma_wait3A_1100 = arith.constant 2 : i32
      %dma_wait3A_1101 = arith.constant 0 : i32
      %dma_wait3A_1102 = tpu.memref_slice %arg6[%dma_wait3A_1099, %dma_wait3A_1101] : memref<8x80xi32, #tpu.memory_space<vmem>> -> memref<1x80xi32, #tpu.memory_space<vmem>>
      %dma_wait3A_1103 = tpu.memref_squeeze %dma_wait3A_1102 : memref<1x80xi32, #tpu.memory_space<vmem>> -> memref<80xi32, #tpu.memory_space<vmem>>
      %dma_wait3A_1104 = arith.constant 0 : i32
      %dma_wait3A_1105 = tpu.memref_slice %arg3[%dma_wait3A_1104] : memref<320000xi32, #tpu.memory_space<hbm>> -> memref<80xi32, #tpu.memory_space<hbm>>
      %dma_wait3A_1106 = tpu.memref_slice %arg10[%dma_wait3A_1100] : memref<8x!tpu.dma_semaphore, #tpu.memory_space<semaphore_mem>> -> memref<1x!tpu.dma_semaphore, #tpu.memory_space<semaphore_mem>>
      %dma_wait3A_1107 = tpu.memref_squeeze %dma_wait3A_1106 : memref<1x!tpu.dma_semaphore, #tpu.memory_space<semaphore_mem>> -> memref<!tpu.dma_semaphore, #tpu.memory_space<semaphore_mem>>
      %dma_wait3A_1108 = arith.constant 0 : i32
      %dma_wait3A_1109 = tpu.memref_slice %arg6[%dma_wait3A_1099, %dma_wait3A_1108] : memref<8x80xi32, #tpu.memory_space<vmem>> -> memref<1x80xi32, #tpu.memory_space<vmem>>
      %dma_wait3A_1110 = tpu.memref_squeeze %dma_wait3A_1109 : memref<1x80xi32, #tpu.memory_space<vmem>> -> memref<80xi32, #tpu.memory_space<vmem>>
      %dma_wait3A_1111 = arith.constant 0 : i32
      %dma_wait3A_1112 = tpu.memref_slice %arg3[%dma_wait3A_1111] : memref<320000xi32, #tpu.memory_space<hbm>> -> memref<80xi32, #tpu.memory_space<hbm>>
      tpu.wait_dma2 semaphore(%dma_wait3A_1107 : memref<!tpu.dma_semaphore, #tpu.memory_space<semaphore_mem>>) src(%dma_wait3A_1112 : memref<80xi32, #tpu.memory_space<hbm>>) dst(%dma_wait3A_1110 : memref<80xi32, #tpu.memory_space<vmem>>)
      %dma_wait3A_1113 = arith.constant 2 : i32
      %dma_wait3A_1114 = arith.constant 2 : i32
      %dma_wait3A_1115 = arith.constant 0 : i32
      %dma_wait3A_1116 = tpu.memref_slice %arg7[%dma_wait3A_1113, %dma_wait3A_1115] : memref<8x80xi32, #tpu.memory_space<vmem>> -> memref<1x80xi32, #tpu.memory_space<vmem>>
      %dma_wait3A_1117 = tpu.memref_squeeze %dma_wait3A_1116 : memref<1x80xi32, #tpu.memory_space<vmem>> -> memref<80xi32, #tpu.memory_space<vmem>>
      %dma_wait3A_1118 = arith.constant 0 : i32
      %dma_wait3A_1119 = tpu.memref_slice %arg3[%dma_wait3A_1118] : memref<320000xi32, #tpu.memory_space<hbm>> -> memref<80xi32, #tpu.memory_space<hbm>>
      %dma_wait3A_1120 = tpu.memref_slice %arg10[%dma_wait3A_1114] : memref<8x!tpu.dma_semaphore, #tpu.memory_space<semaphore_mem>> -> memref<1x!tpu.dma_semaphore, #tpu.memory_space<semaphore_mem>>
      %dma_wait3A_1121 = tpu.memref_squeeze %dma_wait3A_1120 : memref<1x!tpu.dma_semaphore, #tpu.memory_space<semaphore_mem>> -> memref<!tpu.dma_semaphore, #tpu.memory_space<semaphore_mem>>
      %dma_wait3A_1122 = arith.constant 0 : i32
      %dma_wait3A_1123 = tpu.memref_slice %arg7[%dma_wait3A_1113, %dma_wait3A_1122] : memref<8x80xi32, #tpu.memory_space<vmem>> -> memref<1x80xi32, #tpu.memory_space<vmem>>
      %dma_wait3A_1124 = tpu.memref_squeeze %dma_wait3A_1123 : memref<1x80xi32, #tpu.memory_space<vmem>> -> memref<80xi32, #tpu.memory_space<vmem>>
      %dma_wait3A_1125 = arith.constant 0 : i32
      %dma_wait3A_1126 = tpu.memref_slice %arg3[%dma_wait3A_1125] : memref<320000xi32, #tpu.memory_space<hbm>> -> memref<80xi32, #tpu.memory_space<hbm>>
      tpu.wait_dma2 semaphore(%dma_wait3A_1121 : memref<!tpu.dma_semaphore, #tpu.memory_space<semaphore_mem>>) src(%dma_wait3A_1126 : memref<80xi32, #tpu.memory_space<hbm>>) dst(%dma_wait3A_1124 : memref<80xi32, #tpu.memory_space<vmem>>)
      %dma_start3A_1127 = arith.constant 2 : i32
      %dma_start3A_1128 = arith.constant 2 : i32
      %dma_start3A_1129 = arith.constant 2 : i32
      %dma_start3A_1130 = arith.constant 0 : i32
      %dma_start3A_1131 = arith.constant 0 : i32
      %dma_start3A_1132 = tpu.memref_slice %arg8[%dma_start3A_1128, %dma_start3A_1130, %dma_start3A_1131] : memref<4x80x128xf32, #tpu.memory_space<vmem>> -> memref<1x80x128xf32, #tpu.memory_space<vmem>>
      %dma_start3A_1133 = tpu.memref_squeeze %dma_start3A_1132 : memref<1x80x128xf32, #tpu.memory_space<vmem>> -> memref<80x128xf32, #tpu.memory_space<vmem>>
      %dma_start3A_1134 = arith.constant 0 : i32
      %dma_start3A_1135 = tpu.memref_slice %arg6[%dma_start3A_1127, %dma_start3A_1134] : memref<8x80xi32, #tpu.memory_space<vmem>> -> memref<1x80xi32, #tpu.memory_space<vmem>>
      %dma_start3A_1136 = tpu.memref_squeeze %dma_start3A_1135 : memref<1x80xi32, #tpu.memory_space<vmem>> -> memref<80xi32, #tpu.memory_space<vmem>>
      %dma_start3A_1137 = arith.constant 0 : i32
      %dma_start3A_1138 = arith.constant 0 : i32
      %dma_start3A_1139 = tpu.memref_slice %arg2[%dma_start3A_1137, %dma_start3A_1138] : memref<10000x128xf32, #tpu.memory_space<hbm>> -> memref<10000x128xf32, #tpu.memory_space<hbm>>
      %dma_start3A_1140 = tpu.memref_slice %arg11[%dma_start3A_1129] : memref<4x!tpu.dma_semaphore, #tpu.memory_space<semaphore_mem>> -> memref<1x!tpu.dma_semaphore, #tpu.memory_space<semaphore_mem>>
      %dma_start3A_1141 = tpu.memref_squeeze %dma_start3A_1140 : memref<1x!tpu.dma_semaphore, #tpu.memory_space<semaphore_mem>> -> memref<!tpu.dma_semaphore, #tpu.memory_space<semaphore_mem>>
      tpu.enqueue_indirect_dma source(%dma_start3A_1139 : memref<10000x128xf32, #tpu.memory_space<hbm>>) target(%dma_start3A_1133 : memref<80x128xf32, #tpu.memory_space<vmem>>) offsets(%dma_start3A_1136 : memref<80xi32, #tpu.memory_space<vmem>>) semaphore(%dma_start3A_1141 : memref<!tpu.dma_semaphore, #tpu.memory_space<semaphore_mem>>)
      %mul3A_1142 = arith.constant 8 : i32
      %mul3A_1143 = arith.muli %scan3A_626, %mul3A_1142 : i32
      %add3A_1144 = arith.constant 7 : i32
      %add3A_1145 = arith.addi %mul3A_1143, %add3A_1144 : i32
      %dma_wait3A_1146 = arith.constant 3 : i32
      %dma_wait3A_1147 = arith.constant 3 : i32
      %dma_wait3A_1148 = arith.constant 0 : i32
      %dma_wait3A_1149 = arith.constant 0 : i32
      %dma_wait3A_1150 = tpu.memref_slice %arg8[%dma_wait3A_1146, %dma_wait3A_1148, %dma_wait3A_1149] : memref<4x80x128xf32, #tpu.memory_space<vmem>> -> memref<1x80x128xf32, #tpu.memory_space<vmem>>
      %dma_wait3A_1151 = tpu.memref_squeeze %dma_wait3A_1150 : memref<1x80x128xf32, #tpu.memory_space<vmem>> -> memref<80x128xf32, #tpu.memory_space<vmem>>
      %dma_wait3A_1152 = arith.constant 0 : i32
      %dma_wait3A_1153 = arith.constant 0 : i32
      %dma_wait3A_1154 = tpu.memref_slice %arg2[%dma_wait3A_1152, %dma_wait3A_1153] : memref<10000x128xf32, #tpu.memory_space<hbm>> -> memref<80x128xf32, #tpu.memory_space<hbm>>
      %dma_wait3A_1155 = tpu.memref_slice %arg11[%dma_wait3A_1147] : memref<4x!tpu.dma_semaphore, #tpu.memory_space<semaphore_mem>> -> memref<1x!tpu.dma_semaphore, #tpu.memory_space<semaphore_mem>>
      %dma_wait3A_1156 = tpu.memref_squeeze %dma_wait3A_1155 : memref<1x!tpu.dma_semaphore, #tpu.memory_space<semaphore_mem>> -> memref<!tpu.dma_semaphore, #tpu.memory_space<semaphore_mem>>
      %dma_wait3A_1157 = arith.constant 0 : i32
      %dma_wait3A_1158 = arith.constant 0 : i32
      %dma_wait3A_1159 = tpu.memref_slice %arg8[%dma_wait3A_1146, %dma_wait3A_1157, %dma_wait3A_1158] : memref<4x80x128xf32, #tpu.memory_space<vmem>> -> memref<1x80x128xf32, #tpu.memory_space<vmem>>
      %dma_wait3A_1160 = tpu.memref_squeeze %dma_wait3A_1159 : memref<1x80x128xf32, #tpu.memory_space<vmem>> -> memref<80x128xf32, #tpu.memory_space<vmem>>
      %dma_wait3A_1161 = arith.constant 0 : i32
      %dma_wait3A_1162 = arith.constant 0 : i32
      %dma_wait3A_1163 = tpu.memref_slice %arg2[%dma_wait3A_1161, %dma_wait3A_1162] : memref<10000x128xf32, #tpu.memory_space<hbm>> -> memref<80x128xf32, #tpu.memory_space<hbm>>
      tpu.wait_dma2 semaphore(%dma_wait3A_1156 : memref<!tpu.dma_semaphore, #tpu.memory_space<semaphore_mem>>) src(%dma_wait3A_1163 : memref<80x128xf32, #tpu.memory_space<hbm>>) dst(%dma_wait3A_1160 : memref<80x128xf32, #tpu.memory_space<vmem>>)
      %run_scoped3A_1164 = arith.constant 3 : i32
      %run_scoped3A_1165 = arith.constant 7 : i32
      "tpu.region"() ({
        %run_scoped3A_1216 = tpu.sem_alloc : memref<!tpu.dma_semaphore, #tpu.memory_space<semaphore_mem>>
        %dma_start3A_1217 = arith.constant 0 : i32
        %dma_start3A_1218 = arith.constant 0 : i32
        %dma_start3A_1219 = tpu.memref_slice %arg8[%run_scoped3A_1164, %dma_start3A_1217, %dma_start3A_1218] : memref<4x80x128xf32, #tpu.memory_space<vmem>> -> memref<1x80x128xf32, #tpu.memory_space<vmem>>
        %dma_start3A_1220 = tpu.memref_squeeze %dma_start3A_1219 : memref<1x80x128xf32, #tpu.memory_space<vmem>> -> memref<80x128xf32, #tpu.memory_space<vmem>>
        %dma_start3A_1221 = arith.constant 0 : i32
        %dma_start3A_1222 = tpu.memref_slice %arg7[%run_scoped3A_1165, %dma_start3A_1221] : memref<8x80xi32, #tpu.memory_space<vmem>> -> memref<1x80xi32, #tpu.memory_space<vmem>>
        %dma_start3A_1223 = tpu.memref_squeeze %dma_start3A_1222 : memref<1x80xi32, #tpu.memory_space<vmem>> -> memref<80xi32, #tpu.memory_space<vmem>>
        %dma_start3A_1224 = arith.constant 0 : i32
        %dma_start3A_1225 = arith.constant 0 : i32
        %dma_start3A_1226 = tpu.memref_slice %arg9[%dma_start3A_1224, %dma_start3A_1225] : memref<10240x128xf32, #tpu.memory_space<vmem_shared>> -> memref<10240x128xf32, #tpu.memory_space<vmem_shared>>
        tpu.enqueue_indirect_dma source(%dma_start3A_1220 : memref<80x128xf32, #tpu.memory_space<vmem>>) target(%dma_start3A_1226 : memref<10240x128xf32, #tpu.memory_space<vmem_shared>>) offsets(%dma_start3A_1223 : memref<80xi32, #tpu.memory_space<vmem>>) semaphore(%run_scoped3A_1216 : memref<!tpu.dma_semaphore, #tpu.memory_space<semaphore_mem>>) {add = true}
        %dma_wait3A_1227 = arith.constant 0 : i32
        %dma_wait3A_1228 = arith.constant 0 : i32
        %dma_wait3A_1229 = tpu.memref_slice %arg8[%run_scoped3A_1164, %dma_wait3A_1227, %dma_wait3A_1228] : memref<4x80x128xf32, #tpu.memory_space<vmem>> -> memref<1x80x128xf32, #tpu.memory_space<vmem>>
        %dma_wait3A_1230 = tpu.memref_squeeze %dma_wait3A_1229 : memref<1x80x128xf32, #tpu.memory_space<vmem>> -> memref<80x128xf32, #tpu.memory_space<vmem>>
        %dma_wait3A_1231 = arith.constant 0 : i32
        %dma_wait3A_1232 = tpu.memref_slice %arg7[%run_scoped3A_1165, %dma_wait3A_1231] : memref<8x80xi32, #tpu.memory_space<vmem>> -> memref<1x80xi32, #tpu.memory_space<vmem>>
        %dma_wait3A_1233 = tpu.memref_squeeze %dma_wait3A_1232 : memref<1x80xi32, #tpu.memory_space<vmem>> -> memref<80xi32, #tpu.memory_space<vmem>>
        %dma_wait3A_1234 = arith.constant 0 : i32
        %dma_wait3A_1235 = arith.constant 0 : i32
        %dma_wait3A_1236 = tpu.memref_slice %arg9[%dma_wait3A_1234, %dma_wait3A_1235] : memref<10240x128xf32, #tpu.memory_space<vmem_shared>> -> memref<10240x128xf32, #tpu.memory_space<vmem_shared>>
        tpu.wait_indirect_dma semaphore(%run_scoped3A_1216 : memref<!tpu.dma_semaphore, #tpu.memory_space<semaphore_mem>>) src(%dma_wait3A_1230 : memref<80x128xf32, #tpu.memory_space<vmem>>) dst(%dma_wait3A_1236 : memref<10240x128xf32, #tpu.memory_space<vmem_shared>>)
        tpu.yield
      }) : () -> ()
      %add3A_1166 = arith.constant 8 : i32
      %add3A_1167 = arith.addi %add3A_1145, %add3A_1166 : i32
      %lt3A_1168 = arith.constant 125 : i32
      %lt3A_1169 = arith.cmpi slt, %add3A_1167, %lt3A_1168 : i32
      %convert_element_type3A_1170 = arith.extui %lt3A_1169 : i1 to i32
      %cond3A_1171 = arith.constant 0 : i32
      %cond3A_1172 = arith.cmpi ne, %convert_element_type3A_1170, %cond3A_1171 : i32
      scf.if %cond3A_1172 {
        %add3A_1216 = arith.constant 8 : i32
        %add3A_1217 = arith.addi %add3A_1145, %add3A_1216 : i32
        %mul3A_1218 = arith.constant 10000 : i32
        %mul3A_1219 = arith.muli %add3A, %mul3A_1218 : i32
        %mul3A_1220 = arith.constant 80 : i32
        %mul3A_1221 = arith.muli %add3A_1217, %mul3A_1220 : i32
        %add3A_1222 = arith.addi %mul3A_1219, %mul3A_1221 : i32
        %dma_start3A_1223 = arith.constant 7 : i32
        %dma_start3A_1224 = arith.constant 7 : i32
        %dma_start3A_1225 = arith.constant 0 : i32
        %dma_start3A_1226 = tpu.memref_slice %arg6[%dma_start3A_1223, %dma_start3A_1225] : memref<8x80xi32, #tpu.memory_space<vmem>> -> memref<1x80xi32, #tpu.memory_space<vmem>>
        %dma_start3A_1227 = tpu.memref_squeeze %dma_start3A_1226 : memref<1x80xi32, #tpu.memory_space<vmem>> -> memref<80xi32, #tpu.memory_space<vmem>>
        %dma_start3A_1228 = tpu.memref_slice %arg3[%add3A_1222] : memref<320000xi32, #tpu.memory_space<hbm>> -> memref<80xi32, #tpu.memory_space<hbm>>
        %dma_start3A_1229 = tpu.memref_slice %arg10[%dma_start3A_1224] : memref<8x!tpu.dma_semaphore, #tpu.memory_space<semaphore_mem>> -> memref<1x!tpu.dma_semaphore, #tpu.memory_space<semaphore_mem>>
        %dma_start3A_1230 = tpu.memref_squeeze %dma_start3A_1229 : memref<1x!tpu.dma_semaphore, #tpu.memory_space<semaphore_mem>> -> memref<!tpu.dma_semaphore, #tpu.memory_space<semaphore_mem>>
        %dma_start3A_1231 = arith.constant 0 : i32
        %dma_start3A_1232 = tpu.memref_slice %arg6[%dma_start3A_1223, %dma_start3A_1231] : memref<8x80xi32, #tpu.memory_space<vmem>> -> memref<1x80xi32, #tpu.memory_space<vmem>>
        %dma_start3A_1233 = tpu.memref_squeeze %dma_start3A_1232 : memref<1x80xi32, #tpu.memory_space<vmem>> -> memref<80xi32, #tpu.memory_space<vmem>>
        %dma_start3A_1234 = tpu.memref_slice %arg3[%add3A_1222] : memref<320000xi32, #tpu.memory_space<hbm>> -> memref<80xi32, #tpu.memory_space<hbm>>
        tpu.enqueue_dma source(%dma_start3A_1234 : memref<80xi32, #tpu.memory_space<hbm>>) target(%dma_start3A_1233 : memref<80xi32, #tpu.memory_space<vmem>>) target_semaphore(%dma_start3A_1230 : memref<!tpu.dma_semaphore, #tpu.memory_space<semaphore_mem>>)
        %mul3A_1235 = arith.constant 10000 : i32
        %mul3A_1236 = arith.muli %add3A, %mul3A_1235 : i32
        %mul3A_1237 = arith.constant 80 : i32
        %mul3A_1238 = arith.muli %add3A_1217, %mul3A_1237 : i32
        %add3A_1239 = arith.addi %mul3A_1236, %mul3A_1238 : i32
        %dma_start3A_1240 = arith.constant 7 : i32
        %dma_start3A_1241 = arith.constant 7 : i32
        %dma_start3A_1242 = arith.constant 0 : i32
        %dma_start3A_1243 = tpu.memref_slice %arg7[%dma_start3A_1240, %dma_start3A_1242] : memref<8x80xi32, #tpu.memory_space<vmem>> -> memref<1x80xi32, #tpu.memory_space<vmem>>
        %dma_start3A_1244 = tpu.memref_squeeze %dma_start3A_1243 : memref<1x80xi32, #tpu.memory_space<vmem>> -> memref<80xi32, #tpu.memory_space<vmem>>
        %dma_start3A_1245 = tpu.memref_slice %arg4[%add3A_1239] : memref<320000xi32, #tpu.memory_space<hbm>> -> memref<80xi32, #tpu.memory_space<hbm>>
        %dma_start3A_1246 = tpu.memref_slice %arg10[%dma_start3A_1241] : memref<8x!tpu.dma_semaphore, #tpu.memory_space<semaphore_mem>> -> memref<1x!tpu.dma_semaphore, #tpu.memory_space<semaphore_mem>>
        %dma_start3A_1247 = tpu.memref_squeeze %dma_start3A_1246 : memref<1x!tpu.dma_semaphore, #tpu.memory_space<semaphore_mem>> -> memref<!tpu.dma_semaphore, #tpu.memory_space<semaphore_mem>>
        %dma_start3A_1248 = arith.constant 0 : i32
        %dma_start3A_1249 = tpu.memref_slice %arg7[%dma_start3A_1240, %dma_start3A_1248] : memref<8x80xi32, #tpu.memory_space<vmem>> -> memref<1x80xi32, #tpu.memory_space<vmem>>
        %dma_start3A_1250 = tpu.memref_squeeze %dma_start3A_1249 : memref<1x80xi32, #tpu.memory_space<vmem>> -> memref<80xi32, #tpu.memory_space<vmem>>
        %dma_start3A_1251 = tpu.memref_slice %arg4[%add3A_1239] : memref<320000xi32, #tpu.memory_space<hbm>> -> memref<80xi32, #tpu.memory_space<hbm>>
        tpu.enqueue_dma source(%dma_start3A_1251 : memref<80xi32, #tpu.memory_space<hbm>>) target(%dma_start3A_1250 : memref<80xi32, #tpu.memory_space<vmem>>) target_semaphore(%dma_start3A_1247 : memref<!tpu.dma_semaphore, #tpu.memory_space<semaphore_mem>>)
      } else {
      }
      %dma_wait3A_1173 = arith.constant 3 : i32
      %dma_wait3A_1174 = arith.constant 3 : i32
      %dma_wait3A_1175 = arith.constant 0 : i32
      %dma_wait3A_1176 = tpu.memref_slice %arg6[%dma_wait3A_1173, %dma_wait3A_1175] : memref<8x80xi32, #tpu.memory_space<vmem>> -> memref<1x80xi32, #tpu.memory_space<vmem>>
      %dma_wait3A_1177 = tpu.memref_squeeze %dma_wait3A_1176 : memref<1x80xi32, #tpu.memory_space<vmem>> -> memref<80xi32, #tpu.memory_space<vmem>>
      %dma_wait3A_1178 = arith.constant 0 : i32
      %dma_wait3A_1179 = tpu.memref_slice %arg3[%dma_wait3A_1178] : memref<320000xi32, #tpu.memory_space<hbm>> -> memref<80xi32, #tpu.memory_space<hbm>>
      %dma_wait3A_1180 = tpu.memref_slice %arg10[%dma_wait3A_1174] : memref<8x!tpu.dma_semaphore, #tpu.memory_space<semaphore_mem>> -> memref<1x!tpu.dma_semaphore, #tpu.memory_space<semaphore_mem>>
      %dma_wait3A_1181 = tpu.memref_squeeze %dma_wait3A_1180 : memref<1x!tpu.dma_semaphore, #tpu.memory_space<semaphore_mem>> -> memref<!tpu.dma_semaphore, #tpu.memory_space<semaphore_mem>>
      %dma_wait3A_1182 = arith.constant 0 : i32
      %dma_wait3A_1183 = tpu.memref_slice %arg6[%dma_wait3A_1173, %dma_wait3A_1182] : memref<8x80xi32, #tpu.memory_space<vmem>> -> memref<1x80xi32, #tpu.memory_space<vmem>>
      %dma_wait3A_1184 = tpu.memref_squeeze %dma_wait3A_1183 : memref<1x80xi32, #tpu.memory_space<vmem>> -> memref<80xi32, #tpu.memory_space<vmem>>
      %dma_wait3A_1185 = arith.constant 0 : i32
      %dma_wait3A_1186 = tpu.memref_slice %arg3[%dma_wait3A_1185] : memref<320000xi32, #tpu.memory_space<hbm>> -> memref<80xi32, #tpu.memory_space<hbm>>
      tpu.wait_dma2 semaphore(%dma_wait3A_1181 : memref<!tpu.dma_semaphore, #tpu.memory_space<semaphore_mem>>) src(%dma_wait3A_1186 : memref<80xi32, #tpu.memory_space<hbm>>) dst(%dma_wait3A_1184 : memref<80xi32, #tpu.memory_space<vmem>>)
      %dma_wait3A_1187 = arith.constant 3 : i32
      %dma_wait3A_1188 = arith.constant 3 : i32
      %dma_wait3A_1189 = arith.constant 0 : i32
      %dma_wait3A_1190 = tpu.memref_slice %arg7[%dma_wait3A_1187, %dma_wait3A_1189] : memref<8x80xi32, #tpu.memory_space<vmem>> -> memref<1x80xi32, #tpu.memory_space<vmem>>
      %dma_wait3A_1191 = tpu.memref_squeeze %dma_wait3A_1190 : memref<1x80xi32, #tpu.memory_space<vmem>> -> memref<80xi32, #tpu.memory_space<vmem>>
      %dma_wait3A_1192 = arith.constant 0 : i32
      %dma_wait3A_1193 = tpu.memref_slice %arg3[%dma_wait3A_1192] : memref<320000xi32, #tpu.memory_space<hbm>> -> memref<80xi32, #tpu.memory_space<hbm>>
      %dma_wait3A_1194 = tpu.memref_slice %arg10[%dma_wait3A_1188] : memref<8x!tpu.dma_semaphore, #tpu.memory_space<semaphore_mem>> -> memref<1x!tpu.dma_semaphore, #tpu.memory_space<semaphore_mem>>
      %dma_wait3A_1195 = tpu.memref_squeeze %dma_wait3A_1194 : memref<1x!tpu.dma_semaphore, #tpu.memory_space<semaphore_mem>> -> memref<!tpu.dma_semaphore, #tpu.memory_space<semaphore_mem>>
      %dma_wait3A_1196 = arith.constant 0 : i32
      %dma_wait3A_1197 = tpu.memref_slice %arg7[%dma_wait3A_1187, %dma_wait3A_1196] : memref<8x80xi32, #tpu.memory_space<vmem>> -> memref<1x80xi32, #tpu.memory_space<vmem>>
      %dma_wait3A_1198 = tpu.memref_squeeze %dma_wait3A_1197 : memref<1x80xi32, #tpu.memory_space<vmem>> -> memref<80xi32, #tpu.memory_space<vmem>>
      %dma_wait3A_1199 = arith.constant 0 : i32
      %dma_wait3A_1200 = tpu.memref_slice %arg3[%dma_wait3A_1199] : memref<320000xi32, #tpu.memory_space<hbm>> -> memref<80xi32, #tpu.memory_space<hbm>>
      tpu.wait_dma2 semaphore(%dma_wait3A_1195 : memref<!tpu.dma_semaphore, #tpu.memory_space<semaphore_mem>>) src(%dma_wait3A_1200 : memref<80xi32, #tpu.memory_space<hbm>>) dst(%dma_wait3A_1198 : memref<80xi32, #tpu.memory_space<vmem>>)
      %dma_start3A_1201 = arith.constant 3 : i32
      %dma_start3A_1202 = arith.constant 3 : i32
      %dma_start3A_1203 = arith.constant 3 : i32
      %dma_start3A_1204 = arith.constant 0 : i32
      %dma_start3A_1205 = arith.constant 0 : i32
      %dma_start3A_1206 = tpu.memref_slice %arg8[%dma_start3A_1202, %dma_start3A_1204, %dma_start3A_1205] : memref<4x80x128xf32, #tpu.memory_space<vmem>> -> memref<1x80x128xf32, #tpu.memory_space<vmem>>
      %dma_start3A_1207 = tpu.memref_squeeze %dma_start3A_1206 : memref<1x80x128xf32, #tpu.memory_space<vmem>> -> memref<80x128xf32, #tpu.memory_space<vmem>>
      %dma_start3A_1208 = arith.constant 0 : i32
      %dma_start3A_1209 = tpu.memref_slice %arg6[%dma_start3A_1201, %dma_start3A_1208] : memref<8x80xi32, #tpu.memory_space<vmem>> -> memref<1x80xi32, #tpu.memory_space<vmem>>
      %dma_start3A_1210 = tpu.memref_squeeze %dma_start3A_1209 : memref<1x80xi32, #tpu.memory_space<vmem>> -> memref<80xi32, #tpu.memory_space<vmem>>
      %dma_start3A_1211 = arith.constant 0 : i32
      %dma_start3A_1212 = arith.constant 0 : i32
      %dma_start3A_1213 = tpu.memref_slice %arg2[%dma_start3A_1211, %dma_start3A_1212] : memref<10000x128xf32, #tpu.memory_space<hbm>> -> memref<10000x128xf32, #tpu.memory_space<hbm>>
      %dma_start3A_1214 = tpu.memref_slice %arg11[%dma_start3A_1203] : memref<4x!tpu.dma_semaphore, #tpu.memory_space<semaphore_mem>> -> memref<1x!tpu.dma_semaphore, #tpu.memory_space<semaphore_mem>>
      %dma_start3A_1215 = tpu.memref_squeeze %dma_start3A_1214 : memref<1x!tpu.dma_semaphore, #tpu.memory_space<semaphore_mem>> -> memref<!tpu.dma_semaphore, #tpu.memory_space<semaphore_mem>>
      tpu.enqueue_indirect_dma source(%dma_start3A_1213 : memref<10000x128xf32, #tpu.memory_space<hbm>>) target(%dma_start3A_1207 : memref<80x128xf32, #tpu.memory_space<vmem>>) offsets(%dma_start3A_1210 : memref<80xi32, #tpu.memory_space<vmem>>) semaphore(%dma_start3A_1215 : memref<!tpu.dma_semaphore, #tpu.memory_space<semaphore_mem>>)
    }
    %scan3A_477 = arith.constant 15 : i32
    %dma_wait3A_478 = arith.constant 0 : i32
    %dma_wait3A_479 = arith.constant 0 : i32
    %dma_wait3A_480 = arith.constant 0 : i32
    %dma_wait3A_481 = arith.constant 0 : i32
    %dma_wait3A_482 = tpu.memref_slice %arg8[%dma_wait3A_478, %dma_wait3A_480, %dma_wait3A_481] : memref<4x80x128xf32, #tpu.memory_space<vmem>> -> memref<1x80x128xf32, #tpu.memory_space<vmem>>
    %dma_wait3A_483 = tpu.memref_squeeze %dma_wait3A_482 : memref<1x80x128xf32, #tpu.memory_space<vmem>> -> memref<80x128xf32, #tpu.memory_space<vmem>>
    %dma_wait3A_484 = arith.constant 0 : i32
    %dma_wait3A_485 = arith.constant 0 : i32
    %dma_wait3A_486 = tpu.memref_slice %arg2[%dma_wait3A_484, %dma_wait3A_485] : memref<10000x128xf32, #tpu.memory_space<hbm>> -> memref<80x128xf32, #tpu.memory_space<hbm>>
    %dma_wait3A_487 = tpu.memref_slice %arg11[%dma_wait3A_479] : memref<4x!tpu.dma_semaphore, #tpu.memory_space<semaphore_mem>> -> memref<1x!tpu.dma_semaphore, #tpu.memory_space<semaphore_mem>>
    %dma_wait3A_488 = tpu.memref_squeeze %dma_wait3A_487 : memref<1x!tpu.dma_semaphore, #tpu.memory_space<semaphore_mem>> -> memref<!tpu.dma_semaphore, #tpu.memory_space<semaphore_mem>>
    %dma_wait3A_489 = arith.constant 0 : i32
    %dma_wait3A_490 = arith.constant 0 : i32
    %dma_wait3A_491 = tpu.memref_slice %arg8[%dma_wait3A_478, %dma_wait3A_489, %dma_wait3A_490] : memref<4x80x128xf32, #tpu.memory_space<vmem>> -> memref<1x80x128xf32, #tpu.memory_space<vmem>>
    %dma_wait3A_492 = tpu.memref_squeeze %dma_wait3A_491 : memref<1x80x128xf32, #tpu.memory_space<vmem>> -> memref<80x128xf32, #tpu.memory_space<vmem>>
    %dma_wait3A_493 = arith.constant 0 : i32
    %dma_wait3A_494 = arith.constant 0 : i32
    %dma_wait3A_495 = tpu.memref_slice %arg2[%dma_wait3A_493, %dma_wait3A_494] : memref<10000x128xf32, #tpu.memory_space<hbm>> -> memref<80x128xf32, #tpu.memory_space<hbm>>
    tpu.wait_dma2 semaphore(%dma_wait3A_488 : memref<!tpu.dma_semaphore, #tpu.memory_space<semaphore_mem>>) src(%dma_wait3A_495 : memref<80x128xf32, #tpu.memory_space<hbm>>) dst(%dma_wait3A_492 : memref<80x128xf32, #tpu.memory_space<vmem>>)
    %run_scoped3A_496 = arith.constant 0 : i32
    %run_scoped3A_497 = arith.constant 0 : i32
    "tpu.region"() ({
      %run_scoped3A_626 = tpu.sem_alloc : memref<!tpu.dma_semaphore, #tpu.memory_space<semaphore_mem>>
      %dma_start3A_627 = arith.constant 0 : i32
      %dma_start3A_628 = arith.constant 0 : i32
      %dma_start3A_629 = tpu.memref_slice %arg8[%run_scoped3A_496, %dma_start3A_627, %dma_start3A_628] : memref<4x80x128xf32, #tpu.memory_space<vmem>> -> memref<1x80x128xf32, #tpu.memory_space<vmem>>
      %dma_start3A_630 = tpu.memref_squeeze %dma_start3A_629 : memref<1x80x128xf32, #tpu.memory_space<vmem>> -> memref<80x128xf32, #tpu.memory_space<vmem>>
      %dma_start3A_631 = arith.constant 0 : i32
      %dma_start3A_632 = tpu.memref_slice %arg7[%run_scoped3A_497, %dma_start3A_631] : memref<8x80xi32, #tpu.memory_space<vmem>> -> memref<1x80xi32, #tpu.memory_space<vmem>>
      %dma_start3A_633 = tpu.memref_squeeze %dma_start3A_632 : memref<1x80xi32, #tpu.memory_space<vmem>> -> memref<80xi32, #tpu.memory_space<vmem>>
      %dma_start3A_634 = arith.constant 0 : i32
      %dma_start3A_635 = arith.constant 0 : i32
      %dma_start3A_636 = tpu.memref_slice %arg9[%dma_start3A_634, %dma_start3A_635] : memref<10240x128xf32, #tpu.memory_space<vmem_shared>> -> memref<10240x128xf32, #tpu.memory_space<vmem_shared>>
      tpu.enqueue_indirect_dma source(%dma_start3A_630 : memref<80x128xf32, #tpu.memory_space<vmem>>) target(%dma_start3A_636 : memref<10240x128xf32, #tpu.memory_space<vmem_shared>>) offsets(%dma_start3A_633 : memref<80xi32, #tpu.memory_space<vmem>>) semaphore(%run_scoped3A_626 : memref<!tpu.dma_semaphore, #tpu.memory_space<semaphore_mem>>) {add = true}
      %dma_wait3A_637 = arith.constant 0 : i32
      %dma_wait3A_638 = arith.constant 0 : i32
      %dma_wait3A_639 = tpu.memref_slice %arg8[%run_scoped3A_496, %dma_wait3A_637, %dma_wait3A_638] : memref<4x80x128xf32, #tpu.memory_space<vmem>> -> memref<1x80x128xf32, #tpu.memory_space<vmem>>
      %dma_wait3A_640 = tpu.memref_squeeze %dma_wait3A_639 : memref<1x80x128xf32, #tpu.memory_space<vmem>> -> memref<80x128xf32, #tpu.memory_space<vmem>>
      %dma_wait3A_641 = arith.constant 0 : i32
      %dma_wait3A_642 = tpu.memref_slice %arg7[%run_scoped3A_497, %dma_wait3A_641] : memref<8x80xi32, #tpu.memory_space<vmem>> -> memref<1x80xi32, #tpu.memory_space<vmem>>
      %dma_wait3A_643 = tpu.memref_squeeze %dma_wait3A_642 : memref<1x80xi32, #tpu.memory_space<vmem>> -> memref<80xi32, #tpu.memory_space<vmem>>
      %dma_wait3A_644 = arith.constant 0 : i32
      %dma_wait3A_645 = arith.constant 0 : i32
      %dma_wait3A_646 = tpu.memref_slice %arg9[%dma_wait3A_644, %dma_wait3A_645] : memref<10240x128xf32, #tpu.memory_space<vmem_shared>> -> memref<10240x128xf32, #tpu.memory_space<vmem_shared>>
      tpu.wait_indirect_dma semaphore(%run_scoped3A_626 : memref<!tpu.dma_semaphore, #tpu.memory_space<semaphore_mem>>) src(%dma_wait3A_640 : memref<80x128xf32, #tpu.memory_space<vmem>>) dst(%dma_wait3A_646 : memref<10240x128xf32, #tpu.memory_space<vmem_shared>>)
      tpu.yield
    }) : () -> ()
    %dma_wait3A_498 = arith.constant 4 : i32
    %dma_wait3A_499 = arith.constant 4 : i32
    %dma_wait3A_500 = arith.constant 0 : i32
    %dma_wait3A_501 = tpu.memref_slice %arg6[%dma_wait3A_498, %dma_wait3A_500] : memref<8x80xi32, #tpu.memory_space<vmem>> -> memref<1x80xi32, #tpu.memory_space<vmem>>
    %dma_wait3A_502 = tpu.memref_squeeze %dma_wait3A_501 : memref<1x80xi32, #tpu.memory_space<vmem>> -> memref<80xi32, #tpu.memory_space<vmem>>
    %dma_wait3A_503 = arith.constant 0 : i32
    %dma_wait3A_504 = tpu.memref_slice %arg3[%dma_wait3A_503] : memref<320000xi32, #tpu.memory_space<hbm>> -> memref<80xi32, #tpu.memory_space<hbm>>
    %dma_wait3A_505 = tpu.memref_slice %arg10[%dma_wait3A_499] : memref<8x!tpu.dma_semaphore, #tpu.memory_space<semaphore_mem>> -> memref<1x!tpu.dma_semaphore, #tpu.memory_space<semaphore_mem>>
    %dma_wait3A_506 = tpu.memref_squeeze %dma_wait3A_505 : memref<1x!tpu.dma_semaphore, #tpu.memory_space<semaphore_mem>> -> memref<!tpu.dma_semaphore, #tpu.memory_space<semaphore_mem>>
    %dma_wait3A_507 = arith.constant 0 : i32
    %dma_wait3A_508 = tpu.memref_slice %arg6[%dma_wait3A_498, %dma_wait3A_507] : memref<8x80xi32, #tpu.memory_space<vmem>> -> memref<1x80xi32, #tpu.memory_space<vmem>>
    %dma_wait3A_509 = tpu.memref_squeeze %dma_wait3A_508 : memref<1x80xi32, #tpu.memory_space<vmem>> -> memref<80xi32, #tpu.memory_space<vmem>>
    %dma_wait3A_510 = arith.constant 0 : i32
    %dma_wait3A_511 = tpu.memref_slice %arg3[%dma_wait3A_510] : memref<320000xi32, #tpu.memory_space<hbm>> -> memref<80xi32, #tpu.memory_space<hbm>>
    tpu.wait_dma2 semaphore(%dma_wait3A_506 : memref<!tpu.dma_semaphore, #tpu.memory_space<semaphore_mem>>) src(%dma_wait3A_511 : memref<80xi32, #tpu.memory_space<hbm>>) dst(%dma_wait3A_509 : memref<80xi32, #tpu.memory_space<vmem>>)
    %dma_wait3A_512 = arith.constant 4 : i32
    %dma_wait3A_513 = arith.constant 4 : i32
    %dma_wait3A_514 = arith.constant 0 : i32
    %dma_wait3A_515 = tpu.memref_slice %arg7[%dma_wait3A_512, %dma_wait3A_514] : memref<8x80xi32, #tpu.memory_space<vmem>> -> memref<1x80xi32, #tpu.memory_space<vmem>>
    %dma_wait3A_516 = tpu.memref_squeeze %dma_wait3A_515 : memref<1x80xi32, #tpu.memory_space<vmem>> -> memref<80xi32, #tpu.memory_space<vmem>>
    %dma_wait3A_517 = arith.constant 0 : i32
    %dma_wait3A_518 = tpu.memref_slice %arg3[%dma_wait3A_517] : memref<320000xi32, #tpu.memory_space<hbm>> -> memref<80xi32, #tpu.memory_space<hbm>>
    %dma_wait3A_519 = tpu.memref_slice %arg10[%dma_wait3A_513] : memref<8x!tpu.dma_semaphore, #tpu.memory_space<semaphore_mem>> -> memref<1x!tpu.dma_semaphore, #tpu.memory_space<semaphore_mem>>
    %dma_wait3A_520 = tpu.memref_squeeze %dma_wait3A_519 : memref<1x!tpu.dma_semaphore, #tpu.memory_space<semaphore_mem>> -> memref<!tpu.dma_semaphore, #tpu.memory_space<semaphore_mem>>
    %dma_wait3A_521 = arith.constant 0 : i32
    %dma_wait3A_522 = tpu.memref_slice %arg7[%dma_wait3A_512, %dma_wait3A_521] : memref<8x80xi32, #tpu.memory_space<vmem>> -> memref<1x80xi32, #tpu.memory_space<vmem>>
    %dma_wait3A_523 = tpu.memref_squeeze %dma_wait3A_522 : memref<1x80xi32, #tpu.memory_space<vmem>> -> memref<80xi32, #tpu.memory_space<vmem>>
    %dma_wait3A_524 = arith.constant 0 : i32
    %dma_wait3A_525 = tpu.memref_slice %arg3[%dma_wait3A_524] : memref<320000xi32, #tpu.memory_space<hbm>> -> memref<80xi32, #tpu.memory_space<hbm>>
    tpu.wait_dma2 semaphore(%dma_wait3A_520 : memref<!tpu.dma_semaphore, #tpu.memory_space<semaphore_mem>>) src(%dma_wait3A_525 : memref<80xi32, #tpu.memory_space<hbm>>) dst(%dma_wait3A_523 : memref<80xi32, #tpu.memory_space<vmem>>)
    %dma_start3A_526 = arith.constant 4 : i32
    %dma_start3A_527 = arith.constant 0 : i32
    %dma_start3A_528 = arith.constant 0 : i32
    %dma_start3A_529 = arith.constant 0 : i32
    %dma_start3A_530 = arith.constant 0 : i32
    %dma_start3A_531 = tpu.memref_slice %arg8[%dma_start3A_527, %dma_start3A_529, %dma_start3A_530] : memref<4x80x128xf32, #tpu.memory_space<vmem>> -> memref<1x80x128xf32, #tpu.memory_space<vmem>>
    %dma_start3A_532 = tpu.memref_squeeze %dma_start3A_531 : memref<1x80x128xf32, #tpu.memory_space<vmem>> -> memref<80x128xf32, #tpu.memory_space<vmem>>
    %dma_start3A_533 = arith.constant 0 : i32
    %dma_start3A_534 = tpu.memref_slice %arg6[%dma_start3A_526, %dma_start3A_533] : memref<8x80xi32, #tpu.memory_space<vmem>> -> memref<1x80xi32, #tpu.memory_space<vmem>>
    %dma_start3A_535 = tpu.memref_squeeze %dma_start3A_534 : memref<1x80xi32, #tpu.memory_space<vmem>> -> memref<80xi32, #tpu.memory_space<vmem>>
    %dma_start3A_536 = arith.constant 0 : i32
    %dma_start3A_537 = arith.constant 0 : i32
    %dma_start3A_538 = tpu.memref_slice %arg2[%dma_start3A_536, %dma_start3A_537] : memref<10000x128xf32, #tpu.memory_space<hbm>> -> memref<10000x128xf32, #tpu.memory_space<hbm>>
    %dma_start3A_539 = tpu.memref_slice %arg11[%dma_start3A_528] : memref<4x!tpu.dma_semaphore, #tpu.memory_space<semaphore_mem>> -> memref<1x!tpu.dma_semaphore, #tpu.memory_space<semaphore_mem>>
    %dma_start3A_540 = tpu.memref_squeeze %dma_start3A_539 : memref<1x!tpu.dma_semaphore, #tpu.memory_space<semaphore_mem>> -> memref<!tpu.dma_semaphore, #tpu.memory_space<semaphore_mem>>
    tpu.enqueue_indirect_dma source(%dma_start3A_538 : memref<10000x128xf32, #tpu.memory_space<hbm>>) target(%dma_start3A_532 : memref<80x128xf32, #tpu.memory_space<vmem>>) offsets(%dma_start3A_535 : memref<80xi32, #tpu.memory_space<vmem>>) semaphore(%dma_start3A_540 : memref<!tpu.dma_semaphore, #tpu.memory_space<semaphore_mem>>)
    %dma_wait3A_541 = arith.constant 1 : i32
    %dma_wait3A_542 = arith.constant 1 : i32
    %dma_wait3A_543 = arith.constant 0 : i32
    %dma_wait3A_544 = arith.constant 0 : i32
    %dma_wait3A_545 = tpu.memref_slice %arg8[%dma_wait3A_541, %dma_wait3A_543, %dma_wait3A_544] : memref<4x80x128xf32, #tpu.memory_space<vmem>> -> memref<1x80x128xf32, #tpu.memory_space<vmem>>
    %dma_wait3A_546 = tpu.memref_squeeze %dma_wait3A_545 : memref<1x80x128xf32, #tpu.memory_space<vmem>> -> memref<80x128xf32, #tpu.memory_space<vmem>>
    %dma_wait3A_547 = arith.constant 0 : i32
    %dma_wait3A_548 = arith.constant 0 : i32
    %dma_wait3A_549 = tpu.memref_slice %arg2[%dma_wait3A_547, %dma_wait3A_548] : memref<10000x128xf32, #tpu.memory_space<hbm>> -> memref<80x128xf32, #tpu.memory_space<hbm>>
    %dma_wait3A_550 = tpu.memref_slice %arg11[%dma_wait3A_542] : memref<4x!tpu.dma_semaphore, #tpu.memory_space<semaphore_mem>> -> memref<1x!tpu.dma_semaphore, #tpu.memory_space<semaphore_mem>>
    %dma_wait3A_551 = tpu.memref_squeeze %dma_wait3A_550 : memref<1x!tpu.dma_semaphore, #tpu.memory_space<semaphore_mem>> -> memref<!tpu.dma_semaphore, #tpu.memory_space<semaphore_mem>>
    %dma_wait3A_552 = arith.constant 0 : i32
    %dma_wait3A_553 = arith.constant 0 : i32
    %dma_wait3A_554 = tpu.memref_slice %arg8[%dma_wait3A_541, %dma_wait3A_552, %dma_wait3A_553] : memref<4x80x128xf32, #tpu.memory_space<vmem>> -> memref<1x80x128xf32, #tpu.memory_space<vmem>>
    %dma_wait3A_555 = tpu.memref_squeeze %dma_wait3A_554 : memref<1x80x128xf32, #tpu.memory_space<vmem>> -> memref<80x128xf32, #tpu.memory_space<vmem>>
    %dma_wait3A_556 = arith.constant 0 : i32
    %dma_wait3A_557 = arith.constant 0 : i32
    %dma_wait3A_558 = tpu.memref_slice %arg2[%dma_wait3A_556, %dma_wait3A_557] : memref<10000x128xf32, #tpu.memory_space<hbm>> -> memref<80x128xf32, #tpu.memory_space<hbm>>
    tpu.wait_dma2 semaphore(%dma_wait3A_551 : memref<!tpu.dma_semaphore, #tpu.memory_space<semaphore_mem>>) src(%dma_wait3A_558 : memref<80x128xf32, #tpu.memory_space<hbm>>) dst(%dma_wait3A_555 : memref<80x128xf32, #tpu.memory_space<vmem>>)
    %run_scoped3A_559 = arith.constant 1 : i32
    %run_scoped3A_560 = arith.constant 1 : i32
    "tpu.region"() ({
      %run_scoped3A_626 = tpu.sem_alloc : memref<!tpu.dma_semaphore, #tpu.memory_space<semaphore_mem>>
      %dma_start3A_627 = arith.constant 0 : i32
      %dma_start3A_628 = arith.constant 0 : i32
      %dma_start3A_629 = tpu.memref_slice %arg8[%run_scoped3A_559, %dma_start3A_627, %dma_start3A_628] : memref<4x80x128xf32, #tpu.memory_space<vmem>> -> memref<1x80x128xf32, #tpu.memory_space<vmem>>
      %dma_start3A_630 = tpu.memref_squeeze %dma_start3A_629 : memref<1x80x128xf32, #tpu.memory_space<vmem>> -> memref<80x128xf32, #tpu.memory_space<vmem>>
      %dma_start3A_631 = arith.constant 0 : i32
      %dma_start3A_632 = tpu.memref_slice %arg7[%run_scoped3A_560, %dma_start3A_631] : memref<8x80xi32, #tpu.memory_space<vmem>> -> memref<1x80xi32, #tpu.memory_space<vmem>>
      %dma_start3A_633 = tpu.memref_squeeze %dma_start3A_632 : memref<1x80xi32, #tpu.memory_space<vmem>> -> memref<80xi32, #tpu.memory_space<vmem>>
      %dma_start3A_634 = arith.constant 0 : i32
      %dma_start3A_635 = arith.constant 0 : i32
      %dma_start3A_636 = tpu.memref_slice %arg9[%dma_start3A_634, %dma_start3A_635] : memref<10240x128xf32, #tpu.memory_space<vmem_shared>> -> memref<10240x128xf32, #tpu.memory_space<vmem_shared>>
      tpu.enqueue_indirect_dma source(%dma_start3A_630 : memref<80x128xf32, #tpu.memory_space<vmem>>) target(%dma_start3A_636 : memref<10240x128xf32, #tpu.memory_space<vmem_shared>>) offsets(%dma_start3A_633 : memref<80xi32, #tpu.memory_space<vmem>>) semaphore(%run_scoped3A_626 : memref<!tpu.dma_semaphore, #tpu.memory_space<semaphore_mem>>) {add = true}
      %dma_wait3A_637 = arith.constant 0 : i32
      %dma_wait3A_638 = arith.constant 0 : i32
      %dma_wait3A_639 = tpu.memref_slice %arg8[%run_scoped3A_559, %dma_wait3A_637, %dma_wait3A_638] : memref<4x80x128xf32, #tpu.memory_space<vmem>> -> memref<1x80x128xf32, #tpu.memory_space<vmem>>
      %dma_wait3A_640 = tpu.memref_squeeze %dma_wait3A_639 : memref<1x80x128xf32, #tpu.memory_space<vmem>> -> memref<80x128xf32, #tpu.memory_space<vmem>>
      %dma_wait3A_641 = arith.constant 0 : i32
      %dma_wait3A_642 = tpu.memref_slice %arg7[%run_scoped3A_560, %dma_wait3A_641] : memref<8x80xi32, #tpu.memory_space<vmem>> -> memref<1x80xi32, #tpu.memory_space<vmem>>
      %dma_wait3A_643 = tpu.memref_squeeze %dma_wait3A_642 : memref<1x80xi32, #tpu.memory_space<vmem>> -> memref<80xi32, #tpu.memory_space<vmem>>
      %dma_wait3A_644 = arith.constant 0 : i32
      %dma_wait3A_645 = arith.constant 0 : i32
      %dma_wait3A_646 = tpu.memref_slice %arg9[%dma_wait3A_644, %dma_wait3A_645] : memref<10240x128xf32, #tpu.memory_space<vmem_shared>> -> memref<10240x128xf32, #tpu.memory_space<vmem_shared>>
      tpu.wait_indirect_dma semaphore(%run_scoped3A_626 : memref<!tpu.dma_semaphore, #tpu.memory_space<semaphore_mem>>) src(%dma_wait3A_640 : memref<80x128xf32, #tpu.memory_space<vmem>>) dst(%dma_wait3A_646 : memref<10240x128xf32, #tpu.memory_space<vmem_shared>>)
      tpu.yield
    }) : () -> ()
    %dma_wait3A_561 = arith.constant 2 : i32
    %dma_wait3A_562 = arith.constant 2 : i32
    %dma_wait3A_563 = arith.constant 0 : i32
    %dma_wait3A_564 = arith.constant 0 : i32
    %dma_wait3A_565 = tpu.memref_slice %arg8[%dma_wait3A_561, %dma_wait3A_563, %dma_wait3A_564] : memref<4x80x128xf32, #tpu.memory_space<vmem>> -> memref<1x80x128xf32, #tpu.memory_space<vmem>>
    %dma_wait3A_566 = tpu.memref_squeeze %dma_wait3A_565 : memref<1x80x128xf32, #tpu.memory_space<vmem>> -> memref<80x128xf32, #tpu.memory_space<vmem>>
    %dma_wait3A_567 = arith.constant 0 : i32
    %dma_wait3A_568 = arith.constant 0 : i32
    %dma_wait3A_569 = tpu.memref_slice %arg2[%dma_wait3A_567, %dma_wait3A_568] : memref<10000x128xf32, #tpu.memory_space<hbm>> -> memref<80x128xf32, #tpu.memory_space<hbm>>
    %dma_wait3A_570 = tpu.memref_slice %arg11[%dma_wait3A_562] : memref<4x!tpu.dma_semaphore, #tpu.memory_space<semaphore_mem>> -> memref<1x!tpu.dma_semaphore, #tpu.memory_space<semaphore_mem>>
    %dma_wait3A_571 = tpu.memref_squeeze %dma_wait3A_570 : memref<1x!tpu.dma_semaphore, #tpu.memory_space<semaphore_mem>> -> memref<!tpu.dma_semaphore, #tpu.memory_space<semaphore_mem>>
    %dma_wait3A_572 = arith.constant 0 : i32
    %dma_wait3A_573 = arith.constant 0 : i32
    %dma_wait3A_574 = tpu.memref_slice %arg8[%dma_wait3A_561, %dma_wait3A_572, %dma_wait3A_573] : memref<4x80x128xf32, #tpu.memory_space<vmem>> -> memref<1x80x128xf32, #tpu.memory_space<vmem>>
    %dma_wait3A_575 = tpu.memref_squeeze %dma_wait3A_574 : memref<1x80x128xf32, #tpu.memory_space<vmem>> -> memref<80x128xf32, #tpu.memory_space<vmem>>
    %dma_wait3A_576 = arith.constant 0 : i32
    %dma_wait3A_577 = arith.constant 0 : i32
    %dma_wait3A_578 = tpu.memref_slice %arg2[%dma_wait3A_576, %dma_wait3A_577] : memref<10000x128xf32, #tpu.memory_space<hbm>> -> memref<80x128xf32, #tpu.memory_space<hbm>>
    tpu.wait_dma2 semaphore(%dma_wait3A_571 : memref<!tpu.dma_semaphore, #tpu.memory_space<semaphore_mem>>) src(%dma_wait3A_578 : memref<80x128xf32, #tpu.memory_space<hbm>>) dst(%dma_wait3A_575 : memref<80x128xf32, #tpu.memory_space<vmem>>)
    %run_scoped3A_579 = arith.constant 2 : i32
    %run_scoped3A_580 = arith.constant 2 : i32
    "tpu.region"() ({
      %run_scoped3A_626 = tpu.sem_alloc : memref<!tpu.dma_semaphore, #tpu.memory_space<semaphore_mem>>
      %dma_start3A_627 = arith.constant 0 : i32
      %dma_start3A_628 = arith.constant 0 : i32
      %dma_start3A_629 = tpu.memref_slice %arg8[%run_scoped3A_579, %dma_start3A_627, %dma_start3A_628] : memref<4x80x128xf32, #tpu.memory_space<vmem>> -> memref<1x80x128xf32, #tpu.memory_space<vmem>>
      %dma_start3A_630 = tpu.memref_squeeze %dma_start3A_629 : memref<1x80x128xf32, #tpu.memory_space<vmem>> -> memref<80x128xf32, #tpu.memory_space<vmem>>
      %dma_start3A_631 = arith.constant 0 : i32
      %dma_start3A_632 = tpu.memref_slice %arg7[%run_scoped3A_580, %dma_start3A_631] : memref<8x80xi32, #tpu.memory_space<vmem>> -> memref<1x80xi32, #tpu.memory_space<vmem>>
      %dma_start3A_633 = tpu.memref_squeeze %dma_start3A_632 : memref<1x80xi32, #tpu.memory_space<vmem>> -> memref<80xi32, #tpu.memory_space<vmem>>
      %dma_start3A_634 = arith.constant 0 : i32
      %dma_start3A_635 = arith.constant 0 : i32
      %dma_start3A_636 = tpu.memref_slice %arg9[%dma_start3A_634, %dma_start3A_635] : memref<10240x128xf32, #tpu.memory_space<vmem_shared>> -> memref<10240x128xf32, #tpu.memory_space<vmem_shared>>
      tpu.enqueue_indirect_dma source(%dma_start3A_630 : memref<80x128xf32, #tpu.memory_space<vmem>>) target(%dma_start3A_636 : memref<10240x128xf32, #tpu.memory_space<vmem_shared>>) offsets(%dma_start3A_633 : memref<80xi32, #tpu.memory_space<vmem>>) semaphore(%run_scoped3A_626 : memref<!tpu.dma_semaphore, #tpu.memory_space<semaphore_mem>>) {add = true}
      %dma_wait3A_637 = arith.constant 0 : i32
      %dma_wait3A_638 = arith.constant 0 : i32
      %dma_wait3A_639 = tpu.memref_slice %arg8[%run_scoped3A_579, %dma_wait3A_637, %dma_wait3A_638] : memref<4x80x128xf32, #tpu.memory_space<vmem>> -> memref<1x80x128xf32, #tpu.memory_space<vmem>>
      %dma_wait3A_640 = tpu.memref_squeeze %dma_wait3A_639 : memref<1x80x128xf32, #tpu.memory_space<vmem>> -> memref<80x128xf32, #tpu.memory_space<vmem>>
      %dma_wait3A_641 = arith.constant 0 : i32
      %dma_wait3A_642 = tpu.memref_slice %arg7[%run_scoped3A_580, %dma_wait3A_641] : memref<8x80xi32, #tpu.memory_space<vmem>> -> memref<1x80xi32, #tpu.memory_space<vmem>>
      %dma_wait3A_643 = tpu.memref_squeeze %dma_wait3A_642 : memref<1x80xi32, #tpu.memory_space<vmem>> -> memref<80xi32, #tpu.memory_space<vmem>>
      %dma_wait3A_644 = arith.constant 0 : i32
      %dma_wait3A_645 = arith.constant 0 : i32
      %dma_wait3A_646 = tpu.memref_slice %arg9[%dma_wait3A_644, %dma_wait3A_645] : memref<10240x128xf32, #tpu.memory_space<vmem_shared>> -> memref<10240x128xf32, #tpu.memory_space<vmem_shared>>
      tpu.wait_indirect_dma semaphore(%run_scoped3A_626 : memref<!tpu.dma_semaphore, #tpu.memory_space<semaphore_mem>>) src(%dma_wait3A_640 : memref<80x128xf32, #tpu.memory_space<vmem>>) dst(%dma_wait3A_646 : memref<10240x128xf32, #tpu.memory_space<vmem_shared>>)
      tpu.yield
    }) : () -> ()
    %dma_wait3A_581 = arith.constant 3 : i32
    %dma_wait3A_582 = arith.constant 3 : i32
    %dma_wait3A_583 = arith.constant 0 : i32
    %dma_wait3A_584 = arith.constant 0 : i32
    %dma_wait3A_585 = tpu.memref_slice %arg8[%dma_wait3A_581, %dma_wait3A_583, %dma_wait3A_584] : memref<4x80x128xf32, #tpu.memory_space<vmem>> -> memref<1x80x128xf32, #tpu.memory_space<vmem>>
    %dma_wait3A_586 = tpu.memref_squeeze %dma_wait3A_585 : memref<1x80x128xf32, #tpu.memory_space<vmem>> -> memref<80x128xf32, #tpu.memory_space<vmem>>
    %dma_wait3A_587 = arith.constant 0 : i32
    %dma_wait3A_588 = arith.constant 0 : i32
    %dma_wait3A_589 = tpu.memref_slice %arg2[%dma_wait3A_587, %dma_wait3A_588] : memref<10000x128xf32, #tpu.memory_space<hbm>> -> memref<80x128xf32, #tpu.memory_space<hbm>>
    %dma_wait3A_590 = tpu.memref_slice %arg11[%dma_wait3A_582] : memref<4x!tpu.dma_semaphore, #tpu.memory_space<semaphore_mem>> -> memref<1x!tpu.dma_semaphore, #tpu.memory_space<semaphore_mem>>
    %dma_wait3A_591 = tpu.memref_squeeze %dma_wait3A_590 : memref<1x!tpu.dma_semaphore, #tpu.memory_space<semaphore_mem>> -> memref<!tpu.dma_semaphore, #tpu.memory_space<semaphore_mem>>
    %dma_wait3A_592 = arith.constant 0 : i32
    %dma_wait3A_593 = arith.constant 0 : i32
    %dma_wait3A_594 = tpu.memref_slice %arg8[%dma_wait3A_581, %dma_wait3A_592, %dma_wait3A_593] : memref<4x80x128xf32, #tpu.memory_space<vmem>> -> memref<1x80x128xf32, #tpu.memory_space<vmem>>
    %dma_wait3A_595 = tpu.memref_squeeze %dma_wait3A_594 : memref<1x80x128xf32, #tpu.memory_space<vmem>> -> memref<80x128xf32, #tpu.memory_space<vmem>>
    %dma_wait3A_596 = arith.constant 0 : i32
    %dma_wait3A_597 = arith.constant 0 : i32
    %dma_wait3A_598 = tpu.memref_slice %arg2[%dma_wait3A_596, %dma_wait3A_597] : memref<10000x128xf32, #tpu.memory_space<hbm>> -> memref<80x128xf32, #tpu.memory_space<hbm>>
    tpu.wait_dma2 semaphore(%dma_wait3A_591 : memref<!tpu.dma_semaphore, #tpu.memory_space<semaphore_mem>>) src(%dma_wait3A_598 : memref<80x128xf32, #tpu.memory_space<hbm>>) dst(%dma_wait3A_595 : memref<80x128xf32, #tpu.memory_space<vmem>>)
    %run_scoped3A_599 = arith.constant 3 : i32
    %run_scoped3A_600 = arith.constant 3 : i32
    "tpu.region"() ({
      %run_scoped3A_626 = tpu.sem_alloc : memref<!tpu.dma_semaphore, #tpu.memory_space<semaphore_mem>>
      %dma_start3A_627 = arith.constant 0 : i32
      %dma_start3A_628 = arith.constant 0 : i32
      %dma_start3A_629 = tpu.memref_slice %arg8[%run_scoped3A_599, %dma_start3A_627, %dma_start3A_628] : memref<4x80x128xf32, #tpu.memory_space<vmem>> -> memref<1x80x128xf32, #tpu.memory_space<vmem>>
      %dma_start3A_630 = tpu.memref_squeeze %dma_start3A_629 : memref<1x80x128xf32, #tpu.memory_space<vmem>> -> memref<80x128xf32, #tpu.memory_space<vmem>>
      %dma_start3A_631 = arith.constant 0 : i32
      %dma_start3A_632 = tpu.memref_slice %arg7[%run_scoped3A_600, %dma_start3A_631] : memref<8x80xi32, #tpu.memory_space<vmem>> -> memref<1x80xi32, #tpu.memory_space<vmem>>
      %dma_start3A_633 = tpu.memref_squeeze %dma_start3A_632 : memref<1x80xi32, #tpu.memory_space<vmem>> -> memref<80xi32, #tpu.memory_space<vmem>>
      %dma_start3A_634 = arith.constant 0 : i32
      %dma_start3A_635 = arith.constant 0 : i32
      %dma_start3A_636 = tpu.memref_slice %arg9[%dma_start3A_634, %dma_start3A_635] : memref<10240x128xf32, #tpu.memory_space<vmem_shared>> -> memref<10240x128xf32, #tpu.memory_space<vmem_shared>>
      tpu.enqueue_indirect_dma source(%dma_start3A_630 : memref<80x128xf32, #tpu.memory_space<vmem>>) target(%dma_start3A_636 : memref<10240x128xf32, #tpu.memory_space<vmem_shared>>) offsets(%dma_start3A_633 : memref<80xi32, #tpu.memory_space<vmem>>) semaphore(%run_scoped3A_626 : memref<!tpu.dma_semaphore, #tpu.memory_space<semaphore_mem>>) {add = true}
      %dma_wait3A_637 = arith.constant 0 : i32
      %dma_wait3A_638 = arith.constant 0 : i32
      %dma_wait3A_639 = tpu.memref_slice %arg8[%run_scoped3A_599, %dma_wait3A_637, %dma_wait3A_638] : memref<4x80x128xf32, #tpu.memory_space<vmem>> -> memref<1x80x128xf32, #tpu.memory_space<vmem>>
      %dma_wait3A_640 = tpu.memref_squeeze %dma_wait3A_639 : memref<1x80x128xf32, #tpu.memory_space<vmem>> -> memref<80x128xf32, #tpu.memory_space<vmem>>
      %dma_wait3A_641 = arith.constant 0 : i32
      %dma_wait3A_642 = tpu.memref_slice %arg7[%run_scoped3A_600, %dma_wait3A_641] : memref<8x80xi32, #tpu.memory_space<vmem>> -> memref<1x80xi32, #tpu.memory_space<vmem>>
      %dma_wait3A_643 = tpu.memref_squeeze %dma_wait3A_642 : memref<1x80xi32, #tpu.memory_space<vmem>> -> memref<80xi32, #tpu.memory_space<vmem>>
      %dma_wait3A_644 = arith.constant 0 : i32
      %dma_wait3A_645 = arith.constant 0 : i32
      %dma_wait3A_646 = tpu.memref_slice %arg9[%dma_wait3A_644, %dma_wait3A_645] : memref<10240x128xf32, #tpu.memory_space<vmem_shared>> -> memref<10240x128xf32, #tpu.memory_space<vmem_shared>>
      tpu.wait_indirect_dma semaphore(%run_scoped3A_626 : memref<!tpu.dma_semaphore, #tpu.memory_space<semaphore_mem>>) src(%dma_wait3A_640 : memref<80x128xf32, #tpu.memory_space<vmem>>) dst(%dma_wait3A_646 : memref<10240x128xf32, #tpu.memory_space<vmem_shared>>)
      tpu.yield
    }) : () -> ()
    %dma_wait3A_601 = arith.constant 0 : i32
    %dma_wait3A_602 = arith.constant 0 : i32
    %dma_wait3A_603 = arith.constant 0 : i32
    %dma_wait3A_604 = arith.constant 0 : i32
    %dma_wait3A_605 = tpu.memref_slice %arg8[%dma_wait3A_601, %dma_wait3A_603, %dma_wait3A_604] : memref<4x80x128xf32, #tpu.memory_space<vmem>> -> memref<1x80x128xf32, #tpu.memory_space<vmem>>
    %dma_wait3A_606 = tpu.memref_squeeze %dma_wait3A_605 : memref<1x80x128xf32, #tpu.memory_space<vmem>> -> memref<80x128xf32, #tpu.memory_space<vmem>>
    %dma_wait3A_607 = arith.constant 0 : i32
    %dma_wait3A_608 = arith.constant 0 : i32
    %dma_wait3A_609 = tpu.memref_slice %arg2[%dma_wait3A_607, %dma_wait3A_608] : memref<10000x128xf32, #tpu.memory_space<hbm>> -> memref<80x128xf32, #tpu.memory_space<hbm>>
    %dma_wait3A_610 = tpu.memref_slice %arg11[%dma_wait3A_602] : memref<4x!tpu.dma_semaphore, #tpu.memory_space<semaphore_mem>> -> memref<1x!tpu.dma_semaphore, #tpu.memory_space<semaphore_mem>>
    %dma_wait3A_611 = tpu.memref_squeeze %dma_wait3A_610 : memref<1x!tpu.dma_semaphore, #tpu.memory_space<semaphore_mem>> -> memref<!tpu.dma_semaphore, #tpu.memory_space<semaphore_mem>>
    %dma_wait3A_612 = arith.constant 0 : i32
    %dma_wait3A_613 = arith.constant 0 : i32
    %dma_wait3A_614 = tpu.memref_slice %arg8[%dma_wait3A_601, %dma_wait3A_612, %dma_wait3A_613] : memref<4x80x128xf32, #tpu.memory_space<vmem>> -> memref<1x80x128xf32, #tpu.memory_space<vmem>>
    %dma_wait3A_615 = tpu.memref_squeeze %dma_wait3A_614 : memref<1x80x128xf32, #tpu.memory_space<vmem>> -> memref<80x128xf32, #tpu.memory_space<vmem>>
    %dma_wait3A_616 = arith.constant 0 : i32
    %dma_wait3A_617 = arith.constant 0 : i32
    %dma_wait3A_618 = tpu.memref_slice %arg2[%dma_wait3A_616, %dma_wait3A_617] : memref<10000x128xf32, #tpu.memory_space<hbm>> -> memref<80x128xf32, #tpu.memory_space<hbm>>
    tpu.wait_dma2 semaphore(%dma_wait3A_611 : memref<!tpu.dma_semaphore, #tpu.memory_space<semaphore_mem>>) src(%dma_wait3A_618 : memref<80x128xf32, #tpu.memory_space<hbm>>) dst(%dma_wait3A_615 : memref<80x128xf32, #tpu.memory_space<vmem>>)
    %run_scoped3A_619 = arith.constant 0 : i32
    %run_scoped3A_620 = arith.constant 4 : i32
    "tpu.region"() ({
      %run_scoped3A_626 = tpu.sem_alloc : memref<!tpu.dma_semaphore, #tpu.memory_space<semaphore_mem>>
      %dma_start3A_627 = arith.constant 0 : i32
      %dma_start3A_628 = arith.constant 0 : i32
      %dma_start3A_629 = tpu.memref_slice %arg8[%run_scoped3A_619, %dma_start3A_627, %dma_start3A_628] : memref<4x80x128xf32, #tpu.memory_space<vmem>> -> memref<1x80x128xf32, #tpu.memory_space<vmem>>
      %dma_start3A_630 = tpu.memref_squeeze %dma_start3A_629 : memref<1x80x128xf32, #tpu.memory_space<vmem>> -> memref<80x128xf32, #tpu.memory_space<vmem>>
      %dma_start3A_631 = arith.constant 0 : i32
      %dma_start3A_632 = tpu.memref_slice %arg7[%run_scoped3A_620, %dma_start3A_631] : memref<8x80xi32, #tpu.memory_space<vmem>> -> memref<1x80xi32, #tpu.memory_space<vmem>>
      %dma_start3A_633 = tpu.memref_squeeze %dma_start3A_632 : memref<1x80xi32, #tpu.memory_space<vmem>> -> memref<80xi32, #tpu.memory_space<vmem>>
      %dma_start3A_634 = arith.constant 0 : i32
      %dma_start3A_635 = arith.constant 0 : i32
      %dma_start3A_636 = tpu.memref_slice %arg9[%dma_start3A_634, %dma_start3A_635] : memref<10240x128xf32, #tpu.memory_space<vmem_shared>> -> memref<10240x128xf32, #tpu.memory_space<vmem_shared>>
      tpu.enqueue_indirect_dma source(%dma_start3A_630 : memref<80x128xf32, #tpu.memory_space<vmem>>) target(%dma_start3A_636 : memref<10240x128xf32, #tpu.memory_space<vmem_shared>>) offsets(%dma_start3A_633 : memref<80xi32, #tpu.memory_space<vmem>>) semaphore(%run_scoped3A_626 : memref<!tpu.dma_semaphore, #tpu.memory_space<semaphore_mem>>) {add = true}
      %dma_wait3A_637 = arith.constant 0 : i32
      %dma_wait3A_638 = arith.constant 0 : i32
      %dma_wait3A_639 = tpu.memref_slice %arg8[%run_scoped3A_619, %dma_wait3A_637, %dma_wait3A_638] : memref<4x80x128xf32, #tpu.memory_space<vmem>> -> memref<1x80x128xf32, #tpu.memory_space<vmem>>
      %dma_wait3A_640 = tpu.memref_squeeze %dma_wait3A_639 : memref<1x80x128xf32, #tpu.memory_space<vmem>> -> memref<80x128xf32, #tpu.memory_space<vmem>>
      %dma_wait3A_641 = arith.constant 0 : i32
      %dma_wait3A_642 = tpu.memref_slice %arg7[%run_scoped3A_620, %dma_wait3A_641] : memref<8x80xi32, #tpu.memory_space<vmem>> -> memref<1x80xi32, #tpu.memory_space<vmem>>
      %dma_wait3A_643 = tpu.memref_squeeze %dma_wait3A_642 : memref<1x80xi32, #tpu.memory_space<vmem>> -> memref<80xi32, #tpu.memory_space<vmem>>
      %dma_wait3A_644 = arith.constant 0 : i32
      %dma_wait3A_645 = arith.constant 0 : i32
      %dma_wait3A_646 = tpu.memref_slice %arg9[%dma_wait3A_644, %dma_wait3A_645] : memref<10240x128xf32, #tpu.memory_space<vmem_shared>> -> memref<10240x128xf32, #tpu.memory_space<vmem_shared>>
      tpu.wait_indirect_dma semaphore(%run_scoped3A_626 : memref<!tpu.dma_semaphore, #tpu.memory_space<semaphore_mem>>) src(%dma_wait3A_640 : memref<80x128xf32, #tpu.memory_space<vmem>>) dst(%dma_wait3A_646 : memref<10240x128xf32, #tpu.memory_space<vmem_shared>>)
      tpu.yield
    }) : () -> ()
    %barrier3A_621 = arith.constant 0 : index
    tpu.barrier barrier_id(%barrier3A_621)
    %mul3A_622 = arith.constant 640 : i32
    %mul3A_623 = arith.muli %arg1, %mul3A_622 : i32
    %mul3A_624 = arith.constant 640 : i32
    %mul3A_625 = arith.muli %arg1, %mul3A_624 : i32
    "tpu.region"() ({
      %run_scoped3A_626 = tpu.sem_alloc : memref<!tpu.dma_semaphore, #tpu.memory_space<semaphore_mem>>
      %dma_start3A_627 = arith.constant 0 : i32
      %dma_start3A_628 = tpu.memref_slice %arg5[%arg0, %mul3A_625, %dma_start3A_627] : memref<2x10240x128xf32, #tpu.memory_space<hbm>> -> memref<1x640x128xf32, #tpu.memory_space<hbm>>
      %dma_start3A_629 = tpu.memref_squeeze %dma_start3A_628 : memref<1x640x128xf32, #tpu.memory_space<hbm>> -> memref<640x128xf32, #tpu.memory_space<hbm>>
      %dma_start3A_630 = arith.constant 0 : i32
      %dma_start3A_631 = tpu.memref_slice %arg9[%mul3A_623, %dma_start3A_630] : memref<10240x128xf32, #tpu.memory_space<vmem_shared>> -> memref<640x128xf32, #tpu.memory_space<vmem_shared>>
      tpu.enqueue_dma source(%dma_start3A_631 : memref<640x128xf32, #tpu.memory_space<vmem_shared>>) target(%dma_start3A_629 : memref<640x128xf32, #tpu.memory_space<hbm>>) target_semaphore(%run_scoped3A_626 : memref<!tpu.dma_semaphore, #tpu.memory_space<semaphore_mem>>)
      %dma_wait3A_632 = arith.constant 0 : i32
      %dma_wait3A_633 = tpu.memref_slice %arg5[%arg0, %mul3A_625, %dma_wait3A_632] : memref<2x10240x128xf32, #tpu.memory_space<hbm>> -> memref<1x640x128xf32, #tpu.memory_space<hbm>>
      %dma_wait3A_634 = tpu.memref_squeeze %dma_wait3A_633 : memref<1x640x128xf32, #tpu.memory_space<hbm>> -> memref<640x128xf32, #tpu.memory_space<hbm>>
      %dma_wait3A_635 = arith.constant 0 : i32
      %dma_wait3A_636 = tpu.memref_slice %arg9[%mul3A_623, %dma_wait3A_635] : memref<10240x128xf32, #tpu.memory_space<vmem_shared>> -> memref<640x128xf32, #tpu.memory_space<vmem_shared>>
      tpu.wait_dma2 semaphore(%run_scoped3A_626 : memref<!tpu.dma_semaphore, #tpu.memory_space<semaphore_mem>>) src(%dma_wait3A_636 : memref<640x128xf32, #tpu.memory_space<vmem_shared>>) dst(%dma_wait3A_634 : memref<640x128xf32, #tpu.memory_space<hbm>>)
      tpu.yield
    }) : () -> ()
    return
  }
}

module attributes {stable_mosaic.version = 14 : i64} {
  func.func @_src_norm_body(%arg0: memref<10000x128xf32, #tpu.memory_space<vmem>>, %arg1: memref<2x80x128xf32, #tpu.memory_space<vmem>>, %arg2: memref<10000x128xf32, #tpu.memory_space<vmem>>) attributes {dimension_semantics = [], scalar_prefetch = 0 : i64, scratch_operands = 0 : i64, tpu.core_type = #tpu.core_type<tc>} {
    %get3A = arith.constant 0 : index
    %get3A_0 = arith.constant 0 : index
    %get3A_1 = arith.constant 0 : index
    %get3A_2 = vector.load %arg1[%get3A, %get3A_0, %get3A_1] : memref<2x80x128xf32, #tpu.memory_space<vmem>>, vector<1x80x128xf32>
    %get3A_3 = vector.shape_cast %get3A_2 : vector<1x80x128xf32> to vector<80x128xf32>
    %get3A_4 = arith.constant 1 : index
    %get3A_5 = arith.constant 0 : index
    %get3A_6 = arith.constant 0 : index
    %get3A_7 = vector.load %arg1[%get3A_4, %get3A_5, %get3A_6] : memref<2x80x128xf32, #tpu.memory_space<vmem>>, vector<1x80x128xf32>
    %get3A_8 = vector.shape_cast %get3A_7 : vector<1x80x128xf32> to vector<80x128xf32>
    %add3A = arith.addf %get3A_3, %get3A_8 : vector<80x128xf32>
    %max3A = arith.constant 1.000000e+00 : f32
    %max3A_9 = vector.broadcast %max3A : f32 to vector<80x128xf32>
    %max3A_10 = arith.maximumf %add3A, %max3A_9 : vector<80x128xf32>
    %rsqrt3A = math.rsqrt %max3A_10 : vector<80x128xf32>
    %transpose3A = tpu.transpose %rsqrt3A, [1, 0] : vector<80x128xf32> -> vector<128x80xf32>
    %get3A_11 = arith.constant 0 : index
    %get3A_12 = arith.constant 0 : index
    %get3A_13 = vector.load %arg0[%get3A_11, %get3A_12] : memref<10000x128xf32, #tpu.memory_space<vmem>>, vector<128x128xf32>
    %slice3A = vector.extract_strided_slice %transpose3A {offsets = [0, 0], sizes = [128, 1], strides = [1, 1]} : vector<128x80xf32> to vector<128x1xf32>
    %mul3A = vector.broadcast %slice3A : vector<128x1xf32> to vector<128x128xf32>
    %mul3A_14 = arith.mulf %get3A_13, %mul3A : vector<128x128xf32>
    %swap3A = arith.constant 0 : index
    %swap3A_15 = arith.constant 0 : index
    %swap3A_16 = vector.load %arg2[%swap3A, %swap3A_15] : memref<10000x128xf32, #tpu.memory_space<vmem>>, vector<128x128xf32>
    tpu.vector_store %arg2[%swap3A, %swap3A_15], %mul3A_14 {strides = array<i32>} : memref<10000x128xf32, #tpu.memory_space<vmem>>, vector<128x128xf32>,
    %get3A_17 = arith.constant 128 : index
    %get3A_18 = arith.constant 0 : index
    %get3A_19 = vector.load %arg0[%get3A_17, %get3A_18] : memref<10000x128xf32, #tpu.memory_space<vmem>>, vector<128x128xf32>
    %slice3A_20 = vector.extract_strided_slice %transpose3A {offsets = [0, 1], sizes = [128, 1], strides = [1, 1]} : vector<128x80xf32> to vector<128x1xf32>
    %mul3A_21 = vector.broadcast %slice3A_20 : vector<128x1xf32> to vector<128x128xf32>
    %mul3A_22 = arith.mulf %get3A_19, %mul3A_21 : vector<128x128xf32>
    %swap3A_23 = arith.constant 128 : index
    %swap3A_24 = arith.constant 0 : index
    %swap3A_25 = vector.load %arg2[%swap3A_23, %swap3A_24] : memref<10000x128xf32, #tpu.memory_space<vmem>>, vector<128x128xf32>
    tpu.vector_store %arg2[%swap3A_23, %swap3A_24], %mul3A_22 {strides = array<i32>} : memref<10000x128xf32, #tpu.memory_space<vmem>>, vector<128x128xf32>,
    %get3A_26 = arith.constant 256 : index
    %get3A_27 = arith.constant 0 : index
    %get3A_28 = vector.load %arg0[%get3A_26, %get3A_27] : memref<10000x128xf32, #tpu.memory_space<vmem>>, vector<128x128xf32>
    %slice3A_29 = vector.extract_strided_slice %transpose3A {offsets = [0, 2], sizes = [128, 1], strides = [1, 1]} : vector<128x80xf32> to vector<128x1xf32>
    %mul3A_30 = vector.broadcast %slice3A_29 : vector<128x1xf32> to vector<128x128xf32>
    %mul3A_31 = arith.mulf %get3A_28, %mul3A_30 : vector<128x128xf32>
    %swap3A_32 = arith.constant 256 : index
    %swap3A_33 = arith.constant 0 : index
    %swap3A_34 = vector.load %arg2[%swap3A_32, %swap3A_33] : memref<10000x128xf32, #tpu.memory_space<vmem>>, vector<128x128xf32>
    tpu.vector_store %arg2[%swap3A_32, %swap3A_33], %mul3A_31 {strides = array<i32>} : memref<10000x128xf32, #tpu.memory_space<vmem>>, vector<128x128xf32>,
    %get3A_35 = arith.constant 384 : index
    %get3A_36 = arith.constant 0 : index
    %get3A_37 = vector.load %arg0[%get3A_35, %get3A_36] : memref<10000x128xf32, #tpu.memory_space<vmem>>, vector<128x128xf32>
    %slice3A_38 = vector.extract_strided_slice %transpose3A {offsets = [0, 3], sizes = [128, 1], strides = [1, 1]} : vector<128x80xf32> to vector<128x1xf32>
    %mul3A_39 = vector.broadcast %slice3A_38 : vector<128x1xf32> to vector<128x128xf32>
    %mul3A_40 = arith.mulf %get3A_37, %mul3A_39 : vector<128x128xf32>
    %swap3A_41 = arith.constant 384 : index
    %swap3A_42 = arith.constant 0 : index
    %swap3A_43 = vector.load %arg2[%swap3A_41, %swap3A_42] : memref<10000x128xf32, #tpu.memory_space<vmem>>, vector<128x128xf32>
    tpu.vector_store %arg2[%swap3A_41, %swap3A_42], %mul3A_40 {strides = array<i32>} : memref<10000x128xf32, #tpu.memory_space<vmem>>, vector<128x128xf32>,
    %get3A_44 = arith.constant 512 : index
    %get3A_45 = arith.constant 0 : index
    %get3A_46 = vector.load %arg0[%get3A_44, %get3A_45] : memref<10000x128xf32, #tpu.memory_space<vmem>>, vector<128x128xf32>
    %slice3A_47 = vector.extract_strided_slice %transpose3A {offsets = [0, 4], sizes = [128, 1], strides = [1, 1]} : vector<128x80xf32> to vector<128x1xf32>
    %mul3A_48 = vector.broadcast %slice3A_47 : vector<128x1xf32> to vector<128x128xf32>
    %mul3A_49 = arith.mulf %get3A_46, %mul3A_48 : vector<128x128xf32>
    %swap3A_50 = arith.constant 512 : index
    %swap3A_51 = arith.constant 0 : index
    %swap3A_52 = vector.load %arg2[%swap3A_50, %swap3A_51] : memref<10000x128xf32, #tpu.memory_space<vmem>>, vector<128x128xf32>
    tpu.vector_store %arg2[%swap3A_50, %swap3A_51], %mul3A_49 {strides = array<i32>} : memref<10000x128xf32, #tpu.memory_space<vmem>>, vector<128x128xf32>,
    %get3A_53 = arith.constant 640 : index
    %get3A_54 = arith.constant 0 : index
    %get3A_55 = vector.load %arg0[%get3A_53, %get3A_54] : memref<10000x128xf32, #tpu.memory_space<vmem>>, vector<128x128xf32>
    %slice3A_56 = vector.extract_strided_slice %transpose3A {offsets = [0, 5], sizes = [128, 1], strides = [1, 1]} : vector<128x80xf32> to vector<128x1xf32>
    %mul3A_57 = vector.broadcast %slice3A_56 : vector<128x1xf32> to vector<128x128xf32>
    %mul3A_58 = arith.mulf %get3A_55, %mul3A_57 : vector<128x128xf32>
    %swap3A_59 = arith.constant 640 : index
    %swap3A_60 = arith.constant 0 : index
    %swap3A_61 = vector.load %arg2[%swap3A_59, %swap3A_60] : memref<10000x128xf32, #tpu.memory_space<vmem>>, vector<128x128xf32>
    tpu.vector_store %arg2[%swap3A_59, %swap3A_60], %mul3A_58 {strides = array<i32>} : memref<10000x128xf32, #tpu.memory_space<vmem>>, vector<128x128xf32>,
    %get3A_62 = arith.constant 768 : index
    %get3A_63 = arith.constant 0 : index
    %get3A_64 = vector.load %arg0[%get3A_62, %get3A_63] : memref<10000x128xf32, #tpu.memory_space<vmem>>, vector<128x128xf32>
    %slice3A_65 = vector.extract_strided_slice %transpose3A {offsets = [0, 6], sizes = [128, 1], strides = [1, 1]} : vector<128x80xf32> to vector<128x1xf32>
    %mul3A_66 = vector.broadcast %slice3A_65 : vector<128x1xf32> to vector<128x128xf32>
    %mul3A_67 = arith.mulf %get3A_64, %mul3A_66 : vector<128x128xf32>
    %swap3A_68 = arith.constant 768 : index
    %swap3A_69 = arith.constant 0 : index
    %swap3A_70 = vector.load %arg2[%swap3A_68, %swap3A_69] : memref<10000x128xf32, #tpu.memory_space<vmem>>, vector<128x128xf32>
    tpu.vector_store %arg2[%swap3A_68, %swap3A_69], %mul3A_67 {strides = array<i32>} : memref<10000x128xf32, #tpu.memory_space<vmem>>, vector<128x128xf32>,
    %get3A_71 = arith.constant 896 : index
    %get3A_72 = arith.constant 0 : index
    %get3A_73 = vector.load %arg0[%get3A_71, %get3A_72] : memref<10000x128xf32, #tpu.memory_space<vmem>>, vector<128x128xf32>
    %slice3A_74 = vector.extract_strided_slice %transpose3A {offsets = [0, 7], sizes = [128, 1], strides = [1, 1]} : vector<128x80xf32> to vector<128x1xf32>
    %mul3A_75 = vector.broadcast %slice3A_74 : vector<128x1xf32> to vector<128x128xf32>
    %mul3A_76 = arith.mulf %get3A_73, %mul3A_75 : vector<128x128xf32>
    %swap3A_77 = arith.constant 896 : index
    %swap3A_78 = arith.constant 0 : index
    %swap3A_79 = vector.load %arg2[%swap3A_77, %swap3A_78] : memref<10000x128xf32, #tpu.memory_space<vmem>>, vector<128x128xf32>
    tpu.vector_store %arg2[%swap3A_77, %swap3A_78], %mul3A_76 {strides = array<i32>} : memref<10000x128xf32, #tpu.memory_space<vmem>>, vector<128x128xf32>,
    %get3A_80 = arith.constant 1024 : index
    %get3A_81 = arith.constant 0 : index
    %get3A_82 = vector.load %arg0[%get3A_80, %get3A_81] : memref<10000x128xf32, #tpu.memory_space<vmem>>, vector<128x128xf32>
    %slice3A_83 = vector.extract_strided_slice %transpose3A {offsets = [0, 8], sizes = [128, 1], strides = [1, 1]} : vector<128x80xf32> to vector<128x1xf32>
    %mul3A_84 = vector.broadcast %slice3A_83 : vector<128x1xf32> to vector<128x128xf32>
    %mul3A_85 = arith.mulf %get3A_82, %mul3A_84 : vector<128x128xf32>
    %swap3A_86 = arith.constant 1024 : index
    %swap3A_87 = arith.constant 0 : index
    %swap3A_88 = vector.load %arg2[%swap3A_86, %swap3A_87] : memref<10000x128xf32, #tpu.memory_space<vmem>>, vector<128x128xf32>
    tpu.vector_store %arg2[%swap3A_86, %swap3A_87], %mul3A_85 {strides = array<i32>} : memref<10000x128xf32, #tpu.memory_space<vmem>>, vector<128x128xf32>,
    %get3A_89 = arith.constant 1152 : index
    %get3A_90 = arith.constant 0 : index
    %get3A_91 = vector.load %arg0[%get3A_89, %get3A_90] : memref<10000x128xf32, #tpu.memory_space<vmem>>, vector<128x128xf32>
    %slice3A_92 = vector.extract_strided_slice %transpose3A {offsets = [0, 9], sizes = [128, 1], strides = [1, 1]} : vector<128x80xf32> to vector<128x1xf32>
    %mul3A_93 = vector.broadcast %slice3A_92 : vector<128x1xf32> to vector<128x128xf32>
    %mul3A_94 = arith.mulf %get3A_91, %mul3A_93 : vector<128x128xf32>
    %swap3A_95 = arith.constant 1152 : index
    %swap3A_96 = arith.constant 0 : index
    %swap3A_97 = vector.load %arg2[%swap3A_95, %swap3A_96] : memref<10000x128xf32, #tpu.memory_space<vmem>>, vector<128x128xf32>
    tpu.vector_store %arg2[%swap3A_95, %swap3A_96], %mul3A_94 {strides = array<i32>} : memref<10000x128xf32, #tpu.memory_space<vmem>>, vector<128x128xf32>,
    %get3A_98 = arith.constant 1280 : index
    %get3A_99 = arith.constant 0 : index
    %get3A_100 = vector.load %arg0[%get3A_98, %get3A_99] : memref<10000x128xf32, #tpu.memory_space<vmem>>, vector<128x128xf32>
    %slice3A_101 = vector.extract_strided_slice %transpose3A {offsets = [0, 10], sizes = [128, 1], strides = [1, 1]} : vector<128x80xf32> to vector<128x1xf32>
    %mul3A_102 = vector.broadcast %slice3A_101 : vector<128x1xf32> to vector<128x128xf32>
    %mul3A_103 = arith.mulf %get3A_100, %mul3A_102 : vector<128x128xf32>
    %swap3A_104 = arith.constant 1280 : index
    %swap3A_105 = arith.constant 0 : index
    %swap3A_106 = vector.load %arg2[%swap3A_104, %swap3A_105] : memref<10000x128xf32, #tpu.memory_space<vmem>>, vector<128x128xf32>
    tpu.vector_store %arg2[%swap3A_104, %swap3A_105], %mul3A_103 {strides = array<i32>} : memref<10000x128xf32, #tpu.memory_space<vmem>>, vector<128x128xf32>,
    %get3A_107 = arith.constant 1408 : index
    %get3A_108 = arith.constant 0 : index
    %get3A_109 = vector.load %arg0[%get3A_107, %get3A_108] : memref<10000x128xf32, #tpu.memory_space<vmem>>, vector<128x128xf32>
    %slice3A_110 = vector.extract_strided_slice %transpose3A {offsets = [0, 11], sizes = [128, 1], strides = [1, 1]} : vector<128x80xf32> to vector<128x1xf32>
    %mul3A_111 = vector.broadcast %slice3A_110 : vector<128x1xf32> to vector<128x128xf32>
    %mul3A_112 = arith.mulf %get3A_109, %mul3A_111 : vector<128x128xf32>
    %swap3A_113 = arith.constant 1408 : index
    %swap3A_114 = arith.constant 0 : index
    %swap3A_115 = vector.load %arg2[%swap3A_113, %swap3A_114] : memref<10000x128xf32, #tpu.memory_space<vmem>>, vector<128x128xf32>
    tpu.vector_store %arg2[%swap3A_113, %swap3A_114], %mul3A_112 {strides = array<i32>} : memref<10000x128xf32, #tpu.memory_space<vmem>>, vector<128x128xf32>,
    %get3A_116 = arith.constant 1536 : index
    %get3A_117 = arith.constant 0 : index
    %get3A_118 = vector.load %arg0[%get3A_116, %get3A_117] : memref<10000x128xf32, #tpu.memory_space<vmem>>, vector<128x128xf32>
    %slice3A_119 = vector.extract_strided_slice %transpose3A {offsets = [0, 12], sizes = [128, 1], strides = [1, 1]} : vector<128x80xf32> to vector<128x1xf32>
    %mul3A_120 = vector.broadcast %slice3A_119 : vector<128x1xf32> to vector<128x128xf32>
    %mul3A_121 = arith.mulf %get3A_118, %mul3A_120 : vector<128x128xf32>
    %swap3A_122 = arith.constant 1536 : index
    %swap3A_123 = arith.constant 0 : index
    %swap3A_124 = vector.load %arg2[%swap3A_122, %swap3A_123] : memref<10000x128xf32, #tpu.memory_space<vmem>>, vector<128x128xf32>
    tpu.vector_store %arg2[%swap3A_122, %swap3A_123], %mul3A_121 {strides = array<i32>} : memref<10000x128xf32, #tpu.memory_space<vmem>>, vector<128x128xf32>,
    %get3A_125 = arith.constant 1664 : index
    %get3A_126 = arith.constant 0 : index
    %get3A_127 = vector.load %arg0[%get3A_125, %get3A_126] : memref<10000x128xf32, #tpu.memory_space<vmem>>, vector<128x128xf32>
    %slice3A_128 = vector.extract_strided_slice %transpose3A {offsets = [0, 13], sizes = [128, 1], strides = [1, 1]} : vector<128x80xf32> to vector<128x1xf32>
    %mul3A_129 = vector.broadcast %slice3A_128 : vector<128x1xf32> to vector<128x128xf32>
    %mul3A_130 = arith.mulf %get3A_127, %mul3A_129 : vector<128x128xf32>
    %swap3A_131 = arith.constant 1664 : index
    %swap3A_132 = arith.constant 0 : index
    %swap3A_133 = vector.load %arg2[%swap3A_131, %swap3A_132] : memref<10000x128xf32, #tpu.memory_space<vmem>>, vector<128x128xf32>
    tpu.vector_store %arg2[%swap3A_131, %swap3A_132], %mul3A_130 {strides = array<i32>} : memref<10000x128xf32, #tpu.memory_space<vmem>>, vector<128x128xf32>,
    %get3A_134 = arith.constant 1792 : index
    %get3A_135 = arith.constant 0 : index
    %get3A_136 = vector.load %arg0[%get3A_134, %get3A_135] : memref<10000x128xf32, #tpu.memory_space<vmem>>, vector<128x128xf32>
    %slice3A_137 = vector.extract_strided_slice %transpose3A {offsets = [0, 14], sizes = [128, 1], strides = [1, 1]} : vector<128x80xf32> to vector<128x1xf32>
    %mul3A_138 = vector.broadcast %slice3A_137 : vector<128x1xf32> to vector<128x128xf32>
    %mul3A_139 = arith.mulf %get3A_136, %mul3A_138 : vector<128x128xf32>
    %swap3A_140 = arith.constant 1792 : index
    %swap3A_141 = arith.constant 0 : index
    %swap3A_142 = vector.load %arg2[%swap3A_140, %swap3A_141] : memref<10000x128xf32, #tpu.memory_space<vmem>>, vector<128x128xf32>
    tpu.vector_store %arg2[%swap3A_140, %swap3A_141], %mul3A_139 {strides = array<i32>} : memref<10000x128xf32, #tpu.memory_space<vmem>>, vector<128x128xf32>,
    %get3A_143 = arith.constant 1920 : index
    %get3A_144 = arith.constant 0 : index
    %get3A_145 = vector.load %arg0[%get3A_143, %get3A_144] : memref<10000x128xf32, #tpu.memory_space<vmem>>, vector<128x128xf32>
    %slice3A_146 = vector.extract_strided_slice %transpose3A {offsets = [0, 15], sizes = [128, 1], strides = [1, 1]} : vector<128x80xf32> to vector<128x1xf32>
    %mul3A_147 = vector.broadcast %slice3A_146 : vector<128x1xf32> to vector<128x128xf32>
    %mul3A_148 = arith.mulf %get3A_145, %mul3A_147 : vector<128x128xf32>
    %swap3A_149 = arith.constant 1920 : index
    %swap3A_150 = arith.constant 0 : index
    %swap3A_151 = vector.load %arg2[%swap3A_149, %swap3A_150] : memref<10000x128xf32, #tpu.memory_space<vmem>>, vector<128x128xf32>
    tpu.vector_store %arg2[%swap3A_149, %swap3A_150], %mul3A_148 {strides = array<i32>} : memref<10000x128xf32, #tpu.memory_space<vmem>>, vector<128x128xf32>,
    %get3A_152 = arith.constant 2048 : index
    %get3A_153 = arith.constant 0 : index
    %get3A_154 = vector.load %arg0[%get3A_152, %get3A_153] : memref<10000x128xf32, #tpu.memory_space<vmem>>, vector<128x128xf32>
    %slice3A_155 = vector.extract_strided_slice %transpose3A {offsets = [0, 16], sizes = [128, 1], strides = [1, 1]} : vector<128x80xf32> to vector<128x1xf32>
    %mul3A_156 = vector.broadcast %slice3A_155 : vector<128x1xf32> to vector<128x128xf32>
    %mul3A_157 = arith.mulf %get3A_154, %mul3A_156 : vector<128x128xf32>
    %swap3A_158 = arith.constant 2048 : index
    %swap3A_159 = arith.constant 0 : index
    %swap3A_160 = vector.load %arg2[%swap3A_158, %swap3A_159] : memref<10000x128xf32, #tpu.memory_space<vmem>>, vector<128x128xf32>
    tpu.vector_store %arg2[%swap3A_158, %swap3A_159], %mul3A_157 {strides = array<i32>} : memref<10000x128xf32, #tpu.memory_space<vmem>>, vector<128x128xf32>,
    %get3A_161 = arith.constant 2176 : index
    %get3A_162 = arith.constant 0 : index
    %get3A_163 = vector.load %arg0[%get3A_161, %get3A_162] : memref<10000x128xf32, #tpu.memory_space<vmem>>, vector<128x128xf32>
    %slice3A_164 = vector.extract_strided_slice %transpose3A {offsets = [0, 17], sizes = [128, 1], strides = [1, 1]} : vector<128x80xf32> to vector<128x1xf32>
    %mul3A_165 = vector.broadcast %slice3A_164 : vector<128x1xf32> to vector<128x128xf32>
    %mul3A_166 = arith.mulf %get3A_163, %mul3A_165 : vector<128x128xf32>
    %swap3A_167 = arith.constant 2176 : index
    %swap3A_168 = arith.constant 0 : index
    %swap3A_169 = vector.load %arg2[%swap3A_167, %swap3A_168] : memref<10000x128xf32, #tpu.memory_space<vmem>>, vector<128x128xf32>
    tpu.vector_store %arg2[%swap3A_167, %swap3A_168], %mul3A_166 {strides = array<i32>} : memref<10000x128xf32, #tpu.memory_space<vmem>>, vector<128x128xf32>,
    %get3A_170 = arith.constant 2304 : index
    %get3A_171 = arith.constant 0 : index
    %get3A_172 = vector.load %arg0[%get3A_170, %get3A_171] : memref<10000x128xf32, #tpu.memory_space<vmem>>, vector<128x128xf32>
    %slice3A_173 = vector.extract_strided_slice %transpose3A {offsets = [0, 18], sizes = [128, 1], strides = [1, 1]} : vector<128x80xf32> to vector<128x1xf32>
    %mul3A_174 = vector.broadcast %slice3A_173 : vector<128x1xf32> to vector<128x128xf32>
    %mul3A_175 = arith.mulf %get3A_172, %mul3A_174 : vector<128x128xf32>
    %swap3A_176 = arith.constant 2304 : index
    %swap3A_177 = arith.constant 0 : index
    %swap3A_178 = vector.load %arg2[%swap3A_176, %swap3A_177] : memref<10000x128xf32, #tpu.memory_space<vmem>>, vector<128x128xf32>
    tpu.vector_store %arg2[%swap3A_176, %swap3A_177], %mul3A_175 {strides = array<i32>} : memref<10000x128xf32, #tpu.memory_space<vmem>>, vector<128x128xf32>,
    %get3A_179 = arith.constant 2432 : index
    %get3A_180 = arith.constant 0 : index
    %get3A_181 = vector.load %arg0[%get3A_179, %get3A_180] : memref<10000x128xf32, #tpu.memory_space<vmem>>, vector<128x128xf32>
    %slice3A_182 = vector.extract_strided_slice %transpose3A {offsets = [0, 19], sizes = [128, 1], strides = [1, 1]} : vector<128x80xf32> to vector<128x1xf32>
    %mul3A_183 = vector.broadcast %slice3A_182 : vector<128x1xf32> to vector<128x128xf32>
    %mul3A_184 = arith.mulf %get3A_181, %mul3A_183 : vector<128x128xf32>
    %swap3A_185 = arith.constant 2432 : index
    %swap3A_186 = arith.constant 0 : index
    %swap3A_187 = vector.load %arg2[%swap3A_185, %swap3A_186] : memref<10000x128xf32, #tpu.memory_space<vmem>>, vector<128x128xf32>
    tpu.vector_store %arg2[%swap3A_185, %swap3A_186], %mul3A_184 {strides = array<i32>} : memref<10000x128xf32, #tpu.memory_space<vmem>>, vector<128x128xf32>,
    %get3A_188 = arith.constant 2560 : index
    %get3A_189 = arith.constant 0 : index
    %get3A_190 = vector.load %arg0[%get3A_188, %get3A_189] : memref<10000x128xf32, #tpu.memory_space<vmem>>, vector<128x128xf32>
    %slice3A_191 = vector.extract_strided_slice %transpose3A {offsets = [0, 20], sizes = [128, 1], strides = [1, 1]} : vector<128x80xf32> to vector<128x1xf32>
    %mul3A_192 = vector.broadcast %slice3A_191 : vector<128x1xf32> to vector<128x128xf32>
    %mul3A_193 = arith.mulf %get3A_190, %mul3A_192 : vector<128x128xf32>
    %swap3A_194 = arith.constant 2560 : index
    %swap3A_195 = arith.constant 0 : index
    %swap3A_196 = vector.load %arg2[%swap3A_194, %swap3A_195] : memref<10000x128xf32, #tpu.memory_space<vmem>>, vector<128x128xf32>
    tpu.vector_store %arg2[%swap3A_194, %swap3A_195], %mul3A_193 {strides = array<i32>} : memref<10000x128xf32, #tpu.memory_space<vmem>>, vector<128x128xf32>,
    %get3A_197 = arith.constant 2688 : index
    %get3A_198 = arith.constant 0 : index
    %get3A_199 = vector.load %arg0[%get3A_197, %get3A_198] : memref<10000x128xf32, #tpu.memory_space<vmem>>, vector<128x128xf32>
    %slice3A_200 = vector.extract_strided_slice %transpose3A {offsets = [0, 21], sizes = [128, 1], strides = [1, 1]} : vector<128x80xf32> to vector<128x1xf32>
    %mul3A_201 = vector.broadcast %slice3A_200 : vector<128x1xf32> to vector<128x128xf32>
    %mul3A_202 = arith.mulf %get3A_199, %mul3A_201 : vector<128x128xf32>
    %swap3A_203 = arith.constant 2688 : index
    %swap3A_204 = arith.constant 0 : index
    %swap3A_205 = vector.load %arg2[%swap3A_203, %swap3A_204] : memref<10000x128xf32, #tpu.memory_space<vmem>>, vector<128x128xf32>
    tpu.vector_store %arg2[%swap3A_203, %swap3A_204], %mul3A_202 {strides = array<i32>} : memref<10000x128xf32, #tpu.memory_space<vmem>>, vector<128x128xf32>,
    %get3A_206 = arith.constant 2816 : index
    %get3A_207 = arith.constant 0 : index
    %get3A_208 = vector.load %arg0[%get3A_206, %get3A_207] : memref<10000x128xf32, #tpu.memory_space<vmem>>, vector<128x128xf32>
    %slice3A_209 = vector.extract_strided_slice %transpose3A {offsets = [0, 22], sizes = [128, 1], strides = [1, 1]} : vector<128x80xf32> to vector<128x1xf32>
    %mul3A_210 = vector.broadcast %slice3A_209 : vector<128x1xf32> to vector<128x128xf32>
    %mul3A_211 = arith.mulf %get3A_208, %mul3A_210 : vector<128x128xf32>
    %swap3A_212 = arith.constant 2816 : index
    %swap3A_213 = arith.constant 0 : index
    %swap3A_214 = vector.load %arg2[%swap3A_212, %swap3A_213] : memref<10000x128xf32, #tpu.memory_space<vmem>>, vector<128x128xf32>
    tpu.vector_store %arg2[%swap3A_212, %swap3A_213], %mul3A_211 {strides = array<i32>} : memref<10000x128xf32, #tpu.memory_space<vmem>>, vector<128x128xf32>,
    %get3A_215 = arith.constant 2944 : index
    %get3A_216 = arith.constant 0 : index
    %get3A_217 = vector.load %arg0[%get3A_215, %get3A_216] : memref<10000x128xf32, #tpu.memory_space<vmem>>, vector<128x128xf32>
    %slice3A_218 = vector.extract_strided_slice %transpose3A {offsets = [0, 23], sizes = [128, 1], strides = [1, 1]} : vector<128x80xf32> to vector<128x1xf32>
    %mul3A_219 = vector.broadcast %slice3A_218 : vector<128x1xf32> to vector<128x128xf32>
    %mul3A_220 = arith.mulf %get3A_217, %mul3A_219 : vector<128x128xf32>
    %swap3A_221 = arith.constant 2944 : index
    %swap3A_222 = arith.constant 0 : index
    %swap3A_223 = vector.load %arg2[%swap3A_221, %swap3A_222] : memref<10000x128xf32, #tpu.memory_space<vmem>>, vector<128x128xf32>
    tpu.vector_store %arg2[%swap3A_221, %swap3A_222], %mul3A_220 {strides = array<i32>} : memref<10000x128xf32, #tpu.memory_space<vmem>>, vector<128x128xf32>,
    %get3A_224 = arith.constant 3072 : index
    %get3A_225 = arith.constant 0 : index
    %get3A_226 = vector.load %arg0[%get3A_224, %get3A_225] : memref<10000x128xf32, #tpu.memory_space<vmem>>, vector<128x128xf32>
    %slice3A_227 = vector.extract_strided_slice %transpose3A {offsets = [0, 24], sizes = [128, 1], strides = [1, 1]} : vector<128x80xf32> to vector<128x1xf32>
    %mul3A_228 = vector.broadcast %slice3A_227 : vector<128x1xf32> to vector<128x128xf32>
    %mul3A_229 = arith.mulf %get3A_226, %mul3A_228 : vector<128x128xf32>
    %swap3A_230 = arith.constant 3072 : index
    %swap3A_231 = arith.constant 0 : index
    %swap3A_232 = vector.load %arg2[%swap3A_230, %swap3A_231] : memref<10000x128xf32, #tpu.memory_space<vmem>>, vector<128x128xf32>
    tpu.vector_store %arg2[%swap3A_230, %swap3A_231], %mul3A_229 {strides = array<i32>} : memref<10000x128xf32, #tpu.memory_space<vmem>>, vector<128x128xf32>,
    %get3A_233 = arith.constant 3200 : index
    %get3A_234 = arith.constant 0 : index
    %get3A_235 = vector.load %arg0[%get3A_233, %get3A_234] : memref<10000x128xf32, #tpu.memory_space<vmem>>, vector<128x128xf32>
    %slice3A_236 = vector.extract_strided_slice %transpose3A {offsets = [0, 25], sizes = [128, 1], strides = [1, 1]} : vector<128x80xf32> to vector<128x1xf32>
    %mul3A_237 = vector.broadcast %slice3A_236 : vector<128x1xf32> to vector<128x128xf32>
    %mul3A_238 = arith.mulf %get3A_235, %mul3A_237 : vector<128x128xf32>
    %swap3A_239 = arith.constant 3200 : index
    %swap3A_240 = arith.constant 0 : index
    %swap3A_241 = vector.load %arg2[%swap3A_239, %swap3A_240] : memref<10000x128xf32, #tpu.memory_space<vmem>>, vector<128x128xf32>
    tpu.vector_store %arg2[%swap3A_239, %swap3A_240], %mul3A_238 {strides = array<i32>} : memref<10000x128xf32, #tpu.memory_space<vmem>>, vector<128x128xf32>,
    %get3A_242 = arith.constant 3328 : index
    %get3A_243 = arith.constant 0 : index
    %get3A_244 = vector.load %arg0[%get3A_242, %get3A_243] : memref<10000x128xf32, #tpu.memory_space<vmem>>, vector<128x128xf32>
    %slice3A_245 = vector.extract_strided_slice %transpose3A {offsets = [0, 26], sizes = [128, 1], strides = [1, 1]} : vector<128x80xf32> to vector<128x1xf32>
    %mul3A_246 = vector.broadcast %slice3A_245 : vector<128x1xf32> to vector<128x128xf32>
    %mul3A_247 = arith.mulf %get3A_244, %mul3A_246 : vector<128x128xf32>
    %swap3A_248 = arith.constant 3328 : index
    %swap3A_249 = arith.constant 0 : index
    %swap3A_250 = vector.load %arg2[%swap3A_248, %swap3A_249] : memref<10000x128xf32, #tpu.memory_space<vmem>>, vector<128x128xf32>
    tpu.vector_store %arg2[%swap3A_248, %swap3A_249], %mul3A_247 {strides = array<i32>} : memref<10000x128xf32, #tpu.memory_space<vmem>>, vector<128x128xf32>,
    %get3A_251 = arith.constant 3456 : index
    %get3A_252 = arith.constant 0 : index
    %get3A_253 = vector.load %arg0[%get3A_251, %get3A_252] : memref<10000x128xf32, #tpu.memory_space<vmem>>, vector<128x128xf32>
    %slice3A_254 = vector.extract_strided_slice %transpose3A {offsets = [0, 27], sizes = [128, 1], strides = [1, 1]} : vector<128x80xf32> to vector<128x1xf32>
    %mul3A_255 = vector.broadcast %slice3A_254 : vector<128x1xf32> to vector<128x128xf32>
    %mul3A_256 = arith.mulf %get3A_253, %mul3A_255 : vector<128x128xf32>
    %swap3A_257 = arith.constant 3456 : index
    %swap3A_258 = arith.constant 0 : index
    %swap3A_259 = vector.load %arg2[%swap3A_257, %swap3A_258] : memref<10000x128xf32, #tpu.memory_space<vmem>>, vector<128x128xf32>
    tpu.vector_store %arg2[%swap3A_257, %swap3A_258], %mul3A_256 {strides = array<i32>} : memref<10000x128xf32, #tpu.memory_space<vmem>>, vector<128x128xf32>,
    %get3A_260 = arith.constant 3584 : index
    %get3A_261 = arith.constant 0 : index
    %get3A_262 = vector.load %arg0[%get3A_260, %get3A_261] : memref<10000x128xf32, #tpu.memory_space<vmem>>, vector<128x128xf32>
    %slice3A_263 = vector.extract_strided_slice %transpose3A {offsets = [0, 28], sizes = [128, 1], strides = [1, 1]} : vector<128x80xf32> to vector<128x1xf32>
    %mul3A_264 = vector.broadcast %slice3A_263 : vector<128x1xf32> to vector<128x128xf32>
    %mul3A_265 = arith.mulf %get3A_262, %mul3A_264 : vector<128x128xf32>
    %swap3A_266 = arith.constant 3584 : index
    %swap3A_267 = arith.constant 0 : index
    %swap3A_268 = vector.load %arg2[%swap3A_266, %swap3A_267] : memref<10000x128xf32, #tpu.memory_space<vmem>>, vector<128x128xf32>
    tpu.vector_store %arg2[%swap3A_266, %swap3A_267], %mul3A_265 {strides = array<i32>} : memref<10000x128xf32, #tpu.memory_space<vmem>>, vector<128x128xf32>,
    %get3A_269 = arith.constant 3712 : index
    %get3A_270 = arith.constant 0 : index
    %get3A_271 = vector.load %arg0[%get3A_269, %get3A_270] : memref<10000x128xf32, #tpu.memory_space<vmem>>, vector<128x128xf32>
    %slice3A_272 = vector.extract_strided_slice %transpose3A {offsets = [0, 29], sizes = [128, 1], strides = [1, 1]} : vector<128x80xf32> to vector<128x1xf32>
    %mul3A_273 = vector.broadcast %slice3A_272 : vector<128x1xf32> to vector<128x128xf32>
    %mul3A_274 = arith.mulf %get3A_271, %mul3A_273 : vector<128x128xf32>
    %swap3A_275 = arith.constant 3712 : index
    %swap3A_276 = arith.constant 0 : index
    %swap3A_277 = vector.load %arg2[%swap3A_275, %swap3A_276] : memref<10000x128xf32, #tpu.memory_space<vmem>>, vector<128x128xf32>
    tpu.vector_store %arg2[%swap3A_275, %swap3A_276], %mul3A_274 {strides = array<i32>} : memref<10000x128xf32, #tpu.memory_space<vmem>>, vector<128x128xf32>,
    %get3A_278 = arith.constant 3840 : index
    %get3A_279 = arith.constant 0 : index
    %get3A_280 = vector.load %arg0[%get3A_278, %get3A_279] : memref<10000x128xf32, #tpu.memory_space<vmem>>, vector<128x128xf32>
    %slice3A_281 = vector.extract_strided_slice %transpose3A {offsets = [0, 30], sizes = [128, 1], strides = [1, 1]} : vector<128x80xf32> to vector<128x1xf32>
    %mul3A_282 = vector.broadcast %slice3A_281 : vector<128x1xf32> to vector<128x128xf32>
    %mul3A_283 = arith.mulf %get3A_280, %mul3A_282 : vector<128x128xf32>
    %swap3A_284 = arith.constant 3840 : index
    %swap3A_285 = arith.constant 0 : index
    %swap3A_286 = vector.load %arg2[%swap3A_284, %swap3A_285] : memref<10000x128xf32, #tpu.memory_space<vmem>>, vector<128x128xf32>
    tpu.vector_store %arg2[%swap3A_284, %swap3A_285], %mul3A_283 {strides = array<i32>} : memref<10000x128xf32, #tpu.memory_space<vmem>>, vector<128x128xf32>,
    %get3A_287 = arith.constant 3968 : index
    %get3A_288 = arith.constant 0 : index
    %get3A_289 = vector.load %arg0[%get3A_287, %get3A_288] : memref<10000x128xf32, #tpu.memory_space<vmem>>, vector<128x128xf32>
    %slice3A_290 = vector.extract_strided_slice %transpose3A {offsets = [0, 31], sizes = [128, 1], strides = [1, 1]} : vector<128x80xf32> to vector<128x1xf32>
    %mul3A_291 = vector.broadcast %slice3A_290 : vector<128x1xf32> to vector<128x128xf32>
    %mul3A_292 = arith.mulf %get3A_289, %mul3A_291 : vector<128x128xf32>
    %swap3A_293 = arith.constant 3968 : index
    %swap3A_294 = arith.constant 0 : index
    %swap3A_295 = vector.load %arg2[%swap3A_293, %swap3A_294] : memref<10000x128xf32, #tpu.memory_space<vmem>>, vector<128x128xf32>
    tpu.vector_store %arg2[%swap3A_293, %swap3A_294], %mul3A_292 {strides = array<i32>} : memref<10000x128xf32, #tpu.memory_space<vmem>>, vector<128x128xf32>,
    %get3A_296 = arith.constant 4096 : index
    %get3A_297 = arith.constant 0 : index
    %get3A_298 = vector.load %arg0[%get3A_296, %get3A_297] : memref<10000x128xf32, #tpu.memory_space<vmem>>, vector<128x128xf32>
    %slice3A_299 = vector.extract_strided_slice %transpose3A {offsets = [0, 32], sizes = [128, 1], strides = [1, 1]} : vector<128x80xf32> to vector<128x1xf32>
    %mul3A_300 = vector.broadcast %slice3A_299 : vector<128x1xf32> to vector<128x128xf32>
    %mul3A_301 = arith.mulf %get3A_298, %mul3A_300 : vector<128x128xf32>
    %swap3A_302 = arith.constant 4096 : index
    %swap3A_303 = arith.constant 0 : index
    %swap3A_304 = vector.load %arg2[%swap3A_302, %swap3A_303] : memref<10000x128xf32, #tpu.memory_space<vmem>>, vector<128x128xf32>
    tpu.vector_store %arg2[%swap3A_302, %swap3A_303], %mul3A_301 {strides = array<i32>} : memref<10000x128xf32, #tpu.memory_space<vmem>>, vector<128x128xf32>,
    %get3A_305 = arith.constant 4224 : index
    %get3A_306 = arith.constant 0 : index
    %get3A_307 = vector.load %arg0[%get3A_305, %get3A_306] : memref<10000x128xf32, #tpu.memory_space<vmem>>, vector<128x128xf32>
    %slice3A_308 = vector.extract_strided_slice %transpose3A {offsets = [0, 33], sizes = [128, 1], strides = [1, 1]} : vector<128x80xf32> to vector<128x1xf32>
    %mul3A_309 = vector.broadcast %slice3A_308 : vector<128x1xf32> to vector<128x128xf32>
    %mul3A_310 = arith.mulf %get3A_307, %mul3A_309 : vector<128x128xf32>
    %swap3A_311 = arith.constant 4224 : index
    %swap3A_312 = arith.constant 0 : index
    %swap3A_313 = vector.load %arg2[%swap3A_311, %swap3A_312] : memref<10000x128xf32, #tpu.memory_space<vmem>>, vector<128x128xf32>
    tpu.vector_store %arg2[%swap3A_311, %swap3A_312], %mul3A_310 {strides = array<i32>} : memref<10000x128xf32, #tpu.memory_space<vmem>>, vector<128x128xf32>,
    %get3A_314 = arith.constant 4352 : index
    %get3A_315 = arith.constant 0 : index
    %get3A_316 = vector.load %arg0[%get3A_314, %get3A_315] : memref<10000x128xf32, #tpu.memory_space<vmem>>, vector<128x128xf32>
    %slice3A_317 = vector.extract_strided_slice %transpose3A {offsets = [0, 34], sizes = [128, 1], strides = [1, 1]} : vector<128x80xf32> to vector<128x1xf32>
    %mul3A_318 = vector.broadcast %slice3A_317 : vector<128x1xf32> to vector<128x128xf32>
    %mul3A_319 = arith.mulf %get3A_316, %mul3A_318 : vector<128x128xf32>
    %swap3A_320 = arith.constant 4352 : index
    %swap3A_321 = arith.constant 0 : index
    %swap3A_322 = vector.load %arg2[%swap3A_320, %swap3A_321] : memref<10000x128xf32, #tpu.memory_space<vmem>>, vector<128x128xf32>
    tpu.vector_store %arg2[%swap3A_320, %swap3A_321], %mul3A_319 {strides = array<i32>} : memref<10000x128xf32, #tpu.memory_space<vmem>>, vector<128x128xf32>,
    %get3A_323 = arith.constant 4480 : index
    %get3A_324 = arith.constant 0 : index
    %get3A_325 = vector.load %arg0[%get3A_323, %get3A_324] : memref<10000x128xf32, #tpu.memory_space<vmem>>, vector<128x128xf32>
    %slice3A_326 = vector.extract_strided_slice %transpose3A {offsets = [0, 35], sizes = [128, 1], strides = [1, 1]} : vector<128x80xf32> to vector<128x1xf32>
    %mul3A_327 = vector.broadcast %slice3A_326 : vector<128x1xf32> to vector<128x128xf32>
    %mul3A_328 = arith.mulf %get3A_325, %mul3A_327 : vector<128x128xf32>
    %swap3A_329 = arith.constant 4480 : index
    %swap3A_330 = arith.constant 0 : index
    %swap3A_331 = vector.load %arg2[%swap3A_329, %swap3A_330] : memref<10000x128xf32, #tpu.memory_space<vmem>>, vector<128x128xf32>
    tpu.vector_store %arg2[%swap3A_329, %swap3A_330], %mul3A_328 {strides = array<i32>} : memref<10000x128xf32, #tpu.memory_space<vmem>>, vector<128x128xf32>,
    %get3A_332 = arith.constant 4608 : index
    %get3A_333 = arith.constant 0 : index
    %get3A_334 = vector.load %arg0[%get3A_332, %get3A_333] : memref<10000x128xf32, #tpu.memory_space<vmem>>, vector<128x128xf32>
    %slice3A_335 = vector.extract_strided_slice %transpose3A {offsets = [0, 36], sizes = [128, 1], strides = [1, 1]} : vector<128x80xf32> to vector<128x1xf32>
    %mul3A_336 = vector.broadcast %slice3A_335 : vector<128x1xf32> to vector<128x128xf32>
    %mul3A_337 = arith.mulf %get3A_334, %mul3A_336 : vector<128x128xf32>
    %swap3A_338 = arith.constant 4608 : index
    %swap3A_339 = arith.constant 0 : index
    %swap3A_340 = vector.load %arg2[%swap3A_338, %swap3A_339] : memref<10000x128xf32, #tpu.memory_space<vmem>>, vector<128x128xf32>
    tpu.vector_store %arg2[%swap3A_338, %swap3A_339], %mul3A_337 {strides = array<i32>} : memref<10000x128xf32, #tpu.memory_space<vmem>>, vector<128x128xf32>,
    %get3A_341 = arith.constant 4736 : index
    %get3A_342 = arith.constant 0 : index
    %get3A_343 = vector.load %arg0[%get3A_341, %get3A_342] : memref<10000x128xf32, #tpu.memory_space<vmem>>, vector<128x128xf32>
    %slice3A_344 = vector.extract_strided_slice %transpose3A {offsets = [0, 37], sizes = [128, 1], strides = [1, 1]} : vector<128x80xf32> to vector<128x1xf32>
    %mul3A_345 = vector.broadcast %slice3A_344 : vector<128x1xf32> to vector<128x128xf32>
    %mul3A_346 = arith.mulf %get3A_343, %mul3A_345 : vector<128x128xf32>
    %swap3A_347 = arith.constant 4736 : index
    %swap3A_348 = arith.constant 0 : index
    %swap3A_349 = vector.load %arg2[%swap3A_347, %swap3A_348] : memref<10000x128xf32, #tpu.memory_space<vmem>>, vector<128x128xf32>
    tpu.vector_store %arg2[%swap3A_347, %swap3A_348], %mul3A_346 {strides = array<i32>} : memref<10000x128xf32, #tpu.memory_space<vmem>>, vector<128x128xf32>,
    %get3A_350 = arith.constant 4864 : index
    %get3A_351 = arith.constant 0 : index
    %get3A_352 = vector.load %arg0[%get3A_350, %get3A_351] : memref<10000x128xf32, #tpu.memory_space<vmem>>, vector<128x128xf32>
    %slice3A_353 = vector.extract_strided_slice %transpose3A {offsets = [0, 38], sizes = [128, 1], strides = [1, 1]} : vector<128x80xf32> to vector<128x1xf32>
    %mul3A_354 = vector.broadcast %slice3A_353 : vector<128x1xf32> to vector<128x128xf32>
    %mul3A_355 = arith.mulf %get3A_352, %mul3A_354 : vector<128x128xf32>
    %swap3A_356 = arith.constant 4864 : index
    %swap3A_357 = arith.constant 0 : index
    %swap3A_358 = vector.load %arg2[%swap3A_356, %swap3A_357] : memref<10000x128xf32, #tpu.memory_space<vmem>>, vector<128x128xf32>
    tpu.vector_store %arg2[%swap3A_356, %swap3A_357], %mul3A_355 {strides = array<i32>} : memref<10000x128xf32, #tpu.memory_space<vmem>>, vector<128x128xf32>,
    %get3A_359 = arith.constant 4992 : index
    %get3A_360 = arith.constant 0 : index
    %get3A_361 = vector.load %arg0[%get3A_359, %get3A_360] : memref<10000x128xf32, #tpu.memory_space<vmem>>, vector<128x128xf32>
    %slice3A_362 = vector.extract_strided_slice %transpose3A {offsets = [0, 39], sizes = [128, 1], strides = [1, 1]} : vector<128x80xf32> to vector<128x1xf32>
    %mul3A_363 = vector.broadcast %slice3A_362 : vector<128x1xf32> to vector<128x128xf32>
    %mul3A_364 = arith.mulf %get3A_361, %mul3A_363 : vector<128x128xf32>
    %swap3A_365 = arith.constant 4992 : index
    %swap3A_366 = arith.constant 0 : index
    %swap3A_367 = vector.load %arg2[%swap3A_365, %swap3A_366] : memref<10000x128xf32, #tpu.memory_space<vmem>>, vector<128x128xf32>
    tpu.vector_store %arg2[%swap3A_365, %swap3A_366], %mul3A_364 {strides = array<i32>} : memref<10000x128xf32, #tpu.memory_space<vmem>>, vector<128x128xf32>,
    %get3A_368 = arith.constant 5120 : index
    %get3A_369 = arith.constant 0 : index
    %get3A_370 = vector.load %arg0[%get3A_368, %get3A_369] : memref<10000x128xf32, #tpu.memory_space<vmem>>, vector<128x128xf32>
    %slice3A_371 = vector.extract_strided_slice %transpose3A {offsets = [0, 40], sizes = [128, 1], strides = [1, 1]} : vector<128x80xf32> to vector<128x1xf32>
    %mul3A_372 = vector.broadcast %slice3A_371 : vector<128x1xf32> to vector<128x128xf32>
    %mul3A_373 = arith.mulf %get3A_370, %mul3A_372 : vector<128x128xf32>
    %swap3A_374 = arith.constant 5120 : index
    %swap3A_375 = arith.constant 0 : index
    %swap3A_376 = vector.load %arg2[%swap3A_374, %swap3A_375] : memref<10000x128xf32, #tpu.memory_space<vmem>>, vector<128x128xf32>
    tpu.vector_store %arg2[%swap3A_374, %swap3A_375], %mul3A_373 {strides = array<i32>} : memref<10000x128xf32, #tpu.memory_space<vmem>>, vector<128x128xf32>,
    %get3A_377 = arith.constant 5248 : index
    %get3A_378 = arith.constant 0 : index
    %get3A_379 = vector.load %arg0[%get3A_377, %get3A_378] : memref<10000x128xf32, #tpu.memory_space<vmem>>, vector<128x128xf32>
    %slice3A_380 = vector.extract_strided_slice %transpose3A {offsets = [0, 41], sizes = [128, 1], strides = [1, 1]} : vector<128x80xf32> to vector<128x1xf32>
    %mul3A_381 = vector.broadcast %slice3A_380 : vector<128x1xf32> to vector<128x128xf32>
    %mul3A_382 = arith.mulf %get3A_379, %mul3A_381 : vector<128x128xf32>
    %swap3A_383 = arith.constant 5248 : index
    %swap3A_384 = arith.constant 0 : index
    %swap3A_385 = vector.load %arg2[%swap3A_383, %swap3A_384] : memref<10000x128xf32, #tpu.memory_space<vmem>>, vector<128x128xf32>
    tpu.vector_store %arg2[%swap3A_383, %swap3A_384], %mul3A_382 {strides = array<i32>} : memref<10000x128xf32, #tpu.memory_space<vmem>>, vector<128x128xf32>,
    %get3A_386 = arith.constant 5376 : index
    %get3A_387 = arith.constant 0 : index
    %get3A_388 = vector.load %arg0[%get3A_386, %get3A_387] : memref<10000x128xf32, #tpu.memory_space<vmem>>, vector<128x128xf32>
    %slice3A_389 = vector.extract_strided_slice %transpose3A {offsets = [0, 42], sizes = [128, 1], strides = [1, 1]} : vector<128x80xf32> to vector<128x1xf32>
    %mul3A_390 = vector.broadcast %slice3A_389 : vector<128x1xf32> to vector<128x128xf32>
    %mul3A_391 = arith.mulf %get3A_388, %mul3A_390 : vector<128x128xf32>
    %swap3A_392 = arith.constant 5376 : index
    %swap3A_393 = arith.constant 0 : index
    %swap3A_394 = vector.load %arg2[%swap3A_392, %swap3A_393] : memref<10000x128xf32, #tpu.memory_space<vmem>>, vector<128x128xf32>
    tpu.vector_store %arg2[%swap3A_392, %swap3A_393], %mul3A_391 {strides = array<i32>} : memref<10000x128xf32, #tpu.memory_space<vmem>>, vector<128x128xf32>,
    %get3A_395 = arith.constant 5504 : index
    %get3A_396 = arith.constant 0 : index
    %get3A_397 = vector.load %arg0[%get3A_395, %get3A_396] : memref<10000x128xf32, #tpu.memory_space<vmem>>, vector<128x128xf32>
    %slice3A_398 = vector.extract_strided_slice %transpose3A {offsets = [0, 43], sizes = [128, 1], strides = [1, 1]} : vector<128x80xf32> to vector<128x1xf32>
    %mul3A_399 = vector.broadcast %slice3A_398 : vector<128x1xf32> to vector<128x128xf32>
    %mul3A_400 = arith.mulf %get3A_397, %mul3A_399 : vector<128x128xf32>
    %swap3A_401 = arith.constant 5504 : index
    %swap3A_402 = arith.constant 0 : index
    %swap3A_403 = vector.load %arg2[%swap3A_401, %swap3A_402] : memref<10000x128xf32, #tpu.memory_space<vmem>>, vector<128x128xf32>
    tpu.vector_store %arg2[%swap3A_401, %swap3A_402], %mul3A_400 {strides = array<i32>} : memref<10000x128xf32, #tpu.memory_space<vmem>>, vector<128x128xf32>,
    %get3A_404 = arith.constant 5632 : index
    %get3A_405 = arith.constant 0 : index
    %get3A_406 = vector.load %arg0[%get3A_404, %get3A_405] : memref<10000x128xf32, #tpu.memory_space<vmem>>, vector<128x128xf32>
    %slice3A_407 = vector.extract_strided_slice %transpose3A {offsets = [0, 44], sizes = [128, 1], strides = [1, 1]} : vector<128x80xf32> to vector<128x1xf32>
    %mul3A_408 = vector.broadcast %slice3A_407 : vector<128x1xf32> to vector<128x128xf32>
    %mul3A_409 = arith.mulf %get3A_406, %mul3A_408 : vector<128x128xf32>
    %swap3A_410 = arith.constant 5632 : index
    %swap3A_411 = arith.constant 0 : index
    %swap3A_412 = vector.load %arg2[%swap3A_410, %swap3A_411] : memref<10000x128xf32, #tpu.memory_space<vmem>>, vector<128x128xf32>
    tpu.vector_store %arg2[%swap3A_410, %swap3A_411], %mul3A_409 {strides = array<i32>} : memref<10000x128xf32, #tpu.memory_space<vmem>>, vector<128x128xf32>,
    %get3A_413 = arith.constant 5760 : index
    %get3A_414 = arith.constant 0 : index
    %get3A_415 = vector.load %arg0[%get3A_413, %get3A_414] : memref<10000x128xf32, #tpu.memory_space<vmem>>, vector<128x128xf32>
    %slice3A_416 = vector.extract_strided_slice %transpose3A {offsets = [0, 45], sizes = [128, 1], strides = [1, 1]} : vector<128x80xf32> to vector<128x1xf32>
    %mul3A_417 = vector.broadcast %slice3A_416 : vector<128x1xf32> to vector<128x128xf32>
    %mul3A_418 = arith.mulf %get3A_415, %mul3A_417 : vector<128x128xf32>
    %swap3A_419 = arith.constant 5760 : index
    %swap3A_420 = arith.constant 0 : index
    %swap3A_421 = vector.load %arg2[%swap3A_419, %swap3A_420] : memref<10000x128xf32, #tpu.memory_space<vmem>>, vector<128x128xf32>
    tpu.vector_store %arg2[%swap3A_419, %swap3A_420], %mul3A_418 {strides = array<i32>} : memref<10000x128xf32, #tpu.memory_space<vmem>>, vector<128x128xf32>,
    %get3A_422 = arith.constant 5888 : index
    %get3A_423 = arith.constant 0 : index
    %get3A_424 = vector.load %arg0[%get3A_422, %get3A_423] : memref<10000x128xf32, #tpu.memory_space<vmem>>, vector<128x128xf32>
    %slice3A_425 = vector.extract_strided_slice %transpose3A {offsets = [0, 46], sizes = [128, 1], strides = [1, 1]} : vector<128x80xf32> to vector<128x1xf32>
    %mul3A_426 = vector.broadcast %slice3A_425 : vector<128x1xf32> to vector<128x128xf32>
    %mul3A_427 = arith.mulf %get3A_424, %mul3A_426 : vector<128x128xf32>
    %swap3A_428 = arith.constant 5888 : index
    %swap3A_429 = arith.constant 0 : index
    %swap3A_430 = vector.load %arg2[%swap3A_428, %swap3A_429] : memref<10000x128xf32, #tpu.memory_space<vmem>>, vector<128x128xf32>
    tpu.vector_store %arg2[%swap3A_428, %swap3A_429], %mul3A_427 {strides = array<i32>} : memref<10000x128xf32, #tpu.memory_space<vmem>>, vector<128x128xf32>,
    %get3A_431 = arith.constant 6016 : index
    %get3A_432 = arith.constant 0 : index
    %get3A_433 = vector.load %arg0[%get3A_431, %get3A_432] : memref<10000x128xf32, #tpu.memory_space<vmem>>, vector<128x128xf32>
    %slice3A_434 = vector.extract_strided_slice %transpose3A {offsets = [0, 47], sizes = [128, 1], strides = [1, 1]} : vector<128x80xf32> to vector<128x1xf32>
    %mul3A_435 = vector.broadcast %slice3A_434 : vector<128x1xf32> to vector<128x128xf32>
    %mul3A_436 = arith.mulf %get3A_433, %mul3A_435 : vector<128x128xf32>
    %swap3A_437 = arith.constant 6016 : index
    %swap3A_438 = arith.constant 0 : index
    %swap3A_439 = vector.load %arg2[%swap3A_437, %swap3A_438] : memref<10000x128xf32, #tpu.memory_space<vmem>>, vector<128x128xf32>
    tpu.vector_store %arg2[%swap3A_437, %swap3A_438], %mul3A_436 {strides = array<i32>} : memref<10000x128xf32, #tpu.memory_space<vmem>>, vector<128x128xf32>,
    %get3A_440 = arith.constant 6144 : index
    %get3A_441 = arith.constant 0 : index
    %get3A_442 = vector.load %arg0[%get3A_440, %get3A_441] : memref<10000x128xf32, #tpu.memory_space<vmem>>, vector<128x128xf32>
    %slice3A_443 = vector.extract_strided_slice %transpose3A {offsets = [0, 48], sizes = [128, 1], strides = [1, 1]} : vector<128x80xf32> to vector<128x1xf32>
    %mul3A_444 = vector.broadcast %slice3A_443 : vector<128x1xf32> to vector<128x128xf32>
    %mul3A_445 = arith.mulf %get3A_442, %mul3A_444 : vector<128x128xf32>
    %swap3A_446 = arith.constant 6144 : index
    %swap3A_447 = arith.constant 0 : index
    %swap3A_448 = vector.load %arg2[%swap3A_446, %swap3A_447] : memref<10000x128xf32, #tpu.memory_space<vmem>>, vector<128x128xf32>
    tpu.vector_store %arg2[%swap3A_446, %swap3A_447], %mul3A_445 {strides = array<i32>} : memref<10000x128xf32, #tpu.memory_space<vmem>>, vector<128x128xf32>,
    %get3A_449 = arith.constant 6272 : index
    %get3A_450 = arith.constant 0 : index
    %get3A_451 = vector.load %arg0[%get3A_449, %get3A_450] : memref<10000x128xf32, #tpu.memory_space<vmem>>, vector<128x128xf32>
    %slice3A_452 = vector.extract_strided_slice %transpose3A {offsets = [0, 49], sizes = [128, 1], strides = [1, 1]} : vector<128x80xf32> to vector<128x1xf32>
    %mul3A_453 = vector.broadcast %slice3A_452 : vector<128x1xf32> to vector<128x128xf32>
    %mul3A_454 = arith.mulf %get3A_451, %mul3A_453 : vector<128x128xf32>
    %swap3A_455 = arith.constant 6272 : index
    %swap3A_456 = arith.constant 0 : index
    %swap3A_457 = vector.load %arg2[%swap3A_455, %swap3A_456] : memref<10000x128xf32, #tpu.memory_space<vmem>>, vector<128x128xf32>
    tpu.vector_store %arg2[%swap3A_455, %swap3A_456], %mul3A_454 {strides = array<i32>} : memref<10000x128xf32, #tpu.memory_space<vmem>>, vector<128x128xf32>,
    %get3A_458 = arith.constant 6400 : index
    %get3A_459 = arith.constant 0 : index
    %get3A_460 = vector.load %arg0[%get3A_458, %get3A_459] : memref<10000x128xf32, #tpu.memory_space<vmem>>, vector<128x128xf32>
    %slice3A_461 = vector.extract_strided_slice %transpose3A {offsets = [0, 50], sizes = [128, 1], strides = [1, 1]} : vector<128x80xf32> to vector<128x1xf32>
    %mul3A_462 = vector.broadcast %slice3A_461 : vector<128x1xf32> to vector<128x128xf32>
    %mul3A_463 = arith.mulf %get3A_460, %mul3A_462 : vector<128x128xf32>
    %swap3A_464 = arith.constant 6400 : index
    %swap3A_465 = arith.constant 0 : index
    %swap3A_466 = vector.load %arg2[%swap3A_464, %swap3A_465] : memref<10000x128xf32, #tpu.memory_space<vmem>>, vector<128x128xf32>
    tpu.vector_store %arg2[%swap3A_464, %swap3A_465], %mul3A_463 {strides = array<i32>} : memref<10000x128xf32, #tpu.memory_space<vmem>>, vector<128x128xf32>,
    %get3A_467 = arith.constant 6528 : index
    %get3A_468 = arith.constant 0 : index
    %get3A_469 = vector.load %arg0[%get3A_467, %get3A_468] : memref<10000x128xf32, #tpu.memory_space<vmem>>, vector<128x128xf32>
    %slice3A_470 = vector.extract_strided_slice %transpose3A {offsets = [0, 51], sizes = [128, 1], strides = [1, 1]} : vector<128x80xf32> to vector<128x1xf32>
    %mul3A_471 = vector.broadcast %slice3A_470 : vector<128x1xf32> to vector<128x128xf32>
    %mul3A_472 = arith.mulf %get3A_469, %mul3A_471 : vector<128x128xf32>
    %swap3A_473 = arith.constant 6528 : index
    %swap3A_474 = arith.constant 0 : index
    %swap3A_475 = vector.load %arg2[%swap3A_473, %swap3A_474] : memref<10000x128xf32, #tpu.memory_space<vmem>>, vector<128x128xf32>
    tpu.vector_store %arg2[%swap3A_473, %swap3A_474], %mul3A_472 {strides = array<i32>} : memref<10000x128xf32, #tpu.memory_space<vmem>>, vector<128x128xf32>,
    %get3A_476 = arith.constant 6656 : index
    %get3A_477 = arith.constant 0 : index
    %get3A_478 = vector.load %arg0[%get3A_476, %get3A_477] : memref<10000x128xf32, #tpu.memory_space<vmem>>, vector<128x128xf32>
    %slice3A_479 = vector.extract_strided_slice %transpose3A {offsets = [0, 52], sizes = [128, 1], strides = [1, 1]} : vector<128x80xf32> to vector<128x1xf32>
    %mul3A_480 = vector.broadcast %slice3A_479 : vector<128x1xf32> to vector<128x128xf32>
    %mul3A_481 = arith.mulf %get3A_478, %mul3A_480 : vector<128x128xf32>
    %swap3A_482 = arith.constant 6656 : index
    %swap3A_483 = arith.constant 0 : index
    %swap3A_484 = vector.load %arg2[%swap3A_482, %swap3A_483] : memref<10000x128xf32, #tpu.memory_space<vmem>>, vector<128x128xf32>
    tpu.vector_store %arg2[%swap3A_482, %swap3A_483], %mul3A_481 {strides = array<i32>} : memref<10000x128xf32, #tpu.memory_space<vmem>>, vector<128x128xf32>,
    %get3A_485 = arith.constant 6784 : index
    %get3A_486 = arith.constant 0 : index
    %get3A_487 = vector.load %arg0[%get3A_485, %get3A_486] : memref<10000x128xf32, #tpu.memory_space<vmem>>, vector<128x128xf32>
    %slice3A_488 = vector.extract_strided_slice %transpose3A {offsets = [0, 53], sizes = [128, 1], strides = [1, 1]} : vector<128x80xf32> to vector<128x1xf32>
    %mul3A_489 = vector.broadcast %slice3A_488 : vector<128x1xf32> to vector<128x128xf32>
    %mul3A_490 = arith.mulf %get3A_487, %mul3A_489 : vector<128x128xf32>
    %swap3A_491 = arith.constant 6784 : index
    %swap3A_492 = arith.constant 0 : index
    %swap3A_493 = vector.load %arg2[%swap3A_491, %swap3A_492] : memref<10000x128xf32, #tpu.memory_space<vmem>>, vector<128x128xf32>
    tpu.vector_store %arg2[%swap3A_491, %swap3A_492], %mul3A_490 {strides = array<i32>} : memref<10000x128xf32, #tpu.memory_space<vmem>>, vector<128x128xf32>,
    %get3A_494 = arith.constant 6912 : index
    %get3A_495 = arith.constant 0 : index
    %get3A_496 = vector.load %arg0[%get3A_494, %get3A_495] : memref<10000x128xf32, #tpu.memory_space<vmem>>, vector<128x128xf32>
    %slice3A_497 = vector.extract_strided_slice %transpose3A {offsets = [0, 54], sizes = [128, 1], strides = [1, 1]} : vector<128x80xf32> to vector<128x1xf32>
    %mul3A_498 = vector.broadcast %slice3A_497 : vector<128x1xf32> to vector<128x128xf32>
    %mul3A_499 = arith.mulf %get3A_496, %mul3A_498 : vector<128x128xf32>
    %swap3A_500 = arith.constant 6912 : index
    %swap3A_501 = arith.constant 0 : index
    %swap3A_502 = vector.load %arg2[%swap3A_500, %swap3A_501] : memref<10000x128xf32, #tpu.memory_space<vmem>>, vector<128x128xf32>
    tpu.vector_store %arg2[%swap3A_500, %swap3A_501], %mul3A_499 {strides = array<i32>} : memref<10000x128xf32, #tpu.memory_space<vmem>>, vector<128x128xf32>,
    %get3A_503 = arith.constant 7040 : index
    %get3A_504 = arith.constant 0 : index
    %get3A_505 = vector.load %arg0[%get3A_503, %get3A_504] : memref<10000x128xf32, #tpu.memory_space<vmem>>, vector<128x128xf32>
    %slice3A_506 = vector.extract_strided_slice %transpose3A {offsets = [0, 55], sizes = [128, 1], strides = [1, 1]} : vector<128x80xf32> to vector<128x1xf32>
    %mul3A_507 = vector.broadcast %slice3A_506 : vector<128x1xf32> to vector<128x128xf32>
    %mul3A_508 = arith.mulf %get3A_505, %mul3A_507 : vector<128x128xf32>
    %swap3A_509 = arith.constant 7040 : index
    %swap3A_510 = arith.constant 0 : index
    %swap3A_511 = vector.load %arg2[%swap3A_509, %swap3A_510] : memref<10000x128xf32, #tpu.memory_space<vmem>>, vector<128x128xf32>
    tpu.vector_store %arg2[%swap3A_509, %swap3A_510], %mul3A_508 {strides = array<i32>} : memref<10000x128xf32, #tpu.memory_space<vmem>>, vector<128x128xf32>,
    %get3A_512 = arith.constant 7168 : index
    %get3A_513 = arith.constant 0 : index
    %get3A_514 = vector.load %arg0[%get3A_512, %get3A_513] : memref<10000x128xf32, #tpu.memory_space<vmem>>, vector<128x128xf32>
    %slice3A_515 = vector.extract_strided_slice %transpose3A {offsets = [0, 56], sizes = [128, 1], strides = [1, 1]} : vector<128x80xf32> to vector<128x1xf32>
    %mul3A_516 = vector.broadcast %slice3A_515 : vector<128x1xf32> to vector<128x128xf32>
    %mul3A_517 = arith.mulf %get3A_514, %mul3A_516 : vector<128x128xf32>
    %swap3A_518 = arith.constant 7168 : index
    %swap3A_519 = arith.constant 0 : index
    %swap3A_520 = vector.load %arg2[%swap3A_518, %swap3A_519] : memref<10000x128xf32, #tpu.memory_space<vmem>>, vector<128x128xf32>
    tpu.vector_store %arg2[%swap3A_518, %swap3A_519], %mul3A_517 {strides = array<i32>} : memref<10000x128xf32, #tpu.memory_space<vmem>>, vector<128x128xf32>,
    %get3A_521 = arith.constant 7296 : index
    %get3A_522 = arith.constant 0 : index
    %get3A_523 = vector.load %arg0[%get3A_521, %get3A_522] : memref<10000x128xf32, #tpu.memory_space<vmem>>, vector<128x128xf32>
    %slice3A_524 = vector.extract_strided_slice %transpose3A {offsets = [0, 57], sizes = [128, 1], strides = [1, 1]} : vector<128x80xf32> to vector<128x1xf32>
    %mul3A_525 = vector.broadcast %slice3A_524 : vector<128x1xf32> to vector<128x128xf32>
    %mul3A_526 = arith.mulf %get3A_523, %mul3A_525 : vector<128x128xf32>
    %swap3A_527 = arith.constant 7296 : index
    %swap3A_528 = arith.constant 0 : index
    %swap3A_529 = vector.load %arg2[%swap3A_527, %swap3A_528] : memref<10000x128xf32, #tpu.memory_space<vmem>>, vector<128x128xf32>
    tpu.vector_store %arg2[%swap3A_527, %swap3A_528], %mul3A_526 {strides = array<i32>} : memref<10000x128xf32, #tpu.memory_space<vmem>>, vector<128x128xf32>,
    %get3A_530 = arith.constant 7424 : index
    %get3A_531 = arith.constant 0 : index
    %get3A_532 = vector.load %arg0[%get3A_530, %get3A_531] : memref<10000x128xf32, #tpu.memory_space<vmem>>, vector<128x128xf32>
    %slice3A_533 = vector.extract_strided_slice %transpose3A {offsets = [0, 58], sizes = [128, 1], strides = [1, 1]} : vector<128x80xf32> to vector<128x1xf32>
    %mul3A_534 = vector.broadcast %slice3A_533 : vector<128x1xf32> to vector<128x128xf32>
    %mul3A_535 = arith.mulf %get3A_532, %mul3A_534 : vector<128x128xf32>
    %swap3A_536 = arith.constant 7424 : index
    %swap3A_537 = arith.constant 0 : index
    %swap3A_538 = vector.load %arg2[%swap3A_536, %swap3A_537] : memref<10000x128xf32, #tpu.memory_space<vmem>>, vector<128x128xf32>
    tpu.vector_store %arg2[%swap3A_536, %swap3A_537], %mul3A_535 {strides = array<i32>} : memref<10000x128xf32, #tpu.memory_space<vmem>>, vector<128x128xf32>,
    %get3A_539 = arith.constant 7552 : index
    %get3A_540 = arith.constant 0 : index
    %get3A_541 = vector.load %arg0[%get3A_539, %get3A_540] : memref<10000x128xf32, #tpu.memory_space<vmem>>, vector<128x128xf32>
    %slice3A_542 = vector.extract_strided_slice %transpose3A {offsets = [0, 59], sizes = [128, 1], strides = [1, 1]} : vector<128x80xf32> to vector<128x1xf32>
    %mul3A_543 = vector.broadcast %slice3A_542 : vector<128x1xf32> to vector<128x128xf32>
    %mul3A_544 = arith.mulf %get3A_541, %mul3A_543 : vector<128x128xf32>
    %swap3A_545 = arith.constant 7552 : index
    %swap3A_546 = arith.constant 0 : index
    %swap3A_547 = vector.load %arg2[%swap3A_545, %swap3A_546] : memref<10000x128xf32, #tpu.memory_space<vmem>>, vector<128x128xf32>
    tpu.vector_store %arg2[%swap3A_545, %swap3A_546], %mul3A_544 {strides = array<i32>} : memref<10000x128xf32, #tpu.memory_space<vmem>>, vector<128x128xf32>,
    %get3A_548 = arith.constant 7680 : index
    %get3A_549 = arith.constant 0 : index
    %get3A_550 = vector.load %arg0[%get3A_548, %get3A_549] : memref<10000x128xf32, #tpu.memory_space<vmem>>, vector<128x128xf32>
    %slice3A_551 = vector.extract_strided_slice %transpose3A {offsets = [0, 60], sizes = [128, 1], strides = [1, 1]} : vector<128x80xf32> to vector<128x1xf32>
    %mul3A_552 = vector.broadcast %slice3A_551 : vector<128x1xf32> to vector<128x128xf32>
    %mul3A_553 = arith.mulf %get3A_550, %mul3A_552 : vector<128x128xf32>
    %swap3A_554 = arith.constant 7680 : index
    %swap3A_555 = arith.constant 0 : index
    %swap3A_556 = vector.load %arg2[%swap3A_554, %swap3A_555] : memref<10000x128xf32, #tpu.memory_space<vmem>>, vector<128x128xf32>
    tpu.vector_store %arg2[%swap3A_554, %swap3A_555], %mul3A_553 {strides = array<i32>} : memref<10000x128xf32, #tpu.memory_space<vmem>>, vector<128x128xf32>,
    %get3A_557 = arith.constant 7808 : index
    %get3A_558 = arith.constant 0 : index
    %get3A_559 = vector.load %arg0[%get3A_557, %get3A_558] : memref<10000x128xf32, #tpu.memory_space<vmem>>, vector<128x128xf32>
    %slice3A_560 = vector.extract_strided_slice %transpose3A {offsets = [0, 61], sizes = [128, 1], strides = [1, 1]} : vector<128x80xf32> to vector<128x1xf32>
    %mul3A_561 = vector.broadcast %slice3A_560 : vector<128x1xf32> to vector<128x128xf32>
    %mul3A_562 = arith.mulf %get3A_559, %mul3A_561 : vector<128x128xf32>
    %swap3A_563 = arith.constant 7808 : index
    %swap3A_564 = arith.constant 0 : index
    %swap3A_565 = vector.load %arg2[%swap3A_563, %swap3A_564] : memref<10000x128xf32, #tpu.memory_space<vmem>>, vector<128x128xf32>
    tpu.vector_store %arg2[%swap3A_563, %swap3A_564], %mul3A_562 {strides = array<i32>} : memref<10000x128xf32, #tpu.memory_space<vmem>>, vector<128x128xf32>,
    %get3A_566 = arith.constant 7936 : index
    %get3A_567 = arith.constant 0 : index
    %get3A_568 = vector.load %arg0[%get3A_566, %get3A_567] : memref<10000x128xf32, #tpu.memory_space<vmem>>, vector<128x128xf32>
    %slice3A_569 = vector.extract_strided_slice %transpose3A {offsets = [0, 62], sizes = [128, 1], strides = [1, 1]} : vector<128x80xf32> to vector<128x1xf32>
    %mul3A_570 = vector.broadcast %slice3A_569 : vector<128x1xf32> to vector<128x128xf32>
    %mul3A_571 = arith.mulf %get3A_568, %mul3A_570 : vector<128x128xf32>
    %swap3A_572 = arith.constant 7936 : index
    %swap3A_573 = arith.constant 0 : index
    %swap3A_574 = vector.load %arg2[%swap3A_572, %swap3A_573] : memref<10000x128xf32, #tpu.memory_space<vmem>>, vector<128x128xf32>
    tpu.vector_store %arg2[%swap3A_572, %swap3A_573], %mul3A_571 {strides = array<i32>} : memref<10000x128xf32, #tpu.memory_space<vmem>>, vector<128x128xf32>,
    %get3A_575 = arith.constant 8064 : index
    %get3A_576 = arith.constant 0 : index
    %get3A_577 = vector.load %arg0[%get3A_575, %get3A_576] : memref<10000x128xf32, #tpu.memory_space<vmem>>, vector<128x128xf32>
    %slice3A_578 = vector.extract_strided_slice %transpose3A {offsets = [0, 63], sizes = [128, 1], strides = [1, 1]} : vector<128x80xf32> to vector<128x1xf32>
    %mul3A_579 = vector.broadcast %slice3A_578 : vector<128x1xf32> to vector<128x128xf32>
    %mul3A_580 = arith.mulf %get3A_577, %mul3A_579 : vector<128x128xf32>
    %swap3A_581 = arith.constant 8064 : index
    %swap3A_582 = arith.constant 0 : index
    %swap3A_583 = vector.load %arg2[%swap3A_581, %swap3A_582] : memref<10000x128xf32, #tpu.memory_space<vmem>>, vector<128x128xf32>
    tpu.vector_store %arg2[%swap3A_581, %swap3A_582], %mul3A_580 {strides = array<i32>} : memref<10000x128xf32, #tpu.memory_space<vmem>>, vector<128x128xf32>,
    %get3A_584 = arith.constant 8192 : index
    %get3A_585 = arith.constant 0 : index
    %get3A_586 = vector.load %arg0[%get3A_584, %get3A_585] : memref<10000x128xf32, #tpu.memory_space<vmem>>, vector<128x128xf32>
    %slice3A_587 = vector.extract_strided_slice %transpose3A {offsets = [0, 64], sizes = [128, 1], strides = [1, 1]} : vector<128x80xf32> to vector<128x1xf32>
    %mul3A_588 = vector.broadcast %slice3A_587 : vector<128x1xf32> to vector<128x128xf32>
    %mul3A_589 = arith.mulf %get3A_586, %mul3A_588 : vector<128x128xf32>
    %swap3A_590 = arith.constant 8192 : index
    %swap3A_591 = arith.constant 0 : index
    %swap3A_592 = vector.load %arg2[%swap3A_590, %swap3A_591] : memref<10000x128xf32, #tpu.memory_space<vmem>>, vector<128x128xf32>
    tpu.vector_store %arg2[%swap3A_590, %swap3A_591], %mul3A_589 {strides = array<i32>} : memref<10000x128xf32, #tpu.memory_space<vmem>>, vector<128x128xf32>,
    %get3A_593 = arith.constant 8320 : index
    %get3A_594 = arith.constant 0 : index
    %get3A_595 = vector.load %arg0[%get3A_593, %get3A_594] : memref<10000x128xf32, #tpu.memory_space<vmem>>, vector<128x128xf32>
    %slice3A_596 = vector.extract_strided_slice %transpose3A {offsets = [0, 65], sizes = [128, 1], strides = [1, 1]} : vector<128x80xf32> to vector<128x1xf32>
    %mul3A_597 = vector.broadcast %slice3A_596 : vector<128x1xf32> to vector<128x128xf32>
    %mul3A_598 = arith.mulf %get3A_595, %mul3A_597 : vector<128x128xf32>
    %swap3A_599 = arith.constant 8320 : index
    %swap3A_600 = arith.constant 0 : index
    %swap3A_601 = vector.load %arg2[%swap3A_599, %swap3A_600] : memref<10000x128xf32, #tpu.memory_space<vmem>>, vector<128x128xf32>
    tpu.vector_store %arg2[%swap3A_599, %swap3A_600], %mul3A_598 {strides = array<i32>} : memref<10000x128xf32, #tpu.memory_space<vmem>>, vector<128x128xf32>,
    %get3A_602 = arith.constant 8448 : index
    %get3A_603 = arith.constant 0 : index
    %get3A_604 = vector.load %arg0[%get3A_602, %get3A_603] : memref<10000x128xf32, #tpu.memory_space<vmem>>, vector<128x128xf32>
    %slice3A_605 = vector.extract_strided_slice %transpose3A {offsets = [0, 66], sizes = [128, 1], strides = [1, 1]} : vector<128x80xf32> to vector<128x1xf32>
    %mul3A_606 = vector.broadcast %slice3A_605 : vector<128x1xf32> to vector<128x128xf32>
    %mul3A_607 = arith.mulf %get3A_604, %mul3A_606 : vector<128x128xf32>
    %swap3A_608 = arith.constant 8448 : index
    %swap3A_609 = arith.constant 0 : index
    %swap3A_610 = vector.load %arg2[%swap3A_608, %swap3A_609] : memref<10000x128xf32, #tpu.memory_space<vmem>>, vector<128x128xf32>
    tpu.vector_store %arg2[%swap3A_608, %swap3A_609], %mul3A_607 {strides = array<i32>} : memref<10000x128xf32, #tpu.memory_space<vmem>>, vector<128x128xf32>,
    %get3A_611 = arith.constant 8576 : index
    %get3A_612 = arith.constant 0 : index
    %get3A_613 = vector.load %arg0[%get3A_611, %get3A_612] : memref<10000x128xf32, #tpu.memory_space<vmem>>, vector<128x128xf32>
    %slice3A_614 = vector.extract_strided_slice %transpose3A {offsets = [0, 67], sizes = [128, 1], strides = [1, 1]} : vector<128x80xf32> to vector<128x1xf32>
    %mul3A_615 = vector.broadcast %slice3A_614 : vector<128x1xf32> to vector<128x128xf32>
    %mul3A_616 = arith.mulf %get3A_613, %mul3A_615 : vector<128x128xf32>
    %swap3A_617 = arith.constant 8576 : index
    %swap3A_618 = arith.constant 0 : index
    %swap3A_619 = vector.load %arg2[%swap3A_617, %swap3A_618] : memref<10000x128xf32, #tpu.memory_space<vmem>>, vector<128x128xf32>
    tpu.vector_store %arg2[%swap3A_617, %swap3A_618], %mul3A_616 {strides = array<i32>} : memref<10000x128xf32, #tpu.memory_space<vmem>>, vector<128x128xf32>,
    %get3A_620 = arith.constant 8704 : index
    %get3A_621 = arith.constant 0 : index
    %get3A_622 = vector.load %arg0[%get3A_620, %get3A_621] : memref<10000x128xf32, #tpu.memory_space<vmem>>, vector<128x128xf32>
    %slice3A_623 = vector.extract_strided_slice %transpose3A {offsets = [0, 68], sizes = [128, 1], strides = [1, 1]} : vector<128x80xf32> to vector<128x1xf32>
    %mul3A_624 = vector.broadcast %slice3A_623 : vector<128x1xf32> to vector<128x128xf32>
    %mul3A_625 = arith.mulf %get3A_622, %mul3A_624 : vector<128x128xf32>
    %swap3A_626 = arith.constant 8704 : index
    %swap3A_627 = arith.constant 0 : index
    %swap3A_628 = vector.load %arg2[%swap3A_626, %swap3A_627] : memref<10000x128xf32, #tpu.memory_space<vmem>>, vector<128x128xf32>
    tpu.vector_store %arg2[%swap3A_626, %swap3A_627], %mul3A_625 {strides = array<i32>} : memref<10000x128xf32, #tpu.memory_space<vmem>>, vector<128x128xf32>,
    %get3A_629 = arith.constant 8832 : index
    %get3A_630 = arith.constant 0 : index
    %get3A_631 = vector.load %arg0[%get3A_629, %get3A_630] : memref<10000x128xf32, #tpu.memory_space<vmem>>, vector<128x128xf32>
    %slice3A_632 = vector.extract_strided_slice %transpose3A {offsets = [0, 69], sizes = [128, 1], strides = [1, 1]} : vector<128x80xf32> to vector<128x1xf32>
    %mul3A_633 = vector.broadcast %slice3A_632 : vector<128x1xf32> to vector<128x128xf32>
    %mul3A_634 = arith.mulf %get3A_631, %mul3A_633 : vector<128x128xf32>
    %swap3A_635 = arith.constant 8832 : index
    %swap3A_636 = arith.constant 0 : index
    %swap3A_637 = vector.load %arg2[%swap3A_635, %swap3A_636] : memref<10000x128xf32, #tpu.memory_space<vmem>>, vector<128x128xf32>
    tpu.vector_store %arg2[%swap3A_635, %swap3A_636], %mul3A_634 {strides = array<i32>} : memref<10000x128xf32, #tpu.memory_space<vmem>>, vector<128x128xf32>,
    %get3A_638 = arith.constant 8960 : index
    %get3A_639 = arith.constant 0 : index
    %get3A_640 = vector.load %arg0[%get3A_638, %get3A_639] : memref<10000x128xf32, #tpu.memory_space<vmem>>, vector<128x128xf32>
    %slice3A_641 = vector.extract_strided_slice %transpose3A {offsets = [0, 70], sizes = [128, 1], strides = [1, 1]} : vector<128x80xf32> to vector<128x1xf32>
    %mul3A_642 = vector.broadcast %slice3A_641 : vector<128x1xf32> to vector<128x128xf32>
    %mul3A_643 = arith.mulf %get3A_640, %mul3A_642 : vector<128x128xf32>
    %swap3A_644 = arith.constant 8960 : index
    %swap3A_645 = arith.constant 0 : index
    %swap3A_646 = vector.load %arg2[%swap3A_644, %swap3A_645] : memref<10000x128xf32, #tpu.memory_space<vmem>>, vector<128x128xf32>
    tpu.vector_store %arg2[%swap3A_644, %swap3A_645], %mul3A_643 {strides = array<i32>} : memref<10000x128xf32, #tpu.memory_space<vmem>>, vector<128x128xf32>,
    %get3A_647 = arith.constant 9088 : index
    %get3A_648 = arith.constant 0 : index
    %get3A_649 = vector.load %arg0[%get3A_647, %get3A_648] : memref<10000x128xf32, #tpu.memory_space<vmem>>, vector<128x128xf32>
    %slice3A_650 = vector.extract_strided_slice %transpose3A {offsets = [0, 71], sizes = [128, 1], strides = [1, 1]} : vector<128x80xf32> to vector<128x1xf32>
    %mul3A_651 = vector.broadcast %slice3A_650 : vector<128x1xf32> to vector<128x128xf32>
    %mul3A_652 = arith.mulf %get3A_649, %mul3A_651 : vector<128x128xf32>
    %swap3A_653 = arith.constant 9088 : index
    %swap3A_654 = arith.constant 0 : index
    %swap3A_655 = vector.load %arg2[%swap3A_653, %swap3A_654] : memref<10000x128xf32, #tpu.memory_space<vmem>>, vector<128x128xf32>
    tpu.vector_store %arg2[%swap3A_653, %swap3A_654], %mul3A_652 {strides = array<i32>} : memref<10000x128xf32, #tpu.memory_space<vmem>>, vector<128x128xf32>,
    %get3A_656 = arith.constant 9216 : index
    %get3A_657 = arith.constant 0 : index
    %get3A_658 = vector.load %arg0[%get3A_656, %get3A_657] : memref<10000x128xf32, #tpu.memory_space<vmem>>, vector<128x128xf32>
    %slice3A_659 = vector.extract_strided_slice %transpose3A {offsets = [0, 72], sizes = [128, 1], strides = [1, 1]} : vector<128x80xf32> to vector<128x1xf32>
    %mul3A_660 = vector.broadcast %slice3A_659 : vector<128x1xf32> to vector<128x128xf32>
    %mul3A_661 = arith.mulf %get3A_658, %mul3A_660 : vector<128x128xf32>
    %swap3A_662 = arith.constant 9216 : index
    %swap3A_663 = arith.constant 0 : index
    %swap3A_664 = vector.load %arg2[%swap3A_662, %swap3A_663] : memref<10000x128xf32, #tpu.memory_space<vmem>>, vector<128x128xf32>
    tpu.vector_store %arg2[%swap3A_662, %swap3A_663], %mul3A_661 {strides = array<i32>} : memref<10000x128xf32, #tpu.memory_space<vmem>>, vector<128x128xf32>,
    %get3A_665 = arith.constant 9344 : index
    %get3A_666 = arith.constant 0 : index
    %get3A_667 = vector.load %arg0[%get3A_665, %get3A_666] : memref<10000x128xf32, #tpu.memory_space<vmem>>, vector<128x128xf32>
    %slice3A_668 = vector.extract_strided_slice %transpose3A {offsets = [0, 73], sizes = [128, 1], strides = [1, 1]} : vector<128x80xf32> to vector<128x1xf32>
    %mul3A_669 = vector.broadcast %slice3A_668 : vector<128x1xf32> to vector<128x128xf32>
    %mul3A_670 = arith.mulf %get3A_667, %mul3A_669 : vector<128x128xf32>
    %swap3A_671 = arith.constant 9344 : index
    %swap3A_672 = arith.constant 0 : index
    %swap3A_673 = vector.load %arg2[%swap3A_671, %swap3A_672] : memref<10000x128xf32, #tpu.memory_space<vmem>>, vector<128x128xf32>
    tpu.vector_store %arg2[%swap3A_671, %swap3A_672], %mul3A_670 {strides = array<i32>} : memref<10000x128xf32, #tpu.memory_space<vmem>>, vector<128x128xf32>,
    %get3A_674 = arith.constant 9472 : index
    %get3A_675 = arith.constant 0 : index
    %get3A_676 = vector.load %arg0[%get3A_674, %get3A_675] : memref<10000x128xf32, #tpu.memory_space<vmem>>, vector<128x128xf32>
    %slice3A_677 = vector.extract_strided_slice %transpose3A {offsets = [0, 74], sizes = [128, 1], strides = [1, 1]} : vector<128x80xf32> to vector<128x1xf32>
    %mul3A_678 = vector.broadcast %slice3A_677 : vector<128x1xf32> to vector<128x128xf32>
    %mul3A_679 = arith.mulf %get3A_676, %mul3A_678 : vector<128x128xf32>
    %swap3A_680 = arith.constant 9472 : index
    %swap3A_681 = arith.constant 0 : index
    %swap3A_682 = vector.load %arg2[%swap3A_680, %swap3A_681] : memref<10000x128xf32, #tpu.memory_space<vmem>>, vector<128x128xf32>
    tpu.vector_store %arg2[%swap3A_680, %swap3A_681], %mul3A_679 {strides = array<i32>} : memref<10000x128xf32, #tpu.memory_space<vmem>>, vector<128x128xf32>,
    %get3A_683 = arith.constant 9600 : index
    %get3A_684 = arith.constant 0 : index
    %get3A_685 = vector.load %arg0[%get3A_683, %get3A_684] : memref<10000x128xf32, #tpu.memory_space<vmem>>, vector<128x128xf32>
    %slice3A_686 = vector.extract_strided_slice %transpose3A {offsets = [0, 75], sizes = [128, 1], strides = [1, 1]} : vector<128x80xf32> to vector<128x1xf32>
    %mul3A_687 = vector.broadcast %slice3A_686 : vector<128x1xf32> to vector<128x128xf32>
    %mul3A_688 = arith.mulf %get3A_685, %mul3A_687 : vector<128x128xf32>
    %swap3A_689 = arith.constant 9600 : index
    %swap3A_690 = arith.constant 0 : index
    %swap3A_691 = vector.load %arg2[%swap3A_689, %swap3A_690] : memref<10000x128xf32, #tpu.memory_space<vmem>>, vector<128x128xf32>
    tpu.vector_store %arg2[%swap3A_689, %swap3A_690], %mul3A_688 {strides = array<i32>} : memref<10000x128xf32, #tpu.memory_space<vmem>>, vector<128x128xf32>,
    %get3A_692 = arith.constant 9728 : index
    %get3A_693 = arith.constant 0 : index
    %get3A_694 = vector.load %arg0[%get3A_692, %get3A_693] : memref<10000x128xf32, #tpu.memory_space<vmem>>, vector<128x128xf32>
    %slice3A_695 = vector.extract_strided_slice %transpose3A {offsets = [0, 76], sizes = [128, 1], strides = [1, 1]} : vector<128x80xf32> to vector<128x1xf32>
    %mul3A_696 = vector.broadcast %slice3A_695 : vector<128x1xf32> to vector<128x128xf32>
    %mul3A_697 = arith.mulf %get3A_694, %mul3A_696 : vector<128x128xf32>
    %swap3A_698 = arith.constant 9728 : index
    %swap3A_699 = arith.constant 0 : index
    %swap3A_700 = vector.load %arg2[%swap3A_698, %swap3A_699] : memref<10000x128xf32, #tpu.memory_space<vmem>>, vector<128x128xf32>
    tpu.vector_store %arg2[%swap3A_698, %swap3A_699], %mul3A_697 {strides = array<i32>} : memref<10000x128xf32, #tpu.memory_space<vmem>>, vector<128x128xf32>,
    %get3A_701 = arith.constant 9856 : index
    %get3A_702 = arith.constant 0 : index
    %get3A_703 = vector.load %arg0[%get3A_701, %get3A_702] : memref<10000x128xf32, #tpu.memory_space<vmem>>, vector<128x128xf32>
    %slice3A_704 = vector.extract_strided_slice %transpose3A {offsets = [0, 77], sizes = [128, 1], strides = [1, 1]} : vector<128x80xf32> to vector<128x1xf32>
    %mul3A_705 = vector.broadcast %slice3A_704 : vector<128x1xf32> to vector<128x128xf32>
    %mul3A_706 = arith.mulf %get3A_703, %mul3A_705 : vector<128x128xf32>
    %swap3A_707 = arith.constant 9856 : index
    %swap3A_708 = arith.constant 0 : index
    %swap3A_709 = vector.load %arg2[%swap3A_707, %swap3A_708] : memref<10000x128xf32, #tpu.memory_space<vmem>>, vector<128x128xf32>
    tpu.vector_store %arg2[%swap3A_707, %swap3A_708], %mul3A_706 {strides = array<i32>} : memref<10000x128xf32, #tpu.memory_space<vmem>>, vector<128x128xf32>,
    %get3A_710 = arith.constant 9984 : index
    %get3A_711 = arith.constant 0 : index
    %get3A_712 = vector.load %arg0[%get3A_710, %get3A_711] : memref<10000x128xf32, #tpu.memory_space<vmem>>, vector<16x128xf32>
    %slice3A_713 = vector.extract_strided_slice %transpose3A {offsets = [0, 78], sizes = [16, 1], strides = [1, 1]} : vector<128x80xf32> to vector<16x1xf32>
    %mul3A_714 = vector.broadcast %slice3A_713 : vector<16x1xf32> to vector<16x128xf32>
    %mul3A_715 = arith.mulf %get3A_712, %mul3A_714 : vector<16x128xf32>
    %swap3A_716 = arith.constant 9984 : index
    %swap3A_717 = arith.constant 0 : index
    %swap3A_718 = vector.load %arg2[%swap3A_716, %swap3A_717] : memref<10000x128xf32, #tpu.memory_space<vmem>>, vector<16x128xf32>
    tpu.vector_store %arg2[%swap3A_716, %swap3A_717], %mul3A_715 {strides = array<i32>} : memref<10000x128xf32, #tpu.memory_space<vmem>>, vector<16x128xf32>,
    return
  }
}

module attributes {stable_mosaic.version = 14 : i64} {
  func.func @_out_body(%arg0: memref<2x10240x128xf32, #tpu.memory_space<vmem>>, %arg1: memref<128x128xf32, #tpu.memory_space<vmem>>, %arg2: memref<2x80x128xf32, #tpu.memory_space<vmem>>, %arg3: memref<1x128xf32, #tpu.memory_space<vmem>>, %arg4: memref<10000x128xf32, #tpu.memory_space<vmem>>) attributes {dimension_semantics = [], scalar_prefetch = 0 : i64, scratch_operands = 0 : i64, tpu.core_type = #tpu.core_type<tc>} {
    %get3A = arith.constant 0 : index
    %get3A_0 = arith.constant 0 : index
    %get3A_1 = arith.constant 0 : index
    %get3A_2 = vector.load %arg0[%get3A, %get3A_0, %get3A_1] : memref<2x10240x128xf32, #tpu.memory_space<vmem>>, vector<1x10000x128xf32>
    %get3A_3 = vector.shape_cast %get3A_2 : vector<1x10000x128xf32> to vector<10000x128xf32>
    %get3A_4 = arith.constant 1 : index
    %get3A_5 = arith.constant 0 : index
    %get3A_6 = arith.constant 0 : index
    %get3A_7 = vector.load %arg0[%get3A_4, %get3A_5, %get3A_6] : memref<2x10240x128xf32, #tpu.memory_space<vmem>>, vector<1x10000x128xf32>
    %get3A_8 = vector.shape_cast %get3A_7 : vector<1x10000x128xf32> to vector<10000x128xf32>
    %add3A = arith.addf %get3A_3, %get3A_8 : vector<10000x128xf32>
    %get3A_9 = arith.constant 0 : index
    %get3A_10 = arith.constant 0 : index
    %get3A_11 = vector.load %arg1[%get3A_9, %get3A_10] : memref<128x128xf32, #tpu.memory_space<vmem>>, vector<128x128xf32>
    %dot_general3A = arith.constant dense<0.000000e+00> : vector<10000x128xf32>
    %dot_general3A_12 = tpu.matmul %add3A, %get3A_11, %dot_general3A {dimension_numbers = #tpu.dot_dimension_numbers<[1], [0], [0], [1], [0, 0, 1, 1], [], []>, transpose_lhs_hint = false} : vector<10000x128xf32>, vector<128x128xf32>, vector<10000x128xf32> -> vector<10000x128xf32>
    %get3A_13 = arith.constant 0 : index
    %get3A_14 = arith.constant 0 : index
    %get3A_15 = arith.constant 0 : index
    %get3A_16 = vector.load %arg2[%get3A_13, %get3A_14, %get3A_15] : memref<2x80x128xf32, #tpu.memory_space<vmem>>, vector<1x80x128xf32>
    %get3A_17 = vector.shape_cast %get3A_16 : vector<1x80x128xf32> to vector<80x128xf32>
    %get3A_18 = arith.constant 1 : index
    %get3A_19 = arith.constant 0 : index
    %get3A_20 = arith.constant 0 : index
    %get3A_21 = vector.load %arg2[%get3A_18, %get3A_19, %get3A_20] : memref<2x80x128xf32, #tpu.memory_space<vmem>>, vector<1x80x128xf32>
    %get3A_22 = vector.shape_cast %get3A_21 : vector<1x80x128xf32> to vector<80x128xf32>
    %add3A_23 = arith.addf %get3A_17, %get3A_22 : vector<80x128xf32>
    %max3A = arith.constant 1.000000e+00 : f32
    %max3A_24 = vector.broadcast %max3A : f32 to vector<80x128xf32>
    %max3A_25 = arith.maximumf %add3A_23, %max3A_24 : vector<80x128xf32>
    %rsqrt3A = math.rsqrt %max3A_25 : vector<80x128xf32>
    %transpose3A = tpu.transpose %rsqrt3A, [1, 0] : vector<80x128xf32> -> vector<128x80xf32>
    %slice3A = vector.extract_strided_slice %dot_general3A_12 {offsets = [0, 0], sizes = [128, 128], strides = [1, 1]} : vector<10000x128xf32> to vector<128x128xf32>
    %slice3A_26 = vector.extract_strided_slice %transpose3A {offsets = [0, 0], sizes = [128, 1], strides = [1, 1]} : vector<128x80xf32> to vector<128x1xf32>
    %mul3A = vector.broadcast %slice3A_26 : vector<128x1xf32> to vector<128x128xf32>
    %mul3A_27 = arith.mulf %slice3A, %mul3A : vector<128x128xf32>
    %get3A_28 = arith.constant 0 : index
    %get3A_29 = arith.constant 0 : index
    %get3A_30 = vector.load %arg3[%get3A_28, %get3A_29] : memref<1x128xf32, #tpu.memory_space<vmem>>, vector<1x128xf32>
    %add3A_31 = vector.broadcast %get3A_30 : vector<1x128xf32> to vector<128x128xf32>
    %add3A_32 = arith.addf %mul3A_27, %add3A_31 : vector<128x128xf32>
    %swap3A = arith.constant 0 : index
    %swap3A_33 = arith.constant 0 : index
    %swap3A_34 = vector.load %arg4[%swap3A, %swap3A_33] : memref<10000x128xf32, #tpu.memory_space<vmem>>, vector<128x128xf32>
    tpu.vector_store %arg4[%swap3A, %swap3A_33], %add3A_32 {strides = array<i32>} : memref<10000x128xf32, #tpu.memory_space<vmem>>, vector<128x128xf32>,
    %slice3A_35 = vector.extract_strided_slice %dot_general3A_12 {offsets = [128, 0], sizes = [128, 128], strides = [1, 1]} : vector<10000x128xf32> to vector<128x128xf32>
    %slice3A_36 = vector.extract_strided_slice %transpose3A {offsets = [0, 1], sizes = [128, 1], strides = [1, 1]} : vector<128x80xf32> to vector<128x1xf32>
    %mul3A_37 = vector.broadcast %slice3A_36 : vector<128x1xf32> to vector<128x128xf32>
    %mul3A_38 = arith.mulf %slice3A_35, %mul3A_37 : vector<128x128xf32>
    %get3A_39 = arith.constant 0 : index
    %get3A_40 = arith.constant 0 : index
    %get3A_41 = vector.load %arg3[%get3A_39, %get3A_40] : memref<1x128xf32, #tpu.memory_space<vmem>>, vector<1x128xf32>
    %add3A_42 = vector.broadcast %get3A_41 : vector<1x128xf32> to vector<128x128xf32>
    %add3A_43 = arith.addf %mul3A_38, %add3A_42 : vector<128x128xf32>
    %swap3A_44 = arith.constant 128 : index
    %swap3A_45 = arith.constant 0 : index
    %swap3A_46 = vector.load %arg4[%swap3A_44, %swap3A_45] : memref<10000x128xf32, #tpu.memory_space<vmem>>, vector<128x128xf32>
    tpu.vector_store %arg4[%swap3A_44, %swap3A_45], %add3A_43 {strides = array<i32>} : memref<10000x128xf32, #tpu.memory_space<vmem>>, vector<128x128xf32>,
    %slice3A_47 = vector.extract_strided_slice %dot_general3A_12 {offsets = [256, 0], sizes = [128, 128], strides = [1, 1]} : vector<10000x128xf32> to vector<128x128xf32>
    %slice3A_48 = vector.extract_strided_slice %transpose3A {offsets = [0, 2], sizes = [128, 1], strides = [1, 1]} : vector<128x80xf32> to vector<128x1xf32>
    %mul3A_49 = vector.broadcast %slice3A_48 : vector<128x1xf32> to vector<128x128xf32>
    %mul3A_50 = arith.mulf %slice3A_47, %mul3A_49 : vector<128x128xf32>
    %get3A_51 = arith.constant 0 : index
    %get3A_52 = arith.constant 0 : index
    %get3A_53 = vector.load %arg3[%get3A_51, %get3A_52] : memref<1x128xf32, #tpu.memory_space<vmem>>, vector<1x128xf32>
    %add3A_54 = vector.broadcast %get3A_53 : vector<1x128xf32> to vector<128x128xf32>
    %add3A_55 = arith.addf %mul3A_50, %add3A_54 : vector<128x128xf32>
    %swap3A_56 = arith.constant 256 : index
    %swap3A_57 = arith.constant 0 : index
    %swap3A_58 = vector.load %arg4[%swap3A_56, %swap3A_57] : memref<10000x128xf32, #tpu.memory_space<vmem>>, vector<128x128xf32>
    tpu.vector_store %arg4[%swap3A_56, %swap3A_57], %add3A_55 {strides = array<i32>} : memref<10000x128xf32, #tpu.memory_space<vmem>>, vector<128x128xf32>,
    %slice3A_59 = vector.extract_strided_slice %dot_general3A_12 {offsets = [384, 0], sizes = [128, 128], strides = [1, 1]} : vector<10000x128xf32> to vector<128x128xf32>
    %slice3A_60 = vector.extract_strided_slice %transpose3A {offsets = [0, 3], sizes = [128, 1], strides = [1, 1]} : vector<128x80xf32> to vector<128x1xf32>
    %mul3A_61 = vector.broadcast %slice3A_60 : vector<128x1xf32> to vector<128x128xf32>
    %mul3A_62 = arith.mulf %slice3A_59, %mul3A_61 : vector<128x128xf32>
    %get3A_63 = arith.constant 0 : index
    %get3A_64 = arith.constant 0 : index
    %get3A_65 = vector.load %arg3[%get3A_63, %get3A_64] : memref<1x128xf32, #tpu.memory_space<vmem>>, vector<1x128xf32>
    %add3A_66 = vector.broadcast %get3A_65 : vector<1x128xf32> to vector<128x128xf32>
    %add3A_67 = arith.addf %mul3A_62, %add3A_66 : vector<128x128xf32>
    %swap3A_68 = arith.constant 384 : index
    %swap3A_69 = arith.constant 0 : index
    %swap3A_70 = vector.load %arg4[%swap3A_68, %swap3A_69] : memref<10000x128xf32, #tpu.memory_space<vmem>>, vector<128x128xf32>
    tpu.vector_store %arg4[%swap3A_68, %swap3A_69], %add3A_67 {strides = array<i32>} : memref<10000x128xf32, #tpu.memory_space<vmem>>, vector<128x128xf32>,
    %slice3A_71 = vector.extract_strided_slice %dot_general3A_12 {offsets = [512, 0], sizes = [128, 128], strides = [1, 1]} : vector<10000x128xf32> to vector<128x128xf32>
    %slice3A_72 = vector.extract_strided_slice %transpose3A {offsets = [0, 4], sizes = [128, 1], strides = [1, 1]} : vector<128x80xf32> to vector<128x1xf32>
    %mul3A_73 = vector.broadcast %slice3A_72 : vector<128x1xf32> to vector<128x128xf32>
    %mul3A_74 = arith.mulf %slice3A_71, %mul3A_73 : vector<128x128xf32>
    %get3A_75 = arith.constant 0 : index
    %get3A_76 = arith.constant 0 : index
    %get3A_77 = vector.load %arg3[%get3A_75, %get3A_76] : memref<1x128xf32, #tpu.memory_space<vmem>>, vector<1x128xf32>
    %add3A_78 = vector.broadcast %get3A_77 : vector<1x128xf32> to vector<128x128xf32>
    %add3A_79 = arith.addf %mul3A_74, %add3A_78 : vector<128x128xf32>
    %swap3A_80 = arith.constant 512 : index
    %swap3A_81 = arith.constant 0 : index
    %swap3A_82 = vector.load %arg4[%swap3A_80, %swap3A_81] : memref<10000x128xf32, #tpu.memory_space<vmem>>, vector<128x128xf32>
    tpu.vector_store %arg4[%swap3A_80, %swap3A_81], %add3A_79 {strides = array<i32>} : memref<10000x128xf32, #tpu.memory_space<vmem>>, vector<128x128xf32>,
    %slice3A_83 = vector.extract_strided_slice %dot_general3A_12 {offsets = [640, 0], sizes = [128, 128], strides = [1, 1]} : vector<10000x128xf32> to vector<128x128xf32>
    %slice3A_84 = vector.extract_strided_slice %transpose3A {offsets = [0, 5], sizes = [128, 1], strides = [1, 1]} : vector<128x80xf32> to vector<128x1xf32>
    %mul3A_85 = vector.broadcast %slice3A_84 : vector<128x1xf32> to vector<128x128xf32>
    %mul3A_86 = arith.mulf %slice3A_83, %mul3A_85 : vector<128x128xf32>
    %get3A_87 = arith.constant 0 : index
    %get3A_88 = arith.constant 0 : index
    %get3A_89 = vector.load %arg3[%get3A_87, %get3A_88] : memref<1x128xf32, #tpu.memory_space<vmem>>, vector<1x128xf32>
    %add3A_90 = vector.broadcast %get3A_89 : vector<1x128xf32> to vector<128x128xf32>
    %add3A_91 = arith.addf %mul3A_86, %add3A_90 : vector<128x128xf32>
    %swap3A_92 = arith.constant 640 : index
    %swap3A_93 = arith.constant 0 : index
    %swap3A_94 = vector.load %arg4[%swap3A_92, %swap3A_93] : memref<10000x128xf32, #tpu.memory_space<vmem>>, vector<128x128xf32>
    tpu.vector_store %arg4[%swap3A_92, %swap3A_93], %add3A_91 {strides = array<i32>} : memref<10000x128xf32, #tpu.memory_space<vmem>>, vector<128x128xf32>,
    %slice3A_95 = vector.extract_strided_slice %dot_general3A_12 {offsets = [768, 0], sizes = [128, 128], strides = [1, 1]} : vector<10000x128xf32> to vector<128x128xf32>
    %slice3A_96 = vector.extract_strided_slice %transpose3A {offsets = [0, 6], sizes = [128, 1], strides = [1, 1]} : vector<128x80xf32> to vector<128x1xf32>
    %mul3A_97 = vector.broadcast %slice3A_96 : vector<128x1xf32> to vector<128x128xf32>
    %mul3A_98 = arith.mulf %slice3A_95, %mul3A_97 : vector<128x128xf32>
    %get3A_99 = arith.constant 0 : index
    %get3A_100 = arith.constant 0 : index
    %get3A_101 = vector.load %arg3[%get3A_99, %get3A_100] : memref<1x128xf32, #tpu.memory_space<vmem>>, vector<1x128xf32>
    %add3A_102 = vector.broadcast %get3A_101 : vector<1x128xf32> to vector<128x128xf32>
    %add3A_103 = arith.addf %mul3A_98, %add3A_102 : vector<128x128xf32>
    %swap3A_104 = arith.constant 768 : index
    %swap3A_105 = arith.constant 0 : index
    %swap3A_106 = vector.load %arg4[%swap3A_104, %swap3A_105] : memref<10000x128xf32, #tpu.memory_space<vmem>>, vector<128x128xf32>
    tpu.vector_store %arg4[%swap3A_104, %swap3A_105], %add3A_103 {strides = array<i32>} : memref<10000x128xf32, #tpu.memory_space<vmem>>, vector<128x128xf32>,
    %slice3A_107 = vector.extract_strided_slice %dot_general3A_12 {offsets = [896, 0], sizes = [128, 128], strides = [1, 1]} : vector<10000x128xf32> to vector<128x128xf32>
    %slice3A_108 = vector.extract_strided_slice %transpose3A {offsets = [0, 7], sizes = [128, 1], strides = [1, 1]} : vector<128x80xf32> to vector<128x1xf32>
    %mul3A_109 = vector.broadcast %slice3A_108 : vector<128x1xf32> to vector<128x128xf32>
    %mul3A_110 = arith.mulf %slice3A_107, %mul3A_109 : vector<128x128xf32>
    %get3A_111 = arith.constant 0 : index
    %get3A_112 = arith.constant 0 : index
    %get3A_113 = vector.load %arg3[%get3A_111, %get3A_112] : memref<1x128xf32, #tpu.memory_space<vmem>>, vector<1x128xf32>
    %add3A_114 = vector.broadcast %get3A_113 : vector<1x128xf32> to vector<128x128xf32>
    %add3A_115 = arith.addf %mul3A_110, %add3A_114 : vector<128x128xf32>
    %swap3A_116 = arith.constant 896 : index
    %swap3A_117 = arith.constant 0 : index
    %swap3A_118 = vector.load %arg4[%swap3A_116, %swap3A_117] : memref<10000x128xf32, #tpu.memory_space<vmem>>, vector<128x128xf32>
    tpu.vector_store %arg4[%swap3A_116, %swap3A_117], %add3A_115 {strides = array<i32>} : memref<10000x128xf32, #tpu.memory_space<vmem>>, vector<128x128xf32>,
    %slice3A_119 = vector.extract_strided_slice %dot_general3A_12 {offsets = [1024, 0], sizes = [128, 128], strides = [1, 1]} : vector<10000x128xf32> to vector<128x128xf32>
    %slice3A_120 = vector.extract_strided_slice %transpose3A {offsets = [0, 8], sizes = [128, 1], strides = [1, 1]} : vector<128x80xf32> to vector<128x1xf32>
    %mul3A_121 = vector.broadcast %slice3A_120 : vector<128x1xf32> to vector<128x128xf32>
    %mul3A_122 = arith.mulf %slice3A_119, %mul3A_121 : vector<128x128xf32>
    %get3A_123 = arith.constant 0 : index
    %get3A_124 = arith.constant 0 : index
    %get3A_125 = vector.load %arg3[%get3A_123, %get3A_124] : memref<1x128xf32, #tpu.memory_space<vmem>>, vector<1x128xf32>
    %add3A_126 = vector.broadcast %get3A_125 : vector<1x128xf32> to vector<128x128xf32>
    %add3A_127 = arith.addf %mul3A_122, %add3A_126 : vector<128x128xf32>
    %swap3A_128 = arith.constant 1024 : index
    %swap3A_129 = arith.constant 0 : index
    %swap3A_130 = vector.load %arg4[%swap3A_128, %swap3A_129] : memref<10000x128xf32, #tpu.memory_space<vmem>>, vector<128x128xf32>
    tpu.vector_store %arg4[%swap3A_128, %swap3A_129], %add3A_127 {strides = array<i32>} : memref<10000x128xf32, #tpu.memory_space<vmem>>, vector<128x128xf32>,
    %slice3A_131 = vector.extract_strided_slice %dot_general3A_12 {offsets = [1152, 0], sizes = [128, 128], strides = [1, 1]} : vector<10000x128xf32> to vector<128x128xf32>
    %slice3A_132 = vector.extract_strided_slice %transpose3A {offsets = [0, 9], sizes = [128, 1], strides = [1, 1]} : vector<128x80xf32> to vector<128x1xf32>
    %mul3A_133 = vector.broadcast %slice3A_132 : vector<128x1xf32> to vector<128x128xf32>
    %mul3A_134 = arith.mulf %slice3A_131, %mul3A_133 : vector<128x128xf32>
    %get3A_135 = arith.constant 0 : index
    %get3A_136 = arith.constant 0 : index
    %get3A_137 = vector.load %arg3[%get3A_135, %get3A_136] : memref<1x128xf32, #tpu.memory_space<vmem>>, vector<1x128xf32>
    %add3A_138 = vector.broadcast %get3A_137 : vector<1x128xf32> to vector<128x128xf32>
    %add3A_139 = arith.addf %mul3A_134, %add3A_138 : vector<128x128xf32>
    %swap3A_140 = arith.constant 1152 : index
    %swap3A_141 = arith.constant 0 : index
    %swap3A_142 = vector.load %arg4[%swap3A_140, %swap3A_141] : memref<10000x128xf32, #tpu.memory_space<vmem>>, vector<128x128xf32>
    tpu.vector_store %arg4[%swap3A_140, %swap3A_141], %add3A_139 {strides = array<i32>} : memref<10000x128xf32, #tpu.memory_space<vmem>>, vector<128x128xf32>,
    %slice3A_143 = vector.extract_strided_slice %dot_general3A_12 {offsets = [1280, 0], sizes = [128, 128], strides = [1, 1]} : vector<10000x128xf32> to vector<128x128xf32>
    %slice3A_144 = vector.extract_strided_slice %transpose3A {offsets = [0, 10], sizes = [128, 1], strides = [1, 1]} : vector<128x80xf32> to vector<128x1xf32>
    %mul3A_145 = vector.broadcast %slice3A_144 : vector<128x1xf32> to vector<128x128xf32>
    %mul3A_146 = arith.mulf %slice3A_143, %mul3A_145 : vector<128x128xf32>
    %get3A_147 = arith.constant 0 : index
    %get3A_148 = arith.constant 0 : index
    %get3A_149 = vector.load %arg3[%get3A_147, %get3A_148] : memref<1x128xf32, #tpu.memory_space<vmem>>, vector<1x128xf32>
    %add3A_150 = vector.broadcast %get3A_149 : vector<1x128xf32> to vector<128x128xf32>
    %add3A_151 = arith.addf %mul3A_146, %add3A_150 : vector<128x128xf32>
    %swap3A_152 = arith.constant 1280 : index
    %swap3A_153 = arith.constant 0 : index
    %swap3A_154 = vector.load %arg4[%swap3A_152, %swap3A_153] : memref<10000x128xf32, #tpu.memory_space<vmem>>, vector<128x128xf32>
    tpu.vector_store %arg4[%swap3A_152, %swap3A_153], %add3A_151 {strides = array<i32>} : memref<10000x128xf32, #tpu.memory_space<vmem>>, vector<128x128xf32>,
    %slice3A_155 = vector.extract_strided_slice %dot_general3A_12 {offsets = [1408, 0], sizes = [128, 128], strides = [1, 1]} : vector<10000x128xf32> to vector<128x128xf32>
    %slice3A_156 = vector.extract_strided_slice %transpose3A {offsets = [0, 11], sizes = [128, 1], strides = [1, 1]} : vector<128x80xf32> to vector<128x1xf32>
    %mul3A_157 = vector.broadcast %slice3A_156 : vector<128x1xf32> to vector<128x128xf32>
    %mul3A_158 = arith.mulf %slice3A_155, %mul3A_157 : vector<128x128xf32>
    %get3A_159 = arith.constant 0 : index
    %get3A_160 = arith.constant 0 : index
    %get3A_161 = vector.load %arg3[%get3A_159, %get3A_160] : memref<1x128xf32, #tpu.memory_space<vmem>>, vector<1x128xf32>
    %add3A_162 = vector.broadcast %get3A_161 : vector<1x128xf32> to vector<128x128xf32>
    %add3A_163 = arith.addf %mul3A_158, %add3A_162 : vector<128x128xf32>
    %swap3A_164 = arith.constant 1408 : index
    %swap3A_165 = arith.constant 0 : index
    %swap3A_166 = vector.load %arg4[%swap3A_164, %swap3A_165] : memref<10000x128xf32, #tpu.memory_space<vmem>>, vector<128x128xf32>
    tpu.vector_store %arg4[%swap3A_164, %swap3A_165], %add3A_163 {strides = array<i32>} : memref<10000x128xf32, #tpu.memory_space<vmem>>, vector<128x128xf32>,
    %slice3A_167 = vector.extract_strided_slice %dot_general3A_12 {offsets = [1536, 0], sizes = [128, 128], strides = [1, 1]} : vector<10000x128xf32> to vector<128x128xf32>
    %slice3A_168 = vector.extract_strided_slice %transpose3A {offsets = [0, 12], sizes = [128, 1], strides = [1, 1]} : vector<128x80xf32> to vector<128x1xf32>
    %mul3A_169 = vector.broadcast %slice3A_168 : vector<128x1xf32> to vector<128x128xf32>
    %mul3A_170 = arith.mulf %slice3A_167, %mul3A_169 : vector<128x128xf32>
    %get3A_171 = arith.constant 0 : index
    %get3A_172 = arith.constant 0 : index
    %get3A_173 = vector.load %arg3[%get3A_171, %get3A_172] : memref<1x128xf32, #tpu.memory_space<vmem>>, vector<1x128xf32>
    %add3A_174 = vector.broadcast %get3A_173 : vector<1x128xf32> to vector<128x128xf32>
    %add3A_175 = arith.addf %mul3A_170, %add3A_174 : vector<128x128xf32>
    %swap3A_176 = arith.constant 1536 : index
    %swap3A_177 = arith.constant 0 : index
    %swap3A_178 = vector.load %arg4[%swap3A_176, %swap3A_177] : memref<10000x128xf32, #tpu.memory_space<vmem>>, vector<128x128xf32>
    tpu.vector_store %arg4[%swap3A_176, %swap3A_177], %add3A_175 {strides = array<i32>} : memref<10000x128xf32, #tpu.memory_space<vmem>>, vector<128x128xf32>,
    %slice3A_179 = vector.extract_strided_slice %dot_general3A_12 {offsets = [1664, 0], sizes = [128, 128], strides = [1, 1]} : vector<10000x128xf32> to vector<128x128xf32>
    %slice3A_180 = vector.extract_strided_slice %transpose3A {offsets = [0, 13], sizes = [128, 1], strides = [1, 1]} : vector<128x80xf32> to vector<128x1xf32>
    %mul3A_181 = vector.broadcast %slice3A_180 : vector<128x1xf32> to vector<128x128xf32>
    %mul3A_182 = arith.mulf %slice3A_179, %mul3A_181 : vector<128x128xf32>
    %get3A_183 = arith.constant 0 : index
    %get3A_184 = arith.constant 0 : index
    %get3A_185 = vector.load %arg3[%get3A_183, %get3A_184] : memref<1x128xf32, #tpu.memory_space<vmem>>, vector<1x128xf32>
    %add3A_186 = vector.broadcast %get3A_185 : vector<1x128xf32> to vector<128x128xf32>
    %add3A_187 = arith.addf %mul3A_182, %add3A_186 : vector<128x128xf32>
    %swap3A_188 = arith.constant 1664 : index
    %swap3A_189 = arith.constant 0 : index
    %swap3A_190 = vector.load %arg4[%swap3A_188, %swap3A_189] : memref<10000x128xf32, #tpu.memory_space<vmem>>, vector<128x128xf32>
    tpu.vector_store %arg4[%swap3A_188, %swap3A_189], %add3A_187 {strides = array<i32>} : memref<10000x128xf32, #tpu.memory_space<vmem>>, vector<128x128xf32>,
    %slice3A_191 = vector.extract_strided_slice %dot_general3A_12 {offsets = [1792, 0], sizes = [128, 128], strides = [1, 1]} : vector<10000x128xf32> to vector<128x128xf32>
    %slice3A_192 = vector.extract_strided_slice %transpose3A {offsets = [0, 14], sizes = [128, 1], strides = [1, 1]} : vector<128x80xf32> to vector<128x1xf32>
    %mul3A_193 = vector.broadcast %slice3A_192 : vector<128x1xf32> to vector<128x128xf32>
    %mul3A_194 = arith.mulf %slice3A_191, %mul3A_193 : vector<128x128xf32>
    %get3A_195 = arith.constant 0 : index
    %get3A_196 = arith.constant 0 : index
    %get3A_197 = vector.load %arg3[%get3A_195, %get3A_196] : memref<1x128xf32, #tpu.memory_space<vmem>>, vector<1x128xf32>
    %add3A_198 = vector.broadcast %get3A_197 : vector<1x128xf32> to vector<128x128xf32>
    %add3A_199 = arith.addf %mul3A_194, %add3A_198 : vector<128x128xf32>
    %swap3A_200 = arith.constant 1792 : index
    %swap3A_201 = arith.constant 0 : index
    %swap3A_202 = vector.load %arg4[%swap3A_200, %swap3A_201] : memref<10000x128xf32, #tpu.memory_space<vmem>>, vector<128x128xf32>
    tpu.vector_store %arg4[%swap3A_200, %swap3A_201], %add3A_199 {strides = array<i32>} : memref<10000x128xf32, #tpu.memory_space<vmem>>, vector<128x128xf32>,
    %slice3A_203 = vector.extract_strided_slice %dot_general3A_12 {offsets = [1920, 0], sizes = [128, 128], strides = [1, 1]} : vector<10000x128xf32> to vector<128x128xf32>
    %slice3A_204 = vector.extract_strided_slice %transpose3A {offsets = [0, 15], sizes = [128, 1], strides = [1, 1]} : vector<128x80xf32> to vector<128x1xf32>
    %mul3A_205 = vector.broadcast %slice3A_204 : vector<128x1xf32> to vector<128x128xf32>
    %mul3A_206 = arith.mulf %slice3A_203, %mul3A_205 : vector<128x128xf32>
    %get3A_207 = arith.constant 0 : index
    %get3A_208 = arith.constant 0 : index
    %get3A_209 = vector.load %arg3[%get3A_207, %get3A_208] : memref<1x128xf32, #tpu.memory_space<vmem>>, vector<1x128xf32>
    %add3A_210 = vector.broadcast %get3A_209 : vector<1x128xf32> to vector<128x128xf32>
    %add3A_211 = arith.addf %mul3A_206, %add3A_210 : vector<128x128xf32>
    %swap3A_212 = arith.constant 1920 : index
    %swap3A_213 = arith.constant 0 : index
    %swap3A_214 = vector.load %arg4[%swap3A_212, %swap3A_213] : memref<10000x128xf32, #tpu.memory_space<vmem>>, vector<128x128xf32>
    tpu.vector_store %arg4[%swap3A_212, %swap3A_213], %add3A_211 {strides = array<i32>} : memref<10000x128xf32, #tpu.memory_space<vmem>>, vector<128x128xf32>,
    %slice3A_215 = vector.extract_strided_slice %dot_general3A_12 {offsets = [2048, 0], sizes = [128, 128], strides = [1, 1]} : vector<10000x128xf32> to vector<128x128xf32>
    %slice3A_216 = vector.extract_strided_slice %transpose3A {offsets = [0, 16], sizes = [128, 1], strides = [1, 1]} : vector<128x80xf32> to vector<128x1xf32>
    %mul3A_217 = vector.broadcast %slice3A_216 : vector<128x1xf32> to vector<128x128xf32>
    %mul3A_218 = arith.mulf %slice3A_215, %mul3A_217 : vector<128x128xf32>
    %get3A_219 = arith.constant 0 : index
    %get3A_220 = arith.constant 0 : index
    %get3A_221 = vector.load %arg3[%get3A_219, %get3A_220] : memref<1x128xf32, #tpu.memory_space<vmem>>, vector<1x128xf32>
    %add3A_222 = vector.broadcast %get3A_221 : vector<1x128xf32> to vector<128x128xf32>
    %add3A_223 = arith.addf %mul3A_218, %add3A_222 : vector<128x128xf32>
    %swap3A_224 = arith.constant 2048 : index
    %swap3A_225 = arith.constant 0 : index
    %swap3A_226 = vector.load %arg4[%swap3A_224, %swap3A_225] : memref<10000x128xf32, #tpu.memory_space<vmem>>, vector<128x128xf32>
    tpu.vector_store %arg4[%swap3A_224, %swap3A_225], %add3A_223 {strides = array<i32>} : memref<10000x128xf32, #tpu.memory_space<vmem>>, vector<128x128xf32>,
    %slice3A_227 = vector.extract_strided_slice %dot_general3A_12 {offsets = [2176, 0], sizes = [128, 128], strides = [1, 1]} : vector<10000x128xf32> to vector<128x128xf32>
    %slice3A_228 = vector.extract_strided_slice %transpose3A {offsets = [0, 17], sizes = [128, 1], strides = [1, 1]} : vector<128x80xf32> to vector<128x1xf32>
    %mul3A_229 = vector.broadcast %slice3A_228 : vector<128x1xf32> to vector<128x128xf32>
    %mul3A_230 = arith.mulf %slice3A_227, %mul3A_229 : vector<128x128xf32>
    %get3A_231 = arith.constant 0 : index
    %get3A_232 = arith.constant 0 : index
    %get3A_233 = vector.load %arg3[%get3A_231, %get3A_232] : memref<1x128xf32, #tpu.memory_space<vmem>>, vector<1x128xf32>
    %add3A_234 = vector.broadcast %get3A_233 : vector<1x128xf32> to vector<128x128xf32>
    %add3A_235 = arith.addf %mul3A_230, %add3A_234 : vector<128x128xf32>
    %swap3A_236 = arith.constant 2176 : index
    %swap3A_237 = arith.constant 0 : index
    %swap3A_238 = vector.load %arg4[%swap3A_236, %swap3A_237] : memref<10000x128xf32, #tpu.memory_space<vmem>>, vector<128x128xf32>
    tpu.vector_store %arg4[%swap3A_236, %swap3A_237], %add3A_235 {strides = array<i32>} : memref<10000x128xf32, #tpu.memory_space<vmem>>, vector<128x128xf32>,
    %slice3A_239 = vector.extract_strided_slice %dot_general3A_12 {offsets = [2304, 0], sizes = [128, 128], strides = [1, 1]} : vector<10000x128xf32> to vector<128x128xf32>
    %slice3A_240 = vector.extract_strided_slice %transpose3A {offsets = [0, 18], sizes = [128, 1], strides = [1, 1]} : vector<128x80xf32> to vector<128x1xf32>
    %mul3A_241 = vector.broadcast %slice3A_240 : vector<128x1xf32> to vector<128x128xf32>
    %mul3A_242 = arith.mulf %slice3A_239, %mul3A_241 : vector<128x128xf32>
    %get3A_243 = arith.constant 0 : index
    %get3A_244 = arith.constant 0 : index
    %get3A_245 = vector.load %arg3[%get3A_243, %get3A_244] : memref<1x128xf32, #tpu.memory_space<vmem>>, vector<1x128xf32>
    %add3A_246 = vector.broadcast %get3A_245 : vector<1x128xf32> to vector<128x128xf32>
    %add3A_247 = arith.addf %mul3A_242, %add3A_246 : vector<128x128xf32>
    %swap3A_248 = arith.constant 2304 : index
    %swap3A_249 = arith.constant 0 : index
    %swap3A_250 = vector.load %arg4[%swap3A_248, %swap3A_249] : memref<10000x128xf32, #tpu.memory_space<vmem>>, vector<128x128xf32>
    tpu.vector_store %arg4[%swap3A_248, %swap3A_249], %add3A_247 {strides = array<i32>} : memref<10000x128xf32, #tpu.memory_space<vmem>>, vector<128x128xf32>,
    %slice3A_251 = vector.extract_strided_slice %dot_general3A_12 {offsets = [2432, 0], sizes = [128, 128], strides = [1, 1]} : vector<10000x128xf32> to vector<128x128xf32>
    %slice3A_252 = vector.extract_strided_slice %transpose3A {offsets = [0, 19], sizes = [128, 1], strides = [1, 1]} : vector<128x80xf32> to vector<128x1xf32>
    %mul3A_253 = vector.broadcast %slice3A_252 : vector<128x1xf32> to vector<128x128xf32>
    %mul3A_254 = arith.mulf %slice3A_251, %mul3A_253 : vector<128x128xf32>
    %get3A_255 = arith.constant 0 : index
    %get3A_256 = arith.constant 0 : index
    %get3A_257 = vector.load %arg3[%get3A_255, %get3A_256] : memref<1x128xf32, #tpu.memory_space<vmem>>, vector<1x128xf32>
    %add3A_258 = vector.broadcast %get3A_257 : vector<1x128xf32> to vector<128x128xf32>
    %add3A_259 = arith.addf %mul3A_254, %add3A_258 : vector<128x128xf32>
    %swap3A_260 = arith.constant 2432 : index
    %swap3A_261 = arith.constant 0 : index
    %swap3A_262 = vector.load %arg4[%swap3A_260, %swap3A_261] : memref<10000x128xf32, #tpu.memory_space<vmem>>, vector<128x128xf32>
    tpu.vector_store %arg4[%swap3A_260, %swap3A_261], %add3A_259 {strides = array<i32>} : memref<10000x128xf32, #tpu.memory_space<vmem>>, vector<128x128xf32>,
    %slice3A_263 = vector.extract_strided_slice %dot_general3A_12 {offsets = [2560, 0], sizes = [128, 128], strides = [1, 1]} : vector<10000x128xf32> to vector<128x128xf32>
    %slice3A_264 = vector.extract_strided_slice %transpose3A {offsets = [0, 20], sizes = [128, 1], strides = [1, 1]} : vector<128x80xf32> to vector<128x1xf32>
    %mul3A_265 = vector.broadcast %slice3A_264 : vector<128x1xf32> to vector<128x128xf32>
    %mul3A_266 = arith.mulf %slice3A_263, %mul3A_265 : vector<128x128xf32>
    %get3A_267 = arith.constant 0 : index
    %get3A_268 = arith.constant 0 : index
    %get3A_269 = vector.load %arg3[%get3A_267, %get3A_268] : memref<1x128xf32, #tpu.memory_space<vmem>>, vector<1x128xf32>
    %add3A_270 = vector.broadcast %get3A_269 : vector<1x128xf32> to vector<128x128xf32>
    %add3A_271 = arith.addf %mul3A_266, %add3A_270 : vector<128x128xf32>
    %swap3A_272 = arith.constant 2560 : index
    %swap3A_273 = arith.constant 0 : index
    %swap3A_274 = vector.load %arg4[%swap3A_272, %swap3A_273] : memref<10000x128xf32, #tpu.memory_space<vmem>>, vector<128x128xf32>
    tpu.vector_store %arg4[%swap3A_272, %swap3A_273], %add3A_271 {strides = array<i32>} : memref<10000x128xf32, #tpu.memory_space<vmem>>, vector<128x128xf32>,
    %slice3A_275 = vector.extract_strided_slice %dot_general3A_12 {offsets = [2688, 0], sizes = [128, 128], strides = [1, 1]} : vector<10000x128xf32> to vector<128x128xf32>
    %slice3A_276 = vector.extract_strided_slice %transpose3A {offsets = [0, 21], sizes = [128, 1], strides = [1, 1]} : vector<128x80xf32> to vector<128x1xf32>
    %mul3A_277 = vector.broadcast %slice3A_276 : vector<128x1xf32> to vector<128x128xf32>
    %mul3A_278 = arith.mulf %slice3A_275, %mul3A_277 : vector<128x128xf32>
    %get3A_279 = arith.constant 0 : index
    %get3A_280 = arith.constant 0 : index
    %get3A_281 = vector.load %arg3[%get3A_279, %get3A_280] : memref<1x128xf32, #tpu.memory_space<vmem>>, vector<1x128xf32>
    %add3A_282 = vector.broadcast %get3A_281 : vector<1x128xf32> to vector<128x128xf32>
    %add3A_283 = arith.addf %mul3A_278, %add3A_282 : vector<128x128xf32>
    %swap3A_284 = arith.constant 2688 : index
    %swap3A_285 = arith.constant 0 : index
    %swap3A_286 = vector.load %arg4[%swap3A_284, %swap3A_285] : memref<10000x128xf32, #tpu.memory_space<vmem>>, vector<128x128xf32>
    tpu.vector_store %arg4[%swap3A_284, %swap3A_285], %add3A_283 {strides = array<i32>} : memref<10000x128xf32, #tpu.memory_space<vmem>>, vector<128x128xf32>,
    %slice3A_287 = vector.extract_strided_slice %dot_general3A_12 {offsets = [2816, 0], sizes = [128, 128], strides = [1, 1]} : vector<10000x128xf32> to vector<128x128xf32>
    %slice3A_288 = vector.extract_strided_slice %transpose3A {offsets = [0, 22], sizes = [128, 1], strides = [1, 1]} : vector<128x80xf32> to vector<128x1xf32>
    %mul3A_289 = vector.broadcast %slice3A_288 : vector<128x1xf32> to vector<128x128xf32>
    %mul3A_290 = arith.mulf %slice3A_287, %mul3A_289 : vector<128x128xf32>
    %get3A_291 = arith.constant 0 : index
    %get3A_292 = arith.constant 0 : index
    %get3A_293 = vector.load %arg3[%get3A_291, %get3A_292] : memref<1x128xf32, #tpu.memory_space<vmem>>, vector<1x128xf32>
    %add3A_294 = vector.broadcast %get3A_293 : vector<1x128xf32> to vector<128x128xf32>
    %add3A_295 = arith.addf %mul3A_290, %add3A_294 : vector<128x128xf32>
    %swap3A_296 = arith.constant 2816 : index
    %swap3A_297 = arith.constant 0 : index
    %swap3A_298 = vector.load %arg4[%swap3A_296, %swap3A_297] : memref<10000x128xf32, #tpu.memory_space<vmem>>, vector<128x128xf32>
    tpu.vector_store %arg4[%swap3A_296, %swap3A_297], %add3A_295 {strides = array<i32>} : memref<10000x128xf32, #tpu.memory_space<vmem>>, vector<128x128xf32>,
    %slice3A_299 = vector.extract_strided_slice %dot_general3A_12 {offsets = [2944, 0], sizes = [128, 128], strides = [1, 1]} : vector<10000x128xf32> to vector<128x128xf32>
    %slice3A_300 = vector.extract_strided_slice %transpose3A {offsets = [0, 23], sizes = [128, 1], strides = [1, 1]} : vector<128x80xf32> to vector<128x1xf32>
    %mul3A_301 = vector.broadcast %slice3A_300 : vector<128x1xf32> to vector<128x128xf32>
    %mul3A_302 = arith.mulf %slice3A_299, %mul3A_301 : vector<128x128xf32>
    %get3A_303 = arith.constant 0 : index
    %get3A_304 = arith.constant 0 : index
    %get3A_305 = vector.load %arg3[%get3A_303, %get3A_304] : memref<1x128xf32, #tpu.memory_space<vmem>>, vector<1x128xf32>
    %add3A_306 = vector.broadcast %get3A_305 : vector<1x128xf32> to vector<128x128xf32>
    %add3A_307 = arith.addf %mul3A_302, %add3A_306 : vector<128x128xf32>
    %swap3A_308 = arith.constant 2944 : index
    %swap3A_309 = arith.constant 0 : index
    %swap3A_310 = vector.load %arg4[%swap3A_308, %swap3A_309] : memref<10000x128xf32, #tpu.memory_space<vmem>>, vector<128x128xf32>
    tpu.vector_store %arg4[%swap3A_308, %swap3A_309], %add3A_307 {strides = array<i32>} : memref<10000x128xf32, #tpu.memory_space<vmem>>, vector<128x128xf32>,
    %slice3A_311 = vector.extract_strided_slice %dot_general3A_12 {offsets = [3072, 0], sizes = [128, 128], strides = [1, 1]} : vector<10000x128xf32> to vector<128x128xf32>
    %slice3A_312 = vector.extract_strided_slice %transpose3A {offsets = [0, 24], sizes = [128, 1], strides = [1, 1]} : vector<128x80xf32> to vector<128x1xf32>
    %mul3A_313 = vector.broadcast %slice3A_312 : vector<128x1xf32> to vector<128x128xf32>
    %mul3A_314 = arith.mulf %slice3A_311, %mul3A_313 : vector<128x128xf32>
    %get3A_315 = arith.constant 0 : index
    %get3A_316 = arith.constant 0 : index
    %get3A_317 = vector.load %arg3[%get3A_315, %get3A_316] : memref<1x128xf32, #tpu.memory_space<vmem>>, vector<1x128xf32>
    %add3A_318 = vector.broadcast %get3A_317 : vector<1x128xf32> to vector<128x128xf32>
    %add3A_319 = arith.addf %mul3A_314, %add3A_318 : vector<128x128xf32>
    %swap3A_320 = arith.constant 3072 : index
    %swap3A_321 = arith.constant 0 : index
    %swap3A_322 = vector.load %arg4[%swap3A_320, %swap3A_321] : memref<10000x128xf32, #tpu.memory_space<vmem>>, vector<128x128xf32>
    tpu.vector_store %arg4[%swap3A_320, %swap3A_321], %add3A_319 {strides = array<i32>} : memref<10000x128xf32, #tpu.memory_space<vmem>>, vector<128x128xf32>,
    %slice3A_323 = vector.extract_strided_slice %dot_general3A_12 {offsets = [3200, 0], sizes = [128, 128], strides = [1, 1]} : vector<10000x128xf32> to vector<128x128xf32>
    %slice3A_324 = vector.extract_strided_slice %transpose3A {offsets = [0, 25], sizes = [128, 1], strides = [1, 1]} : vector<128x80xf32> to vector<128x1xf32>
    %mul3A_325 = vector.broadcast %slice3A_324 : vector<128x1xf32> to vector<128x128xf32>
    %mul3A_326 = arith.mulf %slice3A_323, %mul3A_325 : vector<128x128xf32>
    %get3A_327 = arith.constant 0 : index
    %get3A_328 = arith.constant 0 : index
    %get3A_329 = vector.load %arg3[%get3A_327, %get3A_328] : memref<1x128xf32, #tpu.memory_space<vmem>>, vector<1x128xf32>
    %add3A_330 = vector.broadcast %get3A_329 : vector<1x128xf32> to vector<128x128xf32>
    %add3A_331 = arith.addf %mul3A_326, %add3A_330 : vector<128x128xf32>
    %swap3A_332 = arith.constant 3200 : index
    %swap3A_333 = arith.constant 0 : index
    %swap3A_334 = vector.load %arg4[%swap3A_332, %swap3A_333] : memref<10000x128xf32, #tpu.memory_space<vmem>>, vector<128x128xf32>
    tpu.vector_store %arg4[%swap3A_332, %swap3A_333], %add3A_331 {strides = array<i32>} : memref<10000x128xf32, #tpu.memory_space<vmem>>, vector<128x128xf32>,
    %slice3A_335 = vector.extract_strided_slice %dot_general3A_12 {offsets = [3328, 0], sizes = [128, 128], strides = [1, 1]} : vector<10000x128xf32> to vector<128x128xf32>
    %slice3A_336 = vector.extract_strided_slice %transpose3A {offsets = [0, 26], sizes = [128, 1], strides = [1, 1]} : vector<128x80xf32> to vector<128x1xf32>
    %mul3A_337 = vector.broadcast %slice3A_336 : vector<128x1xf32> to vector<128x128xf32>
    %mul3A_338 = arith.mulf %slice3A_335, %mul3A_337 : vector<128x128xf32>
    %get3A_339 = arith.constant 0 : index
    %get3A_340 = arith.constant 0 : index
    %get3A_341 = vector.load %arg3[%get3A_339, %get3A_340] : memref<1x128xf32, #tpu.memory_space<vmem>>, vector<1x128xf32>
    %add3A_342 = vector.broadcast %get3A_341 : vector<1x128xf32> to vector<128x128xf32>
    %add3A_343 = arith.addf %mul3A_338, %add3A_342 : vector<128x128xf32>
    %swap3A_344 = arith.constant 3328 : index
    %swap3A_345 = arith.constant 0 : index
    %swap3A_346 = vector.load %arg4[%swap3A_344, %swap3A_345] : memref<10000x128xf32, #tpu.memory_space<vmem>>, vector<128x128xf32>
    tpu.vector_store %arg4[%swap3A_344, %swap3A_345], %add3A_343 {strides = array<i32>} : memref<10000x128xf32, #tpu.memory_space<vmem>>, vector<128x128xf32>,
    %slice3A_347 = vector.extract_strided_slice %dot_general3A_12 {offsets = [3456, 0], sizes = [128, 128], strides = [1, 1]} : vector<10000x128xf32> to vector<128x128xf32>
    %slice3A_348 = vector.extract_strided_slice %transpose3A {offsets = [0, 27], sizes = [128, 1], strides = [1, 1]} : vector<128x80xf32> to vector<128x1xf32>
    %mul3A_349 = vector.broadcast %slice3A_348 : vector<128x1xf32> to vector<128x128xf32>
    %mul3A_350 = arith.mulf %slice3A_347, %mul3A_349 : vector<128x128xf32>
    %get3A_351 = arith.constant 0 : index
    %get3A_352 = arith.constant 0 : index
    %get3A_353 = vector.load %arg3[%get3A_351, %get3A_352] : memref<1x128xf32, #tpu.memory_space<vmem>>, vector<1x128xf32>
    %add3A_354 = vector.broadcast %get3A_353 : vector<1x128xf32> to vector<128x128xf32>
    %add3A_355 = arith.addf %mul3A_350, %add3A_354 : vector<128x128xf32>
    %swap3A_356 = arith.constant 3456 : index
    %swap3A_357 = arith.constant 0 : index
    %swap3A_358 = vector.load %arg4[%swap3A_356, %swap3A_357] : memref<10000x128xf32, #tpu.memory_space<vmem>>, vector<128x128xf32>
    tpu.vector_store %arg4[%swap3A_356, %swap3A_357], %add3A_355 {strides = array<i32>} : memref<10000x128xf32, #tpu.memory_space<vmem>>, vector<128x128xf32>,
    %slice3A_359 = vector.extract_strided_slice %dot_general3A_12 {offsets = [3584, 0], sizes = [128, 128], strides = [1, 1]} : vector<10000x128xf32> to vector<128x128xf32>
    %slice3A_360 = vector.extract_strided_slice %transpose3A {offsets = [0, 28], sizes = [128, 1], strides = [1, 1]} : vector<128x80xf32> to vector<128x1xf32>
    %mul3A_361 = vector.broadcast %slice3A_360 : vector<128x1xf32> to vector<128x128xf32>
    %mul3A_362 = arith.mulf %slice3A_359, %mul3A_361 : vector<128x128xf32>
    %get3A_363 = arith.constant 0 : index
    %get3A_364 = arith.constant 0 : index
    %get3A_365 = vector.load %arg3[%get3A_363, %get3A_364] : memref<1x128xf32, #tpu.memory_space<vmem>>, vector<1x128xf32>
    %add3A_366 = vector.broadcast %get3A_365 : vector<1x128xf32> to vector<128x128xf32>
    %add3A_367 = arith.addf %mul3A_362, %add3A_366 : vector<128x128xf32>
    %swap3A_368 = arith.constant 3584 : index
    %swap3A_369 = arith.constant 0 : index
    %swap3A_370 = vector.load %arg4[%swap3A_368, %swap3A_369] : memref<10000x128xf32, #tpu.memory_space<vmem>>, vector<128x128xf32>
    tpu.vector_store %arg4[%swap3A_368, %swap3A_369], %add3A_367 {strides = array<i32>} : memref<10000x128xf32, #tpu.memory_space<vmem>>, vector<128x128xf32>,
    %slice3A_371 = vector.extract_strided_slice %dot_general3A_12 {offsets = [3712, 0], sizes = [128, 128], strides = [1, 1]} : vector<10000x128xf32> to vector<128x128xf32>
    %slice3A_372 = vector.extract_strided_slice %transpose3A {offsets = [0, 29], sizes = [128, 1], strides = [1, 1]} : vector<128x80xf32> to vector<128x1xf32>
    %mul3A_373 = vector.broadcast %slice3A_372 : vector<128x1xf32> to vector<128x128xf32>
    %mul3A_374 = arith.mulf %slice3A_371, %mul3A_373 : vector<128x128xf32>
    %get3A_375 = arith.constant 0 : index
    %get3A_376 = arith.constant 0 : index
    %get3A_377 = vector.load %arg3[%get3A_375, %get3A_376] : memref<1x128xf32, #tpu.memory_space<vmem>>, vector<1x128xf32>
    %add3A_378 = vector.broadcast %get3A_377 : vector<1x128xf32> to vector<128x128xf32>
    %add3A_379 = arith.addf %mul3A_374, %add3A_378 : vector<128x128xf32>
    %swap3A_380 = arith.constant 3712 : index
    %swap3A_381 = arith.constant 0 : index
    %swap3A_382 = vector.load %arg4[%swap3A_380, %swap3A_381] : memref<10000x128xf32, #tpu.memory_space<vmem>>, vector<128x128xf32>
    tpu.vector_store %arg4[%swap3A_380, %swap3A_381], %add3A_379 {strides = array<i32>} : memref<10000x128xf32, #tpu.memory_space<vmem>>, vector<128x128xf32>,
    %slice3A_383 = vector.extract_strided_slice %dot_general3A_12 {offsets = [3840, 0], sizes = [128, 128], strides = [1, 1]} : vector<10000x128xf32> to vector<128x128xf32>
    %slice3A_384 = vector.extract_strided_slice %transpose3A {offsets = [0, 30], sizes = [128, 1], strides = [1, 1]} : vector<128x80xf32> to vector<128x1xf32>
    %mul3A_385 = vector.broadcast %slice3A_384 : vector<128x1xf32> to vector<128x128xf32>
    %mul3A_386 = arith.mulf %slice3A_383, %mul3A_385 : vector<128x128xf32>
    %get3A_387 = arith.constant 0 : index
    %get3A_388 = arith.constant 0 : index
    %get3A_389 = vector.load %arg3[%get3A_387, %get3A_388] : memref<1x128xf32, #tpu.memory_space<vmem>>, vector<1x128xf32>
    %add3A_390 = vector.broadcast %get3A_389 : vector<1x128xf32> to vector<128x128xf32>
    %add3A_391 = arith.addf %mul3A_386, %add3A_390 : vector<128x128xf32>
    %swap3A_392 = arith.constant 3840 : index
    %swap3A_393 = arith.constant 0 : index
    %swap3A_394 = vector.load %arg4[%swap3A_392, %swap3A_393] : memref<10000x128xf32, #tpu.memory_space<vmem>>, vector<128x128xf32>
    tpu.vector_store %arg4[%swap3A_392, %swap3A_393], %add3A_391 {strides = array<i32>} : memref<10000x128xf32, #tpu.memory_space<vmem>>, vector<128x128xf32>,
    %slice3A_395 = vector.extract_strided_slice %dot_general3A_12 {offsets = [3968, 0], sizes = [128, 128], strides = [1, 1]} : vector<10000x128xf32> to vector<128x128xf32>
    %slice3A_396 = vector.extract_strided_slice %transpose3A {offsets = [0, 31], sizes = [128, 1], strides = [1, 1]} : vector<128x80xf32> to vector<128x1xf32>
    %mul3A_397 = vector.broadcast %slice3A_396 : vector<128x1xf32> to vector<128x128xf32>
    %mul3A_398 = arith.mulf %slice3A_395, %mul3A_397 : vector<128x128xf32>
    %get3A_399 = arith.constant 0 : index
    %get3A_400 = arith.constant 0 : index
    %get3A_401 = vector.load %arg3[%get3A_399, %get3A_400] : memref<1x128xf32, #tpu.memory_space<vmem>>, vector<1x128xf32>
    %add3A_402 = vector.broadcast %get3A_401 : vector<1x128xf32> to vector<128x128xf32>
    %add3A_403 = arith.addf %mul3A_398, %add3A_402 : vector<128x128xf32>
    %swap3A_404 = arith.constant 3968 : index
    %swap3A_405 = arith.constant 0 : index
    %swap3A_406 = vector.load %arg4[%swap3A_404, %swap3A_405] : memref<10000x128xf32, #tpu.memory_space<vmem>>, vector<128x128xf32>
    tpu.vector_store %arg4[%swap3A_404, %swap3A_405], %add3A_403 {strides = array<i32>} : memref<10000x128xf32, #tpu.memory_space<vmem>>, vector<128x128xf32>,
    %slice3A_407 = vector.extract_strided_slice %dot_general3A_12 {offsets = [4096, 0], sizes = [128, 128], strides = [1, 1]} : vector<10000x128xf32> to vector<128x128xf32>
    %slice3A_408 = vector.extract_strided_slice %transpose3A {offsets = [0, 32], sizes = [128, 1], strides = [1, 1]} : vector<128x80xf32> to vector<128x1xf32>
    %mul3A_409 = vector.broadcast %slice3A_408 : vector<128x1xf32> to vector<128x128xf32>
    %mul3A_410 = arith.mulf %slice3A_407, %mul3A_409 : vector<128x128xf32>
    %get3A_411 = arith.constant 0 : index
    %get3A_412 = arith.constant 0 : index
    %get3A_413 = vector.load %arg3[%get3A_411, %get3A_412] : memref<1x128xf32, #tpu.memory_space<vmem>>, vector<1x128xf32>
    %add3A_414 = vector.broadcast %get3A_413 : vector<1x128xf32> to vector<128x128xf32>
    %add3A_415 = arith.addf %mul3A_410, %add3A_414 : vector<128x128xf32>
    %swap3A_416 = arith.constant 4096 : index
    %swap3A_417 = arith.constant 0 : index
    %swap3A_418 = vector.load %arg4[%swap3A_416, %swap3A_417] : memref<10000x128xf32, #tpu.memory_space<vmem>>, vector<128x128xf32>
    tpu.vector_store %arg4[%swap3A_416, %swap3A_417], %add3A_415 {strides = array<i32>} : memref<10000x128xf32, #tpu.memory_space<vmem>>, vector<128x128xf32>,
    %slice3A_419 = vector.extract_strided_slice %dot_general3A_12 {offsets = [4224, 0], sizes = [128, 128], strides = [1, 1]} : vector<10000x128xf32> to vector<128x128xf32>
    %slice3A_420 = vector.extract_strided_slice %transpose3A {offsets = [0, 33], sizes = [128, 1], strides = [1, 1]} : vector<128x80xf32> to vector<128x1xf32>
    %mul3A_421 = vector.broadcast %slice3A_420 : vector<128x1xf32> to vector<128x128xf32>
    %mul3A_422 = arith.mulf %slice3A_419, %mul3A_421 : vector<128x128xf32>
    %get3A_423 = arith.constant 0 : index
    %get3A_424 = arith.constant 0 : index
    %get3A_425 = vector.load %arg3[%get3A_423, %get3A_424] : memref<1x128xf32, #tpu.memory_space<vmem>>, vector<1x128xf32>
    %add3A_426 = vector.broadcast %get3A_425 : vector<1x128xf32> to vector<128x128xf32>
    %add3A_427 = arith.addf %mul3A_422, %add3A_426 : vector<128x128xf32>
    %swap3A_428 = arith.constant 4224 : index
    %swap3A_429 = arith.constant 0 : index
    %swap3A_430 = vector.load %arg4[%swap3A_428, %swap3A_429] : memref<10000x128xf32, #tpu.memory_space<vmem>>, vector<128x128xf32>
    tpu.vector_store %arg4[%swap3A_428, %swap3A_429], %add3A_427 {strides = array<i32>} : memref<10000x128xf32, #tpu.memory_space<vmem>>, vector<128x128xf32>,
    %slice3A_431 = vector.extract_strided_slice %dot_general3A_12 {offsets = [4352, 0], sizes = [128, 128], strides = [1, 1]} : vector<10000x128xf32> to vector<128x128xf32>
    %slice3A_432 = vector.extract_strided_slice %transpose3A {offsets = [0, 34], sizes = [128, 1], strides = [1, 1]} : vector<128x80xf32> to vector<128x1xf32>
    %mul3A_433 = vector.broadcast %slice3A_432 : vector<128x1xf32> to vector<128x128xf32>
    %mul3A_434 = arith.mulf %slice3A_431, %mul3A_433 : vector<128x128xf32>
    %get3A_435 = arith.constant 0 : index
    %get3A_436 = arith.constant 0 : index
    %get3A_437 = vector.load %arg3[%get3A_435, %get3A_436] : memref<1x128xf32, #tpu.memory_space<vmem>>, vector<1x128xf32>
    %add3A_438 = vector.broadcast %get3A_437 : vector<1x128xf32> to vector<128x128xf32>
    %add3A_439 = arith.addf %mul3A_434, %add3A_438 : vector<128x128xf32>
    %swap3A_440 = arith.constant 4352 : index
    %swap3A_441 = arith.constant 0 : index
    %swap3A_442 = vector.load %arg4[%swap3A_440, %swap3A_441] : memref<10000x128xf32, #tpu.memory_space<vmem>>, vector<128x128xf32>
    tpu.vector_store %arg4[%swap3A_440, %swap3A_441], %add3A_439 {strides = array<i32>} : memref<10000x128xf32, #tpu.memory_space<vmem>>, vector<128x128xf32>,
    %slice3A_443 = vector.extract_strided_slice %dot_general3A_12 {offsets = [4480, 0], sizes = [128, 128], strides = [1, 1]} : vector<10000x128xf32> to vector<128x128xf32>
    %slice3A_444 = vector.extract_strided_slice %transpose3A {offsets = [0, 35], sizes = [128, 1], strides = [1, 1]} : vector<128x80xf32> to vector<128x1xf32>
    %mul3A_445 = vector.broadcast %slice3A_444 : vector<128x1xf32> to vector<128x128xf32>
    %mul3A_446 = arith.mulf %slice3A_443, %mul3A_445 : vector<128x128xf32>
    %get3A_447 = arith.constant 0 : index
    %get3A_448 = arith.constant 0 : index
    %get3A_449 = vector.load %arg3[%get3A_447, %get3A_448] : memref<1x128xf32, #tpu.memory_space<vmem>>, vector<1x128xf32>
    %add3A_450 = vector.broadcast %get3A_449 : vector<1x128xf32> to vector<128x128xf32>
    %add3A_451 = arith.addf %mul3A_446, %add3A_450 : vector<128x128xf32>
    %swap3A_452 = arith.constant 4480 : index
    %swap3A_453 = arith.constant 0 : index
    %swap3A_454 = vector.load %arg4[%swap3A_452, %swap3A_453] : memref<10000x128xf32, #tpu.memory_space<vmem>>, vector<128x128xf32>
    tpu.vector_store %arg4[%swap3A_452, %swap3A_453], %add3A_451 {strides = array<i32>} : memref<10000x128xf32, #tpu.memory_space<vmem>>, vector<128x128xf32>,
    %slice3A_455 = vector.extract_strided_slice %dot_general3A_12 {offsets = [4608, 0], sizes = [128, 128], strides = [1, 1]} : vector<10000x128xf32> to vector<128x128xf32>
    %slice3A_456 = vector.extract_strided_slice %transpose3A {offsets = [0, 36], sizes = [128, 1], strides = [1, 1]} : vector<128x80xf32> to vector<128x1xf32>
    %mul3A_457 = vector.broadcast %slice3A_456 : vector<128x1xf32> to vector<128x128xf32>
    %mul3A_458 = arith.mulf %slice3A_455, %mul3A_457 : vector<128x128xf32>
    %get3A_459 = arith.constant 0 : index
    %get3A_460 = arith.constant 0 : index
    %get3A_461 = vector.load %arg3[%get3A_459, %get3A_460] : memref<1x128xf32, #tpu.memory_space<vmem>>, vector<1x128xf32>
    %add3A_462 = vector.broadcast %get3A_461 : vector<1x128xf32> to vector<128x128xf32>
    %add3A_463 = arith.addf %mul3A_458, %add3A_462 : vector<128x128xf32>
    %swap3A_464 = arith.constant 4608 : index
    %swap3A_465 = arith.constant 0 : index
    %swap3A_466 = vector.load %arg4[%swap3A_464, %swap3A_465] : memref<10000x128xf32, #tpu.memory_space<vmem>>, vector<128x128xf32>
    tpu.vector_store %arg4[%swap3A_464, %swap3A_465], %add3A_463 {strides = array<i32>} : memref<10000x128xf32, #tpu.memory_space<vmem>>, vector<128x128xf32>,
    %slice3A_467 = vector.extract_strided_slice %dot_general3A_12 {offsets = [4736, 0], sizes = [128, 128], strides = [1, 1]} : vector<10000x128xf32> to vector<128x128xf32>
    %slice3A_468 = vector.extract_strided_slice %transpose3A {offsets = [0, 37], sizes = [128, 1], strides = [1, 1]} : vector<128x80xf32> to vector<128x1xf32>
    %mul3A_469 = vector.broadcast %slice3A_468 : vector<128x1xf32> to vector<128x128xf32>
    %mul3A_470 = arith.mulf %slice3A_467, %mul3A_469 : vector<128x128xf32>
    %get3A_471 = arith.constant 0 : index
    %get3A_472 = arith.constant 0 : index
    %get3A_473 = vector.load %arg3[%get3A_471, %get3A_472] : memref<1x128xf32, #tpu.memory_space<vmem>>, vector<1x128xf32>
    %add3A_474 = vector.broadcast %get3A_473 : vector<1x128xf32> to vector<128x128xf32>
    %add3A_475 = arith.addf %mul3A_470, %add3A_474 : vector<128x128xf32>
    %swap3A_476 = arith.constant 4736 : index
    %swap3A_477 = arith.constant 0 : index
    %swap3A_478 = vector.load %arg4[%swap3A_476, %swap3A_477] : memref<10000x128xf32, #tpu.memory_space<vmem>>, vector<128x128xf32>
    tpu.vector_store %arg4[%swap3A_476, %swap3A_477], %add3A_475 {strides = array<i32>} : memref<10000x128xf32, #tpu.memory_space<vmem>>, vector<128x128xf32>,
    %slice3A_479 = vector.extract_strided_slice %dot_general3A_12 {offsets = [4864, 0], sizes = [128, 128], strides = [1, 1]} : vector<10000x128xf32> to vector<128x128xf32>
    %slice3A_480 = vector.extract_strided_slice %transpose3A {offsets = [0, 38], sizes = [128, 1], strides = [1, 1]} : vector<128x80xf32> to vector<128x1xf32>
    %mul3A_481 = vector.broadcast %slice3A_480 : vector<128x1xf32> to vector<128x128xf32>
    %mul3A_482 = arith.mulf %slice3A_479, %mul3A_481 : vector<128x128xf32>
    %get3A_483 = arith.constant 0 : index
    %get3A_484 = arith.constant 0 : index
    %get3A_485 = vector.load %arg3[%get3A_483, %get3A_484] : memref<1x128xf32, #tpu.memory_space<vmem>>, vector<1x128xf32>
    %add3A_486 = vector.broadcast %get3A_485 : vector<1x128xf32> to vector<128x128xf32>
    %add3A_487 = arith.addf %mul3A_482, %add3A_486 : vector<128x128xf32>
    %swap3A_488 = arith.constant 4864 : index
    %swap3A_489 = arith.constant 0 : index
    %swap3A_490 = vector.load %arg4[%swap3A_488, %swap3A_489] : memref<10000x128xf32, #tpu.memory_space<vmem>>, vector<128x128xf32>
    tpu.vector_store %arg4[%swap3A_488, %swap3A_489], %add3A_487 {strides = array<i32>} : memref<10000x128xf32, #tpu.memory_space<vmem>>, vector<128x128xf32>,
    %slice3A_491 = vector.extract_strided_slice %dot_general3A_12 {offsets = [4992, 0], sizes = [128, 128], strides = [1, 1]} : vector<10000x128xf32> to vector<128x128xf32>
    %slice3A_492 = vector.extract_strided_slice %transpose3A {offsets = [0, 39], sizes = [128, 1], strides = [1, 1]} : vector<128x80xf32> to vector<128x1xf32>
    %mul3A_493 = vector.broadcast %slice3A_492 : vector<128x1xf32> to vector<128x128xf32>
    %mul3A_494 = arith.mulf %slice3A_491, %mul3A_493 : vector<128x128xf32>
    %get3A_495 = arith.constant 0 : index
    %get3A_496 = arith.constant 0 : index
    %get3A_497 = vector.load %arg3[%get3A_495, %get3A_496] : memref<1x128xf32, #tpu.memory_space<vmem>>, vector<1x128xf32>
    %add3A_498 = vector.broadcast %get3A_497 : vector<1x128xf32> to vector<128x128xf32>
    %add3A_499 = arith.addf %mul3A_494, %add3A_498 : vector<128x128xf32>
    %swap3A_500 = arith.constant 4992 : index
    %swap3A_501 = arith.constant 0 : index
    %swap3A_502 = vector.load %arg4[%swap3A_500, %swap3A_501] : memref<10000x128xf32, #tpu.memory_space<vmem>>, vector<128x128xf32>
    tpu.vector_store %arg4[%swap3A_500, %swap3A_501], %add3A_499 {strides = array<i32>} : memref<10000x128xf32, #tpu.memory_space<vmem>>, vector<128x128xf32>,
    %slice3A_503 = vector.extract_strided_slice %dot_general3A_12 {offsets = [5120, 0], sizes = [128, 128], strides = [1, 1]} : vector<10000x128xf32> to vector<128x128xf32>
    %slice3A_504 = vector.extract_strided_slice %transpose3A {offsets = [0, 40], sizes = [128, 1], strides = [1, 1]} : vector<128x80xf32> to vector<128x1xf32>
    %mul3A_505 = vector.broadcast %slice3A_504 : vector<128x1xf32> to vector<128x128xf32>
    %mul3A_506 = arith.mulf %slice3A_503, %mul3A_505 : vector<128x128xf32>
    %get3A_507 = arith.constant 0 : index
    %get3A_508 = arith.constant 0 : index
    %get3A_509 = vector.load %arg3[%get3A_507, %get3A_508] : memref<1x128xf32, #tpu.memory_space<vmem>>, vector<1x128xf32>
    %add3A_510 = vector.broadcast %get3A_509 : vector<1x128xf32> to vector<128x128xf32>
    %add3A_511 = arith.addf %mul3A_506, %add3A_510 : vector<128x128xf32>
    %swap3A_512 = arith.constant 5120 : index
    %swap3A_513 = arith.constant 0 : index
    %swap3A_514 = vector.load %arg4[%swap3A_512, %swap3A_513] : memref<10000x128xf32, #tpu.memory_space<vmem>>, vector<128x128xf32>
    tpu.vector_store %arg4[%swap3A_512, %swap3A_513], %add3A_511 {strides = array<i32>} : memref<10000x128xf32, #tpu.memory_space<vmem>>, vector<128x128xf32>,
    %slice3A_515 = vector.extract_strided_slice %dot_general3A_12 {offsets = [5248, 0], sizes = [128, 128], strides = [1, 1]} : vector<10000x128xf32> to vector<128x128xf32>
    %slice3A_516 = vector.extract_strided_slice %transpose3A {offsets = [0, 41], sizes = [128, 1], strides = [1, 1]} : vector<128x80xf32> to vector<128x1xf32>
    %mul3A_517 = vector.broadcast %slice3A_516 : vector<128x1xf32> to vector<128x128xf32>
    %mul3A_518 = arith.mulf %slice3A_515, %mul3A_517 : vector<128x128xf32>
    %get3A_519 = arith.constant 0 : index
    %get3A_520 = arith.constant 0 : index
    %get3A_521 = vector.load %arg3[%get3A_519, %get3A_520] : memref<1x128xf32, #tpu.memory_space<vmem>>, vector<1x128xf32>
    %add3A_522 = vector.broadcast %get3A_521 : vector<1x128xf32> to vector<128x128xf32>
    %add3A_523 = arith.addf %mul3A_518, %add3A_522 : vector<128x128xf32>
    %swap3A_524 = arith.constant 5248 : index
    %swap3A_525 = arith.constant 0 : index
    %swap3A_526 = vector.load %arg4[%swap3A_524, %swap3A_525] : memref<10000x128xf32, #tpu.memory_space<vmem>>, vector<128x128xf32>
    tpu.vector_store %arg4[%swap3A_524, %swap3A_525], %add3A_523 {strides = array<i32>} : memref<10000x128xf32, #tpu.memory_space<vmem>>, vector<128x128xf32>,
    %slice3A_527 = vector.extract_strided_slice %dot_general3A_12 {offsets = [5376, 0], sizes = [128, 128], strides = [1, 1]} : vector<10000x128xf32> to vector<128x128xf32>
    %slice3A_528 = vector.extract_strided_slice %transpose3A {offsets = [0, 42], sizes = [128, 1], strides = [1, 1]} : vector<128x80xf32> to vector<128x1xf32>
    %mul3A_529 = vector.broadcast %slice3A_528 : vector<128x1xf32> to vector<128x128xf32>
    %mul3A_530 = arith.mulf %slice3A_527, %mul3A_529 : vector<128x128xf32>
    %get3A_531 = arith.constant 0 : index
    %get3A_532 = arith.constant 0 : index
    %get3A_533 = vector.load %arg3[%get3A_531, %get3A_532] : memref<1x128xf32, #tpu.memory_space<vmem>>, vector<1x128xf32>
    %add3A_534 = vector.broadcast %get3A_533 : vector<1x128xf32> to vector<128x128xf32>
    %add3A_535 = arith.addf %mul3A_530, %add3A_534 : vector<128x128xf32>
    %swap3A_536 = arith.constant 5376 : index
    %swap3A_537 = arith.constant 0 : index
    %swap3A_538 = vector.load %arg4[%swap3A_536, %swap3A_537] : memref<10000x128xf32, #tpu.memory_space<vmem>>, vector<128x128xf32>
    tpu.vector_store %arg4[%swap3A_536, %swap3A_537], %add3A_535 {strides = array<i32>} : memref<10000x128xf32, #tpu.memory_space<vmem>>, vector<128x128xf32>,
    %slice3A_539 = vector.extract_strided_slice %dot_general3A_12 {offsets = [5504, 0], sizes = [128, 128], strides = [1, 1]} : vector<10000x128xf32> to vector<128x128xf32>
    %slice3A_540 = vector.extract_strided_slice %transpose3A {offsets = [0, 43], sizes = [128, 1], strides = [1, 1]} : vector<128x80xf32> to vector<128x1xf32>
    %mul3A_541 = vector.broadcast %slice3A_540 : vector<128x1xf32> to vector<128x128xf32>
    %mul3A_542 = arith.mulf %slice3A_539, %mul3A_541 : vector<128x128xf32>
    %get3A_543 = arith.constant 0 : index
    %get3A_544 = arith.constant 0 : index
    %get3A_545 = vector.load %arg3[%get3A_543, %get3A_544] : memref<1x128xf32, #tpu.memory_space<vmem>>, vector<1x128xf32>
    %add3A_546 = vector.broadcast %get3A_545 : vector<1x128xf32> to vector<128x128xf32>
    %add3A_547 = arith.addf %mul3A_542, %add3A_546 : vector<128x128xf32>
    %swap3A_548 = arith.constant 5504 : index
    %swap3A_549 = arith.constant 0 : index
    %swap3A_550 = vector.load %arg4[%swap3A_548, %swap3A_549] : memref<10000x128xf32, #tpu.memory_space<vmem>>, vector<128x128xf32>
    tpu.vector_store %arg4[%swap3A_548, %swap3A_549], %add3A_547 {strides = array<i32>} : memref<10000x128xf32, #tpu.memory_space<vmem>>, vector<128x128xf32>,
    %slice3A_551 = vector.extract_strided_slice %dot_general3A_12 {offsets = [5632, 0], sizes = [128, 128], strides = [1, 1]} : vector<10000x128xf32> to vector<128x128xf32>
    %slice3A_552 = vector.extract_strided_slice %transpose3A {offsets = [0, 44], sizes = [128, 1], strides = [1, 1]} : vector<128x80xf32> to vector<128x1xf32>
    %mul3A_553 = vector.broadcast %slice3A_552 : vector<128x1xf32> to vector<128x128xf32>
    %mul3A_554 = arith.mulf %slice3A_551, %mul3A_553 : vector<128x128xf32>
    %get3A_555 = arith.constant 0 : index
    %get3A_556 = arith.constant 0 : index
    %get3A_557 = vector.load %arg3[%get3A_555, %get3A_556] : memref<1x128xf32, #tpu.memory_space<vmem>>, vector<1x128xf32>
    %add3A_558 = vector.broadcast %get3A_557 : vector<1x128xf32> to vector<128x128xf32>
    %add3A_559 = arith.addf %mul3A_554, %add3A_558 : vector<128x128xf32>
    %swap3A_560 = arith.constant 5632 : index
    %swap3A_561 = arith.constant 0 : index
    %swap3A_562 = vector.load %arg4[%swap3A_560, %swap3A_561] : memref<10000x128xf32, #tpu.memory_space<vmem>>, vector<128x128xf32>
    tpu.vector_store %arg4[%swap3A_560, %swap3A_561], %add3A_559 {strides = array<i32>} : memref<10000x128xf32, #tpu.memory_space<vmem>>, vector<128x128xf32>,
    %slice3A_563 = vector.extract_strided_slice %dot_general3A_12 {offsets = [5760, 0], sizes = [128, 128], strides = [1, 1]} : vector<10000x128xf32> to vector<128x128xf32>
    %slice3A_564 = vector.extract_strided_slice %transpose3A {offsets = [0, 45], sizes = [128, 1], strides = [1, 1]} : vector<128x80xf32> to vector<128x1xf32>
    %mul3A_565 = vector.broadcast %slice3A_564 : vector<128x1xf32> to vector<128x128xf32>
    %mul3A_566 = arith.mulf %slice3A_563, %mul3A_565 : vector<128x128xf32>
    %get3A_567 = arith.constant 0 : index
    %get3A_568 = arith.constant 0 : index
    %get3A_569 = vector.load %arg3[%get3A_567, %get3A_568] : memref<1x128xf32, #tpu.memory_space<vmem>>, vector<1x128xf32>
    %add3A_570 = vector.broadcast %get3A_569 : vector<1x128xf32> to vector<128x128xf32>
    %add3A_571 = arith.addf %mul3A_566, %add3A_570 : vector<128x128xf32>
    %swap3A_572 = arith.constant 5760 : index
    %swap3A_573 = arith.constant 0 : index
    %swap3A_574 = vector.load %arg4[%swap3A_572, %swap3A_573] : memref<10000x128xf32, #tpu.memory_space<vmem>>, vector<128x128xf32>
    tpu.vector_store %arg4[%swap3A_572, %swap3A_573], %add3A_571 {strides = array<i32>} : memref<10000x128xf32, #tpu.memory_space<vmem>>, vector<128x128xf32>,
    %slice3A_575 = vector.extract_strided_slice %dot_general3A_12 {offsets = [5888, 0], sizes = [128, 128], strides = [1, 1]} : vector<10000x128xf32> to vector<128x128xf32>
    %slice3A_576 = vector.extract_strided_slice %transpose3A {offsets = [0, 46], sizes = [128, 1], strides = [1, 1]} : vector<128x80xf32> to vector<128x1xf32>
    %mul3A_577 = vector.broadcast %slice3A_576 : vector<128x1xf32> to vector<128x128xf32>
    %mul3A_578 = arith.mulf %slice3A_575, %mul3A_577 : vector<128x128xf32>
    %get3A_579 = arith.constant 0 : index
    %get3A_580 = arith.constant 0 : index
    %get3A_581 = vector.load %arg3[%get3A_579, %get3A_580] : memref<1x128xf32, #tpu.memory_space<vmem>>, vector<1x128xf32>
    %add3A_582 = vector.broadcast %get3A_581 : vector<1x128xf32> to vector<128x128xf32>
    %add3A_583 = arith.addf %mul3A_578, %add3A_582 : vector<128x128xf32>
    %swap3A_584 = arith.constant 5888 : index
    %swap3A_585 = arith.constant 0 : index
    %swap3A_586 = vector.load %arg4[%swap3A_584, %swap3A_585] : memref<10000x128xf32, #tpu.memory_space<vmem>>, vector<128x128xf32>
    tpu.vector_store %arg4[%swap3A_584, %swap3A_585], %add3A_583 {strides = array<i32>} : memref<10000x128xf32, #tpu.memory_space<vmem>>, vector<128x128xf32>,
    %slice3A_587 = vector.extract_strided_slice %dot_general3A_12 {offsets = [6016, 0], sizes = [128, 128], strides = [1, 1]} : vector<10000x128xf32> to vector<128x128xf32>
    %slice3A_588 = vector.extract_strided_slice %transpose3A {offsets = [0, 47], sizes = [128, 1], strides = [1, 1]} : vector<128x80xf32> to vector<128x1xf32>
    %mul3A_589 = vector.broadcast %slice3A_588 : vector<128x1xf32> to vector<128x128xf32>
    %mul3A_590 = arith.mulf %slice3A_587, %mul3A_589 : vector<128x128xf32>
    %get3A_591 = arith.constant 0 : index
    %get3A_592 = arith.constant 0 : index
    %get3A_593 = vector.load %arg3[%get3A_591, %get3A_592] : memref<1x128xf32, #tpu.memory_space<vmem>>, vector<1x128xf32>
    %add3A_594 = vector.broadcast %get3A_593 : vector<1x128xf32> to vector<128x128xf32>
    %add3A_595 = arith.addf %mul3A_590, %add3A_594 : vector<128x128xf32>
    %swap3A_596 = arith.constant 6016 : index
    %swap3A_597 = arith.constant 0 : index
    %swap3A_598 = vector.load %arg4[%swap3A_596, %swap3A_597] : memref<10000x128xf32, #tpu.memory_space<vmem>>, vector<128x128xf32>
    tpu.vector_store %arg4[%swap3A_596, %swap3A_597], %add3A_595 {strides = array<i32>} : memref<10000x128xf32, #tpu.memory_space<vmem>>, vector<128x128xf32>,
    %slice3A_599 = vector.extract_strided_slice %dot_general3A_12 {offsets = [6144, 0], sizes = [128, 128], strides = [1, 1]} : vector<10000x128xf32> to vector<128x128xf32>
    %slice3A_600 = vector.extract_strided_slice %transpose3A {offsets = [0, 48], sizes = [128, 1], strides = [1, 1]} : vector<128x80xf32> to vector<128x1xf32>
    %mul3A_601 = vector.broadcast %slice3A_600 : vector<128x1xf32> to vector<128x128xf32>
    %mul3A_602 = arith.mulf %slice3A_599, %mul3A_601 : vector<128x128xf32>
    %get3A_603 = arith.constant 0 : index
    %get3A_604 = arith.constant 0 : index
    %get3A_605 = vector.load %arg3[%get3A_603, %get3A_604] : memref<1x128xf32, #tpu.memory_space<vmem>>, vector<1x128xf32>
    %add3A_606 = vector.broadcast %get3A_605 : vector<1x128xf32> to vector<128x128xf32>
    %add3A_607 = arith.addf %mul3A_602, %add3A_606 : vector<128x128xf32>
    %swap3A_608 = arith.constant 6144 : index
    %swap3A_609 = arith.constant 0 : index
    %swap3A_610 = vector.load %arg4[%swap3A_608, %swap3A_609] : memref<10000x128xf32, #tpu.memory_space<vmem>>, vector<128x128xf32>
    tpu.vector_store %arg4[%swap3A_608, %swap3A_609], %add3A_607 {strides = array<i32>} : memref<10000x128xf32, #tpu.memory_space<vmem>>, vector<128x128xf32>,
    %slice3A_611 = vector.extract_strided_slice %dot_general3A_12 {offsets = [6272, 0], sizes = [128, 128], strides = [1, 1]} : vector<10000x128xf32> to vector<128x128xf32>
    %slice3A_612 = vector.extract_strided_slice %transpose3A {offsets = [0, 49], sizes = [128, 1], strides = [1, 1]} : vector<128x80xf32> to vector<128x1xf32>
    %mul3A_613 = vector.broadcast %slice3A_612 : vector<128x1xf32> to vector<128x128xf32>
    %mul3A_614 = arith.mulf %slice3A_611, %mul3A_613 : vector<128x128xf32>
    %get3A_615 = arith.constant 0 : index
    %get3A_616 = arith.constant 0 : index
    %get3A_617 = vector.load %arg3[%get3A_615, %get3A_616] : memref<1x128xf32, #tpu.memory_space<vmem>>, vector<1x128xf32>
    %add3A_618 = vector.broadcast %get3A_617 : vector<1x128xf32> to vector<128x128xf32>
    %add3A_619 = arith.addf %mul3A_614, %add3A_618 : vector<128x128xf32>
    %swap3A_620 = arith.constant 6272 : index
    %swap3A_621 = arith.constant 0 : index
    %swap3A_622 = vector.load %arg4[%swap3A_620, %swap3A_621] : memref<10000x128xf32, #tpu.memory_space<vmem>>, vector<128x128xf32>
    tpu.vector_store %arg4[%swap3A_620, %swap3A_621], %add3A_619 {strides = array<i32>} : memref<10000x128xf32, #tpu.memory_space<vmem>>, vector<128x128xf32>,
    %slice3A_623 = vector.extract_strided_slice %dot_general3A_12 {offsets = [6400, 0], sizes = [128, 128], strides = [1, 1]} : vector<10000x128xf32> to vector<128x128xf32>
    %slice3A_624 = vector.extract_strided_slice %transpose3A {offsets = [0, 50], sizes = [128, 1], strides = [1, 1]} : vector<128x80xf32> to vector<128x1xf32>
    %mul3A_625 = vector.broadcast %slice3A_624 : vector<128x1xf32> to vector<128x128xf32>
    %mul3A_626 = arith.mulf %slice3A_623, %mul3A_625 : vector<128x128xf32>
    %get3A_627 = arith.constant 0 : index
    %get3A_628 = arith.constant 0 : index
    %get3A_629 = vector.load %arg3[%get3A_627, %get3A_628] : memref<1x128xf32, #tpu.memory_space<vmem>>, vector<1x128xf32>
    %add3A_630 = vector.broadcast %get3A_629 : vector<1x128xf32> to vector<128x128xf32>
    %add3A_631 = arith.addf %mul3A_626, %add3A_630 : vector<128x128xf32>
    %swap3A_632 = arith.constant 6400 : index
    %swap3A_633 = arith.constant 0 : index
    %swap3A_634 = vector.load %arg4[%swap3A_632, %swap3A_633] : memref<10000x128xf32, #tpu.memory_space<vmem>>, vector<128x128xf32>
    tpu.vector_store %arg4[%swap3A_632, %swap3A_633], %add3A_631 {strides = array<i32>} : memref<10000x128xf32, #tpu.memory_space<vmem>>, vector<128x128xf32>,
    %slice3A_635 = vector.extract_strided_slice %dot_general3A_12 {offsets = [6528, 0], sizes = [128, 128], strides = [1, 1]} : vector<10000x128xf32> to vector<128x128xf32>
    %slice3A_636 = vector.extract_strided_slice %transpose3A {offsets = [0, 51], sizes = [128, 1], strides = [1, 1]} : vector<128x80xf32> to vector<128x1xf32>
    %mul3A_637 = vector.broadcast %slice3A_636 : vector<128x1xf32> to vector<128x128xf32>
    %mul3A_638 = arith.mulf %slice3A_635, %mul3A_637 : vector<128x128xf32>
    %get3A_639 = arith.constant 0 : index
    %get3A_640 = arith.constant 0 : index
    %get3A_641 = vector.load %arg3[%get3A_639, %get3A_640] : memref<1x128xf32, #tpu.memory_space<vmem>>, vector<1x128xf32>
    %add3A_642 = vector.broadcast %get3A_641 : vector<1x128xf32> to vector<128x128xf32>
    %add3A_643 = arith.addf %mul3A_638, %add3A_642 : vector<128x128xf32>
    %swap3A_644 = arith.constant 6528 : index
    %swap3A_645 = arith.constant 0 : index
    %swap3A_646 = vector.load %arg4[%swap3A_644, %swap3A_645] : memref<10000x128xf32, #tpu.memory_space<vmem>>, vector<128x128xf32>
    tpu.vector_store %arg4[%swap3A_644, %swap3A_645], %add3A_643 {strides = array<i32>} : memref<10000x128xf32, #tpu.memory_space<vmem>>, vector<128x128xf32>,
    %slice3A_647 = vector.extract_strided_slice %dot_general3A_12 {offsets = [6656, 0], sizes = [128, 128], strides = [1, 1]} : vector<10000x128xf32> to vector<128x128xf32>
    %slice3A_648 = vector.extract_strided_slice %transpose3A {offsets = [0, 52], sizes = [128, 1], strides = [1, 1]} : vector<128x80xf32> to vector<128x1xf32>
    %mul3A_649 = vector.broadcast %slice3A_648 : vector<128x1xf32> to vector<128x128xf32>
    %mul3A_650 = arith.mulf %slice3A_647, %mul3A_649 : vector<128x128xf32>
    %get3A_651 = arith.constant 0 : index
    %get3A_652 = arith.constant 0 : index
    %get3A_653 = vector.load %arg3[%get3A_651, %get3A_652] : memref<1x128xf32, #tpu.memory_space<vmem>>, vector<1x128xf32>
    %add3A_654 = vector.broadcast %get3A_653 : vector<1x128xf32> to vector<128x128xf32>
    %add3A_655 = arith.addf %mul3A_650, %add3A_654 : vector<128x128xf32>
    %swap3A_656 = arith.constant 6656 : index
    %swap3A_657 = arith.constant 0 : index
    %swap3A_658 = vector.load %arg4[%swap3A_656, %swap3A_657] : memref<10000x128xf32, #tpu.memory_space<vmem>>, vector<128x128xf32>
    tpu.vector_store %arg4[%swap3A_656, %swap3A_657], %add3A_655 {strides = array<i32>} : memref<10000x128xf32, #tpu.memory_space<vmem>>, vector<128x128xf32>,
    %slice3A_659 = vector.extract_strided_slice %dot_general3A_12 {offsets = [6784, 0], sizes = [128, 128], strides = [1, 1]} : vector<10000x128xf32> to vector<128x128xf32>
    %slice3A_660 = vector.extract_strided_slice %transpose3A {offsets = [0, 53], sizes = [128, 1], strides = [1, 1]} : vector<128x80xf32> to vector<128x1xf32>
    %mul3A_661 = vector.broadcast %slice3A_660 : vector<128x1xf32> to vector<128x128xf32>
    %mul3A_662 = arith.mulf %slice3A_659, %mul3A_661 : vector<128x128xf32>
    %get3A_663 = arith.constant 0 : index
    %get3A_664 = arith.constant 0 : index
    %get3A_665 = vector.load %arg3[%get3A_663, %get3A_664] : memref<1x128xf32, #tpu.memory_space<vmem>>, vector<1x128xf32>
    %add3A_666 = vector.broadcast %get3A_665 : vector<1x128xf32> to vector<128x128xf32>
    %add3A_667 = arith.addf %mul3A_662, %add3A_666 : vector<128x128xf32>
    %swap3A_668 = arith.constant 6784 : index
    %swap3A_669 = arith.constant 0 : index
    %swap3A_670 = vector.load %arg4[%swap3A_668, %swap3A_669] : memref<10000x128xf32, #tpu.memory_space<vmem>>, vector<128x128xf32>
    tpu.vector_store %arg4[%swap3A_668, %swap3A_669], %add3A_667 {strides = array<i32>} : memref<10000x128xf32, #tpu.memory_space<vmem>>, vector<128x128xf32>,
    %slice3A_671 = vector.extract_strided_slice %dot_general3A_12 {offsets = [6912, 0], sizes = [128, 128], strides = [1, 1]} : vector<10000x128xf32> to vector<128x128xf32>
    %slice3A_672 = vector.extract_strided_slice %transpose3A {offsets = [0, 54], sizes = [128, 1], strides = [1, 1]} : vector<128x80xf32> to vector<128x1xf32>
    %mul3A_673 = vector.broadcast %slice3A_672 : vector<128x1xf32> to vector<128x128xf32>
    %mul3A_674 = arith.mulf %slice3A_671, %mul3A_673 : vector<128x128xf32>
    %get3A_675 = arith.constant 0 : index
    %get3A_676 = arith.constant 0 : index
    %get3A_677 = vector.load %arg3[%get3A_675, %get3A_676] : memref<1x128xf32, #tpu.memory_space<vmem>>, vector<1x128xf32>
    %add3A_678 = vector.broadcast %get3A_677 : vector<1x128xf32> to vector<128x128xf32>
    %add3A_679 = arith.addf %mul3A_674, %add3A_678 : vector<128x128xf32>
    %swap3A_680 = arith.constant 6912 : index
    %swap3A_681 = arith.constant 0 : index
    %swap3A_682 = vector.load %arg4[%swap3A_680, %swap3A_681] : memref<10000x128xf32, #tpu.memory_space<vmem>>, vector<128x128xf32>
    tpu.vector_store %arg4[%swap3A_680, %swap3A_681], %add3A_679 {strides = array<i32>} : memref<10000x128xf32, #tpu.memory_space<vmem>>, vector<128x128xf32>,
    %slice3A_683 = vector.extract_strided_slice %dot_general3A_12 {offsets = [7040, 0], sizes = [128, 128], strides = [1, 1]} : vector<10000x128xf32> to vector<128x128xf32>
    %slice3A_684 = vector.extract_strided_slice %transpose3A {offsets = [0, 55], sizes = [128, 1], strides = [1, 1]} : vector<128x80xf32> to vector<128x1xf32>
    %mul3A_685 = vector.broadcast %slice3A_684 : vector<128x1xf32> to vector<128x128xf32>
    %mul3A_686 = arith.mulf %slice3A_683, %mul3A_685 : vector<128x128xf32>
    %get3A_687 = arith.constant 0 : index
    %get3A_688 = arith.constant 0 : index
    %get3A_689 = vector.load %arg3[%get3A_687, %get3A_688] : memref<1x128xf32, #tpu.memory_space<vmem>>, vector<1x128xf32>
    %add3A_690 = vector.broadcast %get3A_689 : vector<1x128xf32> to vector<128x128xf32>
    %add3A_691 = arith.addf %mul3A_686, %add3A_690 : vector<128x128xf32>
    %swap3A_692 = arith.constant 7040 : index
    %swap3A_693 = arith.constant 0 : index
    %swap3A_694 = vector.load %arg4[%swap3A_692, %swap3A_693] : memref<10000x128xf32, #tpu.memory_space<vmem>>, vector<128x128xf32>
    tpu.vector_store %arg4[%swap3A_692, %swap3A_693], %add3A_691 {strides = array<i32>} : memref<10000x128xf32, #tpu.memory_space<vmem>>, vector<128x128xf32>,
    %slice3A_695 = vector.extract_strided_slice %dot_general3A_12 {offsets = [7168, 0], sizes = [128, 128], strides = [1, 1]} : vector<10000x128xf32> to vector<128x128xf32>
    %slice3A_696 = vector.extract_strided_slice %transpose3A {offsets = [0, 56], sizes = [128, 1], strides = [1, 1]} : vector<128x80xf32> to vector<128x1xf32>
    %mul3A_697 = vector.broadcast %slice3A_696 : vector<128x1xf32> to vector<128x128xf32>
    %mul3A_698 = arith.mulf %slice3A_695, %mul3A_697 : vector<128x128xf32>
    %get3A_699 = arith.constant 0 : index
    %get3A_700 = arith.constant 0 : index
    %get3A_701 = vector.load %arg3[%get3A_699, %get3A_700] : memref<1x128xf32, #tpu.memory_space<vmem>>, vector<1x128xf32>
    %add3A_702 = vector.broadcast %get3A_701 : vector<1x128xf32> to vector<128x128xf32>
    %add3A_703 = arith.addf %mul3A_698, %add3A_702 : vector<128x128xf32>
    %swap3A_704 = arith.constant 7168 : index
    %swap3A_705 = arith.constant 0 : index
    %swap3A_706 = vector.load %arg4[%swap3A_704, %swap3A_705] : memref<10000x128xf32, #tpu.memory_space<vmem>>, vector<128x128xf32>
    tpu.vector_store %arg4[%swap3A_704, %swap3A_705], %add3A_703 {strides = array<i32>} : memref<10000x128xf32, #tpu.memory_space<vmem>>, vector<128x128xf32>,
    %slice3A_707 = vector.extract_strided_slice %dot_general3A_12 {offsets = [7296, 0], sizes = [128, 128], strides = [1, 1]} : vector<10000x128xf32> to vector<128x128xf32>
    %slice3A_708 = vector.extract_strided_slice %transpose3A {offsets = [0, 57], sizes = [128, 1], strides = [1, 1]} : vector<128x80xf32> to vector<128x1xf32>
    %mul3A_709 = vector.broadcast %slice3A_708 : vector<128x1xf32> to vector<128x128xf32>
    %mul3A_710 = arith.mulf %slice3A_707, %mul3A_709 : vector<128x128xf32>
    %get3A_711 = arith.constant 0 : index
    %get3A_712 = arith.constant 0 : index
    %get3A_713 = vector.load %arg3[%get3A_711, %get3A_712] : memref<1x128xf32, #tpu.memory_space<vmem>>, vector<1x128xf32>
    %add3A_714 = vector.broadcast %get3A_713 : vector<1x128xf32> to vector<128x128xf32>
    %add3A_715 = arith.addf %mul3A_710, %add3A_714 : vector<128x128xf32>
    %swap3A_716 = arith.constant 7296 : index
    %swap3A_717 = arith.constant 0 : index
    %swap3A_718 = vector.load %arg4[%swap3A_716, %swap3A_717] : memref<10000x128xf32, #tpu.memory_space<vmem>>, vector<128x128xf32>
    tpu.vector_store %arg4[%swap3A_716, %swap3A_717], %add3A_715 {strides = array<i32>} : memref<10000x128xf32, #tpu.memory_space<vmem>>, vector<128x128xf32>,
    %slice3A_719 = vector.extract_strided_slice %dot_general3A_12 {offsets = [7424, 0], sizes = [128, 128], strides = [1, 1]} : vector<10000x128xf32> to vector<128x128xf32>
    %slice3A_720 = vector.extract_strided_slice %transpose3A {offsets = [0, 58], sizes = [128, 1], strides = [1, 1]} : vector<128x80xf32> to vector<128x1xf32>
    %mul3A_721 = vector.broadcast %slice3A_720 : vector<128x1xf32> to vector<128x128xf32>
    %mul3A_722 = arith.mulf %slice3A_719, %mul3A_721 : vector<128x128xf32>
    %get3A_723 = arith.constant 0 : index
    %get3A_724 = arith.constant 0 : index
    %get3A_725 = vector.load %arg3[%get3A_723, %get3A_724] : memref<1x128xf32, #tpu.memory_space<vmem>>, vector<1x128xf32>
    %add3A_726 = vector.broadcast %get3A_725 : vector<1x128xf32> to vector<128x128xf32>
    %add3A_727 = arith.addf %mul3A_722, %add3A_726 : vector<128x128xf32>
    %swap3A_728 = arith.constant 7424 : index
    %swap3A_729 = arith.constant 0 : index
    %swap3A_730 = vector.load %arg4[%swap3A_728, %swap3A_729] : memref<10000x128xf32, #tpu.memory_space<vmem>>, vector<128x128xf32>
    tpu.vector_store %arg4[%swap3A_728, %swap3A_729], %add3A_727 {strides = array<i32>} : memref<10000x128xf32, #tpu.memory_space<vmem>>, vector<128x128xf32>,
    %slice3A_731 = vector.extract_strided_slice %dot_general3A_12 {offsets = [7552, 0], sizes = [128, 128], strides = [1, 1]} : vector<10000x128xf32> to vector<128x128xf32>
    %slice3A_732 = vector.extract_strided_slice %transpose3A {offsets = [0, 59], sizes = [128, 1], strides = [1, 1]} : vector<128x80xf32> to vector<128x1xf32>
    %mul3A_733 = vector.broadcast %slice3A_732 : vector<128x1xf32> to vector<128x128xf32>
    %mul3A_734 = arith.mulf %slice3A_731, %mul3A_733 : vector<128x128xf32>
    %get3A_735 = arith.constant 0 : index
    %get3A_736 = arith.constant 0 : index
    %get3A_737 = vector.load %arg3[%get3A_735, %get3A_736] : memref<1x128xf32, #tpu.memory_space<vmem>>, vector<1x128xf32>
    %add3A_738 = vector.broadcast %get3A_737 : vector<1x128xf32> to vector<128x128xf32>
    %add3A_739 = arith.addf %mul3A_734, %add3A_738 : vector<128x128xf32>
    %swap3A_740 = arith.constant 7552 : index
    %swap3A_741 = arith.constant 0 : index
    %swap3A_742 = vector.load %arg4[%swap3A_740, %swap3A_741] : memref<10000x128xf32, #tpu.memory_space<vmem>>, vector<128x128xf32>
    tpu.vector_store %arg4[%swap3A_740, %swap3A_741], %add3A_739 {strides = array<i32>} : memref<10000x128xf32, #tpu.memory_space<vmem>>, vector<128x128xf32>,
    %slice3A_743 = vector.extract_strided_slice %dot_general3A_12 {offsets = [7680, 0], sizes = [128, 128], strides = [1, 1]} : vector<10000x128xf32> to vector<128x128xf32>
    %slice3A_744 = vector.extract_strided_slice %transpose3A {offsets = [0, 60], sizes = [128, 1], strides = [1, 1]} : vector<128x80xf32> to vector<128x1xf32>
    %mul3A_745 = vector.broadcast %slice3A_744 : vector<128x1xf32> to vector<128x128xf32>
    %mul3A_746 = arith.mulf %slice3A_743, %mul3A_745 : vector<128x128xf32>
    %get3A_747 = arith.constant 0 : index
    %get3A_748 = arith.constant 0 : index
    %get3A_749 = vector.load %arg3[%get3A_747, %get3A_748] : memref<1x128xf32, #tpu.memory_space<vmem>>, vector<1x128xf32>
    %add3A_750 = vector.broadcast %get3A_749 : vector<1x128xf32> to vector<128x128xf32>
    %add3A_751 = arith.addf %mul3A_746, %add3A_750 : vector<128x128xf32>
    %swap3A_752 = arith.constant 7680 : index
    %swap3A_753 = arith.constant 0 : index
    %swap3A_754 = vector.load %arg4[%swap3A_752, %swap3A_753] : memref<10000x128xf32, #tpu.memory_space<vmem>>, vector<128x128xf32>
    tpu.vector_store %arg4[%swap3A_752, %swap3A_753], %add3A_751 {strides = array<i32>} : memref<10000x128xf32, #tpu.memory_space<vmem>>, vector<128x128xf32>,
    %slice3A_755 = vector.extract_strided_slice %dot_general3A_12 {offsets = [7808, 0], sizes = [128, 128], strides = [1, 1]} : vector<10000x128xf32> to vector<128x128xf32>
    %slice3A_756 = vector.extract_strided_slice %transpose3A {offsets = [0, 61], sizes = [128, 1], strides = [1, 1]} : vector<128x80xf32> to vector<128x1xf32>
    %mul3A_757 = vector.broadcast %slice3A_756 : vector<128x1xf32> to vector<128x128xf32>
    %mul3A_758 = arith.mulf %slice3A_755, %mul3A_757 : vector<128x128xf32>
    %get3A_759 = arith.constant 0 : index
    %get3A_760 = arith.constant 0 : index
    %get3A_761 = vector.load %arg3[%get3A_759, %get3A_760] : memref<1x128xf32, #tpu.memory_space<vmem>>, vector<1x128xf32>
    %add3A_762 = vector.broadcast %get3A_761 : vector<1x128xf32> to vector<128x128xf32>
    %add3A_763 = arith.addf %mul3A_758, %add3A_762 : vector<128x128xf32>
    %swap3A_764 = arith.constant 7808 : index
    %swap3A_765 = arith.constant 0 : index
    %swap3A_766 = vector.load %arg4[%swap3A_764, %swap3A_765] : memref<10000x128xf32, #tpu.memory_space<vmem>>, vector<128x128xf32>
    tpu.vector_store %arg4[%swap3A_764, %swap3A_765], %add3A_763 {strides = array<i32>} : memref<10000x128xf32, #tpu.memory_space<vmem>>, vector<128x128xf32>,
    %slice3A_767 = vector.extract_strided_slice %dot_general3A_12 {offsets = [7936, 0], sizes = [128, 128], strides = [1, 1]} : vector<10000x128xf32> to vector<128x128xf32>
    %slice3A_768 = vector.extract_strided_slice %transpose3A {offsets = [0, 62], sizes = [128, 1], strides = [1, 1]} : vector<128x80xf32> to vector<128x1xf32>
    %mul3A_769 = vector.broadcast %slice3A_768 : vector<128x1xf32> to vector<128x128xf32>
    %mul3A_770 = arith.mulf %slice3A_767, %mul3A_769 : vector<128x128xf32>
    %get3A_771 = arith.constant 0 : index
    %get3A_772 = arith.constant 0 : index
    %get3A_773 = vector.load %arg3[%get3A_771, %get3A_772] : memref<1x128xf32, #tpu.memory_space<vmem>>, vector<1x128xf32>
    %add3A_774 = vector.broadcast %get3A_773 : vector<1x128xf32> to vector<128x128xf32>
    %add3A_775 = arith.addf %mul3A_770, %add3A_774 : vector<128x128xf32>
    %swap3A_776 = arith.constant 7936 : index
    %swap3A_777 = arith.constant 0 : index
    %swap3A_778 = vector.load %arg4[%swap3A_776, %swap3A_777] : memref<10000x128xf32, #tpu.memory_space<vmem>>, vector<128x128xf32>
    tpu.vector_store %arg4[%swap3A_776, %swap3A_777], %add3A_775 {strides = array<i32>} : memref<10000x128xf32, #tpu.memory_space<vmem>>, vector<128x128xf32>,
    %slice3A_779 = vector.extract_strided_slice %dot_general3A_12 {offsets = [8064, 0], sizes = [128, 128], strides = [1, 1]} : vector<10000x128xf32> to vector<128x128xf32>
    %slice3A_780 = vector.extract_strided_slice %transpose3A {offsets = [0, 63], sizes = [128, 1], strides = [1, 1]} : vector<128x80xf32> to vector<128x1xf32>
    %mul3A_781 = vector.broadcast %slice3A_780 : vector<128x1xf32> to vector<128x128xf32>
    %mul3A_782 = arith.mulf %slice3A_779, %mul3A_781 : vector<128x128xf32>
    %get3A_783 = arith.constant 0 : index
    %get3A_784 = arith.constant 0 : index
    %get3A_785 = vector.load %arg3[%get3A_783, %get3A_784] : memref<1x128xf32, #tpu.memory_space<vmem>>, vector<1x128xf32>
    %add3A_786 = vector.broadcast %get3A_785 : vector<1x128xf32> to vector<128x128xf32>
    %add3A_787 = arith.addf %mul3A_782, %add3A_786 : vector<128x128xf32>
    %swap3A_788 = arith.constant 8064 : index
    %swap3A_789 = arith.constant 0 : index
    %swap3A_790 = vector.load %arg4[%swap3A_788, %swap3A_789] : memref<10000x128xf32, #tpu.memory_space<vmem>>, vector<128x128xf32>
    tpu.vector_store %arg4[%swap3A_788, %swap3A_789], %add3A_787 {strides = array<i32>} : memref<10000x128xf32, #tpu.memory_space<vmem>>, vector<128x128xf32>,
    %slice3A_791 = vector.extract_strided_slice %dot_general3A_12 {offsets = [8192, 0], sizes = [128, 128], strides = [1, 1]} : vector<10000x128xf32> to vector<128x128xf32>
    %slice3A_792 = vector.extract_strided_slice %transpose3A {offsets = [0, 64], sizes = [128, 1], strides = [1, 1]} : vector<128x80xf32> to vector<128x1xf32>
    %mul3A_793 = vector.broadcast %slice3A_792 : vector<128x1xf32> to vector<128x128xf32>
    %mul3A_794 = arith.mulf %slice3A_791, %mul3A_793 : vector<128x128xf32>
    %get3A_795 = arith.constant 0 : index
    %get3A_796 = arith.constant 0 : index
    %get3A_797 = vector.load %arg3[%get3A_795, %get3A_796] : memref<1x128xf32, #tpu.memory_space<vmem>>, vector<1x128xf32>
    %add3A_798 = vector.broadcast %get3A_797 : vector<1x128xf32> to vector<128x128xf32>
    %add3A_799 = arith.addf %mul3A_794, %add3A_798 : vector<128x128xf32>
    %swap3A_800 = arith.constant 8192 : index
    %swap3A_801 = arith.constant 0 : index
    %swap3A_802 = vector.load %arg4[%swap3A_800, %swap3A_801] : memref<10000x128xf32, #tpu.memory_space<vmem>>, vector<128x128xf32>
    tpu.vector_store %arg4[%swap3A_800, %swap3A_801], %add3A_799 {strides = array<i32>} : memref<10000x128xf32, #tpu.memory_space<vmem>>, vector<128x128xf32>,
    %slice3A_803 = vector.extract_strided_slice %dot_general3A_12 {offsets = [8320, 0], sizes = [128, 128], strides = [1, 1]} : vector<10000x128xf32> to vector<128x128xf32>
    %slice3A_804 = vector.extract_strided_slice %transpose3A {offsets = [0, 65], sizes = [128, 1], strides = [1, 1]} : vector<128x80xf32> to vector<128x1xf32>
    %mul3A_805 = vector.broadcast %slice3A_804 : vector<128x1xf32> to vector<128x128xf32>
    %mul3A_806 = arith.mulf %slice3A_803, %mul3A_805 : vector<128x128xf32>
    %get3A_807 = arith.constant 0 : index
    %get3A_808 = arith.constant 0 : index
    %get3A_809 = vector.load %arg3[%get3A_807, %get3A_808] : memref<1x128xf32, #tpu.memory_space<vmem>>, vector<1x128xf32>
    %add3A_810 = vector.broadcast %get3A_809 : vector<1x128xf32> to vector<128x128xf32>
    %add3A_811 = arith.addf %mul3A_806, %add3A_810 : vector<128x128xf32>
    %swap3A_812 = arith.constant 8320 : index
    %swap3A_813 = arith.constant 0 : index
    %swap3A_814 = vector.load %arg4[%swap3A_812, %swap3A_813] : memref<10000x128xf32, #tpu.memory_space<vmem>>, vector<128x128xf32>
    tpu.vector_store %arg4[%swap3A_812, %swap3A_813], %add3A_811 {strides = array<i32>} : memref<10000x128xf32, #tpu.memory_space<vmem>>, vector<128x128xf32>,
    %slice3A_815 = vector.extract_strided_slice %dot_general3A_12 {offsets = [8448, 0], sizes = [128, 128], strides = [1, 1]} : vector<10000x128xf32> to vector<128x128xf32>
    %slice3A_816 = vector.extract_strided_slice %transpose3A {offsets = [0, 66], sizes = [128, 1], strides = [1, 1]} : vector<128x80xf32> to vector<128x1xf32>
    %mul3A_817 = vector.broadcast %slice3A_816 : vector<128x1xf32> to vector<128x128xf32>
    %mul3A_818 = arith.mulf %slice3A_815, %mul3A_817 : vector<128x128xf32>
    %get3A_819 = arith.constant 0 : index
    %get3A_820 = arith.constant 0 : index
    %get3A_821 = vector.load %arg3[%get3A_819, %get3A_820] : memref<1x128xf32, #tpu.memory_space<vmem>>, vector<1x128xf32>
    %add3A_822 = vector.broadcast %get3A_821 : vector<1x128xf32> to vector<128x128xf32>
    %add3A_823 = arith.addf %mul3A_818, %add3A_822 : vector<128x128xf32>
    %swap3A_824 = arith.constant 8448 : index
    %swap3A_825 = arith.constant 0 : index
    %swap3A_826 = vector.load %arg4[%swap3A_824, %swap3A_825] : memref<10000x128xf32, #tpu.memory_space<vmem>>, vector<128x128xf32>
    tpu.vector_store %arg4[%swap3A_824, %swap3A_825], %add3A_823 {strides = array<i32>} : memref<10000x128xf32, #tpu.memory_space<vmem>>, vector<128x128xf32>,
    %slice3A_827 = vector.extract_strided_slice %dot_general3A_12 {offsets = [8576, 0], sizes = [128, 128], strides = [1, 1]} : vector<10000x128xf32> to vector<128x128xf32>
    %slice3A_828 = vector.extract_strided_slice %transpose3A {offsets = [0, 67], sizes = [128, 1], strides = [1, 1]} : vector<128x80xf32> to vector<128x1xf32>
    %mul3A_829 = vector.broadcast %slice3A_828 : vector<128x1xf32> to vector<128x128xf32>
    %mul3A_830 = arith.mulf %slice3A_827, %mul3A_829 : vector<128x128xf32>
    %get3A_831 = arith.constant 0 : index
    %get3A_832 = arith.constant 0 : index
    %get3A_833 = vector.load %arg3[%get3A_831, %get3A_832] : memref<1x128xf32, #tpu.memory_space<vmem>>, vector<1x128xf32>
    %add3A_834 = vector.broadcast %get3A_833 : vector<1x128xf32> to vector<128x128xf32>
    %add3A_835 = arith.addf %mul3A_830, %add3A_834 : vector<128x128xf32>
    %swap3A_836 = arith.constant 8576 : index
    %swap3A_837 = arith.constant 0 : index
    %swap3A_838 = vector.load %arg4[%swap3A_836, %swap3A_837] : memref<10000x128xf32, #tpu.memory_space<vmem>>, vector<128x128xf32>
    tpu.vector_store %arg4[%swap3A_836, %swap3A_837], %add3A_835 {strides = array<i32>} : memref<10000x128xf32, #tpu.memory_space<vmem>>, vector<128x128xf32>,
    %slice3A_839 = vector.extract_strided_slice %dot_general3A_12 {offsets = [8704, 0], sizes = [128, 128], strides = [1, 1]} : vector<10000x128xf32> to vector<128x128xf32>
    %slice3A_840 = vector.extract_strided_slice %transpose3A {offsets = [0, 68], sizes = [128, 1], strides = [1, 1]} : vector<128x80xf32> to vector<128x1xf32>
    %mul3A_841 = vector.broadcast %slice3A_840 : vector<128x1xf32> to vector<128x128xf32>
    %mul3A_842 = arith.mulf %slice3A_839, %mul3A_841 : vector<128x128xf32>
    %get3A_843 = arith.constant 0 : index
    %get3A_844 = arith.constant 0 : index
    %get3A_845 = vector.load %arg3[%get3A_843, %get3A_844] : memref<1x128xf32, #tpu.memory_space<vmem>>, vector<1x128xf32>
    %add3A_846 = vector.broadcast %get3A_845 : vector<1x128xf32> to vector<128x128xf32>
    %add3A_847 = arith.addf %mul3A_842, %add3A_846 : vector<128x128xf32>
    %swap3A_848 = arith.constant 8704 : index
    %swap3A_849 = arith.constant 0 : index
    %swap3A_850 = vector.load %arg4[%swap3A_848, %swap3A_849] : memref<10000x128xf32, #tpu.memory_space<vmem>>, vector<128x128xf32>
    tpu.vector_store %arg4[%swap3A_848, %swap3A_849], %add3A_847 {strides = array<i32>} : memref<10000x128xf32, #tpu.memory_space<vmem>>, vector<128x128xf32>,
    %slice3A_851 = vector.extract_strided_slice %dot_general3A_12 {offsets = [8832, 0], sizes = [128, 128], strides = [1, 1]} : vector<10000x128xf32> to vector<128x128xf32>
    %slice3A_852 = vector.extract_strided_slice %transpose3A {offsets = [0, 69], sizes = [128, 1], strides = [1, 1]} : vector<128x80xf32> to vector<128x1xf32>
    %mul3A_853 = vector.broadcast %slice3A_852 : vector<128x1xf32> to vector<128x128xf32>
    %mul3A_854 = arith.mulf %slice3A_851, %mul3A_853 : vector<128x128xf32>
    %get3A_855 = arith.constant 0 : index
    %get3A_856 = arith.constant 0 : index
    %get3A_857 = vector.load %arg3[%get3A_855, %get3A_856] : memref<1x128xf32, #tpu.memory_space<vmem>>, vector<1x128xf32>
    %add3A_858 = vector.broadcast %get3A_857 : vector<1x128xf32> to vector<128x128xf32>
    %add3A_859 = arith.addf %mul3A_854, %add3A_858 : vector<128x128xf32>
    %swap3A_860 = arith.constant 8832 : index
    %swap3A_861 = arith.constant 0 : index
    %swap3A_862 = vector.load %arg4[%swap3A_860, %swap3A_861] : memref<10000x128xf32, #tpu.memory_space<vmem>>, vector<128x128xf32>
    tpu.vector_store %arg4[%swap3A_860, %swap3A_861], %add3A_859 {strides = array<i32>} : memref<10000x128xf32, #tpu.memory_space<vmem>>, vector<128x128xf32>,
    %slice3A_863 = vector.extract_strided_slice %dot_general3A_12 {offsets = [8960, 0], sizes = [128, 128], strides = [1, 1]} : vector<10000x128xf32> to vector<128x128xf32>
    %slice3A_864 = vector.extract_strided_slice %transpose3A {offsets = [0, 70], sizes = [128, 1], strides = [1, 1]} : vector<128x80xf32> to vector<128x1xf32>
    %mul3A_865 = vector.broadcast %slice3A_864 : vector<128x1xf32> to vector<128x128xf32>
    %mul3A_866 = arith.mulf %slice3A_863, %mul3A_865 : vector<128x128xf32>
    %get3A_867 = arith.constant 0 : index
    %get3A_868 = arith.constant 0 : index
    %get3A_869 = vector.load %arg3[%get3A_867, %get3A_868] : memref<1x128xf32, #tpu.memory_space<vmem>>, vector<1x128xf32>
    %add3A_870 = vector.broadcast %get3A_869 : vector<1x128xf32> to vector<128x128xf32>
    %add3A_871 = arith.addf %mul3A_866, %add3A_870 : vector<128x128xf32>
    %swap3A_872 = arith.constant 8960 : index
    %swap3A_873 = arith.constant 0 : index
    %swap3A_874 = vector.load %arg4[%swap3A_872, %swap3A_873] : memref<10000x128xf32, #tpu.memory_space<vmem>>, vector<128x128xf32>
    tpu.vector_store %arg4[%swap3A_872, %swap3A_873], %add3A_871 {strides = array<i32>} : memref<10000x128xf32, #tpu.memory_space<vmem>>, vector<128x128xf32>,
    %slice3A_875 = vector.extract_strided_slice %dot_general3A_12 {offsets = [9088, 0], sizes = [128, 128], strides = [1, 1]} : vector<10000x128xf32> to vector<128x128xf32>
    %slice3A_876 = vector.extract_strided_slice %transpose3A {offsets = [0, 71], sizes = [128, 1], strides = [1, 1]} : vector<128x80xf32> to vector<128x1xf32>
    %mul3A_877 = vector.broadcast %slice3A_876 : vector<128x1xf32> to vector<128x128xf32>
    %mul3A_878 = arith.mulf %slice3A_875, %mul3A_877 : vector<128x128xf32>
    %get3A_879 = arith.constant 0 : index
    %get3A_880 = arith.constant 0 : index
    %get3A_881 = vector.load %arg3[%get3A_879, %get3A_880] : memref<1x128xf32, #tpu.memory_space<vmem>>, vector<1x128xf32>
    %add3A_882 = vector.broadcast %get3A_881 : vector<1x128xf32> to vector<128x128xf32>
    %add3A_883 = arith.addf %mul3A_878, %add3A_882 : vector<128x128xf32>
    %swap3A_884 = arith.constant 9088 : index
    %swap3A_885 = arith.constant 0 : index
    %swap3A_886 = vector.load %arg4[%swap3A_884, %swap3A_885] : memref<10000x128xf32, #tpu.memory_space<vmem>>, vector<128x128xf32>
    tpu.vector_store %arg4[%swap3A_884, %swap3A_885], %add3A_883 {strides = array<i32>} : memref<10000x128xf32, #tpu.memory_space<vmem>>, vector<128x128xf32>,
    %slice3A_887 = vector.extract_strided_slice %dot_general3A_12 {offsets = [9216, 0], sizes = [128, 128], strides = [1, 1]} : vector<10000x128xf32> to vector<128x128xf32>
    %slice3A_888 = vector.extract_strided_slice %transpose3A {offsets = [0, 72], sizes = [128, 1], strides = [1, 1]} : vector<128x80xf32> to vector<128x1xf32>
    %mul3A_889 = vector.broadcast %slice3A_888 : vector<128x1xf32> to vector<128x128xf32>
    %mul3A_890 = arith.mulf %slice3A_887, %mul3A_889 : vector<128x128xf32>
    %get3A_891 = arith.constant 0 : index
    %get3A_892 = arith.constant 0 : index
    %get3A_893 = vector.load %arg3[%get3A_891, %get3A_892] : memref<1x128xf32, #tpu.memory_space<vmem>>, vector<1x128xf32>
    %add3A_894 = vector.broadcast %get3A_893 : vector<1x128xf32> to vector<128x128xf32>
    %add3A_895 = arith.addf %mul3A_890, %add3A_894 : vector<128x128xf32>
    %swap3A_896 = arith.constant 9216 : index
    %swap3A_897 = arith.constant 0 : index
    %swap3A_898 = vector.load %arg4[%swap3A_896, %swap3A_897] : memref<10000x128xf32, #tpu.memory_space<vmem>>, vector<128x128xf32>
    tpu.vector_store %arg4[%swap3A_896, %swap3A_897], %add3A_895 {strides = array<i32>} : memref<10000x128xf32, #tpu.memory_space<vmem>>, vector<128x128xf32>,
    %slice3A_899 = vector.extract_strided_slice %dot_general3A_12 {offsets = [9344, 0], sizes = [128, 128], strides = [1, 1]} : vector<10000x128xf32> to vector<128x128xf32>
    %slice3A_900 = vector.extract_strided_slice %transpose3A {offsets = [0, 73], sizes = [128, 1], strides = [1, 1]} : vector<128x80xf32> to vector<128x1xf32>
    %mul3A_901 = vector.broadcast %slice3A_900 : vector<128x1xf32> to vector<128x128xf32>
    %mul3A_902 = arith.mulf %slice3A_899, %mul3A_901 : vector<128x128xf32>
    %get3A_903 = arith.constant 0 : index
    %get3A_904 = arith.constant 0 : index
    %get3A_905 = vector.load %arg3[%get3A_903, %get3A_904] : memref<1x128xf32, #tpu.memory_space<vmem>>, vector<1x128xf32>
    %add3A_906 = vector.broadcast %get3A_905 : vector<1x128xf32> to vector<128x128xf32>
    %add3A_907 = arith.addf %mul3A_902, %add3A_906 : vector<128x128xf32>
    %swap3A_908 = arith.constant 9344 : index
    %swap3A_909 = arith.constant 0 : index
    %swap3A_910 = vector.load %arg4[%swap3A_908, %swap3A_909] : memref<10000x128xf32, #tpu.memory_space<vmem>>, vector<128x128xf32>
    tpu.vector_store %arg4[%swap3A_908, %swap3A_909], %add3A_907 {strides = array<i32>} : memref<10000x128xf32, #tpu.memory_space<vmem>>, vector<128x128xf32>,
    %slice3A_911 = vector.extract_strided_slice %dot_general3A_12 {offsets = [9472, 0], sizes = [128, 128], strides = [1, 1]} : vector<10000x128xf32> to vector<128x128xf32>
    %slice3A_912 = vector.extract_strided_slice %transpose3A {offsets = [0, 74], sizes = [128, 1], strides = [1, 1]} : vector<128x80xf32> to vector<128x1xf32>
    %mul3A_913 = vector.broadcast %slice3A_912 : vector<128x1xf32> to vector<128x128xf32>
    %mul3A_914 = arith.mulf %slice3A_911, %mul3A_913 : vector<128x128xf32>
    %get3A_915 = arith.constant 0 : index
    %get3A_916 = arith.constant 0 : index
    %get3A_917 = vector.load %arg3[%get3A_915, %get3A_916] : memref<1x128xf32, #tpu.memory_space<vmem>>, vector<1x128xf32>
    %add3A_918 = vector.broadcast %get3A_917 : vector<1x128xf32> to vector<128x128xf32>
    %add3A_919 = arith.addf %mul3A_914, %add3A_918 : vector<128x128xf32>
    %swap3A_920 = arith.constant 9472 : index
    %swap3A_921 = arith.constant 0 : index
    %swap3A_922 = vector.load %arg4[%swap3A_920, %swap3A_921] : memref<10000x128xf32, #tpu.memory_space<vmem>>, vector<128x128xf32>
    tpu.vector_store %arg4[%swap3A_920, %swap3A_921], %add3A_919 {strides = array<i32>} : memref<10000x128xf32, #tpu.memory_space<vmem>>, vector<128x128xf32>,
    %slice3A_923 = vector.extract_strided_slice %dot_general3A_12 {offsets = [9600, 0], sizes = [128, 128], strides = [1, 1]} : vector<10000x128xf32> to vector<128x128xf32>
    %slice3A_924 = vector.extract_strided_slice %transpose3A {offsets = [0, 75], sizes = [128, 1], strides = [1, 1]} : vector<128x80xf32> to vector<128x1xf32>
    %mul3A_925 = vector.broadcast %slice3A_924 : vector<128x1xf32> to vector<128x128xf32>
    %mul3A_926 = arith.mulf %slice3A_923, %mul3A_925 : vector<128x128xf32>
    %get3A_927 = arith.constant 0 : index
    %get3A_928 = arith.constant 0 : index
    %get3A_929 = vector.load %arg3[%get3A_927, %get3A_928] : memref<1x128xf32, #tpu.memory_space<vmem>>, vector<1x128xf32>
    %add3A_930 = vector.broadcast %get3A_929 : vector<1x128xf32> to vector<128x128xf32>
    %add3A_931 = arith.addf %mul3A_926, %add3A_930 : vector<128x128xf32>
    %swap3A_932 = arith.constant 9600 : index
    %swap3A_933 = arith.constant 0 : index
    %swap3A_934 = vector.load %arg4[%swap3A_932, %swap3A_933] : memref<10000x128xf32, #tpu.memory_space<vmem>>, vector<128x128xf32>
    tpu.vector_store %arg4[%swap3A_932, %swap3A_933], %add3A_931 {strides = array<i32>} : memref<10000x128xf32, #tpu.memory_space<vmem>>, vector<128x128xf32>,
    %slice3A_935 = vector.extract_strided_slice %dot_general3A_12 {offsets = [9728, 0], sizes = [128, 128], strides = [1, 1]} : vector<10000x128xf32> to vector<128x128xf32>
    %slice3A_936 = vector.extract_strided_slice %transpose3A {offsets = [0, 76], sizes = [128, 1], strides = [1, 1]} : vector<128x80xf32> to vector<128x1xf32>
    %mul3A_937 = vector.broadcast %slice3A_936 : vector<128x1xf32> to vector<128x128xf32>
    %mul3A_938 = arith.mulf %slice3A_935, %mul3A_937 : vector<128x128xf32>
    %get3A_939 = arith.constant 0 : index
    %get3A_940 = arith.constant 0 : index
    %get3A_941 = vector.load %arg3[%get3A_939, %get3A_940] : memref<1x128xf32, #tpu.memory_space<vmem>>, vector<1x128xf32>
    %add3A_942 = vector.broadcast %get3A_941 : vector<1x128xf32> to vector<128x128xf32>
    %add3A_943 = arith.addf %mul3A_938, %add3A_942 : vector<128x128xf32>
    %swap3A_944 = arith.constant 9728 : index
    %swap3A_945 = arith.constant 0 : index
    %swap3A_946 = vector.load %arg4[%swap3A_944, %swap3A_945] : memref<10000x128xf32, #tpu.memory_space<vmem>>, vector<128x128xf32>
    tpu.vector_store %arg4[%swap3A_944, %swap3A_945], %add3A_943 {strides = array<i32>} : memref<10000x128xf32, #tpu.memory_space<vmem>>, vector<128x128xf32>,
    %slice3A_947 = vector.extract_strided_slice %dot_general3A_12 {offsets = [9856, 0], sizes = [128, 128], strides = [1, 1]} : vector<10000x128xf32> to vector<128x128xf32>
    %slice3A_948 = vector.extract_strided_slice %transpose3A {offsets = [0, 77], sizes = [128, 1], strides = [1, 1]} : vector<128x80xf32> to vector<128x1xf32>
    %mul3A_949 = vector.broadcast %slice3A_948 : vector<128x1xf32> to vector<128x128xf32>
    %mul3A_950 = arith.mulf %slice3A_947, %mul3A_949 : vector<128x128xf32>
    %get3A_951 = arith.constant 0 : index
    %get3A_952 = arith.constant 0 : index
    %get3A_953 = vector.load %arg3[%get3A_951, %get3A_952] : memref<1x128xf32, #tpu.memory_space<vmem>>, vector<1x128xf32>
    %add3A_954 = vector.broadcast %get3A_953 : vector<1x128xf32> to vector<128x128xf32>
    %add3A_955 = arith.addf %mul3A_950, %add3A_954 : vector<128x128xf32>
    %swap3A_956 = arith.constant 9856 : index
    %swap3A_957 = arith.constant 0 : index
    %swap3A_958 = vector.load %arg4[%swap3A_956, %swap3A_957] : memref<10000x128xf32, #tpu.memory_space<vmem>>, vector<128x128xf32>
    tpu.vector_store %arg4[%swap3A_956, %swap3A_957], %add3A_955 {strides = array<i32>} : memref<10000x128xf32, #tpu.memory_space<vmem>>, vector<128x128xf32>,
    %slice3A_959 = vector.extract_strided_slice %dot_general3A_12 {offsets = [9984, 0], sizes = [16, 128], strides = [1, 1]} : vector<10000x128xf32> to vector<16x128xf32>
    %slice3A_960 = vector.extract_strided_slice %transpose3A {offsets = [0, 78], sizes = [16, 1], strides = [1, 1]} : vector<128x80xf32> to vector<16x1xf32>
    %mul3A_961 = vector.broadcast %slice3A_960 : vector<16x1xf32> to vector<16x128xf32>
    %mul3A_962 = arith.mulf %slice3A_959, %mul3A_961 : vector<16x128xf32>
    %get3A_963 = arith.constant 0 : index
    %get3A_964 = arith.constant 0 : index
    %get3A_965 = vector.load %arg3[%get3A_963, %get3A_964] : memref<1x128xf32, #tpu.memory_space<vmem>>, vector<1x128xf32>
    %add3A_966 = vector.broadcast %get3A_965 : vector<1x128xf32> to vector<16x128xf32>
    %add3A_967 = arith.addf %mul3A_962, %add3A_966 : vector<16x128xf32>
    %swap3A_968 = arith.constant 9984 : index
    %swap3A_969 = arith.constant 0 : index
    %swap3A_970 = vector.load %arg4[%swap3A_968, %swap3A_969] : memref<10000x128xf32, #tpu.memory_space<vmem>>, vector<16x128xf32>
    tpu.vector_store %arg4[%swap3A_968, %swap3A_969], %add3A_967 {strides = array<i32>} : memref<10000x128xf32, #tpu.memory_space<vmem>>, vector<16x128xf32>,
    return
  }
}

</mosaic_0001>

<sc_bundles>
// kernel: kernel.6.cloned.1.call-start
scs
__scs_entry_jumppad:
0x0: {  	(pc) =	sbr.rel $0x88, $3  }
0x1: {  	(tag) =	ssettag $0x0;
	lr =	simm.s32 $0x1  }
0x2: {  	[smem:$0x3F9D] =	sst lr;
	_ =	strace $0xD0000000  }
0x3: {  	_ = 	snop  }
0x4: {  	_ = 	snop  }
0x5: {  	_ = 	snop  }
0x6: {  	_ = 	snop  }
0x7: {  	_ = 	snop  }
__scs_overlays_trampoline_lowered:
0x8: {  	[smem:$0x3FAC] =	sst s0  }
0x9: {  	[smem:$0x3FAD] =	sst s1  }
0xa: {  	[smem:$0x3FAE] =	sst s2  }
0xb: {  	[smem:$0x3FAF] =	sst s3  }
0xc: {  	[smem:$0x3FB0] =	sst s4  }
0xd: {  	[smem:$0x3FB1] =	sst s5  }
0xe: {  	[smem:$0x3FB2] =	sst s6  }
0xf: {  	[smem:$0x3FB3] =	sst s7  }
0x10: {  	[smem:$0x3FB4] =	sst s8  }
0x11: {  	[smem:$0x3FB5] =	sst s9;
	s0 =	simm.s32 @!p0 $0x0  }
0x12: {  	s1 =	sld [smem:$0x3F9B];
	s0 =	simm.s32 @p0 $0x1  }
0x13: {  	[smem:$0x3FB6] =	sst s0;
	s0 =	simm.s32 @!p1 $0x0  }
0x14: {  	s2 =	sld [smem:$0x3F9A];
	s0 =	simm.s32 @p1 $0x1  }
0x15: {  	[smem:$0x3FB7] =	sst s0;
	s0 =	simm.s32 @!p2 $0x0  }
0x16: {  	s3 =	sld [smem:$0x3FDB];
	s0 =	simm.s32 @p2 $0x1  }
0x17: {  	s4 =	simm.s32 $0x1BF5;
	[smem:$0x3FB9] =	sst s0  }
0x18: {  	s0 =	sld [smem:$0x3F9C];
	_ =	swait.ge [sflag:s4], $0x0  }
0x19: {  	s7 =	sld [smem:$0x3F9D]  }
0x1a: {  	s8 =	sadd.s32 $0xFFFFE003, lr  }
0x1b: {  	s9 =	sadd.s32 $0xFFFFFEF7, lr;
	s5 =	simm.s32 $0xFFFFFFFF;
	p2 =	slt.u32 s8, $0xFFFFF086  }
0x1c: {  	p1 =	slt.u32 s9, $0xF7A;
	s5 =	simm.s32 @!p2 $0x0  }
0x1d: {  	s5 =	simm.s32 @p1 $0x1;
	p0 =	seq.s32 s7, s2  }
0x1e: {  	s7 =	smul.u32 @!p0 $0xF7A, s2;
	p2 =	seq.s32 @!p0 s5, $0x0  }
0x1f: {  	s9 =	smul.u32 $0xF7A, s1;
	s8 =	simm.s32 @!p0 $0x1BF5;
	p2 =	por !p2, p0  }
0x20: {  	[sflag:s8] =	ssyncset.s32 @!p0 $0xFFFFF086;
	s6 =	sadd.s32 @!p0 s3, s7;
	s7 =	simm.s32 @!p0 $0x108  }
0x21: {  	s3 =	sadd.s32 s3, s9;
	s6 =	sadd.s32 @!p0 $0x88, s6;
	s7 =	simm.s32 @p2 $0x1082  }
0x22: {  	[simem:s7], [sflag:s8] =	dma.local @!p0 [hbm:s6], $0xF7A  }
0x23: {  	s9 =	sor.u32 $0xD0000000, s2;
	s6 =	simm.s32 $0x108;
	_ =	swait.ge @!p0 [sflag:s8], $0x0  }
0x24: {  	s3 =	sadd.s32 $0x88, s3;
	s6 =	simm.s32 @!p1 $0x1082;
	[sflag:s4] =	ssyncset.s32 $0xFFFFF086  }
0x25: {  	[simem:s6], [sflag:s4] =	dma.local [hbm:s3], $0xF7A  }
0x26: {  	[smem:$0x3F9D] =	sst s1;
	(tag) =	ssettag s2;
	_ =	strace s9  }
0x27: {  	s1 =	sld [smem:$0x3FAD]  }
0x28: {  	s2 =	sld [smem:$0x3FAE]  }
0x29: {  	s4 =	sld [smem:$0x3FB0]  }
0x2a: {  	p0 =	seq.s32 s5, $0x0;
	s5 =	sld [smem:$0x3FB1]  }
0x2b: {  	s6 =	sld [smem:$0x3FB2]  }
0x2c: {  	s7 =	sld [smem:$0x3FB3]  }
0x2d: {  	s3 =	simm.s32 $0x108;
	s8 =	sld [smem:$0x3FB4]  }
0x2e: {  	s3 =	simm.s32 @!p0 $0x1082;
	s9 =	sld [smem:$0x3FB5]  }
0x2f: {  	lr =	sadd.s32 s0, s3;
	s0 =	sld [smem:$0x3FAC]  }
0x30: {  	s3 =	sld [smem:$0x3FAF]  }
0x31: {  	[smem:$0x3FB8] =	sst s10  }
0x32: {  	s10 =	sld [smem:$0x3FB6];
	_ =	sdelay $0x3  }
0x33: {  	p0 =	seq.s32 s10, $0x1;
	s10 =	sld [smem:$0x3FB8];
	_ =	sdelay $0x3  }
0x34: {  	[smem:$0x3FB8] =	sst s10  }
0x35: {  	s10 =	sld [smem:$0x3FB7];
	_ =	sdelay $0x3  }
0x36: {  	p1 =	seq.s32 s10, $0x1;
	s10 =	sld [smem:$0x3FB8];
	_ =	sdelay $0x3  }
0x37: {  	[smem:$0x3FB8] =	sst s10  }
0x38: {  	s10 =	sld [smem:$0x3FB9]  }
0x39: {  	_ = 	snop;
	(pc) =	sbr.ind lr, $3  }
0x3a: {  	_ = 	snop  }
0x3b: {  	_ = 	snop  }
0x3c: {  	p2 =	seq.s32 s10, $0x1;
	s10 =	sld [smem:$0x3FB8]  }
0x3d: {  	_ =	shalt  }
0x3e: {  	_ =	shalt  }
0x3f: {  	_ =	shalt  }
0x40: {  	_ =	shalt  }
0x41: {  	_ =	shalt  }
0x42: {  	_ =	shalt  }
0x43: {  	_ =	shalt  }
0x44: {  	_ =	shalt  }
0x45: {  	_ =	shalt  }
0x46: {  	_ =	shalt  }
0x47: {  	_ =	shalt  }
0x48: {  	_ =	shalt  }
0x49: {  	_ =	shalt  }
0x4a: {  	_ =	shalt  }
0x4b: {  	_ =	shalt  }
0x4c: {  	_ =	shalt  }
0x4d: {  	_ =	shalt  }
0x4e: {  	_ =	shalt  }
0x4f: {  	_ =	shalt  }
0x50: {  	_ =	shalt  }
0x51: {  	_ =	shalt  }
0x52: {  	_ =	shalt  }
0x53: {  	_ =	shalt  }
0x54: {  	_ =	shalt  }
0x55: {  	_ =	shalt  }
0x56: {  	_ =	shalt  }
0x57: {  	_ =	shalt  }
0x58: {  	_ =	shalt  }
0x59: {  	_ =	shalt  }
0x5a: {  	_ =	shalt  }
0x5b: {  	_ =	shalt  }
0x5c: {  	_ =	shalt  }
0x5d: {  	_ =	shalt  }
0x5e: {  	_ =	shalt  }
0x5f: {  	_ =	shalt  }
0x60: {  	_ =	shalt  }
0x61: {  	_ =	shalt  }
0x62: {  	_ =	shalt  }
0x63: {  	_ =	shalt  }
0x64: {  	_ =	shalt  }
0x65: {  	_ =	shalt  }
0x66: {  	_ =	shalt  }
0x67: {  	_ =	shalt  }
0x68: {  	_ =	shalt  }
0x69: {  	_ =	shalt  }
0x6a: {  	_ =	shalt  }
0x6b: {  	_ =	shalt  }
0x6c: {  	_ =	shalt  }
0x6d: {  	_ =	shalt  }
0x6e: {  	_ =	shalt  }
0x6f: {  	_ =	shalt  }
0x70: {  	_ =	shalt  }
0x71: {  	_ =	shalt  }
0x72: {  	_ =	shalt  }
0x73: {  	_ =	shalt  }
0x74: {  	_ =	shalt  }
0x75: {  	_ =	shalt  }
0x76: {  	_ =	shalt  }
0x77: {  	_ =	shalt  }
0x78: {  	_ =	shalt  }
0x79: {  	_ =	shalt  }
0x7a: {  	_ =	shalt  }
0x7b: {  	_ =	shalt  }
0x7c: {  	_ =	shalt  }
0x7d: {  	_ =	shalt  }
0x7e: {  	_ =	shalt  }
0x7f: {  	_ =	shalt  }
0x80: {  	_ =	shalt  }
0x81: {  	_ =	shalt  }
0x82: {  	_ =	shalt  }
0x83: {  	_ =	shalt  }
0x84: {  	_ =	shalt  }
0x85: {  	_ =	shalt  }
0x86: {  	_ =	shalt  }
0x87: {  	_ =	shalt  }
.Lfunc_end0:
.L_simem_size_0:
called_computation_lowered:
.L_overlay_start_0:
0x88: {  	s2 =	sld [smem:$0x3FD9]  }
0x89: {  	s3 =	sld [smem:$0x3FFE];
	_ =	sdelay $0x1  }
0x8a: {  	s1 =	srdreg.scid  }
0x8b: {  	s0 =	sand.u32 $0x1, s1  }
0x8c: {  	s16 =	sshll.u32 s0, $0xA;
	s2 =	sadd.s32 s3, s2  }
0x8d: {  	s2 =	sadd.s32 s2, s16  }
0x8e: {  	[smem:$0x3FC4] =	sst s2  }
0x8f: {  	_ = 	snop  }
0x90: {  	(tm) =	ssettm $0x1  }
0x91: {  	s17 =	sld [smem:$0x3FFB];
	_ =	sdelay $0x3  }
0x92: {  	_ =	strace s17  }
0x93: {  	s2 =	sld [smem:$0x3FFC];
	_ =	sdelay $0x3  }
0x94: {  	_ =	strace s2  }
0x95: {  	s2 =	sld [smem:$0x3FFD];
	_ =	sdelay $0x3  }
0x96: {  	_ =	strace s2  }
0x97: {  	_ =	strace $0x8FFFFFFF  }
0x98: {  	s18 =	sld [smem:$0x3FDB];
	_ =	sdelay $0x1  }
0x99: {  	s19 =	simm.s32 $_scs_section_size  }
0x9a: {  	s4 =	simm.s32 $_size__tile_overlayer_lowered;
	s5 =	simm.s32 $_tile_overlayer_lowered  }
0x9b: {  	s22 =	simm.s32 $0x1BFF;
	s21 =	sshll.u32 s5, $0x1;
	s2 =	sadd.s32 s19, s18  }
0x9c: {  	s6 =	simm.s32 $0x0;
	s20 =	sshll.u32 s4, $0x1;
	s4 =	sadd.s32 s21, s2  }
0x9d: {  	[timem:s6], [sflag:s22] =	dma.local [hbm:s4], s20  }
0x9e: {  	_ =	swait.ge [sflag:s22], s20  }
0x9f: {  	s3 =	ssub.s32 $0x0, s20;
	[sflag:s22] =	ssyncset.done $0x0  }
0xa0: {  	[sflag:s22] =	ssyncadd.s32 s3;
	_ =	sdelay $0x1  }
0xa1: {  	s23 =	simm.s32 $0x1B8B  }
0xa2: {  	_ =	swait.ge [sflag:s23], $0x1  }
0xa3: {  	[sflag:s23] =	ssyncset.done $0x0  }
0xa4: {  	s25 =	simm.s32 $0x1B8E;
	s24 =	sld [smem:$0x3FFE];
	[sflag:s23] =	ssyncadd.s32 $0xFFFFFFFF  }
0xa5: {  	s26 =	simm.s32 $execute0_lowered;
	[smem:$0x3FD2] =	sst s25  }
0xa6: {  	s4 =	sshll.u32 s26, $0x1;
	_ =	strace $0x80000046;
	[dreg:$0x1] =	wrdreg $0xFFFFFFFF  }
0xa7: {  	s28 =	simm.s32 $_size_execute0_lowered;
	s2 =	sadd.s32 s2, s4;
	[dreg:$0x0] =	wrdreg $0x0  }
0xa8: {  	s4 =	sshll.u32 s28, $0x1;
	[dreg:$0x2] =	wrdreg s2  }
0xa9: {  	[dreg:$0x3] =	wrdreg s4  }
0xaa: {  	[dreg:$0x4] =	wrdreg $0xC0  }
0xab: {  	_ =	task [dreg:s6], $0x5FFFF  }
0xac: {  	[dreg:$0x1] =	wrdreg $0xFFFFFFFF  }
0xad: {  	[dreg:$0x0] =	wrdreg $0x60  }
0xae: {  	[dreg:$0x2] =	wrdreg s24  }
0xaf: {  	[dreg:$0x3] =	wrdreg $0x52000  }
0xb0: {  	[dreg:$0x4] =	wrdreg $0x54800  }
0xb1: {  	[dreg:$0x5] =	wrdreg $0x9  }
0xb2: {  	_ =	task.clear_ibuf [dreg:s6], $0x6FFFF;
	_ =	strace $0x90000046  }
0xb3: {  	s29 =	simm.s32 $0x9;
	_ =	strace $0x80000048  }
0xb4: {  	_ =	swait.ge [sflag:s29], $0x1  }
0xb5: {  	[sflag:s29] =	ssyncadd.s32 $0xFFFFFFFF  }
0xb6: {  	_ =	strace $0x90000048  }
0xb7: {  	_ =	sfence  }
0xb8: {  	s30 =	sld [smem:$0x0];
	_ =	sdelay $0x2  }
0xb9: {  	s31 =	sshll.u32 s1, $0xD;
	s1 =	sshrl.u32 s1, $0x2  }
0xba: {  	s3 =	sand.u32 $0x4000, s31;
	s1 =	sadd.s32 s1, s30  }
0xbb: {  	s0 =	sor.u32 s3, s0;
	s1 =	sshll.u32 s1, $0x11  }
0xbc: {  	s0 =	sor.u32 s1, s0  }
0xbd: {  	s0 =	sadd.s32 $0x8F2B, s0  }
0xbe: {  	[sflag:s0] =	ssyncadd.remote.s32 $0x1  }
0xbf: {  	_ =	sfence.sel $0xFFFF  }
0xc0: {  	[dreg:$0x0] =	wrdreg $0xFFFFFFFF;
	(pc) =	sbr.abs _section_cstart, $3  }
0xc1: {  	[dreg:$0x1] =	wrdreg $0xFFFFFFFF  }
0xc2: {  	_ =	task.clear_ibuf [dreg:s6], $0x2FFFF;
	_ =	strace $0x9FFFFFFF  }
0xc3: {  	(tm) =	ssettm $0x7FFFFFFF  }
tec
execute0_lowered:
.L_overlay_start_1:
0x0: {  	(tag) =	ssettag $0x1  }
0x1: {  	s5 =	rddreg [dreg:$0x0]  }
0x2: {  	s2 =	rddreg [dreg:$0x1];
	s1 =	srdreg.scid  }
0x3: {  	s0 =	stileid.u32;
	s3 =	rddreg [dreg:$0x2]  }
0x4: {  	s4 =	simm.s32 $0x0;
	s14 =	simm.s32 $0x2780;
	s15 =	simm.s32 $0x50  }
0x5: {  	s16 =	simm.s32 $0x4F00;
	s17 =	simm.s32 $0x1;
	s20 =	simm.s32 $0x20  }
0x6: {  	s21 =	simm.s32 $0x10;
	s22 =	simm.s32 $0x0;
	s6 =	sand.u32 $0x1, s1  }
0x7: {  	s7 =	sshll.u32 s0, $0x1;
	s1 =	rddreg [dreg:$0x3];
	s8 =	smul.u32 $0x280, s0  }
0x8: {  	[smem:$0x7FF] =	sst s4;
	s10 =	smul.u32 $0x500, s0;
	s11 =	sadd.s32 $0x14E00, s5  }
0x9: {  	s18 =	sshll.u32 s0, $0x6;
	s7 =	sor.u32 s6, s7;
	_ =	strace $0x80000047  }
0xa: {  	s28 =	ssub.s32 $0x2, s6;
	s6 =	sshll.u32 s6, $0x7;
	s18 =	sor.u32 $0x1C02, s18  }
0xb: {  	s7 =	smul.u32 $0x4E2, s7;
	s29 =	sshrl.u32 s28, $0x1;
	s10 =	sor.u32 s6, s10  }
0xc: {  	s6 =	sadd.s32 s8, s3;
	s12 =	ssub.s32 s28, s29;
	s13 =	sadd.s32 $0x5000, s10  }
0xd: {  	s30 =	sshrl.u32 s10, $0x3;
	s9 =	sadd.s32 s7, s5;
	s5 =	sadd.s32 s8, s2  }
0xe: {  	s31 =	sshrl.u32 s13, $0x3;
	s13 =	simm.s32 $0x2;
	s7 =	sadd.s32 $0xB000, s9  }
0xf: {  	s8 =	sadd.s32 $0x1200, s9;
	s9 =	sadd.s32 s11, s30;
	s10 =	sadd.s32 s11, s31  }
0x10: {  	v0 =	vimm.f32 $0.0e+00;
	v1 =	vimm.f32 $1.000000000e+00;
	s11 =	smax.u32 s12, $0x1;
	s12 =	simm.s32 $0x4F80;
	s19 =	sshrl.u32 s5, $0x3  }
.LBB2_1:
0x11: {  	[tilespmem:$0x4F80] =	vst v0  }
0x12: {  	[tilespmem:$0x4F90] =	vst v0  }
0x13: {  	[tilespmem:$0x4FA0] =	vst v0  }
0x14: {  	[tilespmem:$0x4FB0] =	vst v0  }
0x15: {  	[tilespmem:$0x4FC0] =	vst v0  }
0x16: {  	[tilespmem:$0x4FD0] =	vst v0  }
0x17: {  	[tilespmem:$0x4FE0] =	vst v0  }
0x18: {  	[tilespmem:$0x4FF0] =	vst v0  }
0x19: {  	[tilespmem:$0x5000] =	vst v0  }
0x1a: {  	[tilespmem:$0x5010] =	vst v0  }
0x1b: {  	[tilespmem:$0x5020] =	vst v0  }
0x1c: {  	[tilespmem:$0x5030] =	vst v0  }
0x1d: {  	[tilespmem:$0x5040] =	vst v0  }
0x1e: {  	[tilespmem:$0x5050] =	vst v0  }
0x1f: {  	[tilespmem:$0x5060] =	vst v0  }
0x20: {  	[tilespmem:$0x5070] =	vst v0  }
0x21: {  	[tilespmem:$0x5080] =	vst v0  }
0x22: {  	[tilespmem:$0x5090] =	vst v0  }
0x23: {  	[tilespmem:$0x50A0] =	vst v0  }
0x24: {  	[tilespmem:$0x50B0] =	vst v0  }
0x25: {  	[tilespmem:$0x50C0] =	vst v0  }
0x26: {  	[tilespmem:$0x50D0] =	vst v0  }
0x27: {  	[tilespmem:$0x50E0] =	vst v0  }
0x28: {  	[tilespmem:$0x50F0] =	vst v0  }
0x29: {  	[tilespmem:$0x5100] =	vst v0  }
0x2a: {  	[tilespmem:$0x5110] =	vst v0  }
0x2b: {  	[tilespmem:$0x5120] =	vst v0  }
0x2c: {  	[tilespmem:$0x5130] =	vst v0  }
0x2d: {  	[tilespmem:$0x5140] =	vst v0  }
0x2e: {  	[tilespmem:$0x5150] =	vst v0  }
0x2f: {  	[tilespmem:$0x5160] =	vst v0  }
0x30: {  	[tilespmem:$0x5170] =	vst v0  }
0x31: {  	[tilespmem:$0x5180] =	vst v0  }
0x32: {  	[tilespmem:$0x5190] =	vst v0  }
0x33: {  	[tilespmem:$0x51A0] =	vst v0  }
0x34: {  	[tilespmem:$0x51B0] =	vst v0  }
0x35: {  	[tilespmem:$0x51C0] =	vst v0  }
0x36: {  	[tilespmem:$0x51D0] =	vst v0  }
0x37: {  	[tilespmem:$0x51E0] =	vst v0  }
0x38: {  	[tilespmem:$0x51F0] =	vst v0  }
0x39: {  	[spmem:s5] =	stream.linear.scatter [tilespmem:s12], [sflag:$0x2], $0x280, $0x38;
	[tilespmem:$0x5700] =	vst v63  }
0x3a: {  	_ =	swait.ge [sflag:s13], $0x280  }
0x3b: {  	[sflag:s13] =	ssyncset.done $0x0  }
0x3c: {  	[sflag:s13] =	ssyncadd.s32 $0xFFFFFD80  }
0x3d: {  	[spmem:s6] =	stream.linear.scatter [tilespmem:s12], [sflag:$0x2], $0x280, $0x38;
	[tilespmem:$0x5700] =	vst v63  }
0x3e: {  	_ =	swait.ge [sflag:s13], $0x280  }
0x3f: {  	[sflag:s13] =	ssyncset.done $0x0  }
0x40: {  	[sflag:s13] =	ssyncadd.s32 $0xFFFFFD80  }
0x41: {  	[tilespmem:$0x4F00] =	vst v1  }
0x42: {  	[tilespmem:$0x4F10] =	vst v1  }
0x43: {  	[tilespmem:$0x4F20] =	vst v1  }
0x44: {  	[tilespmem:$0x4F30] =	vst v1  }
0x45: {  	[tilespmem:$0x4F40] =	vst v1  }
0x46: {  	[tilespmem:s4], [sflag:$0x2] =	stream.linear.gather [hbm4b:s7+s4], $0x2710, $0x38;
	[tilespmem:$0x5700] =	vst v63  }
0x47: {  	_ =	swait.ge [sflag:s13], $0x2710  }
0x48: {  	[sflag:s13] =	ssyncset.done $0x0  }
0x49: {  	[sflag:s13] =	ssyncadd.s32 $0xFFFFD8F0  }
0x4a: {  	[tilespmem:s14], [sflag:$0x2] =	stream.linear.gather [hbm4b:s8+s4], $0x2710, $0x38;
	[tilespmem:$0x5700] =	vst v63  }
0x4b: {  	_ =	swait.ge [sflag:s13], $0x2710  }
0x4c: {  	[sflag:s13] =	ssyncset.done $0x0  }
0x4d: {  	[sflag:s13] =	ssyncadd.s32 $0xFFFFD8F0  }
0x4e: {  	s23 =	simm.s32 $0x0;
	[bflag:$0x0] =	sbarrier.arrive $0xFFFF  }
0x4f: {  	[spmem:s2] =	stream.indirect.scatter.add.f32 [tilespmem:s16], [sflag:$0x1], $0x1, s23, s15, $0xb8;
	[tilespmem:$0x5700] =	vst v63  }
0x50: {  	s30 =	simm.s32 $0x2780  }
0x51: {  	[spmem:s3] =	stream.indirect.scatter.add.f32 [tilespmem:s16], [sflag:$0x1], $0x1, s30, s15, $0xb8;
	[tilespmem:$0x5700] =	vst v63  }
0x52: {  	s31 =	simm.s32 $0x50  }
0x53: {  	[spmem:s2] =	stream.indirect.scatter.add.f32 [tilespmem:s16], [sflag:$0x1], $0x1, s31, s15, $0xb8;
	[tilespmem:$0x5700] =	vst v63  }
0x54: {  	s24 =	simm.s32 $0x27D0  }
0x55: {  	[spmem:s3] =	stream.indirect.scatter.add.f32 [tilespmem:s16], [sflag:$0x1], $0x1, s24, s15, $0xb8;
	[tilespmem:$0x5700] =	vst v63  }
0x56: {  	s25 =	simm.s32 $0xA0  }
0x57: {  	[spmem:s2] =	stream.indirect.scatter.add.f32 [tilespmem:s16], [sflag:$0x1], $0x1, s25, s15, $0xb8;
	[tilespmem:$0x5700] =	vst v63  }
0x58: {  	s26 =	simm.s32 $0x2820  }
0x59: {  	[spmem:s3] =	stream.indirect.scatter.add.f32 [tilespmem:s16], [sflag:$0x1], $0x1, s26, s15, $0xb8;
	[tilespmem:$0x5700] =	vst v63  }
0x5a: {  	s28 =	simm.s32 $0xF0  }
0x5b: {  	[spmem:s2] =	stream.indirect.scatter.add.f32 [tilespmem:s16], [sflag:$0x1], $0x1, s28, s15, $0xb8;
	[tilespmem:$0x5700] =	vst v63  }
0x5c: {  	s29 =	simm.s32 $0x2870  }
0x5d: {  	[spmem:s3] =	stream.indirect.scatter.add.f32 [tilespmem:s16], [sflag:$0x1], $0x1, s29, s15, $0xb8;
	[tilespmem:$0x5700] =	vst v63  }
0x5e: {  	s30 =	simm.s32 $0x140  }
0x5f: {  	[spmem:s2] =	stream.indirect.scatter.add.f32 [tilespmem:s16], [sflag:$0x1], $0x1, s30, s15, $0xb8;
	[tilespmem:$0x5700] =	vst v63  }
0x60: {  	s31 =	simm.s32 $0x28C0  }
0x61: {  	[spmem:s3] =	stream.indirect.scatter.add.f32 [tilespmem:s16], [sflag:$0x1], $0x1, s31, s15, $0xb8;
	[tilespmem:$0x5700] =	vst v63  }
0x62: {  	_ =	swait.ge [sflag:s17], $0x50  }
0x63: {  	[sflag:s17] =	ssyncset.done $0x0  }
0x64: {  	[sflag:s17] =	ssyncadd.s32 $0xFFFFFFB0  }
0x65: {  	_ =	swait.ge [sflag:s17], $0x50  }
0x66: {  	[sflag:s17] =	ssyncset.done $0x0  }
0x67: {  	[sflag:s17] =	ssyncadd.s32 $0xFFFFFFB0  }
0x68: {  	_ =	swait.ge [sflag:s17], $0x50  }
0x69: {  	[sflag:s17] =	ssyncset.done $0x0  }
0x6a: {  	[sflag:s17] =	ssyncadd.s32 $0xFFFFFFB0  }
0x6b: {  	_ =	swait.ge [sflag:s17], $0x50  }
0x6c: {  	[sflag:s17] =	ssyncset.done $0x0  }
0x6d: {  	[sflag:s17] =	ssyncadd.s32 $0xFFFFFFB0  }
0x6e: {  	_ =	swait.ge [sflag:s17], $0x50  }
0x6f: {  	[sflag:s17] =	ssyncset.done $0x0  }
0x70: {  	[sflag:s17] =	ssyncadd.s32 $0xFFFFFFB0  }
0x71: {  	_ =	swait.ge [sflag:s17], $0x50  }
0x72: {  	[sflag:s17] =	ssyncset.done $0x0  }
0x73: {  	[sflag:s17] =	ssyncadd.s32 $0xFFFFFFB0  }
0x74: {  	_ =	swait.ge [sflag:s17], $0x50  }
0x75: {  	[sflag:s17] =	ssyncset.done $0x0  }
0x76: {  	[sflag:s17] =	ssyncadd.s32 $0xFFFFFFB0  }
0x77: {  	_ =	swait.ge [sflag:s17], $0x50  }
0x78: {  	[sflag:s17] =	ssyncset.done $0x0  }
0x79: {  	[sflag:s17] =	ssyncadd.s32 $0xFFFFFFB0  }
0x7a: {  	_ =	swait.ge [sflag:s17], $0x50  }
0x7b: {  	[sflag:s17] =	ssyncset.done $0x0  }
0x7c: {  	[sflag:s17] =	ssyncadd.s32 $0xFFFFFFB0  }
0x7d: {  	_ =	swait.ge [sflag:s17], $0x50  }
0x7e: {  	s23 =	simm.s32 $0x640;
	s25 =	simm.s32 $0xC80;
	[sflag:s17] =	ssyncset.done $0x0  }
.LBB2_2:
0x7f: {  	s26 =	sshra.s32 s23, $0x2  }
0x80: {  	[sflag:s17] =	ssyncadd.s32 $0xFFFFFFB0;
	s23 =	smov.u32 s25;
	s24 =	sadd.s32 $0x640, s25  }
0x81: {  	[spmem:s2] =	stream.indirect.scatter.add.f32 [tilespmem:s16], [sflag:$0x1], $0x1, s26, s15, $0xb8;
	[tilespmem:$0x5700] =	vst v63  }
0x82: {  	p0 =	sne.s32 s25, $0x9600;
	s25 =	sadd.s32 $0x2780, s26  }
0x83: {  	[spmem:s3] =	stream.indirect.scatter.add.f32 [tilespmem:s16], [sflag:$0x1], $0x1, s25, s15, $0xb8;
	[tilespmem:$0x5700] =	vst v63  }
0x84: {  	s25 =	sadd.s32 $0x50, s26  }
0x85: {  	[spmem:s2] =	stream.indirect.scatter.add.f32 [tilespmem:s16], [sflag:$0x1], $0x1, s25, s15, $0xb8;
	[tilespmem:$0x5700] =	vst v63  }
0x86: {  	s25 =	sadd.s32 $0x27D0, s26  }
0x87: {  	[spmem:s3] =	stream.indirect.scatter.add.f32 [tilespmem:s16], [sflag:$0x1], $0x1, s25, s15, $0xb8;
	[tilespmem:$0x5700] =	vst v63  }
0x88: {  	s25 =	sadd.s32 $0xA0, s26  }
0x89: {  	[spmem:s2] =	stream.indirect.scatter.add.f32 [tilespmem:s16], [sflag:$0x1], $0x1, s25, s15, $0xb8;
	[tilespmem:$0x5700] =	vst v63  }
0x8a: {  	s25 =	sadd.s32 $0x2820, s26  }
0x8b: {  	[spmem:s3] =	stream.indirect.scatter.add.f32 [tilespmem:s16], [sflag:$0x1], $0x1, s25, s15, $0xb8;
	[tilespmem:$0x5700] =	vst v63  }
0x8c: {  	s25 =	sadd.s32 $0xF0, s26  }
0x8d: {  	[spmem:s2] =	stream.indirect.scatter.add.f32 [tilespmem:s16], [sflag:$0x1], $0x1, s25, s15, $0xb8;
	[tilespmem:$0x5700] =	vst v63  }
0x8e: {  	s25 =	sadd.s32 $0x2870, s26  }
0x8f: {  	[spmem:s3] =	stream.indirect.scatter.add.f32 [tilespmem:s16], [sflag:$0x1], $0x1, s25, s15, $0xb8;
	[tilespmem:$0x5700] =	vst v63  }
0x90: {  	s25 =	sadd.s32 $0x140, s26  }
0x91: {  	[spmem:s2] =	stream.indirect.scatter.add.f32 [tilespmem:s16], [sflag:$0x1], $0x1, s25, s15, $0xb8;
	[tilespmem:$0x5700] =	vst v63  }
0x92: {  	s25 =	sadd.s32 $0x28C0, s26  }
0x93: {  	[spmem:s3] =	stream.indirect.scatter.add.f32 [tilespmem:s16], [sflag:$0x1], $0x1, s25, s15, $0xb8;
	[tilespmem:$0x5700] =	vst v63  }
0x94: {  	_ =	swait.ge [sflag:s17], $0x50  }
0x95: {  	[sflag:s17] =	ssyncset.done $0x0  }
0x96: {  	[sflag:s17] =	ssyncadd.s32 $0xFFFFFFB0  }
0x97: {  	_ =	swait.ge [sflag:s17], $0x50  }
0x98: {  	[sflag:s17] =	ssyncset.done $0x0  }
0x99: {  	[sflag:s17] =	ssyncadd.s32 $0xFFFFFFB0  }
0x9a: {  	_ =	swait.ge [sflag:s17], $0x50  }
0x9b: {  	[sflag:s17] =	ssyncset.done $0x0  }
0x9c: {  	[sflag:s17] =	ssyncadd.s32 $0xFFFFFFB0  }
0x9d: {  	_ =	swait.ge [sflag:s17], $0x50  }
0x9e: {  	[sflag:s17] =	ssyncset.done $0x0  }
0x9f: {  	[sflag:s17] =	ssyncadd.s32 $0xFFFFFFB0  }
0xa0: {  	_ =	swait.ge [sflag:s17], $0x50  }
0xa1: {  	[sflag:s17] =	ssyncset.done $0x0  }
0xa2: {  	[sflag:s17] =	ssyncadd.s32 $0xFFFFFFB0  }
0xa3: {  	_ =	swait.ge [sflag:s17], $0x50  }
0xa4: {  	[sflag:s17] =	ssyncset.done $0x0  }
0xa5: {  	[sflag:s17] =	ssyncadd.s32 $0xFFFFFFB0  }
0xa6: {  	_ =	swait.ge [sflag:s17], $0x50  }
0xa7: {  	[sflag:s17] =	ssyncset.done $0x0  }
0xa8: {  	[sflag:s17] =	ssyncadd.s32 $0xFFFFFFB0  }
0xa9: {  	_ =	swait.ge [sflag:s17], $0x50  }
0xaa: {  	[sflag:s17] =	ssyncset.done $0x0  }
0xab: {  	[sflag:s17] =	ssyncadd.s32 $0xFFFFFFB0  }
.Ltmp0:
0xac: {  	_ =	swait.ge [sflag:s17], $0x50;
	(pc) =	sbr.rel @p0 .LBB2_2-.Ltmp0, $4  }
0xad: {  	[sflag:s17] =	ssyncset.done $0x0  }
0xae: {  	[sflag:s17] =	ssyncadd.s32 $0xFFFFFFB0  }
0xaf: {  	_ =	swait.ge [sflag:s17], $0x50  }
0xb0: {  	s25 =	smov.u32 s24;
	[sflag:s17] =	ssyncset.done $0x0  }
0xb1: {  	s23 =	sshra.s32 s23, $0x2;
	[sflag:s17] =	ssyncadd.s32 $0xFFFFFFB0  }
0xb2: {  	[spmem:s2] =	stream.indirect.scatter.add.f32 [tilespmem:s16], [sflag:$0x1], $0x1, s23, s15, $0xb8;
	[tilespmem:$0x5700] =	vst v63  }
0xb3: {  	s24 =	sadd.s32 $0x2780, s23  }
0xb4: {  	[spmem:s3] =	stream.indirect.scatter.add.f32 [tilespmem:s16], [sflag:$0x1], $0x1, s24, s15, $0xb8;
	[tilespmem:$0x5700] =	vst v63  }
0xb5: {  	s30 =	sadd.s32 $0x50, s23  }
0xb6: {  	[spmem:s2] =	stream.indirect.scatter.add.f32 [tilespmem:s16], [sflag:$0x1], $0x1, s30, s15, $0xb8;
	[tilespmem:$0x5700] =	vst v63  }
0xb7: {  	s31 =	sadd.s32 $0x27D0, s23  }
0xb8: {  	[spmem:s3] =	stream.indirect.scatter.add.f32 [tilespmem:s16], [sflag:$0x1], $0x1, s31, s15, $0xb8;
	[tilespmem:$0x5700] =	vst v63  }
0xb9: {  	s25 =	sadd.s32 $0xA0, s23  }
0xba: {  	[spmem:s2] =	stream.indirect.scatter.add.f32 [tilespmem:s16], [sflag:$0x1], $0x1, s25, s15, $0xb8;
	[tilespmem:$0x5700] =	vst v63  }
0xbb: {  	s26 =	sadd.s32 $0x2820, s23  }
0xbc: {  	[spmem:s3] =	stream.indirect.scatter.add.f32 [tilespmem:s16], [sflag:$0x1], $0x1, s26, s15, $0xb8;
	[tilespmem:$0x5700] =	vst v63  }
0xbd: {  	s28 =	sadd.s32 $0xF0, s23  }
0xbe: {  	[spmem:s2] =	stream.indirect.scatter.add.f32 [tilespmem:s16], [sflag:$0x1], $0x1, s28, s15, $0xb8;
	[tilespmem:$0x5700] =	vst v63  }
0xbf: {  	s29 =	sadd.s32 $0x2870, s23  }
0xc0: {  	[spmem:s3] =	stream.indirect.scatter.add.f32 [tilespmem:s16], [sflag:$0x1], $0x1, s29, s15, $0xb8;
	[tilespmem:$0x5700] =	vst v63  }
0xc1: {  	s30 =	sadd.s32 $0x140, s23  }
0xc2: {  	[spmem:s2] =	stream.indirect.scatter.add.f32 [tilespmem:s16], [sflag:$0x1], $0x1, s30, s15, $0xb8;
	[tilespmem:$0x5700] =	vst v63  }
0xc3: {  	s23 =	sadd.s32 $0x28C0, s23  }
0xc4: {  	[spmem:s3] =	stream.indirect.scatter.add.f32 [tilespmem:s16], [sflag:$0x1], $0x1, s23, s15, $0xb8;
	[tilespmem:$0x5700] =	vst v63  }
0xc5: {  	_ =	swait.ge [sflag:s17], $0x50  }
0xc6: {  	[sflag:s17] =	ssyncset.done $0x0  }
0xc7: {  	[sflag:s17] =	ssyncadd.s32 $0xFFFFFFB0  }
0xc8: {  	_ =	swait.ge [sflag:s17], $0x50  }
0xc9: {  	[sflag:s17] =	ssyncset.done $0x0  }
0xca: {  	[sflag:s17] =	ssyncadd.s32 $0xFFFFFFB0  }
0xcb: {  	_ =	swait.ge [sflag:s17], $0x50  }
0xcc: {  	[sflag:s17] =	ssyncset.done $0x0  }
0xcd: {  	[sflag:s17] =	ssyncadd.s32 $0xFFFFFFB0  }
0xce: {  	_ =	swait.ge [sflag:s17], $0x50  }
0xcf: {  	[sflag:s17] =	ssyncset.done $0x0  }
0xd0: {  	[sflag:s17] =	ssyncadd.s32 $0xFFFFFFB0  }
0xd1: {  	_ =	swait.ge [sflag:s17], $0x50  }
0xd2: {  	[sflag:s17] =	ssyncset.done $0x0  }
0xd3: {  	[sflag:s17] =	ssyncadd.s32 $0xFFFFFFB0  }
0xd4: {  	_ =	swait.ge [sflag:s17], $0x50  }
0xd5: {  	[sflag:s17] =	ssyncset.done $0x0  }
0xd6: {  	[sflag:s17] =	ssyncadd.s32 $0xFFFFFFB0  }
0xd7: {  	_ =	swait.ge [sflag:s17], $0x50  }
0xd8: {  	[sflag:s17] =	ssyncset.done $0x0  }
0xd9: {  	[sflag:s17] =	ssyncadd.s32 $0xFFFFFFB0  }
0xda: {  	_ =	swait.ge [sflag:s17], $0x50  }
0xdb: {  	[sflag:s17] =	ssyncset.done $0x0  }
0xdc: {  	[sflag:s17] =	ssyncadd.s32 $0xFFFFFFB0  }
0xdd: {  	_ =	swait.ge [sflag:s17], $0x50  }
0xde: {  	[sflag:s17] =	ssyncset.done $0x0  }
0xdf: {  	[sflag:s17] =	ssyncadd.s32 $0xFFFFFFB0  }
0xe0: {  	_ =	swait.ge [sflag:s17], $0x50  }
0xe1: {  	[sflag:s17] =	ssyncset.done $0x0  }
0xe2: {  	[sflag:s17] =	ssyncadd.s32 $0xFFFFFFB0  }
0xe3: {  	[bflag:$0x0] =	sbarrier.arrive $0xFFFF  }
0xe4: {  	[hbm:s9@s20], [sflag:s18] =	dma.strided [spmem:s19@s21], $0x50, s17, $0x10   }
0xe5: {  	s22 =	sadd.s32 $0x1, s22;
	_ =	swait.ge [sflag:s13], $0x50  }
0xe6: {  	p0 =	sne.s32 s22, s11;
	[sflag:s13] =	ssyncset.done $0x0  }
.Ltmp1:
0xe7: {  	s31 =	sshrl.u32 s6, $0x3;
	[sflag:s13] =	ssyncadd.s32 $0xFFFFFFB0;
	(pc) =	sbr.rel @p0 .LBB2_1-.Ltmp1, $4  }
0xe8: {  	[hbm:s10@s20], [sflag:s18] =	dma.strided [spmem:s31@s21], $0x50, s17, $0x10   }
0xe9: {  	_ =	swait.ge [sflag:s13], $0x50  }
0xea: {  	[sflag:s13] =	ssyncset.done $0x0  }
0xeb: {  	[sflag:s13] =	ssyncadd.s32 $0xFFFFFFB0  }
0xec: {  	_ =	sfence.sel $0x180000  }
0xed: {  	[bflag:$0x0] =	sbarrier.arrive $0xFFFF  }
0xee: {  	p0 =	sne.s32 s0, $0x0;
	_ =	strace $0x90000047  }
0xef: {  	s0 =	sadd.s32 @!p0 $0x100000, s1;
	[bflag:$0x2] =	sbarrier.arrive $0xFFFF  }
0xf0: {  	[sflag:s0] =	ssyncadd.tile.s32 @!p0 $0x1;
	_ =	shalt  }
.Lfunc_end2:
_tile_overlayer_lowered:
.L_overlay_start_2:
0xf1: {  	(tag) =	ssettag $0x2  }
0xf2: {  	s0 =	rddreg [dreg:$0x0];
	s2 =	stileid.u32  }
0xf3: {  	s1 =	rddreg [dreg:$0x1];
	p0 =	sne.s32 s2, $0x0  }
0xf4: {  	s3 =	rddreg [dreg:$0x2];
	[bflag:$0x3] =	sbarrier.arrive $0xFFFF;
	s2 =	simm.s32 @!p0 $0x1C02  }
0xf5: {  	[timem:s3], [sflag:s2] =	dma.local @!p0 [hbm:s0], s1  }
0xf6: {  	s0 =	simm.s32 @!p0 $0x2  }
0xf7: {  	_ =	swait.ge @!p0 [sflag:s0], s1  }
0xf8: {  	s1 =	ssub.s32 @!p0 $0x0, s1;
	[sflag:s0] =	ssyncset.done @!p0 $0x0  }
0xf9: {  	[sflag:s0] =	ssyncadd.s32 @!p0 s1  }
0xfa: {  	[bflag:$0x3] =	sbarrier.arrive $0xFFFF  }
0xfb: {  	_ =	shalt  }

// kernel: kernel.9.cloned.1.call-start
scs
__scs_entry_jumppad:
0x0: {  	(pc) =	sbr.rel $0x88, $3  }
0x1: {  	(tag) =	ssettag $0x0;
	lr =	simm.s32 $0x1  }
0x2: {  	[smem:$0x3F9D] =	sst lr;
	_ =	strace $0xD0000000  }
0x3: {  	_ = 	snop  }
0x4: {  	_ = 	snop  }
0x5: {  	_ = 	snop  }
0x6: {  	_ = 	snop  }
0x7: {  	_ = 	snop  }
__scs_overlays_trampoline_lowered:
0x8: {  	[smem:$0x3FAC] =	sst s0  }
0x9: {  	[smem:$0x3FAD] =	sst s1  }
0xa: {  	[smem:$0x3FAE] =	sst s2  }
0xb: {  	[smem:$0x3FAF] =	sst s3  }
0xc: {  	[smem:$0x3FB0] =	sst s4  }
0xd: {  	[smem:$0x3FB1] =	sst s5  }
0xe: {  	[smem:$0x3FB2] =	sst s6  }
0xf: {  	[smem:$0x3FB3] =	sst s7  }
0x10: {  	[smem:$0x3FB4] =	sst s8  }
0x11: {  	[smem:$0x3FB5] =	sst s9;
	s0 =	simm.s32 @!p0 $0x0  }
0x12: {  	s1 =	sld [smem:$0x3F9B];
	s0 =	simm.s32 @p0 $0x1  }
0x13: {  	[smem:$0x3FB6] =	sst s0;
	s0 =	simm.s32 @!p1 $0x0  }
0x14: {  	s2 =	sld [smem:$0x3F9A];
	s0 =	simm.s32 @p1 $0x1  }
0x15: {  	[smem:$0x3FB7] =	sst s0;
	s0 =	simm.s32 @!p2 $0x0  }
0x16: {  	s3 =	sld [smem:$0x3FDB];
	s0 =	simm.s32 @p2 $0x1  }
0x17: {  	s4 =	simm.s32 $0x1BF5;
	[smem:$0x3FB9] =	sst s0  }
0x18: {  	s0 =	sld [smem:$0x3F9C];
	_ =	swait.ge [sflag:s4], $0x0  }
0x19: {  	s7 =	sld [smem:$0x3F9D]  }
0x1a: {  	s8 =	sadd.s32 $0xFFFFE003, lr  }
0x1b: {  	s9 =	sadd.s32 $0xFFFFFEF7, lr;
	s5 =	simm.s32 $0xFFFFFFFF;
	p2 =	slt.u32 s8, $0xFFFFF086  }
0x1c: {  	p1 =	slt.u32 s9, $0xF7A;
	s5 =	simm.s32 @!p2 $0x0  }
0x1d: {  	s5 =	simm.s32 @p1 $0x1;
	p0 =	seq.s32 s7, s2  }
0x1e: {  	s7 =	smul.u32 @!p0 $0xF7A, s2;
	p2 =	seq.s32 @!p0 s5, $0x0  }
0x1f: {  	s9 =	smul.u32 $0xF7A, s1;
	s8 =	simm.s32 @!p0 $0x1BF5;
	p2 =	por !p2, p0  }
0x20: {  	[sflag:s8] =	ssyncset.s32 @!p0 $0xFFFFF086;
	s6 =	sadd.s32 @!p0 s3, s7;
	s7 =	simm.s32 @!p0 $0x108  }
0x21: {  	s3 =	sadd.s32 s3, s9;
	s6 =	sadd.s32 @!p0 $0x88, s6;
	s7 =	simm.s32 @p2 $0x1082  }
0x22: {  	[simem:s7], [sflag:s8] =	dma.local @!p0 [hbm:s6], $0xF7A  }
0x23: {  	s9 =	sor.u32 $0xD0000000, s2;
	s6 =	simm.s32 $0x108;
	_ =	swait.ge @!p0 [sflag:s8], $0x0  }
0x24: {  	s3 =	sadd.s32 $0x88, s3;
	s6 =	simm.s32 @!p1 $0x1082;
	[sflag:s4] =	ssyncset.s32 $0xFFFFF086  }
0x25: {  	[simem:s6], [sflag:s4] =	dma.local [hbm:s3], $0xF7A  }
0x26: {  	[smem:$0x3F9D] =	sst s1;
	(tag) =	ssettag s2;
	_ =	strace s9  }
0x27: {  	s1 =	sld [smem:$0x3FAD]  }
0x28: {  	s2 =	sld [smem:$0x3FAE]  }
0x29: {  	s4 =	sld [smem:$0x3FB0]  }
0x2a: {  	p0 =	seq.s32 s5, $0x0;
	s5 =	sld [smem:$0x3FB1]  }
0x2b: {  	s6 =	sld [smem:$0x3FB2]  }
0x2c: {  	s7 =	sld [smem:$0x3FB3]  }
0x2d: {  	s3 =	simm.s32 $0x108;
	s8 =	sld [smem:$0x3FB4]  }
0x2e: {  	s3 =	simm.s32 @!p0 $0x1082;
	s9 =	sld [smem:$0x3FB5]  }
0x2f: {  	lr =	sadd.s32 s0, s3;
	s0 =	sld [smem:$0x3FAC]  }
0x30: {  	s3 =	sld [smem:$0x3FAF]  }
0x31: {  	[smem:$0x3FB8] =	sst s10  }
0x32: {  	s10 =	sld [smem:$0x3FB6];
	_ =	sdelay $0x3  }
0x33: {  	p0 =	seq.s32 s10, $0x1;
	s10 =	sld [smem:$0x3FB8];
	_ =	sdelay $0x3  }
0x34: {  	[smem:$0x3FB8] =	sst s10  }
0x35: {  	s10 =	sld [smem:$0x3FB7];
	_ =	sdelay $0x3  }
0x36: {  	p1 =	seq.s32 s10, $0x1;
	s10 =	sld [smem:$0x3FB8];
	_ =	sdelay $0x3  }
0x37: {  	[smem:$0x3FB8] =	sst s10  }
0x38: {  	s10 =	sld [smem:$0x3FB9]  }
0x39: {  	_ = 	snop;
	(pc) =	sbr.ind lr, $3  }
0x3a: {  	_ = 	snop  }
0x3b: {  	_ = 	snop  }
0x3c: {  	p2 =	seq.s32 s10, $0x1;
	s10 =	sld [smem:$0x3FB8]  }
0x3d: {  	_ =	shalt  }
0x3e: {  	_ =	shalt  }
0x3f: {  	_ =	shalt  }
0x40: {  	_ =	shalt  }
0x41: {  	_ =	shalt  }
0x42: {  	_ =	shalt  }
0x43: {  	_ =	shalt  }
0x44: {  	_ =	shalt  }
0x45: {  	_ =	shalt  }
0x46: {  	_ =	shalt  }
0x47: {  	_ =	shalt  }
0x48: {  	_ =	shalt  }
0x49: {  	_ =	shalt  }
0x4a: {  	_ =	shalt  }
0x4b: {  	_ =	shalt  }
0x4c: {  	_ =	shalt  }
0x4d: {  	_ =	shalt  }
0x4e: {  	_ =	shalt  }
0x4f: {  	_ =	shalt  }
0x50: {  	_ =	shalt  }
0x51: {  	_ =	shalt  }
0x52: {  	_ =	shalt  }
0x53: {  	_ =	shalt  }
0x54: {  	_ =	shalt  }
0x55: {  	_ =	shalt  }
0x56: {  	_ =	shalt  }
0x57: {  	_ =	shalt  }
0x58: {  	_ =	shalt  }
0x59: {  	_ =	shalt  }
0x5a: {  	_ =	shalt  }
0x5b: {  	_ =	shalt  }
0x5c: {  	_ =	shalt  }
0x5d: {  	_ =	shalt  }
0x5e: {  	_ =	shalt  }
0x5f: {  	_ =	shalt  }
0x60: {  	_ =	shalt  }
0x61: {  	_ =	shalt  }
0x62: {  	_ =	shalt  }
0x63: {  	_ =	shalt  }
0x64: {  	_ =	shalt  }
0x65: {  	_ =	shalt  }
0x66: {  	_ =	shalt  }
0x67: {  	_ =	shalt  }
0x68: {  	_ =	shalt  }
0x69: {  	_ =	shalt  }
0x6a: {  	_ =	shalt  }
0x6b: {  	_ =	shalt  }
0x6c: {  	_ =	shalt  }
0x6d: {  	_ =	shalt  }
0x6e: {  	_ =	shalt  }
0x6f: {  	_ =	shalt  }
0x70: {  	_ =	shalt  }
0x71: {  	_ =	shalt  }
0x72: {  	_ =	shalt  }
0x73: {  	_ =	shalt  }
0x74: {  	_ =	shalt  }
0x75: {  	_ =	shalt  }
0x76: {  	_ =	shalt  }
0x77: {  	_ =	shalt  }
0x78: {  	_ =	shalt  }
0x79: {  	_ =	shalt  }
0x7a: {  	_ =	shalt  }
0x7b: {  	_ =	shalt  }
0x7c: {  	_ =	shalt  }
0x7d: {  	_ =	shalt  }
0x7e: {  	_ =	shalt  }
0x7f: {  	_ =	shalt  }
0x80: {  	_ =	shalt  }
0x81: {  	_ =	shalt  }
0x82: {  	_ =	shalt  }
0x83: {  	_ =	shalt  }
0x84: {  	_ =	shalt  }
0x85: {  	_ =	shalt  }
0x86: {  	_ =	shalt  }
0x87: {  	_ =	shalt  }
.Lfunc_end0:
.L_simem_size_0:
called_computation.1_lowered:
.L_overlay_start_0:
0x88: {  	s2 =	sld [smem:$0x3FD9]  }
0x89: {  	s3 =	sld [smem:$0x3FFE];
	_ =	sdelay $0x1  }
0x8a: {  	s1 =	srdreg.scid  }
0x8b: {  	s0 =	sand.u32 $0x1, s1  }
0x8c: {  	s17 =	sshll.u32 s0, $0xA;
	s2 =	sadd.s32 s3, s2  }
0x8d: {  	s2 =	sadd.s32 s2, s17  }
0x8e: {  	[smem:$0x3FC4] =	sst s2  }
0x8f: {  	_ = 	snop  }
0x90: {  	s2 =	sld [smem:$0x3FD0];
	(tm) =	ssettm $0x1  }
0x91: {  	s18 =	sld [smem:$0x3FFB];
	_ =	sdelay $0x3  }
0x92: {  	_ =	strace s18  }
0x93: {  	s3 =	sld [smem:$0x3FFC];
	_ =	sdelay $0x3  }
0x94: {  	_ =	strace s3  }
0x95: {  	s3 =	sld [smem:$0x3FFD];
	_ =	sdelay $0x3  }
0x96: {  	_ =	strace s3  }
0x97: {  	_ =	strace $0x8FFFFFFF  }
0x98: {  	s19 =	sld [smem:$0x3FDB];
	_ =	sdelay $0x1  }
0x99: {  	s4 =	simm.s32 $_scs_section_size  }
0x9a: {  	s5 =	simm.s32 $_size__tile_overlayer_lowered;
	s6 =	simm.s32 $_tile_overlayer_lowered  }
0x9b: {  	s22 =	simm.s32 $0x1BFF;
	s21 =	sshll.u32 s6, $0x1;
	s3 =	sadd.s32 s4, s19  }
0x9c: {  	s7 =	simm.s32 $0x0;
	s20 =	sshll.u32 s5, $0x1;
	s5 =	sadd.s32 s21, s3  }
0x9d: {  	[timem:s7], [sflag:s22] =	dma.local [hbm:s5], s20  }
0x9e: {  	_ =	swait.ge [sflag:s22], s20  }
0x9f: {  	s4 =	ssub.s32 $0x0, s20;
	[sflag:s22] =	ssyncset.done $0x0  }
0xa0: {  	[sflag:s22] =	ssyncadd.s32 s4;
	_ =	sdelay $0x1  }
0xa1: {  	s23 =	simm.s32 $0x1B8B  }
0xa2: {  	_ =	swait.ge [sflag:s23], $0x1  }
0xa3: {  	[sflag:s23] =	ssyncset.done $0x0  }
0xa4: {  	s25 =	simm.s32 $0x1B8E;
	s24 =	sld [smem:$0x3FFE];
	[sflag:s23] =	ssyncadd.s32 $0xFFFFFFFF  }
0xa5: {  	s26 =	simm.s32 $execute0_lowered;
	[smem:$0x3FD2] =	sst s25  }
0xa6: {  	s5 =	sshll.u32 s26, $0x1;
	_ =	strace $0x80000049;
	[dreg:$0x1] =	wrdreg $0xFFFFFFFF  }
0xa7: {  	s28 =	simm.s32 $_size_execute0_lowered;
	s3 =	sadd.s32 s3, s5;
	[dreg:$0x0] =	wrdreg $0x0  }
0xa8: {  	s5 =	sshll.u32 s28, $0x1;
	[dreg:$0x2] =	wrdreg s3  }
0xa9: {  	[dreg:$0x3] =	wrdreg s5  }
0xaa: {  	[dreg:$0x4] =	wrdreg $0xC0  }
0xab: {  	_ =	task [dreg:s7], $0x5FFFF  }
0xac: {  	[dreg:$0x1] =	wrdreg $0xFFFFFFFF  }
0xad: {  	[dreg:$0x0] =	wrdreg $0x60  }
0xae: {  	[dreg:$0x2] =	wrdreg s2  }
0xaf: {  	[dreg:$0x3] =	wrdreg s24  }
0xb0: {  	[dreg:$0x4] =	wrdreg $0xA8000  }
0xb1: {  	[dreg:$0x5] =	wrdreg $0x9  }
0xb2: {  	_ =	task.clear_ibuf [dreg:s7], $0x6FFFF;
	_ =	strace $0x90000049  }
0xb3: {  	s29 =	simm.s32 $0x9;
	_ =	strace $0x8000004B  }
0xb4: {  	_ =	swait.ge [sflag:s29], $0x1  }
0xb5: {  	[sflag:s29] =	ssyncadd.s32 $0xFFFFFFFF  }
0xb6: {  	_ =	strace $0x9000004B  }
0xb7: {  	_ =	sfence  }
0xb8: {  	s30 =	sld [smem:$0x0];
	_ =	sdelay $0x2  }
0xb9: {  	s31 =	sshll.u32 s1, $0xD;
	s1 =	sshrl.u32 s1, $0x2  }
0xba: {  	s3 =	sand.u32 $0x4000, s31;
	s1 =	sadd.s32 s1, s30  }
0xbb: {  	s0 =	sor.u32 s3, s0;
	s1 =	sshll.u32 s1, $0x11  }
0xbc: {  	s0 =	sor.u32 s1, s0  }
0xbd: {  	s0 =	sadd.s32 $0x8F2B, s0  }
0xbe: {  	[sflag:s0] =	ssyncadd.remote.s32 $0x1  }
0xbf: {  	_ =	sfence.sel $0xFFFF  }
0xc0: {  	[dreg:$0x0] =	wrdreg $0xFFFFFFFF;
	(pc) =	sbr.abs _section_cstart, $3  }
0xc1: {  	[dreg:$0x1] =	wrdreg $0xFFFFFFFF  }
0xc2: {  	_ =	task.clear_ibuf [dreg:s7], $0x2FFFF;
	_ =	strace $0x9FFFFFFF  }
0xc3: {  	(tm) =	ssettm $0x7FFFFFFF  }
tec
execute0_lowered:
.L_overlay_start_1:
0x0: {  	(tag) =	ssettag $0x1  }
0x1: {  	s29 =	rddreg [dreg:$0x0]  }
0x2: {  	s0 =	rddreg [dreg:$0x1]  }
0x3: {  	s31 =	rddreg [dreg:$0x2];
	s9 =	stileid.u32  }
0x4: {  	s3 =	srdreg.scid;
	s1 =	simm.s32 $0x0;
	s5 =	smul.u32 $0x14000, s9  }
0x5: {  	s28 =	simm.s32 $0xA;
	s30 =	simm.s32 $0x6;
	s2 =	smul.u32 $0x50000, s9  }
0x6: {  	s6 =	sand.u32 $0x1, s3;
	[smem:$0x7FF] =	sst s1;
	s13 =	smul.u32 $0x4E20, s9  }
0x7: {  	s7 =	sshll.u32 s9, $0x1;
	s14 =	sadd.s32 $0xB000, s0;
	s3 =	smul.u32 $0x140000, s6  }
0x8: {  	_ =	strace $0x8000004A;
	s1 =	sor.u32 s6, s7;
	s4 =	ssub.s32 $0x2, s6  }
0x9: {  	s6 =	smul.u32 $0x2710, s6;
	s8 =	sshrl.u32 s4, $0x1;
	s7 =	sshrl.u32 s2, $0x2  }
0xa: {  	s3 =	sadd.s32 s5, s3;
	s5 =	smul.u32 $0x2710, s1;
	s1 =	sadd.s32 $0x1200, s0  }
0xb: {  	s12 =	sadd.s32 s7, s31;
	s6 =	sadd.s32 s6, s13;
	s3 =	sshrl.u32 s3, $0x3  }
0xc: {  	s26 =	sadd.s32 $0x410, s6;
	[dreg:$0x12] =	wrdreg s12;
	s5 =	sshrl.u32 s5, $0x3  }
0xd: {  	s0 =	sadd.s32 s3, s0;
	s3 =	ssub.s32 s4, s8;
	s8 =	sadd.s32 s14, s5  }
0xe: {  	s4 =	sshrl.u32 s26, $0x3;
	s10 =	sadd.s32 s1, s5;
	[dreg:$0x13] =	wrdreg s8  }
0xf: {  	s11 =	sadd.s32 $0xA, s5;
	s13 =	sadd.s32 s4, s14;
	[dreg:$0x14] =	wrdreg s10  }
0x10: {  	s16 =	sadd.s32 $0x14, s5;
	s0 =	sadd.s32 $0x16200, s0;
	[dreg:$0x9] =	wrdreg s13  }
0x11: {  	s18 =	sadd.s32 $0x1E, s5;
	s15 =	sadd.s32 s14, s11;
	[smem:$0x7F4] =	sst s0  }
0x12: {  	s20 =	sadd.s32 $0x28, s5;
	s7 =	sadd.s32 s1, s11;
	[dreg:$0x15] =	wrdreg s15  }
0x13: {  	s17 =	sadd.s32 s14, s16;
	s9 =	sadd.s32 s1, s16;
	[dreg:$0x16] =	wrdreg s7  }
0x14: {  	s19 =	sadd.s32 s14, s18;
	s8 =	sadd.s32 $0x4B0, s6;
	[dreg:$0x17] =	wrdreg s17  }
0x15: {  	s21 =	sadd.s32 s14, s20;
	s10 =	sadd.s32 $0x460, s6;
	[dreg:$0x18] =	wrdreg s9  }
0x16: {  	s11 =	sadd.s32 $0x3C0, s6;
	s13 =	sadd.s32 $0x3C, s5;
	[dreg:$0x19] =	wrdreg s19  }
0x17: {  	s0 =	simm.s32 $0x3;
	s7 =	sadd.s32 s1, s18;
	[dreg:$0x1b] =	wrdreg s21  }
0x18: {  	s24 =	sshrl.u32 s10, $0x3;
	s10 =	sadd.s32 s4, s1;
	[dreg:$0x1a] =	wrdreg s7  }
0x19: {  	s22 =	sshrl.u32 s8, $0x3;
	s7 =	sadd.s32 s1, s20;
	[dreg:$0x8] =	wrdreg s10  }
0x1a: {  	s8 =	sadd.s32 $0x32, s5;
	s23 =	sadd.s32 s22, s1;
	[dreg:$0x1c] =	wrdreg s7  }
0x1b: {  	s15 =	sshrl.u32 s11, $0x3;
	s25 =	sadd.s32 s24, s1;
	[dreg:$0x4] =	wrdreg s23  }
0x1c: {  	s17 =	sadd.s32 $0x370, s6;
	s2 =	sadd.s32 s24, s14;
	[dreg:$0x6] =	wrdreg s25  }
0x1d: {  	s21 =	sadd.s32 $0x320, s6;
	s16 =	sadd.s32 s15, s1;
	[dreg:$0x7] =	wrdreg s2  }
0x1e: {  	s5 =	sadd.s32 $0x46, s5;
	s18 =	sadd.s32 s15, s14;
	[dreg:$0xa] =	wrdreg s16  }
0x1f: {  	s9 =	simm.s32 $0x0;
	s4 =	sadd.s32 s14, s8;
	[dreg:$0xb] =	wrdreg s18  }
0x20: {  	s19 =	sshrl.u32 s17, $0x3;
	s8 =	sadd.s32 s1, s8;
	[dreg:$0x1d] =	wrdreg s4  }
0x21: {  	s15 =	sadd.s32 s14, s13;
	s17 =	sadd.s32 s14, s5;
	[dreg:$0x1e] =	wrdreg s8  }
0x22: {  	s5 =	sadd.s32 s1, s5;
	s7 =	sadd.s32 s22, s14;
	[dreg:$0x1f] =	wrdreg s15  }
0x23: {  	s20 =	sadd.s32 s19, s1;
	s22 =	sadd.s32 s19, s14;
	[smem:$0x7F2] =	sst s17  }
0x24: {  	s23 =	sshrl.u32 s21, $0x3;
	s25 =	sadd.s32 $0x2D0, s6;
	[smem:$0x7F3] =	sst s5  }
0x25: {  	s16 =	sadd.s32 s1, s13;
	s4 =	smov.u32 s1;
	[dreg:$0x5] =	wrdreg s7  }
0x26: {  	s18 =	smax.u32 s3, $0x1;
	s19 =	sadd.s32 $0x280, s6;
	[dreg:$0xc] =	wrdreg s20  }
0x27: {  	s21 =	sadd.s32 $0x5000, s12;
	s8 =	simm.s32 $0x800;
	[dreg:$0xd] =	wrdreg s22  }
0x28: {  	s17 =	simm.s32 $0x400;
	s13 =	simm.s32 $0x480;
	[smem:$0x7F1] =	sst s16  }
0x29: {  	s3 =	simm.s32 $0x9;
	s15 =	simm.s32 $0xB;
	[smem:$0x7F5] =	sst s18  }
0x2a: {  	s5 =	simm.s32 $0xC;
	s24 =	sadd.s32 s23, s1;
	[smem:$0x7F6] =	sst s19  }
0x2b: {  	s26 =	sadd.s32 s23, s14;
	s2 =	sshrl.u32 s25, $0x3;
	[smem:$0x7F8] =	sst s21  }
0x2c: {  	s20 =	sadd.s32 $0x2800, s12;
	s22 =	sadd.s32 $0x7800, s12;
	[dreg:$0xe] =	wrdreg s24  }
0x2d: {  	s23 =	sadd.s32 $0xA000, s12;
	s25 =	sadd.s32 $0xF000, s12;
	[dreg:$0xf] =	wrdreg s26  }
0x2e: {  	s16 =	simm.s32 $0x180;
	s18 =	simm.s32 $0x1;
	[smem:$0x7F7] =	sst s20  }
0x2f: {  	s19 =	simm.s32 $0x50;
	s7 =	simm.s32 $0x7;
	[smem:$0x7F9] =	sst s22  }
0x30: {  	s10 =	sadd.s32 s2, s1;
	s11 =	sadd.s32 s2, s14;
	[smem:$0x7FA] =	sst s23  }
0x31: {  	s24 =	sadd.s32 $0xC800, s12;
	[smem:$0x7FC] =	sst s25;
	s26 =	sadd.s32 $0x11800, s12  }
0x32: {  	s20 =	simm.s32 $0x80;
	s2 =	simm.s32 $0x100;
	[dreg:$0x10] =	wrdreg s10  }
0x33: {  	s23 =	simm.s32 $0x500;
	s22 =	simm.s32 $0x2;
	[dreg:$0x11] =	wrdreg s11  }
0x34: {  	s25 =	simm.s32 $0x5;
	s1 =	simm.s32 $0x8;
	[smem:$0x7FB] =	sst s24  }
0x35: {  	v0 =	vimm.f32 $0.0e+00;
	[smem:$0x7FD] =	sst s26;
	s10 =	simm.s32 $0xD;
	s26 =	simm.s32 $0x4  }
.LBB2_1:
0x36: {  	[smem:$0x7F0] =	sst s9;
	s6 =	simm.s32 $0x0;
	s11 =	simm.s32 $0x200  }
.LBB2_2:
0x37: {  	p0 =	sne.s32 s11, $0x9E00;
	[tilespmem:s6+$0x870] =	vst v0  }
0x38: {  	[tilespmem:s6+$0x800] =	vst v0  }
0x39: {  	[tilespmem:s6+$0x810] =	vst v0  }
.Ltmp0:
0x3a: {  	[tilespmem:s6+$0x820] =	vst v0;
	(pc) =	sbr.rel @p0 .LBB2_2-.Ltmp0, $4  }
0x3b: {  	[tilespmem:s6+$0x830] =	vst v0  }
0x3c: {  	[tilespmem:s6+$0x840] =	vst v0  }
0x3d: {  	[tilespmem:s6+$0x850] =	vst v0  }
0x3e: {  	[tilespmem:s6+$0x860] =	vst v0;
	s6 =	sshra.s32 s11, $0x2;
	s11 =	sadd.s32 $0x200, s11  }
0x3f: {  	[tilespmem:s6+$0x870] =	vst v0  }
0x40: {  	[tilespmem:s6+$0x800] =	vst v0  }
0x41: {  	[tilespmem:s6+$0x810] =	vst v0  }
0x42: {  	[tilespmem:s6+$0x820] =	vst v0  }
0x43: {  	[tilespmem:s6+$0x830] =	vst v0  }
0x44: {  	[tilespmem:s6+$0x840] =	vst v0  }
0x45: {  	[tilespmem:s6+$0x850] =	vst v0  }
0x46: {  	[tilespmem:s6+$0x860] =	vst v0  }
0x47: {  	[spmem:s12] =	stream.linear.scatter [tilespmem:s8], [sflag:$0xD], $0x2800, $0x38;
	[tilespmem:$0x1E800] =	vst v63  }
0x48: {  	_ =	swait.ge [sflag:s10], $0x2800  }
0x49: {  	s21 =	sld [smem:$0x7F7]  }
0x4a: {  	[sflag:s10] =	ssyncset.done $0x0  }
0x4b: {  	[sflag:s10] =	ssyncadd.s32 $0xFFFFD800  }
0x4c: {  	[spmem:s21] =	stream.linear.scatter [tilespmem:s8], [sflag:$0xD], $0x2800, $0x38;
	[tilespmem:$0x1E800] =	vst v63  }
0x4d: {  	_ =	swait.ge [sflag:s10], $0x2800  }
0x4e: {  	s24 =	sld [smem:$0x7F8]  }
0x4f: {  	[sflag:s10] =	ssyncset.done $0x0  }
0x50: {  	[sflag:s10] =	ssyncadd.s32 $0xFFFFD800  }
0x51: {  	[spmem:s24] =	stream.linear.scatter [tilespmem:s8], [sflag:$0xD], $0x2800, $0x38;
	[tilespmem:$0x1E800] =	vst v63  }
0x52: {  	_ =	swait.ge [sflag:s10], $0x2800  }
0x53: {  	s9 =	sld [smem:$0x7F9]  }
0x54: {  	[sflag:s10] =	ssyncset.done $0x0  }
0x55: {  	[sflag:s10] =	ssyncadd.s32 $0xFFFFD800  }
0x56: {  	[spmem:s9] =	stream.linear.scatter [tilespmem:s8], [sflag:$0xD], $0x2800, $0x38;
	[tilespmem:$0x1E800] =	vst v63  }
0x57: {  	_ =	swait.ge [sflag:s10], $0x2800  }
0x58: {  	s11 =	sld [smem:$0x7FA]  }
0x59: {  	[sflag:s10] =	ssyncset.done $0x0  }
0x5a: {  	[sflag:s10] =	ssyncadd.s32 $0xFFFFD800  }
0x5b: {  	[spmem:s11] =	stream.linear.scatter [tilespmem:s8], [sflag:$0xD], $0x2800, $0x38;
	[tilespmem:$0x1E800] =	vst v63  }
0x5c: {  	_ =	swait.ge [sflag:s10], $0x2800  }
0x5d: {  	s12 =	sld [smem:$0x7FB]  }
0x5e: {  	[sflag:s10] =	ssyncset.done $0x0  }
0x5f: {  	[sflag:s10] =	ssyncadd.s32 $0xFFFFD800  }
0x60: {  	[spmem:s12] =	stream.linear.scatter [tilespmem:s8], [sflag:$0xD], $0x2800, $0x38;
	[tilespmem:$0x1E800] =	vst v63  }
0x61: {  	_ =	swait.ge [sflag:s10], $0x2800  }
0x62: {  	s21 =	sld [smem:$0x7FC]  }
0x63: {  	[sflag:s10] =	ssyncset.done $0x0  }
0x64: {  	[sflag:s10] =	ssyncadd.s32 $0xFFFFD800  }
0x65: {  	[spmem:s21] =	stream.linear.scatter [tilespmem:s8], [sflag:$0xD], $0x2800, $0x38;
	[tilespmem:$0x1E800] =	vst v63  }
0x66: {  	_ =	swait.ge [sflag:s10], $0x2800  }
0x67: {  	s24 =	sld [smem:$0x7FD]  }
0x68: {  	[sflag:s10] =	ssyncset.done $0x0  }
0x69: {  	[sflag:s10] =	ssyncadd.s32 $0xFFFFD800  }
0x6a: {  	[spmem:s24] =	stream.linear.scatter [tilespmem:s8], [sflag:$0xD], $0x2800, $0x38;
	[tilespmem:$0x1E800] =	vst v63  }
0x6b: {  	_ =	swait.ge [sflag:s10], $0x2800  }
0x6c: {  	[sflag:s10] =	ssyncset.done $0x0  }
0x6d: {  	[sflag:s10] =	ssyncadd.s32 $0xFFFFD800  }
0x6e: {  	[bflag:$0x0] =	sbarrier.arrive $0xFFFF  }
0x6f: {  	s6 =	simm.s32 $0x0;
	s11 =	rddreg [dreg:$0x13]  }
0x70: {  	[tilespmem:s6], [sflag:$0x1] =	stream.linear.gather [hbm4b:s11+s6], $0x50, $0x38;
	[tilespmem:$0x1E800] =	vst v63  }
0x71: {  	s9 =	rddreg [dreg:$0x14]  }
0x72: {  	[tilespmem:s17], [sflag:$0x1] =	stream.linear.gather [hbm4b:s9+s6], $0x50, $0x38;
	[tilespmem:$0x1E800] =	vst v63  }
0x73: {  	s12 =	rddreg [dreg:$0x15]  }
0x74: {  	[tilespmem:s20], [sflag:$0x2] =	stream.linear.gather [hbm4b:s12+s6], $0x50, $0x38;
	[tilespmem:$0x1E800] =	vst v63  }
0x75: {  	s21 =	rddreg [dreg:$0x16]  }
0x76: {  	[tilespmem:s13], [sflag:$0x2] =	stream.linear.gather [hbm4b:s21+s6], $0x50, $0x38;
	[tilespmem:$0x1E800] =	vst v63  }
0x77: {  	s24 =	rddreg [dreg:$0x17]  }
0x78: {  	[tilespmem:s2], [sflag:$0x3] =	stream.linear.gather [hbm4b:s24+s6], $0x50, $0x38;
	[tilespmem:$0x1E800] =	vst v63  }
0x79: {  	s9 =	rddreg [dreg:$0x18]  }
0x7a: {  	[tilespmem:s23], [sflag:$0x3] =	stream.linear.gather [hbm4b:s9+s6], $0x50, $0x38;
	[tilespmem:$0x1E800] =	vst v63  }
0x7b: {  	s12 =	rddreg [dreg:$0x19]  }
0x7c: {  	[tilespmem:s16], [sflag:$0x4] =	stream.linear.gather [hbm4b:s12+s6], $0x50, $0x38;
	[tilespmem:$0x1E800] =	vst v63  }
0x7d: {  	s21 =	rddreg [dreg:$0x1a];
	s24 =	simm.s32 $0x580  }
0x7e: {  	[tilespmem:s24], [sflag:$0x4] =	stream.linear.gather [hbm4b:s21+s6], $0x50, $0x38;
	[tilespmem:$0x1E800] =	vst v63  }
0x7f: {  	_ =	swait.ge [sflag:s18], $0x50  }
0x80: {  	[sflag:s18] =	ssyncset.done $0x0  }
0x81: {  	[sflag:s18] =	ssyncadd.s32 $0xFFFFFFB0  }
0x82: {  	_ =	swait.ge [sflag:s18], $0x50  }
0x83: {  	[sflag:s18] =	ssyncset.done $0x0  }
0x84: {  	[sflag:s18] =	ssyncadd.s32 $0xFFFFFFB0  }
0x85: {  	[tilespmem:s8], [sflag:$0x9] =	stream.indirect.gather [hbm4b:s29+s19], $0x80, s6, s19, $0xb8;
	[tilespmem:$0x1E800] =	vst v63  }
0x86: {  	s12 =	simm.s32 $0x200;
	s9 =	rddreg [dreg:$0x1b]  }
0x87: {  	[tilespmem:s12], [sflag:$0x5] =	stream.linear.gather [hbm4b:s9+s6], $0x50, $0x38;
	[tilespmem:$0x1E800] =	vst v63  }
0x88: {  	s24 =	simm.s32 $0x600;
	s21 =	rddreg [dreg:$0x1c]  }
0x89: {  	[tilespmem:s24], [sflag:$0x5] =	stream.linear.gather [hbm4b:s21+s6], $0x50, $0x38;
	[tilespmem:$0x1E800] =	vst v63  }
0x8a: {  	_ =	swait.ge [sflag:s22], $0x50  }
0x8b: {  	[sflag:s22] =	ssyncset.done $0x0  }
0x8c: {  	[sflag:s22] =	ssyncadd.s32 $0xFFFFFFB0  }
0x8d: {  	_ =	swait.ge [sflag:s22], $0x50  }
0x8e: {  	[sflag:s22] =	ssyncset.done $0x0  }
0x8f: {  	s2 =	smov.u32 s29;
	s29 =	simm.s32 $0x3000;
	[sflag:s22] =	ssyncadd.s32 $0xFFFFFFB0  }
0x90: {  	[tilespmem:s29], [sflag:$0xA] =	stream.indirect.gather [hbm4b:s2+s19], $0x80, s20, s19, $0xb8;
	[tilespmem:$0x1E800] =	vst v63  }
0x91: {  	s21 =	simm.s32 $0x280;
	s9 =	rddreg [dreg:$0x1d]  }
0x92: {  	[tilespmem:s21], [sflag:$0x6] =	stream.linear.gather [hbm4b:s9+s6], $0x50, $0x38;
	[tilespmem:$0x1E800] =	vst v63  }
0x93: {  	s24 =	rddreg [dreg:$0x1e];
	s9 =	simm.s32 $0x680  }
0x94: {  	[tilespmem:s9], [sflag:$0x6] =	stream.linear.gather [hbm4b:s24+s6], $0x50, $0x38;
	[tilespmem:$0x1E800] =	vst v63  }
0x95: {  	_ =	swait.ge [sflag:s0], $0x50  }
0x96: {  	[sflag:s0] =	ssyncset.done $0x0  }
0x97: {  	[sflag:s0] =	ssyncadd.s32 $0xFFFFFFB0  }
0x98: {  	_ =	swait.ge [sflag:s0], $0x50  }
0x99: {  	s12 =	simm.s32 $0x100;
	[sflag:s0] =	ssyncset.done $0x0  }
0x9a: {  	s9 =	simm.s32 $0x5800;
	s24 =	rddreg [dreg:$0x1f];
	[sflag:s0] =	ssyncadd.s32 $0xFFFFFFB0  }
0x9b: {  	[tilespmem:s9], [sflag:$0xB] =	stream.indirect.gather [hbm4b:s2+s19], $0x80, s12, s19, $0xb8;
	[tilespmem:$0x1E800] =	vst v63  }
0x9c: {  	s11 =	sld [smem:$0x7F1];
	s12 =	simm.s32 $0x300  }
0x9d: {  	[tilespmem:s12], [sflag:$0x7] =	stream.linear.gather [hbm4b:s24+s6], $0x50, $0x38;
	[tilespmem:$0x1E800] =	vst v63  }
0x9e: {  	s24 =	simm.s32 $0x700  }
0x9f: {  	[tilespmem:s24], [sflag:$0x7] =	stream.linear.gather [hbm4b:s11+s6], $0x50, $0x38;
	[tilespmem:$0x1E800] =	vst v63  }
0xa0: {  	_ =	swait.ge [sflag:s26], $0x50  }
0xa1: {  	[sflag:s26] =	ssyncset.done $0x0  }
0xa2: {  	[sflag:s26] =	ssyncadd.s32 $0xFFFFFFB0  }
0xa3: {  	_ =	swait.ge [sflag:s26], $0x50  }
0xa4: {  	[sflag:s26] =	ssyncset.done $0x0  }
0xa5: {  	s24 =	simm.s32 $0x8000;
	[sflag:s26] =	ssyncadd.s32 $0xFFFFFFB0  }
0xa6: {  	[tilespmem:s24], [sflag:$0xC] =	stream.indirect.gather [hbm4b:s2+s19], $0x80, s16, s19, $0xb8;
	[tilespmem:$0x1E800] =	vst v63  }
0xa7: {  	s16 =	sld [smem:$0x7F2];
	_ =	sdelay $0x1  }
0xa8: {  	s24 =	simm.s32 $0x380  }
0xa9: {  	[tilespmem:s24], [sflag:$0x8] =	stream.linear.gather [hbm4b:s16+s6], $0x50, $0x38;
	[tilespmem:$0x1E800] =	vst v63  }
0xaa: {  	s16 =	sld [smem:$0x7F3];
	_ =	sdelay $0x1  }
0xab: {  	s24 =	simm.s32 $0x780  }
0xac: {  	[tilespmem:s24], [sflag:$0x8] =	stream.linear.gather [hbm4b:s16+s6], $0x50, $0x38;
	[tilespmem:$0x1E800] =	vst v63  }
0xad: {  	_ =	swait.ge [sflag:s3], $0x2800  }
0xae: {  	[sflag:s3] =	ssyncset.done $0x0  }
0xaf: {  	[sflag:s3] =	ssyncadd.s32 $0xFFFFD800  }
0xb0: {  	[spmem:s31] =	stream.indirect.scatter.add.f32 [tilespmem:s8], [sflag:$0xD], $0x80, s17, s19, $0xb8;
	[tilespmem:$0x1E800] =	vst v63  }
0xb1: {  	_ =	swait.ge [sflag:s10], $0x2800  }
0xb2: {  	s16 =	sld [smem:$0x7F6];
	_ =	sdelay $0x2  }
0xb3: {  	[sflag:s10] =	ssyncset.done $0x0;
	s6 =	sshrl.u32 s16, $0x3  }
0xb4: {  	s24 =	simm.s32 $0x0;
	[sflag:s10] =	ssyncadd.s32 $0xFFFFD800;
	s11 =	sadd.s32 s14, s6  }
0xb5: {  	[tilespmem:s24], [sflag:$0x1] =	stream.linear.gather [hbm4b:s11+s24], $0x50, $0x38;
	[tilespmem:$0x1E800] =	vst v63  }
0xb6: {  	s6 =	sadd.s32 s4, s6  }
0xb7: {  	[tilespmem:s17], [sflag:$0x1] =	stream.linear.gather [hbm4b:s6+s24], $0x50, $0x38;
	[tilespmem:$0x1E800] =	vst v63  }
0xb8: {  	_ =	swait.ge [sflag:s25], $0x50  }
0xb9: {  	[sflag:s25] =	ssyncset.done $0x0  }
0xba: {  	[sflag:s25] =	ssyncadd.s32 $0xFFFFFFB0  }
0xbb: {  	_ =	swait.ge [sflag:s25], $0x50  }
0xbc: {  	[sflag:s25] =	ssyncset.done $0x0  }
0xbd: {  	[sflag:s25] =	ssyncadd.s32 $0xFFFFFFB0;
	s25 =	simm.s32 $0x200  }
0xbe: {  	[tilespmem:s8], [sflag:$0x9] =	stream.indirect.gather [hbm4b:s2+s19], $0x80, s25, s19, $0xb8;
	[tilespmem:$0x1E800] =	vst v63  }
0xbf: {  	_ =	swait.ge [sflag:s28], $0x2800  }
0xc0: {  	[sflag:s28] =	ssyncset.done $0x0  }
0xc1: {  	[sflag:s28] =	ssyncadd.s32 $0xFFFFD800  }
0xc2: {  	[spmem:s31] =	stream.indirect.scatter.add.f32 [tilespmem:s29], [sflag:$0xD], $0x80, s13, s19, $0xb8;
	[tilespmem:$0x1E800] =	vst v63  }
0xc3: {  	_ =	swait.ge [sflag:s10], $0x2800  }
0xc4: {  	s6 =	rddreg [dreg:$0x11];
	[sflag:s10] =	ssyncset.done $0x0  }
0xc5: {  	s11 =	rddreg [dreg:$0x10];
	[sflag:s10] =	ssyncadd.s32 $0xFFFFD800;
	s6 =	sadd.s32 $0x0, s6  }
0xc6: {  	[tilespmem:s20], [sflag:$0x2] =	stream.linear.gather [hbm4b:s6+s24], $0x50, $0x38;
	[tilespmem:$0x1E800] =	vst v63  }
0xc7: {  	s11 =	sadd.s32 $0x0, s11  }
0xc8: {  	[tilespmem:s13], [sflag:$0x2] =	stream.linear.gather [hbm4b:s11+s24], $0x50, $0x38;
	[tilespmem:$0x1E800] =	vst v63  }
0xc9: {  	_ =	swait.ge [sflag:s30], $0x50  }
0xca: {  	[sflag:s30] =	ssyncset.done $0x0  }
0xcb: {  	[sflag:s30] =	ssyncadd.s32 $0xFFFFFFB0  }
0xcc: {  	_ =	swait.ge [sflag:s30], $0x50  }
0xcd: {  	[sflag:s30] =	ssyncset.done $0x0  }
0xce: {  	[sflag:s30] =	ssyncadd.s32 $0xFFFFFFB0  }
0xcf: {  	[tilespmem:s29], [sflag:$0xA] =	stream.indirect.gather [hbm4b:s2+s19], $0x80, s21, s19, $0xb8;
	[tilespmem:$0x1E800] =	vst v63  }
0xd0: {  	_ =	swait.ge [sflag:s15], $0x2800  }
0xd1: {  	[sflag:s15] =	ssyncset.done $0x0  }
0xd2: {  	[sflag:s15] =	ssyncadd.s32 $0xFFFFD800  }
0xd3: {  	[spmem:s31] =	stream.indirect.scatter.add.f32 [tilespmem:s9], [sflag:$0xD], $0x80, s23, s19, $0xb8;
	[tilespmem:$0x1E800] =	vst v63  }
0xd4: {  	_ =	swait.ge [sflag:s10], $0x2800  }
0xd5: {  	s21 =	rddreg [dreg:$0xf]  }
0xd6: {  	[sflag:s10] =	ssyncset.done $0x0;
	s30 =	rddreg [dreg:$0xe]  }
0xd7: {  	[sflag:s10] =	ssyncadd.s32 $0xFFFFD800;
	s6 =	sadd.s32 $0x0, s21;
	s21 =	simm.s32 $0x100  }
0xd8: {  	[tilespmem:s21], [sflag:$0x3] =	stream.linear.gather [hbm4b:s6+s24], $0x50, $0x38;
	[tilespmem:$0x1E800] =	vst v63  }
0xd9: {  	s13 =	sadd.s32 $0x0, s30  }
0xda: {  	[tilespmem:s23], [sflag:$0x3] =	stream.linear.gather [hbm4b:s13+s24], $0x50, $0x38;
	[tilespmem:$0x1E800] =	vst v63  }
0xdb: {  	_ =	swait.ge [sflag:s7], $0x50  }
0xdc: {  	[sflag:s7] =	ssyncset.done $0x0  }
0xdd: {  	[sflag:s7] =	ssyncadd.s32 $0xFFFFFFB0  }
0xde: {  	_ =	swait.ge [sflag:s7], $0x50  }
0xdf: {  	[sflag:s7] =	ssyncset.done $0x0  }
0xe0: {  	[sflag:s7] =	ssyncadd.s32 $0xFFFFFFB0  }
0xe1: {  	[tilespmem:s9], [sflag:$0xB] =	stream.indirect.gather [hbm4b:s2+s19], $0x80, s12, s19, $0xb8;
	[tilespmem:$0x1E800] =	vst v63  }
0xe2: {  	_ =	swait.ge [sflag:s5], $0x2800  }
0xe3: {  	[sflag:s5] =	ssyncset.done $0x0  }
0xe4: {  	s7 =	simm.s32 $0x8000;
	s12 =	simm.s32 $0x580;
	[sflag:s5] =	ssyncadd.s32 $0xFFFFD800  }
0xe5: {  	[spmem:s31] =	stream.indirect.scatter.add.f32 [tilespmem:s7], [sflag:$0xD], $0x80, s12, s19, $0xb8;
	[tilespmem:$0x1E800] =	vst v63  }
0xe6: {  	_ =	swait.ge [sflag:s10], $0x2800  }
0xe7: {  	s23 =	rddreg [dreg:$0xd]  }
0xe8: {  	[sflag:s10] =	ssyncset.done $0x0;
	s30 =	rddreg [dreg:$0xc]  }
0xe9: {  	[sflag:s10] =	ssyncadd.s32 $0xFFFFD800;
	s6 =	sadd.s32 $0x0, s23;
	s23 =	simm.s32 $0x180  }
0xea: {  	[tilespmem:s23], [sflag:$0x4] =	stream.linear.gather [hbm4b:s6+s24], $0x50, $0x38;
	[tilespmem:$0x1E800] =	vst v63  }
0xeb: {  	s30 =	sadd.s32 $0x0, s30  }
0xec: {  	[tilespmem:s12], [sflag:$0x4] =	stream.linear.gather [hbm4b:s30+s24], $0x50, $0x38;
	[tilespmem:$0x1E800] =	vst v63  }
0xed: {  	_ =	swait.ge [sflag:s1], $0x50  }
0xee: {  	[sflag:s1] =	ssyncset.done $0x0  }
0xef: {  	[sflag:s1] =	ssyncadd.s32 $0xFFFFFFB0  }
0xf0: {  	_ =	swait.ge [sflag:s1], $0x50  }
0xf1: {  	[sflag:s1] =	ssyncset.done $0x0  }
0xf2: {  	s6 =	simm.s32 $0x380;
	[sflag:s1] =	ssyncadd.s32 $0xFFFFFFB0  }
0xf3: {  	[tilespmem:s7], [sflag:$0xC] =	stream.indirect.gather [hbm4b:s2+s19], $0x80, s6, s19, $0xb8;
	[tilespmem:$0x1E800] =	vst v63  }
0xf4: {  	_ =	swait.ge [sflag:s3], $0x2800  }
0xf5: {  	[sflag:s3] =	ssyncset.done $0x0  }
0xf6: {  	s7 =	simm.s32 $0x600;
	[sflag:s3] =	ssyncadd.s32 $0xFFFFD800  }
0xf7: {  	[spmem:s31] =	stream.indirect.scatter.add.f32 [tilespmem:s8], [sflag:$0xD], $0x80, s7, s19, $0xb8;
	[tilespmem:$0x1E800] =	vst v63  }
0xf8: {  	_ =	swait.ge [sflag:s10], $0x2800  }
0xf9: {  	s11 =	rddreg [dreg:$0xb];
	[sflag:s10] =	ssyncset.done $0x0  }
0xfa: {  	s12 =	rddreg [dreg:$0xa];
	[sflag:s10] =	ssyncadd.s32 $0xFFFFD800;
	s6 =	sadd.s32 $0x0, s11  }
0xfb: {  	[tilespmem:s25], [sflag:$0x5] =	stream.linear.gather [hbm4b:s6+s24], $0x50, $0x38;
	[tilespmem:$0x1E800] =	vst v63  }
0xfc: {  	s13 =	sadd.s32 $0x0, s12  }
0xfd: {  	[tilespmem:s7], [sflag:$0x5] =	stream.linear.gather [hbm4b:s13+s24], $0x50, $0x38;
	[tilespmem:$0x1E800] =	vst v63  }
0xfe: {  	_ =	swait.ge [sflag:s18], $0x50  }
0xff: {  	[sflag:s18] =	ssyncset.done $0x0  }
0x100: {  	[sflag:s18] =	ssyncadd.s32 $0xFFFFFFB0  }
0x101: {  	_ =	swait.ge [sflag:s18], $0x50  }
0x102: {  	[sflag:s18] =	ssyncset.done $0x0  }
0x103: {  	[sflag:s18] =	ssyncadd.s32 $0xFFFFFFB0  }
0x104: {  	[tilespmem:s8], [sflag:$0x9] =	stream.indirect.gather [hbm4b:s2+s19], $0x80, s24, s19, $0xb8;
	[tilespmem:$0x1E800] =	vst v63  }
0x105: {  	_ =	swait.ge [sflag:s28], $0x2800  }
0x106: {  	[sflag:s28] =	ssyncset.done $0x0  }
0x107: {  	p0 =	por $0x0, $0x0;
	s23 =	simm.s32 $0x680;
	[sflag:s28] =	ssyncadd.s32 $0xFFFFD800  }
0x108: {  	[spmem:s31] =	stream.indirect.scatter.add.f32 [tilespmem:s29], [sflag:$0xD], $0x80, s23, s19, $0xb8;
	[tilespmem:$0x1E800] =	vst v63  }
0x109: {  	s12 =	simm.s32 @!p0 $0x0;
	_ =	swait.ge [sflag:s10], $0x2800  }
0x10a: {  	s13 =	simm.s32 @!p0 $0x280;
	s6 =	rddreg [dreg:$0x9];
	[sflag:s10] =	ssyncset.done $0x0  }
0x10b: {  	s11 =	rddreg [dreg:$0x8];
	[sflag:s10] =	ssyncadd.s32 $0xFFFFD800;
	s6 =	sadd.s32 @!p0 $0x0, s6  }
0x10c: {  	[tilespmem:s13], [sflag:$0x6] =	stream.linear.gather @!p0 [hbm4b:s6+s12], $0x50, $0x38;
	[tilespmem:$0x1E800] =	vst v63  }
0x10d: {  	s11 =	sadd.s32 @!p0 $0x0, s11;
	s6 =	simm.s32 @!p0 $0x680  }
0x10e: {  	[tilespmem:s6], [sflag:$0x6] =	stream.linear.gather @!p0 [hbm4b:s11+s12], $0x50, $0x38;
	[tilespmem:$0x1E800] =	vst v63  }
0x10f: {  	_ =	swait.ge [sflag:s22], $0x50  }
0x110: {  	[sflag:s22] =	ssyncset.done $0x0  }
0x111: {  	[sflag:s22] =	ssyncadd.s32 $0xFFFFFFB0  }
0x112: {  	_ =	swait.ge [sflag:s22], $0x50  }
0x113: {  	[sflag:s22] =	ssyncset.done $0x0  }
0x114: {  	[sflag:s22] =	ssyncadd.s32 $0xFFFFFFB0  }
0x115: {  	[tilespmem:s29], [sflag:$0xA] =	stream.indirect.gather [hbm4b:s2+s19], $0x80, s20, s19, $0xb8;
	[tilespmem:$0x1E800] =	vst v63  }
0x116: {  	_ =	swait.ge [sflag:s15], $0x2800  }
0x117: {  	[sflag:s15] =	ssyncset.done $0x0  }
0x118: {  	s25 =	simm.s32 $0x700;
	[sflag:s15] =	ssyncadd.s32 $0xFFFFD800  }
0x119: {  	[spmem:s31] =	stream.indirect.scatter.add.f32 [tilespmem:s9], [sflag:$0xD], $0x80, s25, s19, $0xb8;
	[tilespmem:$0x1E800] =	vst v63  }
0x11a: {  	_ =	swait.ge [sflag:s10], $0x2800  }
0x11b: {  	s13 =	simm.s32 @!p0 $0x300;
	s6 =	rddreg [dreg:$0x7];
	[sflag:s10] =	ssyncset.done $0x0  }
0x11c: {  	s11 =	rddreg [dreg:$0x6];
	[sflag:s10] =	ssyncadd.s32 $0xFFFFD800;
	s6 =	sadd.s32 @!p0 $0x0, s6  }
0x11d: {  	[tilespmem:s13], [sflag:$0x7] =	stream.linear.gather @!p0 [hbm4b:s6+s12], $0x50, $0x38;
	[tilespmem:$0x1E800] =	vst v63  }
0x11e: {  	s11 =	sadd.s32 @!p0 $0x0, s11;
	s6 =	simm.s32 @!p0 $0x700  }
0x11f: {  	[tilespmem:s6], [sflag:$0x7] =	stream.linear.gather @!p0 [hbm4b:s11+s12], $0x50, $0x38;
	[tilespmem:$0x1E800] =	vst v63  }
0x120: {  	_ =	swait.ge [sflag:s0], $0x50  }
0x121: {  	[sflag:s0] =	ssyncset.done $0x0  }
0x122: {  	[sflag:s0] =	ssyncadd.s32 $0xFFFFFFB0  }
0x123: {  	_ =	swait.ge [sflag:s0], $0x50  }
0x124: {  	[sflag:s0] =	ssyncset.done $0x0  }
0x125: {  	[sflag:s0] =	ssyncadd.s32 $0xFFFFFFB0  }
0x126: {  	[tilespmem:s9], [sflag:$0xB] =	stream.indirect.gather [hbm4b:s2+s19], $0x80, s21, s19, $0xb8;
	[tilespmem:$0x1E800] =	vst v63  }
0x127: {  	_ =	swait.ge [sflag:s5], $0x2800  }
0x128: {  	[sflag:s5] =	ssyncset.done $0x0  }
0x129: {  	s30 =	simm.s32 $0x780;
	s1 =	simm.s32 $0x8000;
	[sflag:s5] =	ssyncadd.s32 $0xFFFFD800  }
0x12a: {  	[spmem:s31] =	stream.indirect.scatter.add.f32 [tilespmem:s1], [sflag:$0xD], $0x80, s30, s19, $0xb8;
	[tilespmem:$0x1E800] =	vst v63  }
0x12b: {  	_ =	swait.ge [sflag:s10], $0x2800  }
0x12c: {  	s13 =	simm.s32 @!p0 $0x380;
	s6 =	rddreg [dreg:$0x5];
	[sflag:s10] =	ssyncset.done $0x0  }
0x12d: {  	s11 =	rddreg [dreg:$0x4];
	[sflag:s10] =	ssyncadd.s32 $0xFFFFD800;
	s6 =	sadd.s32 @!p0 $0x0, s6  }
0x12e: {  	[tilespmem:s13], [sflag:$0x8] =	stream.linear.gather @!p0 [hbm4b:s6+s12], $0x50, $0x38;
	[tilespmem:$0x1E800] =	vst v63  }
0x12f: {  	s11 =	sadd.s32 @!p0 $0x0, s11;
	s6 =	simm.s32 @!p0 $0x780  }
0x130: {  	[tilespmem:s6], [sflag:$0x8] =	stream.linear.gather @!p0 [hbm4b:s11+s12], $0x50, $0x38;
	[tilespmem:$0x1E800] =	vst v63  }
0x131: {  	s7 =	simm.s32 $0x7;
	s28 =	simm.s32 $0x2;
	_ =	swait.ge [sflag:s26], $0x50  }
0x132: {  	s23 =	simm.s32 $0x6;
	s22 =	simm.s32 $0x1;
	[sflag:s26] =	ssyncset.done $0x0  }
0x133: {  	s29 =	smov.u32 s2;
	s0 =	simm.s32 $0x3;
	[sflag:s26] =	ssyncadd.s32 $0xFFFFFFB0  }
0x134: {  	s1 =	simm.s32 $0x8;
	s6 =	simm.s32 $0x50;
	_ =	swait.ge [sflag:s26], $0x50  }
0x135: {  	s11 =	smov.u32 s16;
	[sflag:s26] =	ssyncset.done $0x0;
	s26 =	simm.s32 $0x4  }
.LBB2_4:
0x136: {  	[sflag:s26] =	ssyncadd.s32 $0xFFFFFFB0  }
0x137: {  	s3 =	simm.s32 $0x8000;
	s18 =	simm.s32 $0x180;
	s15 =	simm.s32 $0x9  }
0x138: {  	[tilespmem:s3], [sflag:$0xC] =	stream.indirect.gather [hbm4b:s29+s19], $0x80, s18, s19, $0xb8;
	[tilespmem:$0x1E800] =	vst v63  }
0x139: {  	_ =	swait.ge [sflag:s15], $0x2800  }
0x13a: {  	[sflag:s15] =	ssyncset.done $0x0  }
0x13b: {  	[sflag:s15] =	ssyncadd.s32 $0xFFFFD800  }
0x13c: {  	[spmem:s31] =	stream.indirect.scatter.add.f32 [tilespmem:s8], [sflag:$0xD], $0x80, s17, s19, $0xb8;
	[tilespmem:$0x1E800] =	vst v63  }
0x13d: {  	s11 =	sadd.s32 $0x280, s11;
	_ =	swait.ge [sflag:s10], $0x2800  }
0x13e: {  	s13 =	sshrl.u32 s11, $0x3;
	[sflag:s10] =	ssyncset.done $0x0  }
0x13f: {  	s9 =	sadd.s32 s14, s13;
	[sflag:s10] =	ssyncadd.s32 $0xFFFFD800  }
0x140: {  	[tilespmem:s24], [sflag:$0x1] =	stream.linear.gather [hbm4b:s9+s24], $0x50, $0x38;
	[tilespmem:$0x1E800] =	vst v63  }
0x141: {  	s20 =	smov.u32 s14;
	s13 =	sadd.s32 s4, s13;
	s14 =	simm.s32 $0x5  }
0x142: {  	[tilespmem:s17], [sflag:$0x1] =	stream.linear.gather [hbm4b:s13+s24], $0x50, $0x38;
	[tilespmem:$0x1E800] =	vst v63  }
0x143: {  	_ =	swait.ge [sflag:s14], $0x50  }
0x144: {  	[sflag:s14] =	ssyncset.done $0x0  }
0x145: {  	[sflag:s14] =	ssyncadd.s32 $0xFFFFFFB0  }
0x146: {  	_ =	swait.ge [sflag:s14], $0x50  }
0x147: {  	[sflag:s14] =	ssyncset.done $0x0  }
0x148: {  	s3 =	simm.s32 $0x200;
	s17 =	simm.s32 $0xA;
	[sflag:s14] =	ssyncadd.s32 $0xFFFFFFB0  }
0x149: {  	[tilespmem:s8], [sflag:$0x9] =	stream.indirect.gather [hbm4b:s29+s19], $0x80, s3, s19, $0xb8;
	[tilespmem:$0x1E800] =	vst v63  }
0x14a: {  	_ =	swait.ge [sflag:s17], $0x2800  }
0x14b: {  	[sflag:s17] =	ssyncset.done $0x0  }
0x14c: {  	s16 =	simm.s32 $0x480;
	s29 =	simm.s32 $0x3000;
	[sflag:s17] =	ssyncadd.s32 $0xFFFFD800  }
0x14d: {  	[spmem:s31] =	stream.indirect.scatter.add.f32 [tilespmem:s29], [sflag:$0xD], $0x80, s16, s19, $0xb8;
	[tilespmem:$0x1E800] =	vst v63  }
0x14e: {  	s12 =	smov.u32 s6;
	_ =	swait.ge [sflag:s10], $0x2800  }
0x14f: {  	s5 =	simm.s32 $0x80;
	s25 =	rddreg [dreg:$0x11];
	[sflag:s10] =	ssyncset.done $0x0  }
0x150: {  	s30 =	rddreg [dreg:$0x10];
	[sflag:s10] =	ssyncadd.s32 $0xFFFFD800;
	s13 =	sadd.s32 s12, s25  }
0x151: {  	[tilespmem:s5], [sflag:$0x2] =	stream.linear.gather [hbm4b:s13+s24], $0x50, $0x38;
	[tilespmem:$0x1E800] =	vst v63  }
0x152: {  	s9 =	sadd.s32 s12, s30  }
0x153: {  	[tilespmem:s16], [sflag:$0x2] =	stream.linear.gather [hbm4b:s9+s24], $0x50, $0x38;
	[tilespmem:$0x1E800] =	vst v63  }
0x154: {  	_ =	swait.ge [sflag:s23], $0x50  }
0x155: {  	[sflag:s23] =	ssyncset.done $0x0  }
0x156: {  	[sflag:s23] =	ssyncadd.s32 $0xFFFFFFB0  }
0x157: {  	_ =	swait.ge [sflag:s23], $0x50  }
0x158: {  	[sflag:s23] =	ssyncset.done $0x0  }
0x159: {  	s14 =	simm.s32 $0x280;
	s5 =	simm.s32 $0xB;
	[sflag:s23] =	ssyncadd.s32 $0xFFFFFFB0  }
0x15a: {  	[tilespmem:s29], [sflag:$0xA] =	stream.indirect.gather [hbm4b:s2+s19], $0x80, s14, s19, $0xb8;
	[tilespmem:$0x1E800] =	vst v63  }
0x15b: {  	_ =	swait.ge [sflag:s5], $0x2800  }
0x15c: {  	s21 =	smov.u32 s4;
	[sflag:s5] =	ssyncset.done $0x0  }
0x15d: {  	s4 =	simm.s32 $0x5800;
	s9 =	simm.s32 $0x500;
	[sflag:s5] =	ssyncadd.s32 $0xFFFFD800  }
0x15e: {  	[spmem:s31] =	stream.indirect.scatter.add.f32 [tilespmem:s4], [sflag:$0xD], $0x80, s9, s19, $0xb8;
	[tilespmem:$0x1E800] =	vst v63  }
0x15f: {  	_ =	swait.ge [sflag:s10], $0x2800  }
0x160: {  	s16 =	rddreg [dreg:$0xf]  }
0x161: {  	[sflag:s10] =	ssyncset.done $0x0;
	s25 =	rddreg [dreg:$0xe]  }
0x162: {  	[sflag:s10] =	ssyncadd.s32 $0xFFFFD800;
	s13 =	sadd.s32 s12, s16;
	s16 =	simm.s32 $0x100  }
0x163: {  	[tilespmem:s16], [sflag:$0x3] =	stream.linear.gather [hbm4b:s13+s24], $0x50, $0x38;
	[tilespmem:$0x1E800] =	vst v63  }
0x164: {  	s30 =	sadd.s32 s12, s25  }
0x165: {  	[tilespmem:s9], [sflag:$0x3] =	stream.linear.gather [hbm4b:s30+s24], $0x50, $0x38;
	[tilespmem:$0x1E800] =	vst v63  }
0x166: {  	_ =	swait.ge [sflag:s7], $0x50  }
0x167: {  	[sflag:s7] =	ssyncset.done $0x0  }
0x168: {  	[sflag:s7] =	ssyncadd.s32 $0xFFFFFFB0  }
0x169: {  	_ =	swait.ge [sflag:s7], $0x50  }
0x16a: {  	[sflag:s7] =	ssyncset.done $0x0  }
0x16b: {  	s13 =	simm.s32 $0x300;
	s30 =	simm.s32 $0xC;
	[sflag:s7] =	ssyncadd.s32 $0xFFFFFFB0  }
0x16c: {  	[tilespmem:s4], [sflag:$0xB] =	stream.indirect.gather [hbm4b:s2+s19], $0x80, s13, s19, $0xb8;
	[tilespmem:$0x1E800] =	vst v63  }
0x16d: {  	_ =	swait.ge [sflag:s30], $0x2800  }
0x16e: {  	[sflag:s30] =	ssyncset.done $0x0  }
0x16f: {  	s25 =	simm.s32 $0x8000;
	s16 =	simm.s32 $0x580;
	[sflag:s30] =	ssyncadd.s32 $0xFFFFD800  }
0x170: {  	[spmem:s31] =	stream.indirect.scatter.add.f32 [tilespmem:s25], [sflag:$0xD], $0x80, s16, s19, $0xb8;
	[tilespmem:$0x1E800] =	vst v63  }
0x171: {  	_ =	swait.ge [sflag:s10], $0x2800  }
0x172: {  	s14 =	rddreg [dreg:$0xd];
	[sflag:s10] =	ssyncset.done $0x0  }
0x173: {  	s9 =	rddreg [dreg:$0xc];
	[sflag:s10] =	ssyncadd.s32 $0xFFFFD800;
	s13 =	sadd.s32 s12, s14  }
0x174: {  	[tilespmem:s18], [sflag:$0x4] =	stream.linear.gather [hbm4b:s13+s24], $0x50, $0x38;
	[tilespmem:$0x1E800] =	vst v63  }
0x175: {  	s9 =	sadd.s32 s12, s9  }
0x176: {  	[tilespmem:s16], [sflag:$0x4] =	stream.linear.gather [hbm4b:s9+s24], $0x50, $0x38;
	[tilespmem:$0x1E800] =	vst v63  }
0x177: {  	_ =	swait.ge [sflag:s1], $0x50  }
0x178: {  	[sflag:s1] =	ssyncset.done $0x0  }
0x179: {  	[sflag:s1] =	ssyncadd.s32 $0xFFFFFFB0  }
0x17a: {  	_ =	swait.ge [sflag:s1], $0x50  }
0x17b: {  	[sflag:s1] =	ssyncset.done $0x0  }
0x17c: {  	s14 =	simm.s32 $0x380;
	[sflag:s1] =	ssyncadd.s32 $0xFFFFFFB0  }
0x17d: {  	[tilespmem:s25], [sflag:$0xC] =	stream.indirect.gather [hbm4b:s2+s19], $0x80, s14, s19, $0xb8;
	[tilespmem:$0x1E800] =	vst v63  }
0x17e: {  	_ =	swait.ge [sflag:s15], $0x2800  }
0x17f: {  	[sflag:s15] =	ssyncset.done $0x0  }
0x180: {  	s16 =	simm.s32 $0x600;
	[sflag:s15] =	ssyncadd.s32 $0xFFFFD800  }
0x181: {  	[spmem:s31] =	stream.indirect.scatter.add.f32 [tilespmem:s8], [sflag:$0xD], $0x80, s16, s19, $0xb8;
	[tilespmem:$0x1E800] =	vst v63  }
0x182: {  	_ =	swait.ge [sflag:s10], $0x2800  }
0x183: {  	s15 =	rddreg [dreg:$0xb];
	[sflag:s10] =	ssyncset.done $0x0  }
0x184: {  	s18 =	rddreg [dreg:$0xa];
	[sflag:s10] =	ssyncadd.s32 $0xFFFFD800;
	s13 =	sadd.s32 s12, s15  }
0x185: {  	[tilespmem:s3], [sflag:$0x5] =	stream.linear.gather [hbm4b:s13+s24], $0x50, $0x38;
	[tilespmem:$0x1E800] =	vst v63  }
0x186: {  	s3 =	sadd.s32 s12, s18  }
0x187: {  	[tilespmem:s16], [sflag:$0x5] =	stream.linear.gather [hbm4b:s3+s24], $0x50, $0x38;
	[tilespmem:$0x1E800] =	vst v63  }
0x188: {  	_ =	swait.ge [sflag:s22], $0x50  }
0x189: {  	[sflag:s22] =	ssyncset.done $0x0  }
0x18a: {  	[sflag:s22] =	ssyncadd.s32 $0xFFFFFFB0  }
0x18b: {  	_ =	swait.ge [sflag:s22], $0x50  }
0x18c: {  	[sflag:s22] =	ssyncset.done $0x0  }
0x18d: {  	[sflag:s22] =	ssyncadd.s32 $0xFFFFFFB0  }
0x18e: {  	[tilespmem:s8], [sflag:$0x9] =	stream.indirect.gather [hbm4b:s2+s19], $0x80, s24, s19, $0xb8;
	[tilespmem:$0x1E800] =	vst v63  }
0x18f: {  	_ =	swait.ge [sflag:s17], $0x2800  }
0x190: {  	[sflag:s17] =	ssyncset.done $0x0  }
0x191: {  	p1 =	seq.s32 s12, $0x460;
	s14 =	simm.s32 $0x680;
	[sflag:s17] =	ssyncadd.s32 $0xFFFFD800  }
0x192: {  	[spmem:s31] =	stream.indirect.scatter.add.f32 [tilespmem:s29], [sflag:$0xD], $0x80, s14, s19, $0xb8;
	[tilespmem:$0x1E800] =	vst v63  }
0x193: {  	s13 =	simm.s32 @!p1 $0x0;
	_ =	swait.ge [sflag:s10], $0x2800  }
0x194: {  	s16 =	simm.s32 @!p1 $0x280;
	s14 =	rddreg [dreg:$0x9];
	[sflag:s10] =	ssyncset.done $0x0  }
0x195: {  	s15 =	rddreg [dreg:$0x8];
	[sflag:s10] =	ssyncadd.s32 $0xFFFFD800;
	s14 =	sadd.s32 @!p1 s12, s14  }
0x196: {  	[tilespmem:s16], [sflag:$0x6] =	stream.linear.gather @!p1 [hbm4b:s14+s13], $0x50, $0x38;
	[tilespmem:$0x1E800] =	vst v63  }
0x197: {  	s17 =	simm.s32 @!p1 $0x680;
	s14 =	sadd.s32 @!p1 s12, s15  }
0x198: {  	[tilespmem:s17], [sflag:$0x6] =	stream.linear.gather @!p1 [hbm4b:s14+s13], $0x50, $0x38;
	[tilespmem:$0x1E800] =	vst v63  }
0x199: {  	_ =	swait.ge [sflag:s28], $0x50  }
0x19a: {  	[sflag:s28] =	ssyncset.done $0x0  }
0x19b: {  	[sflag:s28] =	ssyncadd.s32 $0xFFFFFFB0  }
0x19c: {  	_ =	swait.ge [sflag:s28], $0x50  }
0x19d: {  	[sflag:s28] =	ssyncset.done $0x0  }
0x19e: {  	s15 =	simm.s32 $0x80;
	[sflag:s28] =	ssyncadd.s32 $0xFFFFFFB0  }
0x19f: {  	[tilespmem:s29], [sflag:$0xA] =	stream.indirect.gather [hbm4b:s2+s19], $0x80, s15, s19, $0xb8;
	[tilespmem:$0x1E800] =	vst v63  }
0x1a0: {  	_ =	swait.ge [sflag:s5], $0x2800  }
0x1a1: {  	[sflag:s5] =	ssyncset.done $0x0  }
0x1a2: {  	s16 =	simm.s32 $0x700;
	[sflag:s5] =	ssyncadd.s32 $0xFFFFD800  }
0x1a3: {  	[spmem:s31] =	stream.indirect.scatter.add.f32 [tilespmem:s4], [sflag:$0xD], $0x80, s16, s19, $0xb8;
	[tilespmem:$0x1E800] =	vst v63  }
0x1a4: {  	_ =	swait.ge [sflag:s10], $0x2800  }
0x1a5: {  	s16 =	simm.s32 @!p1 $0x300;
	s14 =	rddreg [dreg:$0x7];
	[sflag:s10] =	ssyncset.done $0x0  }
0x1a6: {  	s15 =	rddreg [dreg:$0x6];
	[sflag:s10] =	ssyncadd.s32 $0xFFFFD800;
	s14 =	sadd.s32 @!p1 s12, s14  }
0x1a7: {  	[tilespmem:s16], [sflag:$0x7] =	stream.linear.gather @!p1 [hbm4b:s14+s13], $0x50, $0x38;
	[tilespmem:$0x1E800] =	vst v63  }
0x1a8: {  	s17 =	simm.s32 @!p1 $0x700;
	s14 =	sadd.s32 @!p1 s12, s15  }
0x1a9: {  	[tilespmem:s17], [sflag:$0x7] =	stream.linear.gather @!p1 [hbm4b:s14+s13], $0x50, $0x38;
	[tilespmem:$0x1E800] =	vst v63  }
0x1aa: {  	_ =	swait.ge [sflag:s0], $0x50  }
0x1ab: {  	[sflag:s0] =	ssyncset.done $0x0  }
0x1ac: {  	[sflag:s0] =	ssyncadd.s32 $0xFFFFFFB0  }
0x1ad: {  	_ =	swait.ge [sflag:s0], $0x50  }
0x1ae: {  	[sflag:s0] =	ssyncset.done $0x0  }
0x1af: {  	s17 =	simm.s32 $0x100;
	[sflag:s0] =	ssyncadd.s32 $0xFFFFFFB0  }
0x1b0: {  	[tilespmem:s4], [sflag:$0xB] =	stream.indirect.gather [hbm4b:s2+s19], $0x80, s17, s19, $0xb8;
	[tilespmem:$0x1E800] =	vst v63  }
0x1b1: {  	_ =	swait.ge [sflag:s30], $0x2800  }
0x1b2: {  	[sflag:s30] =	ssyncset.done $0x0  }
0x1b3: {  	s25 =	simm.s32 $0x8000;
	[sflag:s30] =	ssyncadd.s32 $0xFFFFD800;
	s30 =	simm.s32 $0x780  }
0x1b4: {  	[spmem:s31] =	stream.indirect.scatter.add.f32 [tilespmem:s25], [sflag:$0xD], $0x80, s30, s19, $0xb8;
	[tilespmem:$0x1E800] =	vst v63  }
0x1b5: {  	s6 =	sadd.s32 $0x50, s6;
	_ =	swait.ge [sflag:s10], $0x2800  }
0x1b6: {  	s16 =	simm.s32 @!p1 $0x380;
	s14 =	rddreg [dreg:$0x5];
	[sflag:s10] =	ssyncset.done $0x0  }
0x1b7: {  	s15 =	rddreg [dreg:$0x4];
	[sflag:s10] =	ssyncadd.s32 $0xFFFFD800;
	s14 =	sadd.s32 @!p1 s12, s14  }
0x1b8: {  	[tilespmem:s16], [sflag:$0x8] =	stream.linear.gather @!p1 [hbm4b:s14+s13], $0x50, $0x38;
	[tilespmem:$0x1E800] =	vst v63  }
0x1b9: {  	p0 =	sne.s32 s6, $0x4B0;
	s17 =	simm.s32 @!p1 $0x780;
	s12 =	sadd.s32 @!p1 s12, s15  }
0x1ba: {  	[tilespmem:s17], [sflag:$0x8] =	stream.linear.gather @!p1 [hbm4b:s12+s13], $0x50, $0x38;
	[tilespmem:$0x1E800] =	vst v63  }
.Ltmp1:
0x1bb: {  	_ =	swait.ge [sflag:s26], $0x50;
	(pc) =	sbr.rel @p0 .LBB2_4-.Ltmp1, $4  }
0x1bc: {  	s9 =	simm.s32 $0x200;
	s18 =	simm.s32 $0x3000;
	[sflag:s26] =	ssyncset.done $0x0  }
0x1bd: {  	s3 =	simm.s32 $0x5800;
	s8 =	simm.s32 $0x800;
	[sflag:s26] =	ssyncadd.s32 $0xFFFFFFB0  }
0x1be: {  	s29 =	smov.u32 s2;
	s4 =	smov.u32 s21;
	_ =	swait.ge [sflag:s26], $0x50  }
0x1bf: {  	s14 =	smov.u32 s20;
	s17 =	simm.s32 $0x400;
	[sflag:s26] =	ssyncset.done $0x0  }
0x1c0: {  	[sflag:s26] =	ssyncadd.s32 $0xFFFFFFB0  }
0x1c1: {  	s1 =	simm.s32 $0x8000;
	s0 =	simm.s32 $0x180;
	s2 =	simm.s32 $0x9  }
0x1c2: {  	[tilespmem:s1], [sflag:$0xC] =	stream.indirect.gather [hbm4b:s29+s19], $0x80, s0, s19, $0xb8;
	[tilespmem:$0x1E800] =	vst v63  }
0x1c3: {  	_ =	swait.ge [sflag:s2], $0x2800  }
0x1c4: {  	[sflag:s2] =	ssyncset.done $0x0  }
0x1c5: {  	[sflag:s2] =	ssyncadd.s32 $0xFFFFD800  }
0x1c6: {  	[spmem:s31] =	stream.indirect.scatter.add.f32 [tilespmem:s8], [sflag:$0xD], $0x80, s17, s19, $0xb8;
	[tilespmem:$0x1E800] =	vst v63  }
0x1c7: {  	_ =	swait.ge [sflag:s10], $0x2800  }
0x1c8: {  	[sflag:s10] =	ssyncset.done $0x0  }
0x1c9: {  	s13 =	simm.s32 $0x5;
	[sflag:s10] =	ssyncadd.s32 $0xFFFFD800  }
0x1ca: {  	_ =	swait.ge [sflag:s13], $0x50  }
0x1cb: {  	[sflag:s13] =	ssyncset.done $0x0  }
0x1cc: {  	[sflag:s13] =	ssyncadd.s32 $0xFFFFFFB0  }
0x1cd: {  	_ =	swait.ge [sflag:s13], $0x50  }
0x1ce: {  	[sflag:s13] =	ssyncset.done $0x0  }
0x1cf: {  	s15 =	simm.s32 $0xA;
	[sflag:s13] =	ssyncadd.s32 $0xFFFFFFB0  }
0x1d0: {  	[tilespmem:s8], [sflag:$0x9] =	stream.indirect.gather [hbm4b:s29+s19], $0x80, s9, s19, $0xb8;
	[tilespmem:$0x1E800] =	vst v63  }
0x1d1: {  	_ =	swait.ge [sflag:s15], $0x2800  }
0x1d2: {  	[sflag:s15] =	ssyncset.done $0x0  }
0x1d3: {  	s16 =	simm.s32 $0x480;
	[sflag:s15] =	ssyncadd.s32 $0xFFFFD800  }
0x1d4: {  	[spmem:s31] =	stream.indirect.scatter.add.f32 [tilespmem:s18], [sflag:$0xD], $0x80, s16, s19, $0xb8;
	[tilespmem:$0x1E800] =	vst v63  }
0x1d5: {  	_ =	swait.ge [sflag:s10], $0x2800  }
0x1d6: {  	[sflag:s10] =	ssyncset.done $0x0  }
0x1d7: {  	s20 =	simm.s32 $0xB;
	[sflag:s10] =	ssyncadd.s32 $0xFFFFD800  }
0x1d8: {  	_ =	swait.ge [sflag:s20], $0x2800  }
0x1d9: {  	[sflag:s20] =	ssyncset.done $0x0  }
0x1da: {  	s21 =	simm.s32 $0x500;
	[sflag:s20] =	ssyncadd.s32 $0xFFFFD800  }
0x1db: {  	[spmem:s31] =	stream.indirect.scatter.add.f32 [tilespmem:s3], [sflag:$0xD], $0x80, s21, s19, $0xb8;
	[tilespmem:$0x1E800] =	vst v63  }
0x1dc: {  	_ =	swait.ge [sflag:s10], $0x2800  }
0x1dd: {  	[sflag:s10] =	ssyncset.done $0x0  }
0x1de: {  	s22 =	simm.s32 $0xC;
	[sflag:s10] =	ssyncadd.s32 $0xFFFFD800  }
0x1df: {  	_ =	swait.ge [sflag:s22], $0x2800  }
0x1e0: {  	[sflag:s22] =	ssyncset.done $0x0  }
0x1e1: {  	s23 =	simm.s32 $0x580;
	[sflag:s22] =	ssyncadd.s32 $0xFFFFD800  }
0x1e2: {  	[spmem:s31] =	stream.indirect.scatter.add.f32 [tilespmem:s1], [sflag:$0xD], $0x80, s23, s19, $0xb8;
	[tilespmem:$0x1E800] =	vst v63  }
0x1e3: {  	_ =	swait.ge [sflag:s10], $0x2800  }
0x1e4: {  	[sflag:s10] =	ssyncset.done $0x0  }
0x1e5: {  	[sflag:s10] =	ssyncadd.s32 $0xFFFFD800  }
0x1e6: {  	_ =	swait.ge [sflag:s2], $0x2800  }
0x1e7: {  	[sflag:s2] =	ssyncset.done $0x0  }
0x1e8: {  	s24 =	simm.s32 $0x600;
	[sflag:s2] =	ssyncadd.s32 $0xFFFFD800  }
0x1e9: {  	[spmem:s31] =	stream.indirect.scatter.add.f32 [tilespmem:s8], [sflag:$0xD], $0x80, s24, s19, $0xb8;
	[tilespmem:$0x1E800] =	vst v63  }
0x1ea: {  	_ =	swait.ge [sflag:s10], $0x2800  }
0x1eb: {  	[sflag:s10] =	ssyncset.done $0x0  }
0x1ec: {  	[sflag:s10] =	ssyncadd.s32 $0xFFFFD800  }
0x1ed: {  	[bflag:$0x0] =	sbarrier.arrive $0xFFFF  }
0x1ee: {  	s6 =	stileid.u32;
	s13 =	sld [smem:$0x7F4]  }
0x1ef: {  	s6 =	sshll.u32 s6, $0x6;
	s12 =	rddreg [dreg:$0x12]  }
0x1f0: {  	s6 =	sor.u32 $0x1C0D, s6;
	s11 =	sshrl.u32 s12, $0x3  }
0x1f1: {  	[hbm:s13], [sflag:s6] =	dma.local [spmem:s11], $0x2800  }
0x1f2: {  	_ =	swait.ge [sflag:s10], $0x2800  }
0x1f3: {  	s25 =	sld [smem:$0x7F0]  }
0x1f4: {  	s26 =	sld [smem:$0x7F5]  }
0x1f5: {  	s28 =	simm.s32 $0xA  }
0x1f6: {  	s30 =	simm.s32 $0x6;
	s7 =	simm.s32 $0x7;
	s9 =	sadd.s32 $0x1, s25  }
0x1f7: {  	s5 =	simm.s32 $0xC;
	s0 =	simm.s32 $0x3;
	p0 =	sne.s32 s9, s26  }
.Ltmp2:
0x1f8: {  	s15 =	simm.s32 $0xB;
	s16 =	simm.s32 $0x180;
	(pc) =	sbr.rel @p0 .LBB2_1-.Ltmp2, $4  }
0x1f9: {  	s18 =	simm.s32 $0x1;
	s20 =	simm.s32 $0x80;
	s3 =	simm.s32 $0x9  }
0x1fa: {  	s22 =	simm.s32 $0x2;
	s23 =	simm.s32 $0x500;
	s1 =	simm.s32 $0x8  }
0x1fb: {  	s2 =	simm.s32 $0x100;
	s13 =	simm.s32 $0x480;
	[sflag:s10] =	ssyncset.done $0x0  }
0x1fc: {  	[sflag:s10] =	ssyncadd.s32 $0xFFFFD800;
	s25 =	simm.s32 $0x5;
	s26 =	simm.s32 $0x4  }
0x1fd: {  	_ =	sfence.sel $0x180000  }
0x1fe: {  	[bflag:$0x0] =	sbarrier.arrive $0xFFFF  }
0x1ff: {  	_ =	strace $0x9000004A  }
0x200: {  	s0 =	stileid.u32;
	[bflag:$0x2] =	sbarrier.arrive $0xFFFF  }
0x201: {  	p0 =	sne.s32 s0, $0x0;
	s0 =	rddreg [dreg:$0x3]  }
0x202: {  	s0 =	sadd.s32 @!p0 $0x100000, s0  }
0x203: {  	[sflag:s0] =	ssyncadd.tile.s32 @!p0 $0x1;
	_ =	shalt  }
.Lfunc_end2:
_tile_overlayer_lowered:
.L_overlay_start_2:
0x204: {  	(tag) =	ssettag $0x2  }
0x205: {  	s0 =	rddreg [dreg:$0x0];
	s2 =	stileid.u32  }
0x206: {  	s1 =	rddreg [dreg:$0x1];
	p0 =	sne.s32 s2, $0x0  }
0x207: {  	s3 =	rddreg [dreg:$0x2];
	[bflag:$0x3] =	sbarrier.arrive $0xFFFF;
	s2 =	simm.s32 @!p0 $0x1C0D  }
0x208: {  	[timem:s3], [sflag:s2] =	dma.local @!p0 [hbm:s0], s1  }
0x209: {  	s0 =	simm.s32 @!p0 $0xD  }
0x20a: {  	_ =	swait.ge @!p0 [sflag:s0], s1  }
0x20b: {  	s1 =	ssub.s32 @!p0 $0x0, s1;
	[sflag:s0] =	ssyncset.done @!p0 $0x0  }
0x20c: {  	[sflag:s0] =	ssyncadd.s32 @!p0 s1  }
0x20d: {  	[bflag:$0x3] =	sbarrier.arrive $0xFFFF  }
0x20e: {  	_ =	shalt  }

</sc_bundles>
